<compile_context>
chip_gen: v7x
topology: tpu7x:2x2x1
jax: 0.10.2.dev20260603
libtpu: 0.0.44.dev20260713+nightly
codegen_flags: <defaults>
</compile_context>

<pallas_src>
import functools

import jax
import jax.numpy as jnp
from jax import lax
from jax.experimental import pallas as pl
from jax.experimental.pallas import tpu as pltpu
from jax.experimental.pallas import tpu_sc as plsc

B = 16384
D = 16
NC = 2
NS = 16
L = 16
NW = NC * NS
BW = B // NW
CH = 128
NCH = BW // CH
R = 8
G = BW // L

_mesh = plsc.VectorSubcoreMesh(core_axis_name="c", subcore_axis_name="s")


@functools.partial(
    pl.kernel,
    out_type=(
        jax.ShapeDtypeStruct((B,), jnp.float32),
        jax.ShapeDtypeStruct((B,), jnp.float32),
    ),
    mesh=_mesh,
    compiler_params=pltpu.CompilerParams(
        needs_layout_passes=False, use_tc_tiling_on_sc=True),
    scratch_types=(
        pltpu.VMEM((BW,), jnp.int32),
        pltpu.VMEM((BW,), jnp.int32),
        pltpu.VMEM((D, R * 256), jnp.float32),
        pltpu.VMEM((L * D,), jnp.float32),
        pltpu.VMEM((BW,), jnp.float32),
        pltpu.VMEM((BW,), jnp.float32),
        pltpu.VMEM((L,), jnp.float32),
        pltpu.VMEM((BW,), jnp.float32),
        pltpu.VMEM((BW,), jnp.float32),
        pltpu.SemaphoreType.DMA((R,)),
        pltpu.SemaphoreType.DMA,
    ),
)
def _fm_sc(uid_hbm, iid_hbm, uft_hbm, ift_hbm, ub_hbm, ib_hbm, gb_hbm,
           pred_hbm, cvr_hbm,
           uidx_v, iidx_v, win_v, prod_v, ubias_v, ibias_v, gb_v,
           pred_v, cvr_v, sems, bsem):
    wid = lax.axis_index("s") * NC + lax.axis_index("c")
    base = wid * BW

    pltpu.sync_copy(uid_hbm.at[pl.ds(base, BW)], uidx_v)
    pltpu.sync_copy(iid_hbm.at[pl.ds(base, BW)], iidx_v)
    pltpu.sync_copy(gb_hbm, gb_v)

    bias_copies = []
    for j in range(NCH):
        sl = pl.ds(j * CH, CH)
        bias_copies.append(
            pltpu.async_copy(ub_hbm.at[uidx_v.at[pl.ds(j * CH, CH)]],
                             ubias_v.at[sl], bsem))
        bias_copies.append(
            pltpu.async_copy(ib_hbm.at[iidx_v.at[pl.ds(j * CH, CH)]],
                             ibias_v.at[sl], bsem))

    lane = lax.iota(jnp.int32, L)

    def fire(u_scalar, i_scalar, r):
        us = pl.multiple_of((u_scalar // 128) * 128, 128)
        i_s = pl.multiple_of((i_scalar // 128) * 128, 128)
        pltpu.async_copy(uft_hbm.at[:, pl.ds(us, 128)],
                         win_v.at[:, pl.ds(r * 256, 128)], sems.at[r])
        pltpu.async_copy(ift_hbm.at[:, pl.ds(i_s, 128)],
                         win_v.at[:, pl.ds(r * 256 + 128, 128)], sems.at[r])

    def drain(r):
        pltpu.make_async_copy(uft_hbm.at[:, pl.ds(0, 256)],
                              win_v.at[:, pl.ds(r * 256, 256)],
                              sems.at[r]).wait()

    uvec0 = uidx_v[pl.ds(0, L)]
    ivec0 = iidx_v[pl.ds(0, L)]
    for r in range(R):
        fire(uvec0[r], ivec0[r], r)

    def group(g, carry):
        uvec = uidx_v[pl.ds(g * L, L)]
        ivec = iidx_v[pl.ds(g * L, L)]
        nbase = jnp.minimum((g + 1) * L, BW - L)
        uvec_n = uidx_v[pl.ds(nbase, L)]
        ivec_n = iidx_v[pl.ds(nbase, L)]
        for j in range(L):
            r = j % R
            drain(r)
            ucol = jnp.full((L,), r * 256, jnp.int32) + (uvec[j] % 128)
            icol = jnp.full((L,), r * 256 + 128, jnp.int32) + (ivec[j] % 128)
            u16 = plsc.load_gather(win_v, [lane, ucol])
            i16 = plsc.load_gather(win_v, [lane, icol])
            prod_v[pl.ds(j * D, D)] = u16 * i16
            if j + R < L:
                fire(uvec[j + R], ivec[j + R], r)
            else:
                fire(uvec_n[j + R - L], ivec_n[j + R - L], r)
        acc = jnp.zeros((L,), jnp.float32)
        for k in range(D):
            acc = acc + plsc.load_gather(prod_v, [lane * D + k])
        pred_v[pl.ds(g * L, L)] = acc
        return carry

    lax.fori_loop(0, G, group, 0)

    for r in range(R):
        drain(r)
    for c in bias_copies:
        c.wait()

    gb = gb_v[...]

    def finish(g, carry):
        sl = pl.ds(g * L, L)
        p = pred_v[sl] + ubias_v[sl] + ibias_v[sl] + gb
        pred_v[sl] = p
        cvr_v[sl] = 1.0 / (1.0 + jnp.exp(-p))
        return carry

    lax.fori_loop(0, G, finish, 0)

    pltpu.sync_copy(pred_v, pred_hbm.at[pl.ds(base, BW)])
    pltpu.sync_copy(cvr_v, cvr_hbm.at[pl.ds(base, BW)])


def kernel(user_id, item_id, user_factors, item_factors, user_bias,
           item_bias, global_bias):
    uid1 = jnp.asarray(user_id, jnp.int32)
    iid1 = jnp.asarray(item_id, jnp.int32)
    gb = jnp.broadcast_to(jnp.asarray(global_bias, jnp.float32), (L,))
    pred, cvr = _fm_sc(uid1, iid1, user_factors.T, item_factors.T,
                       user_bias, item_bias, gb)
    return (pred, cvr)

# --- scband reference (transcript-rebuilt; emitter-appended) ---
"""Pipeline reference for scband-dr-fm-12506944766552 (READ-ONLY COPY).

The authoritative reference and input builder live on the scoring server;
editing this copy changes nothing except your own understanding.
"""

import jax, jax.numpy as jnp
import numpy as np

NUM_USER = 1000000
NUM_ITEM = 1000000
EMBED = 16
BATCH = 16384

def setup_inputs(seed: int = 0) -> dict:
    key = jax.random.key(seed)
    k1, k2, k3, k4, k5, k6, k7 = jax.random.split(key, 7)
    user_id = jax.random.randint(k1, (BATCH,), 0, NUM_USER, dtype=jnp.int64) if jax.config.jax_enable_x64 else jax.random.randint(k1, (BATCH,), 0, NUM_USER, dtype=jnp.int32)
    item_id = jax.random.randint(k2, (BATCH,), 0, NUM_ITEM, dtype=jnp.int64) if jax.config.jax_enable_x64 else jax.random.randint(k2, (BATCH,), 0, NUM_ITEM, dtype=jnp.int32)
    user_factors = jax.random.normal(k3, (NUM_USER, EMBED), dtype=jnp.float32) * 0.3
    item_factors = jax.random.normal(k4, (NUM_ITEM, EMBED), dtype=jnp.float32) * 0.3
    user_bias = jax.random.normal(k5, (NUM_USER,), dtype=jnp.float32)
    item_bias = jax.random.normal(k6, (NUM_ITEM,), dtype=jnp.float32)
    global_bias = jax.random.normal(k7, (1,), dtype=jnp.float32)
    return {"user_id": user_id, "item_id": item_id,
            "user_factors": user_factors, "item_factors": item_factors,
            "user_bias": user_bias, "item_bias": item_bias,
            "global_bias": global_bias}

def reference(user_id, item_id, user_factors, item_factors, user_bias, item_bias, global_bias):
    user_feature = jnp.take(user_factors, user_id, axis=0)
    item_feature = jnp.take(item_factors, item_id, axis=0)
    pred = (user_feature * item_feature).sum(axis=1)
    pred = pred + user_bias[user_id] + item_bias[item_id] + global_bias
    cvr = jax.nn.sigmoid(pred)
    return (pred, cvr)

if __name__ == "__main__":
    import jax
    _d = setup_inputs()
    print(jax.jit(kernel)(*tuple(_d.values())))

</pallas_src>

<mosaic_0001>
#map = affine_map<(d0, d1) -> (0)>
#map1 = affine_map<(d0, d1) -> (0, 0)>
module attributes {stable_mosaic.version = 14 : i64} {
  func.func @_fm_sc(%arg0: i32, %arg1: i32, %arg2: memref<16384xi32, #tpu.memory_space<hbm>>, %arg3: memref<16384xi32, #tpu.memory_space<hbm>>, %arg4: memref<16x1000000xf32, #tpu.memory_space<hbm>>, %arg5: memref<16x1000000xf32, #tpu.memory_space<hbm>>, %arg6: memref<1000000xf32, #tpu.memory_space<hbm>>, %arg7: memref<1000000xf32, #tpu.memory_space<hbm>>, %arg8: memref<16xf32, #tpu.memory_space<hbm>>, %arg9: memref<16384xf32, #tpu.memory_space<hbm>>, %arg10: memref<16384xf32, #tpu.memory_space<hbm>>, %arg11: memref<512xi32, #tpu.memory_space<vmem>>, %arg12: memref<512xi32, #tpu.memory_space<vmem>>, %arg13: memref<16x2048xf32, #tpu.memory_space<vmem>>, %arg14: memref<256xf32, #tpu.memory_space<vmem>>, %arg15: memref<512xf32, #tpu.memory_space<vmem>>, %arg16: memref<512xf32, #tpu.memory_space<vmem>>, %arg17: memref<16xf32, #tpu.memory_space<vmem>>, %arg18: memref<512xf32, #tpu.memory_space<vmem>>, %arg19: memref<512xf32, #tpu.memory_space<vmem>>, %arg20: memref<8x!tpu.dma_semaphore, #tpu.memory_space<semaphore_mem>>, %arg21: memref<!tpu.dma_semaphore, #tpu.memory_space<semaphore_mem>>) attributes {dimension_semantics = [#tpu.dimension_semantics<core_parallel>, #tpu.dimension_semantics<subcore_parallel>], iteration_bounds = array<i64: 2, 16>, scalar_prefetch = 0 : i64, scratch_operands = 11 : i64, tpu.core_type = #tpu.core_type<sc_vector_subcore>, window_params = [{transform_indices = #map}, {transform_indices = #map}, {transform_indices = #map1}, {transform_indices = #map1}, {transform_indices = #map}, {transform_indices = #map}, {transform_indices = #map}, {transform_indices = #map}, {transform_indices = #map}]} {
    %mul3A = arith.constant 2 : i32
    %mul3A_0 = arith.muli %arg1, %mul3A : i32
    %add3A = arith.addi %mul3A_0, %arg0 : i32
    %mul3A_1 = arith.constant 512 : i32
    %mul3A_2 = arith.muli %add3A, %mul3A_1 : i32
    "tpu.region"() ({
      %run_scoped3A = tpu.sem_alloc : memref<!tpu.dma_semaphore, #tpu.memory_space<semaphore_mem>>
      %dma_start3A_894 = tpu.memref_slice %arg2[%mul3A_2] : memref<16384xi32, #tpu.memory_space<hbm>> -> memref<512xi32, #tpu.memory_space<hbm>>
      %dma_start3A_895 = tpu.memref_slice %arg2[%mul3A_2] : memref<16384xi32, #tpu.memory_space<hbm>> -> memref<512xi32, #tpu.memory_space<hbm>>
      tpu.enqueue_dma source(%dma_start3A_895 : memref<512xi32, #tpu.memory_space<hbm>>) target(%arg11 : memref<512xi32, #tpu.memory_space<vmem>>) target_semaphore(%run_scoped3A : memref<!tpu.dma_semaphore, #tpu.memory_space<semaphore_mem>>)
      %dma_wait3A_896 = tpu.memref_slice %arg2[%mul3A_2] : memref<16384xi32, #tpu.memory_space<hbm>> -> memref<512xi32, #tpu.memory_space<hbm>>
      %dma_wait3A_897 = tpu.memref_slice %arg2[%mul3A_2] : memref<16384xi32, #tpu.memory_space<hbm>> -> memref<512xi32, #tpu.memory_space<hbm>>
      tpu.wait_dma2 semaphore(%run_scoped3A : memref<!tpu.dma_semaphore, #tpu.memory_space<semaphore_mem>>) src(%dma_wait3A_897 : memref<512xi32, #tpu.memory_space<hbm>>) dst(%arg11 : memref<512xi32, #tpu.memory_space<vmem>>)
      tpu.yield
    }) : () -> ()
    "tpu.region"() ({
      %run_scoped3A = tpu.sem_alloc : memref<!tpu.dma_semaphore, #tpu.memory_space<semaphore_mem>>
      %dma_start3A_894 = tpu.memref_slice %arg3[%mul3A_2] : memref<16384xi32, #tpu.memory_space<hbm>> -> memref<512xi32, #tpu.memory_space<hbm>>
      %dma_start3A_895 = tpu.memref_slice %arg3[%mul3A_2] : memref<16384xi32, #tpu.memory_space<hbm>> -> memref<512xi32, #tpu.memory_space<hbm>>
      tpu.enqueue_dma source(%dma_start3A_895 : memref<512xi32, #tpu.memory_space<hbm>>) target(%arg12 : memref<512xi32, #tpu.memory_space<vmem>>) target_semaphore(%run_scoped3A : memref<!tpu.dma_semaphore, #tpu.memory_space<semaphore_mem>>)
      %dma_wait3A_896 = tpu.memref_slice %arg3[%mul3A_2] : memref<16384xi32, #tpu.memory_space<hbm>> -> memref<512xi32, #tpu.memory_space<hbm>>
      %dma_wait3A_897 = tpu.memref_slice %arg3[%mul3A_2] : memref<16384xi32, #tpu.memory_space<hbm>> -> memref<512xi32, #tpu.memory_space<hbm>>
      tpu.wait_dma2 semaphore(%run_scoped3A : memref<!tpu.dma_semaphore, #tpu.memory_space<semaphore_mem>>) src(%dma_wait3A_897 : memref<512xi32, #tpu.memory_space<hbm>>) dst(%arg12 : memref<512xi32, #tpu.memory_space<vmem>>)
      tpu.yield
    }) : () -> ()
    "tpu.region"() ({
      %run_scoped3A = tpu.sem_alloc : memref<!tpu.dma_semaphore, #tpu.memory_space<semaphore_mem>>
      tpu.enqueue_dma source(%arg8 : memref<16xf32, #tpu.memory_space<hbm>>) target(%arg17 : memref<16xf32, #tpu.memory_space<vmem>>) target_semaphore(%run_scoped3A : memref<!tpu.dma_semaphore, #tpu.memory_space<semaphore_mem>>)
      tpu.wait_dma2 semaphore(%run_scoped3A : memref<!tpu.dma_semaphore, #tpu.memory_space<semaphore_mem>>) src(%arg8 : memref<16xf32, #tpu.memory_space<hbm>>) dst(%arg17 : memref<16xf32, #tpu.memory_space<vmem>>)
      tpu.yield
    }) : () -> ()
    %dma_start3A = arith.constant 0 : i32
    %dma_start3A_3 = tpu.memref_slice %arg15[%dma_start3A] : memref<512xf32, #tpu.memory_space<vmem>> -> memref<128xf32, #tpu.memory_space<vmem>>
    %dma_start3A_4 = arith.constant 0 : i32
    %dma_start3A_5 = tpu.memref_slice %arg11[%dma_start3A_4] : memref<512xi32, #tpu.memory_space<vmem>> -> memref<128xi32, #tpu.memory_space<vmem>>
    %dma_start3A_6 = arith.constant 0 : i32
    %dma_start3A_7 = tpu.memref_slice %arg6[%dma_start3A_6] : memref<1000000xf32, #tpu.memory_space<hbm>> -> memref<1000000xf32, #tpu.memory_space<hbm>>
    tpu.enqueue_indirect_dma source(%dma_start3A_7 : memref<1000000xf32, #tpu.memory_space<hbm>>) target(%dma_start3A_3 : memref<128xf32, #tpu.memory_space<vmem>>) offsets(%dma_start3A_5 : memref<128xi32, #tpu.memory_space<vmem>>) semaphore(%arg21 : memref<!tpu.dma_semaphore, #tpu.memory_space<semaphore_mem>>)
    %dma_start3A_8 = arith.constant 0 : i32
    %dma_start3A_9 = tpu.memref_slice %arg16[%dma_start3A_8] : memref<512xf32, #tpu.memory_space<vmem>> -> memref<128xf32, #tpu.memory_space<vmem>>
    %dma_start3A_10 = arith.constant 0 : i32
    %dma_start3A_11 = tpu.memref_slice %arg12[%dma_start3A_10] : memref<512xi32, #tpu.memory_space<vmem>> -> memref<128xi32, #tpu.memory_space<vmem>>
    %dma_start3A_12 = arith.constant 0 : i32
    %dma_start3A_13 = tpu.memref_slice %arg7[%dma_start3A_12] : memref<1000000xf32, #tpu.memory_space<hbm>> -> memref<1000000xf32, #tpu.memory_space<hbm>>
    tpu.enqueue_indirect_dma source(%dma_start3A_13 : memref<1000000xf32, #tpu.memory_space<hbm>>) target(%dma_start3A_9 : memref<128xf32, #tpu.memory_space<vmem>>) offsets(%dma_start3A_11 : memref<128xi32, #tpu.memory_space<vmem>>) semaphore(%arg21 : memref<!tpu.dma_semaphore, #tpu.memory_space<semaphore_mem>>)
    %dma_start3A_14 = arith.constant 128 : i32
    %dma_start3A_15 = tpu.memref_slice %arg15[%dma_start3A_14] : memref<512xf32, #tpu.memory_space<vmem>> -> memref<128xf32, #tpu.memory_space<vmem>>
    %dma_start3A_16 = arith.constant 128 : i32
    %dma_start3A_17 = tpu.memref_slice %arg11[%dma_start3A_16] : memref<512xi32, #tpu.memory_space<vmem>> -> memref<128xi32, #tpu.memory_space<vmem>>
    %dma_start3A_18 = arith.constant 0 : i32
    %dma_start3A_19 = tpu.memref_slice %arg6[%dma_start3A_18] : memref<1000000xf32, #tpu.memory_space<hbm>> -> memref<1000000xf32, #tpu.memory_space<hbm>>
    tpu.enqueue_indirect_dma source(%dma_start3A_19 : memref<1000000xf32, #tpu.memory_space<hbm>>) target(%dma_start3A_15 : memref<128xf32, #tpu.memory_space<vmem>>) offsets(%dma_start3A_17 : memref<128xi32, #tpu.memory_space<vmem>>) semaphore(%arg21 : memref<!tpu.dma_semaphore, #tpu.memory_space<semaphore_mem>>)
    %dma_start3A_20 = arith.constant 128 : i32
    %dma_start3A_21 = tpu.memref_slice %arg16[%dma_start3A_20] : memref<512xf32, #tpu.memory_space<vmem>> -> memref<128xf32, #tpu.memory_space<vmem>>
    %dma_start3A_22 = arith.constant 128 : i32
    %dma_start3A_23 = tpu.memref_slice %arg12[%dma_start3A_22] : memref<512xi32, #tpu.memory_space<vmem>> -> memref<128xi32, #tpu.memory_space<vmem>>
    %dma_start3A_24 = arith.constant 0 : i32
    %dma_start3A_25 = tpu.memref_slice %arg7[%dma_start3A_24] : memref<1000000xf32, #tpu.memory_space<hbm>> -> memref<1000000xf32, #tpu.memory_space<hbm>>
    tpu.enqueue_indirect_dma source(%dma_start3A_25 : memref<1000000xf32, #tpu.memory_space<hbm>>) target(%dma_start3A_21 : memref<128xf32, #tpu.memory_space<vmem>>) offsets(%dma_start3A_23 : memref<128xi32, #tpu.memory_space<vmem>>) semaphore(%arg21 : memref<!tpu.dma_semaphore, #tpu.memory_space<semaphore_mem>>)
    %dma_start3A_26 = arith.constant 256 : i32
    %dma_start3A_27 = tpu.memref_slice %arg15[%dma_start3A_26] : memref<512xf32, #tpu.memory_space<vmem>> -> memref<128xf32, #tpu.memory_space<vmem>>
    %dma_start3A_28 = arith.constant 256 : i32
    %dma_start3A_29 = tpu.memref_slice %arg11[%dma_start3A_28] : memref<512xi32, #tpu.memory_space<vmem>> -> memref<128xi32, #tpu.memory_space<vmem>>
    %dma_start3A_30 = arith.constant 0 : i32
    %dma_start3A_31 = tpu.memref_slice %arg6[%dma_start3A_30] : memref<1000000xf32, #tpu.memory_space<hbm>> -> memref<1000000xf32, #tpu.memory_space<hbm>>
    tpu.enqueue_indirect_dma source(%dma_start3A_31 : memref<1000000xf32, #tpu.memory_space<hbm>>) target(%dma_start3A_27 : memref<128xf32, #tpu.memory_space<vmem>>) offsets(%dma_start3A_29 : memref<128xi32, #tpu.memory_space<vmem>>) semaphore(%arg21 : memref<!tpu.dma_semaphore, #tpu.memory_space<semaphore_mem>>)
    %dma_start3A_32 = arith.constant 256 : i32
    %dma_start3A_33 = tpu.memref_slice %arg16[%dma_start3A_32] : memref<512xf32, #tpu.memory_space<vmem>> -> memref<128xf32, #tpu.memory_space<vmem>>
    %dma_start3A_34 = arith.constant 256 : i32
    %dma_start3A_35 = tpu.memref_slice %arg12[%dma_start3A_34] : memref<512xi32, #tpu.memory_space<vmem>> -> memref<128xi32, #tpu.memory_space<vmem>>
    %dma_start3A_36 = arith.constant 0 : i32
    %dma_start3A_37 = tpu.memref_slice %arg7[%dma_start3A_36] : memref<1000000xf32, #tpu.memory_space<hbm>> -> memref<1000000xf32, #tpu.memory_space<hbm>>
    tpu.enqueue_indirect_dma source(%dma_start3A_37 : memref<1000000xf32, #tpu.memory_space<hbm>>) target(%dma_start3A_33 : memref<128xf32, #tpu.memory_space<vmem>>) offsets(%dma_start3A_35 : memref<128xi32, #tpu.memory_space<vmem>>) semaphore(%arg21 : memref<!tpu.dma_semaphore, #tpu.memory_space<semaphore_mem>>)
    %dma_start3A_38 = arith.constant 384 : i32
    %dma_start3A_39 = tpu.memref_slice %arg15[%dma_start3A_38] : memref<512xf32, #tpu.memory_space<vmem>> -> memref<128xf32, #tpu.memory_space<vmem>>
    %dma_start3A_40 = arith.constant 384 : i32
    %dma_start3A_41 = tpu.memref_slice %arg11[%dma_start3A_40] : memref<512xi32, #tpu.memory_space<vmem>> -> memref<128xi32, #tpu.memory_space<vmem>>
    %dma_start3A_42 = arith.constant 0 : i32
    %dma_start3A_43 = tpu.memref_slice %arg6[%dma_start3A_42] : memref<1000000xf32, #tpu.memory_space<hbm>> -> memref<1000000xf32, #tpu.memory_space<hbm>>
    tpu.enqueue_indirect_dma source(%dma_start3A_43 : memref<1000000xf32, #tpu.memory_space<hbm>>) target(%dma_start3A_39 : memref<128xf32, #tpu.memory_space<vmem>>) offsets(%dma_start3A_41 : memref<128xi32, #tpu.memory_space<vmem>>) semaphore(%arg21 : memref<!tpu.dma_semaphore, #tpu.memory_space<semaphore_mem>>)
    %dma_start3A_44 = arith.constant 384 : i32
    %dma_start3A_45 = tpu.memref_slice %arg16[%dma_start3A_44] : memref<512xf32, #tpu.memory_space<vmem>> -> memref<128xf32, #tpu.memory_space<vmem>>
    %dma_start3A_46 = arith.constant 384 : i32
    %dma_start3A_47 = tpu.memref_slice %arg12[%dma_start3A_46] : memref<512xi32, #tpu.memory_space<vmem>> -> memref<128xi32, #tpu.memory_space<vmem>>
    %dma_start3A_48 = arith.constant 0 : i32
    %dma_start3A_49 = tpu.memref_slice %arg7[%dma_start3A_48] : memref<1000000xf32, #tpu.memory_space<hbm>> -> memref<1000000xf32, #tpu.memory_space<hbm>>
    tpu.enqueue_indirect_dma source(%dma_start3A_49 : memref<1000000xf32, #tpu.memory_space<hbm>>) target(%dma_start3A_45 : memref<128xf32, #tpu.memory_space<vmem>>) offsets(%dma_start3A_47 : memref<128xi32, #tpu.memory_space<vmem>>) semaphore(%arg21 : memref<!tpu.dma_semaphore, #tpu.memory_space<semaphore_mem>>)
    %iota3A = tpu.iota {dimensions = array<i32: 0>} : vector<16xi32>
    %get3A = arith.constant 0 : index
    %get3A_50 = tpu.vector_load %arg11[%get3A] {strides = array<i32>} : memref<512xi32, #tpu.memory_space<vmem>>, vector<16xi32>,
    %get3A_51 = arith.constant 0 : index
    %get3A_52 = tpu.vector_load %arg12[%get3A_51] {strides = array<i32>} : memref<512xi32, #tpu.memory_space<vmem>>, vector<16xi32>,
    %slice3A = vector.extract_strided_slice %get3A_50 {offsets = [0], sizes = [1], strides = [1]} : vector<16xi32> to vector<1xi32>
    %squeeze3A = vector.extract %slice3A[0] : i32 from vector<1xi32>
    %slice3A_53 = vector.extract_strided_slice %get3A_52 {offsets = [0], sizes = [1], strides = [1]} : vector<16xi32> to vector<1xi32>
    %squeeze3A_54 = vector.extract %slice3A_53[0] : i32 from vector<1xi32>
    %jit3A = arith.constant 128 : i32
    %div3A = arith.divsi %squeeze3A, %jit3A : i32
    %sign3A = arith.constant 0 : i32
    %sign3A_55 = arith.cmpi sgt, %squeeze3A, %sign3A : i32
    %sign3A_56 = arith.extui %sign3A_55 : i1 to i32
    %sign3A_57 = arith.constant 0 : i32
    %sign3A_58 = arith.cmpi slt, %squeeze3A, %sign3A_57 : i32
    %sign3A_59 = arith.extui %sign3A_58 : i1 to i32
    %sign3A_60 = arith.subi %sign3A_56, %sign3A_59 : i32
    %sign3A_61 = arith.constant 0 : i32
    %sign3A_62 = arith.cmpi sgt, %jit3A, %sign3A_61 : i32
    %sign3A_63 = arith.extui %sign3A_62 : i1 to i32
    %sign3A_64 = arith.constant 0 : i32
    %sign3A_65 = arith.cmpi slt, %jit3A, %sign3A_64 : i32
    %sign3A_66 = arith.extui %sign3A_65 : i1 to i32
    %sign3A_67 = arith.subi %sign3A_63, %sign3A_66 : i32
    %ne3A = arith.cmpi ne, %sign3A_60, %sign3A_67 : i32
    %rem3A = arith.remsi %squeeze3A, %jit3A : i32
    %ne3A_68 = arith.constant 0 : i32
    %ne3A_69 = arith.cmpi ne, %rem3A, %ne3A_68 : i32
    %and3A = arith.andi %ne3A, %ne3A_69 : i1
    %sub3A = arith.constant 1 : i32
    %sub3A_70 = arith.subi %div3A, %sub3A : i32
    %select_n3A = arith.select %and3A, %sub3A_70, %div3A : i32
    %mul3A_71 = arith.constant 128 : i32
    %mul3A_72 = arith.muli %select_n3A, %mul3A_71 : i32
    %multiple_of3A = tpu.assume_multiple %mul3A_72, 128 : i32
    %jit3A_73 = arith.constant 128 : i32
    %div3A_74 = arith.divsi %squeeze3A_54, %jit3A_73 : i32
    %sign3A_75 = arith.constant 0 : i32
    %sign3A_76 = arith.cmpi sgt, %squeeze3A_54, %sign3A_75 : i32
    %sign3A_77 = arith.extui %sign3A_76 : i1 to i32
    %sign3A_78 = arith.constant 0 : i32
    %sign3A_79 = arith.cmpi slt, %squeeze3A_54, %sign3A_78 : i32
    %sign3A_80 = arith.extui %sign3A_79 : i1 to i32
    %sign3A_81 = arith.subi %sign3A_77, %sign3A_80 : i32
    %sign3A_82 = arith.constant 0 : i32
    %sign3A_83 = arith.cmpi sgt, %jit3A_73, %sign3A_82 : i32
    %sign3A_84 = arith.extui %sign3A_83 : i1 to i32
    %sign3A_85 = arith.constant 0 : i32
    %sign3A_86 = arith.cmpi slt, %jit3A_73, %sign3A_85 : i32
    %sign3A_87 = arith.extui %sign3A_86 : i1 to i32
    %sign3A_88 = arith.subi %sign3A_84, %sign3A_87 : i32
    %ne3A_89 = arith.cmpi ne, %sign3A_81, %sign3A_88 : i32
    %rem3A_90 = arith.remsi %squeeze3A_54, %jit3A_73 : i32
    %ne3A_91 = arith.constant 0 : i32
    %ne3A_92 = arith.cmpi ne, %rem3A_90, %ne3A_91 : i32
    %and3A_93 = arith.andi %ne3A_89, %ne3A_92 : i1
    %sub3A_94 = arith.constant 1 : i32
    %sub3A_95 = arith.subi %div3A_74, %sub3A_94 : i32
    %select_n3A_96 = arith.select %and3A_93, %sub3A_95, %div3A_74 : i32
    %mul3A_97 = arith.constant 128 : i32
    %mul3A_98 = arith.muli %select_n3A_96, %mul3A_97 : i32
    %multiple_of3A_99 = tpu.assume_multiple %mul3A_98, 128 : i32
    %dma_start3A_100 = arith.constant 0 : i32
    %dma_start3A_101 = arith.constant 0 : i32
    %dma_start3A_102 = arith.constant 0 : i32
    %dma_start3A_103 = tpu.memref_slice %arg13[%dma_start3A_101, %dma_start3A_102] : memref<16x2048xf32, #tpu.memory_space<vmem>> -> memref<16x128xf32, #tpu.memory_space<vmem>>
    %dma_start3A_104 = arith.constant 0 : i32
    %dma_start3A_105 = tpu.memref_slice %arg4[%dma_start3A_104, %multiple_of3A] : memref<16x1000000xf32, #tpu.memory_space<hbm>> -> memref<16x128xf32, #tpu.memory_space<hbm>>
    %dma_start3A_106 = tpu.memref_slice %arg20[%dma_start3A_100] : memref<8x!tpu.dma_semaphore, #tpu.memory_space<semaphore_mem>> -> memref<1x!tpu.dma_semaphore, #tpu.memory_space<semaphore_mem>>
    %dma_start3A_107 = tpu.memref_squeeze %dma_start3A_106 : memref<1x!tpu.dma_semaphore, #tpu.memory_space<semaphore_mem>> -> memref<!tpu.dma_semaphore, #tpu.memory_space<semaphore_mem>>
    %dma_start3A_108 = arith.constant 0 : i32
    %dma_start3A_109 = arith.constant 0 : i32
    %dma_start3A_110 = tpu.memref_slice %arg13[%dma_start3A_108, %dma_start3A_109] : memref<16x2048xf32, #tpu.memory_space<vmem>> -> memref<16x128xf32, #tpu.memory_space<vmem>>
    %dma_start3A_111 = arith.constant 0 : i32
    %dma_start3A_112 = tpu.memref_slice %arg4[%dma_start3A_111, %multiple_of3A] : memref<16x1000000xf32, #tpu.memory_space<hbm>> -> memref<16x128xf32, #tpu.memory_space<hbm>>
    tpu.enqueue_dma source(%dma_start3A_112 : memref<16x128xf32, #tpu.memory_space<hbm>>) target(%dma_start3A_110 : memref<16x128xf32, #tpu.memory_space<vmem>>) target_semaphore(%dma_start3A_107 : memref<!tpu.dma_semaphore, #tpu.memory_space<semaphore_mem>>)
    %dma_start3A_113 = arith.constant 0 : i32
    %dma_start3A_114 = arith.constant 0 : i32
    %dma_start3A_115 = arith.constant 128 : i32
    %dma_start3A_116 = tpu.memref_slice %arg13[%dma_start3A_114, %dma_start3A_115] : memref<16x2048xf32, #tpu.memory_space<vmem>> -> memref<16x128xf32, #tpu.memory_space<vmem>>
    %dma_start3A_117 = arith.constant 0 : i32
    %dma_start3A_118 = tpu.memref_slice %arg5[%dma_start3A_117, %multiple_of3A_99] : memref<16x1000000xf32, #tpu.memory_space<hbm>> -> memref<16x128xf32, #tpu.memory_space<hbm>>
    %dma_start3A_119 = tpu.memref_slice %arg20[%dma_start3A_113] : memref<8x!tpu.dma_semaphore, #tpu.memory_space<semaphore_mem>> -> memref<1x!tpu.dma_semaphore, #tpu.memory_space<semaphore_mem>>
    %dma_start3A_120 = tpu.memref_squeeze %dma_start3A_119 : memref<1x!tpu.dma_semaphore, #tpu.memory_space<semaphore_mem>> -> memref<!tpu.dma_semaphore, #tpu.memory_space<semaphore_mem>>
    %dma_start3A_121 = arith.constant 0 : i32
    %dma_start3A_122 = arith.constant 128 : i32
    %dma_start3A_123 = tpu.memref_slice %arg13[%dma_start3A_121, %dma_start3A_122] : memref<16x2048xf32, #tpu.memory_space<vmem>> -> memref<16x128xf32, #tpu.memory_space<vmem>>
    %dma_start3A_124 = arith.constant 0 : i32
    %dma_start3A_125 = tpu.memref_slice %arg5[%dma_start3A_124, %multiple_of3A_99] : memref<16x1000000xf32, #tpu.memory_space<hbm>> -> memref<16x128xf32, #tpu.memory_space<hbm>>
    tpu.enqueue_dma source(%dma_start3A_125 : memref<16x128xf32, #tpu.memory_space<hbm>>) target(%dma_start3A_123 : memref<16x128xf32, #tpu.memory_space<vmem>>) target_semaphore(%dma_start3A_120 : memref<!tpu.dma_semaphore, #tpu.memory_space<semaphore_mem>>)
    %slice3A_126 = vector.extract_strided_slice %get3A_50 {offsets = [1], sizes = [1], strides = [1]} : vector<16xi32> to vector<1xi32>
    %squeeze3A_127 = vector.extract %slice3A_126[0] : i32 from vector<1xi32>
    %slice3A_128 = vector.extract_strided_slice %get3A_52 {offsets = [1], sizes = [1], strides = [1]} : vector<16xi32> to vector<1xi32>
    %squeeze3A_129 = vector.extract %slice3A_128[0] : i32 from vector<1xi32>
    %jit3A_130 = arith.constant 128 : i32
    %div3A_131 = arith.divsi %squeeze3A_127, %jit3A_130 : i32
    %sign3A_132 = arith.constant 0 : i32
    %sign3A_133 = arith.cmpi sgt, %squeeze3A_127, %sign3A_132 : i32
    %sign3A_134 = arith.extui %sign3A_133 : i1 to i32
    %sign3A_135 = arith.constant 0 : i32
    %sign3A_136 = arith.cmpi slt, %squeeze3A_127, %sign3A_135 : i32
    %sign3A_137 = arith.extui %sign3A_136 : i1 to i32
    %sign3A_138 = arith.subi %sign3A_134, %sign3A_137 : i32
    %sign3A_139 = arith.constant 0 : i32
    %sign3A_140 = arith.cmpi sgt, %jit3A_130, %sign3A_139 : i32
    %sign3A_141 = arith.extui %sign3A_140 : i1 to i32
    %sign3A_142 = arith.constant 0 : i32
    %sign3A_143 = arith.cmpi slt, %jit3A_130, %sign3A_142 : i32
    %sign3A_144 = arith.extui %sign3A_143 : i1 to i32
    %sign3A_145 = arith.subi %sign3A_141, %sign3A_144 : i32
    %ne3A_146 = arith.cmpi ne, %sign3A_138, %sign3A_145 : i32
    %rem3A_147 = arith.remsi %squeeze3A_127, %jit3A_130 : i32
    %ne3A_148 = arith.constant 0 : i32
    %ne3A_149 = arith.cmpi ne, %rem3A_147, %ne3A_148 : i32
    %and3A_150 = arith.andi %ne3A_146, %ne3A_149 : i1
    %sub3A_151 = arith.constant 1 : i32
    %sub3A_152 = arith.subi %div3A_131, %sub3A_151 : i32
    %select_n3A_153 = arith.select %and3A_150, %sub3A_152, %div3A_131 : i32
    %mul3A_154 = arith.constant 128 : i32
    %mul3A_155 = arith.muli %select_n3A_153, %mul3A_154 : i32
    %multiple_of3A_156 = tpu.assume_multiple %mul3A_155, 128 : i32
    %jit3A_157 = arith.constant 128 : i32
    %div3A_158 = arith.divsi %squeeze3A_129, %jit3A_157 : i32
    %sign3A_159 = arith.constant 0 : i32
    %sign3A_160 = arith.cmpi sgt, %squeeze3A_129, %sign3A_159 : i32
    %sign3A_161 = arith.extui %sign3A_160 : i1 to i32
    %sign3A_162 = arith.constant 0 : i32
    %sign3A_163 = arith.cmpi slt, %squeeze3A_129, %sign3A_162 : i32
    %sign3A_164 = arith.extui %sign3A_163 : i1 to i32
    %sign3A_165 = arith.subi %sign3A_161, %sign3A_164 : i32
    %sign3A_166 = arith.constant 0 : i32
    %sign3A_167 = arith.cmpi sgt, %jit3A_157, %sign3A_166 : i32
    %sign3A_168 = arith.extui %sign3A_167 : i1 to i32
    %sign3A_169 = arith.constant 0 : i32
    %sign3A_170 = arith.cmpi slt, %jit3A_157, %sign3A_169 : i32
    %sign3A_171 = arith.extui %sign3A_170 : i1 to i32
    %sign3A_172 = arith.subi %sign3A_168, %sign3A_171 : i32
    %ne3A_173 = arith.cmpi ne, %sign3A_165, %sign3A_172 : i32
    %rem3A_174 = arith.remsi %squeeze3A_129, %jit3A_157 : i32
    %ne3A_175 = arith.constant 0 : i32
    %ne3A_176 = arith.cmpi ne, %rem3A_174, %ne3A_175 : i32
    %and3A_177 = arith.andi %ne3A_173, %ne3A_176 : i1
    %sub3A_178 = arith.constant 1 : i32
    %sub3A_179 = arith.subi %div3A_158, %sub3A_178 : i32
    %select_n3A_180 = arith.select %and3A_177, %sub3A_179, %div3A_158 : i32
    %mul3A_181 = arith.constant 128 : i32
    %mul3A_182 = arith.muli %select_n3A_180, %mul3A_181 : i32
    %multiple_of3A_183 = tpu.assume_multiple %mul3A_182, 128 : i32
    %dma_start3A_184 = arith.constant 1 : i32
    %dma_start3A_185 = arith.constant 0 : i32
    %dma_start3A_186 = arith.constant 256 : i32
    %dma_start3A_187 = tpu.memref_slice %arg13[%dma_start3A_185, %dma_start3A_186] : memref<16x2048xf32, #tpu.memory_space<vmem>> -> memref<16x128xf32, #tpu.memory_space<vmem>>
    %dma_start3A_188 = arith.constant 0 : i32
    %dma_start3A_189 = tpu.memref_slice %arg4[%dma_start3A_188, %multiple_of3A_156] : memref<16x1000000xf32, #tpu.memory_space<hbm>> -> memref<16x128xf32, #tpu.memory_space<hbm>>
    %dma_start3A_190 = tpu.memref_slice %arg20[%dma_start3A_184] : memref<8x!tpu.dma_semaphore, #tpu.memory_space<semaphore_mem>> -> memref<1x!tpu.dma_semaphore, #tpu.memory_space<semaphore_mem>>
    %dma_start3A_191 = tpu.memref_squeeze %dma_start3A_190 : memref<1x!tpu.dma_semaphore, #tpu.memory_space<semaphore_mem>> -> memref<!tpu.dma_semaphore, #tpu.memory_space<semaphore_mem>>
    %dma_start3A_192 = arith.constant 0 : i32
    %dma_start3A_193 = arith.constant 256 : i32
    %dma_start3A_194 = tpu.memref_slice %arg13[%dma_start3A_192, %dma_start3A_193] : memref<16x2048xf32, #tpu.memory_space<vmem>> -> memref<16x128xf32, #tpu.memory_space<vmem>>
    %dma_start3A_195 = arith.constant 0 : i32
    %dma_start3A_196 = tpu.memref_slice %arg4[%dma_start3A_195, %multiple_of3A_156] : memref<16x1000000xf32, #tpu.memory_space<hbm>> -> memref<16x128xf32, #tpu.memory_space<hbm>>
    tpu.enqueue_dma source(%dma_start3A_196 : memref<16x128xf32, #tpu.memory_space<hbm>>) target(%dma_start3A_194 : memref<16x128xf32, #tpu.memory_space<vmem>>) target_semaphore(%dma_start3A_191 : memref<!tpu.dma_semaphore, #tpu.memory_space<semaphore_mem>>)
    %dma_start3A_197 = arith.constant 1 : i32
    %dma_start3A_198 = arith.constant 0 : i32
    %dma_start3A_199 = arith.constant 384 : i32
    %dma_start3A_200 = tpu.memref_slice %arg13[%dma_start3A_198, %dma_start3A_199] : memref<16x2048xf32, #tpu.memory_space<vmem>> -> memref<16x128xf32, #tpu.memory_space<vmem>>
    %dma_start3A_201 = arith.constant 0 : i32
    %dma_start3A_202 = tpu.memref_slice %arg5[%dma_start3A_201, %multiple_of3A_183] : memref<16x1000000xf32, #tpu.memory_space<hbm>> -> memref<16x128xf32, #tpu.memory_space<hbm>>
    %dma_start3A_203 = tpu.memref_slice %arg20[%dma_start3A_197] : memref<8x!tpu.dma_semaphore, #tpu.memory_space<semaphore_mem>> -> memref<1x!tpu.dma_semaphore, #tpu.memory_space<semaphore_mem>>
    %dma_start3A_204 = tpu.memref_squeeze %dma_start3A_203 : memref<1x!tpu.dma_semaphore, #tpu.memory_space<semaphore_mem>> -> memref<!tpu.dma_semaphore, #tpu.memory_space<semaphore_mem>>
    %dma_start3A_205 = arith.constant 0 : i32
    %dma_start3A_206 = arith.constant 384 : i32
    %dma_start3A_207 = tpu.memref_slice %arg13[%dma_start3A_205, %dma_start3A_206] : memref<16x2048xf32, #tpu.memory_space<vmem>> -> memref<16x128xf32, #tpu.memory_space<vmem>>
    %dma_start3A_208 = arith.constant 0 : i32
    %dma_start3A_209 = tpu.memref_slice %arg5[%dma_start3A_208, %multiple_of3A_183] : memref<16x1000000xf32, #tpu.memory_space<hbm>> -> memref<16x128xf32, #tpu.memory_space<hbm>>
    tpu.enqueue_dma source(%dma_start3A_209 : memref<16x128xf32, #tpu.memory_space<hbm>>) target(%dma_start3A_207 : memref<16x128xf32, #tpu.memory_space<vmem>>) target_semaphore(%dma_start3A_204 : memref<!tpu.dma_semaphore, #tpu.memory_space<semaphore_mem>>)
    %slice3A_210 = vector.extract_strided_slice %get3A_50 {offsets = [2], sizes = [1], strides = [1]} : vector<16xi32> to vector<1xi32>
    %squeeze3A_211 = vector.extract %slice3A_210[0] : i32 from vector<1xi32>
    %slice3A_212 = vector.extract_strided_slice %get3A_52 {offsets = [2], sizes = [1], strides = [1]} : vector<16xi32> to vector<1xi32>
    %squeeze3A_213 = vector.extract %slice3A_212[0] : i32 from vector<1xi32>
    %jit3A_214 = arith.constant 128 : i32
    %div3A_215 = arith.divsi %squeeze3A_211, %jit3A_214 : i32
    %sign3A_216 = arith.constant 0 : i32
    %sign3A_217 = arith.cmpi sgt, %squeeze3A_211, %sign3A_216 : i32
    %sign3A_218 = arith.extui %sign3A_217 : i1 to i32
    %sign3A_219 = arith.constant 0 : i32
    %sign3A_220 = arith.cmpi slt, %squeeze3A_211, %sign3A_219 : i32
    %sign3A_221 = arith.extui %sign3A_220 : i1 to i32
    %sign3A_222 = arith.subi %sign3A_218, %sign3A_221 : i32
    %sign3A_223 = arith.constant 0 : i32
    %sign3A_224 = arith.cmpi sgt, %jit3A_214, %sign3A_223 : i32
    %sign3A_225 = arith.extui %sign3A_224 : i1 to i32
    %sign3A_226 = arith.constant 0 : i32
    %sign3A_227 = arith.cmpi slt, %jit3A_214, %sign3A_226 : i32
    %sign3A_228 = arith.extui %sign3A_227 : i1 to i32
    %sign3A_229 = arith.subi %sign3A_225, %sign3A_228 : i32
    %ne3A_230 = arith.cmpi ne, %sign3A_222, %sign3A_229 : i32
    %rem3A_231 = arith.remsi %squeeze3A_211, %jit3A_214 : i32
    %ne3A_232 = arith.constant 0 : i32
    %ne3A_233 = arith.cmpi ne, %rem3A_231, %ne3A_232 : i32
    %and3A_234 = arith.andi %ne3A_230, %ne3A_233 : i1
    %sub3A_235 = arith.constant 1 : i32
    %sub3A_236 = arith.subi %div3A_215, %sub3A_235 : i32
    %select_n3A_237 = arith.select %and3A_234, %sub3A_236, %div3A_215 : i32
    %mul3A_238 = arith.constant 128 : i32
    %mul3A_239 = arith.muli %select_n3A_237, %mul3A_238 : i32
    %multiple_of3A_240 = tpu.assume_multiple %mul3A_239, 128 : i32
    %jit3A_241 = arith.constant 128 : i32
    %div3A_242 = arith.divsi %squeeze3A_213, %jit3A_241 : i32
    %sign3A_243 = arith.constant 0 : i32
    %sign3A_244 = arith.cmpi sgt, %squeeze3A_213, %sign3A_243 : i32
    %sign3A_245 = arith.extui %sign3A_244 : i1 to i32
    %sign3A_246 = arith.constant 0 : i32
    %sign3A_247 = arith.cmpi slt, %squeeze3A_213, %sign3A_246 : i32
    %sign3A_248 = arith.extui %sign3A_247 : i1 to i32
    %sign3A_249 = arith.subi %sign3A_245, %sign3A_248 : i32
    %sign3A_250 = arith.constant 0 : i32
    %sign3A_251 = arith.cmpi sgt, %jit3A_241, %sign3A_250 : i32
    %sign3A_252 = arith.extui %sign3A_251 : i1 to i32
    %sign3A_253 = arith.constant 0 : i32
    %sign3A_254 = arith.cmpi slt, %jit3A_241, %sign3A_253 : i32
    %sign3A_255 = arith.extui %sign3A_254 : i1 to i32
    %sign3A_256 = arith.subi %sign3A_252, %sign3A_255 : i32
    %ne3A_257 = arith.cmpi ne, %sign3A_249, %sign3A_256 : i32
    %rem3A_258 = arith.remsi %squeeze3A_213, %jit3A_241 : i32
    %ne3A_259 = arith.constant 0 : i32
    %ne3A_260 = arith.cmpi ne, %rem3A_258, %ne3A_259 : i32
    %and3A_261 = arith.andi %ne3A_257, %ne3A_260 : i1
    %sub3A_262 = arith.constant 1 : i32
    %sub3A_263 = arith.subi %div3A_242, %sub3A_262 : i32
    %select_n3A_264 = arith.select %and3A_261, %sub3A_263, %div3A_242 : i32
    %mul3A_265 = arith.constant 128 : i32
    %mul3A_266 = arith.muli %select_n3A_264, %mul3A_265 : i32
    %multiple_of3A_267 = tpu.assume_multiple %mul3A_266, 128 : i32
    %dma_start3A_268 = arith.constant 2 : i32
    %dma_start3A_269 = arith.constant 0 : i32
    %dma_start3A_270 = arith.constant 512 : i32
    %dma_start3A_271 = tpu.memref_slice %arg13[%dma_start3A_269, %dma_start3A_270] : memref<16x2048xf32, #tpu.memory_space<vmem>> -> memref<16x128xf32, #tpu.memory_space<vmem>>
    %dma_start3A_272 = arith.constant 0 : i32
    %dma_start3A_273 = tpu.memref_slice %arg4[%dma_start3A_272, %multiple_of3A_240] : memref<16x1000000xf32, #tpu.memory_space<hbm>> -> memref<16x128xf32, #tpu.memory_space<hbm>>
    %dma_start3A_274 = tpu.memref_slice %arg20[%dma_start3A_268] : memref<8x!tpu.dma_semaphore, #tpu.memory_space<semaphore_mem>> -> memref<1x!tpu.dma_semaphore, #tpu.memory_space<semaphore_mem>>
    %dma_start3A_275 = tpu.memref_squeeze %dma_start3A_274 : memref<1x!tpu.dma_semaphore, #tpu.memory_space<semaphore_mem>> -> memref<!tpu.dma_semaphore, #tpu.memory_space<semaphore_mem>>
    %dma_start3A_276 = arith.constant 0 : i32
    %dma_start3A_277 = arith.constant 512 : i32
    %dma_start3A_278 = tpu.memref_slice %arg13[%dma_start3A_276, %dma_start3A_277] : memref<16x2048xf32, #tpu.memory_space<vmem>> -> memref<16x128xf32, #tpu.memory_space<vmem>>
    %dma_start3A_279 = arith.constant 0 : i32
    %dma_start3A_280 = tpu.memref_slice %arg4[%dma_start3A_279, %multiple_of3A_240] : memref<16x1000000xf32, #tpu.memory_space<hbm>> -> memref<16x128xf32, #tpu.memory_space<hbm>>
    tpu.enqueue_dma source(%dma_start3A_280 : memref<16x128xf32, #tpu.memory_space<hbm>>) target(%dma_start3A_278 : memref<16x128xf32, #tpu.memory_space<vmem>>) target_semaphore(%dma_start3A_275 : memref<!tpu.dma_semaphore, #tpu.memory_space<semaphore_mem>>)
    %dma_start3A_281 = arith.constant 2 : i32
    %dma_start3A_282 = arith.constant 0 : i32
    %dma_start3A_283 = arith.constant 640 : i32
    %dma_start3A_284 = tpu.memref_slice %arg13[%dma_start3A_282, %dma_start3A_283] : memref<16x2048xf32, #tpu.memory_space<vmem>> -> memref<16x128xf32, #tpu.memory_space<vmem>>
    %dma_start3A_285 = arith.constant 0 : i32
    %dma_start3A_286 = tpu.memref_slice %arg5[%dma_start3A_285, %multiple_of3A_267] : memref<16x1000000xf32, #tpu.memory_space<hbm>> -> memref<16x128xf32, #tpu.memory_space<hbm>>
    %dma_start3A_287 = tpu.memref_slice %arg20[%dma_start3A_281] : memref<8x!tpu.dma_semaphore, #tpu.memory_space<semaphore_mem>> -> memref<1x!tpu.dma_semaphore, #tpu.memory_space<semaphore_mem>>
    %dma_start3A_288 = tpu.memref_squeeze %dma_start3A_287 : memref<1x!tpu.dma_semaphore, #tpu.memory_space<semaphore_mem>> -> memref<!tpu.dma_semaphore, #tpu.memory_space<semaphore_mem>>
    %dma_start3A_289 = arith.constant 0 : i32
    %dma_start3A_290 = arith.constant 640 : i32
    %dma_start3A_291 = tpu.memref_slice %arg13[%dma_start3A_289, %dma_start3A_290] : memref<16x2048xf32, #tpu.memory_space<vmem>> -> memref<16x128xf32, #tpu.memory_space<vmem>>
    %dma_start3A_292 = arith.constant 0 : i32
    %dma_start3A_293 = tpu.memref_slice %arg5[%dma_start3A_292, %multiple_of3A_267] : memref<16x1000000xf32, #tpu.memory_space<hbm>> -> memref<16x128xf32, #tpu.memory_space<hbm>>
    tpu.enqueue_dma source(%dma_start3A_293 : memref<16x128xf32, #tpu.memory_space<hbm>>) target(%dma_start3A_291 : memref<16x128xf32, #tpu.memory_space<vmem>>) target_semaphore(%dma_start3A_288 : memref<!tpu.dma_semaphore, #tpu.memory_space<semaphore_mem>>)
    %slice3A_294 = vector.extract_strided_slice %get3A_50 {offsets = [3], sizes = [1], strides = [1]} : vector<16xi32> to vector<1xi32>
    %squeeze3A_295 = vector.extract %slice3A_294[0] : i32 from vector<1xi32>
    %slice3A_296 = vector.extract_strided_slice %get3A_52 {offsets = [3], sizes = [1], strides = [1]} : vector<16xi32> to vector<1xi32>
    %squeeze3A_297 = vector.extract %slice3A_296[0] : i32 from vector<1xi32>
    %jit3A_298 = arith.constant 128 : i32
    %div3A_299 = arith.divsi %squeeze3A_295, %jit3A_298 : i32
    %sign3A_300 = arith.constant 0 : i32
    %sign3A_301 = arith.cmpi sgt, %squeeze3A_295, %sign3A_300 : i32
    %sign3A_302 = arith.extui %sign3A_301 : i1 to i32
    %sign3A_303 = arith.constant 0 : i32
    %sign3A_304 = arith.cmpi slt, %squeeze3A_295, %sign3A_303 : i32
    %sign3A_305 = arith.extui %sign3A_304 : i1 to i32
    %sign3A_306 = arith.subi %sign3A_302, %sign3A_305 : i32
    %sign3A_307 = arith.constant 0 : i32
    %sign3A_308 = arith.cmpi sgt, %jit3A_298, %sign3A_307 : i32
    %sign3A_309 = arith.extui %sign3A_308 : i1 to i32
    %sign3A_310 = arith.constant 0 : i32
    %sign3A_311 = arith.cmpi slt, %jit3A_298, %sign3A_310 : i32
    %sign3A_312 = arith.extui %sign3A_311 : i1 to i32
    %sign3A_313 = arith.subi %sign3A_309, %sign3A_312 : i32
    %ne3A_314 = arith.cmpi ne, %sign3A_306, %sign3A_313 : i32
    %rem3A_315 = arith.remsi %squeeze3A_295, %jit3A_298 : i32
    %ne3A_316 = arith.constant 0 : i32
    %ne3A_317 = arith.cmpi ne, %rem3A_315, %ne3A_316 : i32
    %and3A_318 = arith.andi %ne3A_314, %ne3A_317 : i1
    %sub3A_319 = arith.constant 1 : i32
    %sub3A_320 = arith.subi %div3A_299, %sub3A_319 : i32
    %select_n3A_321 = arith.select %and3A_318, %sub3A_320, %div3A_299 : i32
    %mul3A_322 = arith.constant 128 : i32
    %mul3A_323 = arith.muli %select_n3A_321, %mul3A_322 : i32
    %multiple_of3A_324 = tpu.assume_multiple %mul3A_323, 128 : i32
    %jit3A_325 = arith.constant 128 : i32
    %div3A_326 = arith.divsi %squeeze3A_297, %jit3A_325 : i32
    %sign3A_327 = arith.constant 0 : i32
    %sign3A_328 = arith.cmpi sgt, %squeeze3A_297, %sign3A_327 : i32
    %sign3A_329 = arith.extui %sign3A_328 : i1 to i32
    %sign3A_330 = arith.constant 0 : i32
    %sign3A_331 = arith.cmpi slt, %squeeze3A_297, %sign3A_330 : i32
    %sign3A_332 = arith.extui %sign3A_331 : i1 to i32
    %sign3A_333 = arith.subi %sign3A_329, %sign3A_332 : i32
    %sign3A_334 = arith.constant 0 : i32
    %sign3A_335 = arith.cmpi sgt, %jit3A_325, %sign3A_334 : i32
    %sign3A_336 = arith.extui %sign3A_335 : i1 to i32
    %sign3A_337 = arith.constant 0 : i32
    %sign3A_338 = arith.cmpi slt, %jit3A_325, %sign3A_337 : i32
    %sign3A_339 = arith.extui %sign3A_338 : i1 to i32
    %sign3A_340 = arith.subi %sign3A_336, %sign3A_339 : i32
    %ne3A_341 = arith.cmpi ne, %sign3A_333, %sign3A_340 : i32
    %rem3A_342 = arith.remsi %squeeze3A_297, %jit3A_325 : i32
    %ne3A_343 = arith.constant 0 : i32
    %ne3A_344 = arith.cmpi ne, %rem3A_342, %ne3A_343 : i32
    %and3A_345 = arith.andi %ne3A_341, %ne3A_344 : i1
    %sub3A_346 = arith.constant 1 : i32
    %sub3A_347 = arith.subi %div3A_326, %sub3A_346 : i32
    %select_n3A_348 = arith.select %and3A_345, %sub3A_347, %div3A_326 : i32
    %mul3A_349 = arith.constant 128 : i32
    %mul3A_350 = arith.muli %select_n3A_348, %mul3A_349 : i32
    %multiple_of3A_351 = tpu.assume_multiple %mul3A_350, 128 : i32
    %dma_start3A_352 = arith.constant 3 : i32
    %dma_start3A_353 = arith.constant 0 : i32
    %dma_start3A_354 = arith.constant 768 : i32
    %dma_start3A_355 = tpu.memref_slice %arg13[%dma_start3A_353, %dma_start3A_354] : memref<16x2048xf32, #tpu.memory_space<vmem>> -> memref<16x128xf32, #tpu.memory_space<vmem>>
    %dma_start3A_356 = arith.constant 0 : i32
    %dma_start3A_357 = tpu.memref_slice %arg4[%dma_start3A_356, %multiple_of3A_324] : memref<16x1000000xf32, #tpu.memory_space<hbm>> -> memref<16x128xf32, #tpu.memory_space<hbm>>
    %dma_start3A_358 = tpu.memref_slice %arg20[%dma_start3A_352] : memref<8x!tpu.dma_semaphore, #tpu.memory_space<semaphore_mem>> -> memref<1x!tpu.dma_semaphore, #tpu.memory_space<semaphore_mem>>
    %dma_start3A_359 = tpu.memref_squeeze %dma_start3A_358 : memref<1x!tpu.dma_semaphore, #tpu.memory_space<semaphore_mem>> -> memref<!tpu.dma_semaphore, #tpu.memory_space<semaphore_mem>>
    %dma_start3A_360 = arith.constant 0 : i32
    %dma_start3A_361 = arith.constant 768 : i32
    %dma_start3A_362 = tpu.memref_slice %arg13[%dma_start3A_360, %dma_start3A_361] : memref<16x2048xf32, #tpu.memory_space<vmem>> -> memref<16x128xf32, #tpu.memory_space<vmem>>
    %dma_start3A_363 = arith.constant 0 : i32
    %dma_start3A_364 = tpu.memref_slice %arg4[%dma_start3A_363, %multiple_of3A_324] : memref<16x1000000xf32, #tpu.memory_space<hbm>> -> memref<16x128xf32, #tpu.memory_space<hbm>>
    tpu.enqueue_dma source(%dma_start3A_364 : memref<16x128xf32, #tpu.memory_space<hbm>>) target(%dma_start3A_362 : memref<16x128xf32, #tpu.memory_space<vmem>>) target_semaphore(%dma_start3A_359 : memref<!tpu.dma_semaphore, #tpu.memory_space<semaphore_mem>>)
    %dma_start3A_365 = arith.constant 3 : i32
    %dma_start3A_366 = arith.constant 0 : i32
    %dma_start3A_367 = arith.constant 896 : i32
    %dma_start3A_368 = tpu.memref_slice %arg13[%dma_start3A_366, %dma_start3A_367] : memref<16x2048xf32, #tpu.memory_space<vmem>> -> memref<16x128xf32, #tpu.memory_space<vmem>>
    %dma_start3A_369 = arith.constant 0 : i32
    %dma_start3A_370 = tpu.memref_slice %arg5[%dma_start3A_369, %multiple_of3A_351] : memref<16x1000000xf32, #tpu.memory_space<hbm>> -> memref<16x128xf32, #tpu.memory_space<hbm>>
    %dma_start3A_371 = tpu.memref_slice %arg20[%dma_start3A_365] : memref<8x!tpu.dma_semaphore, #tpu.memory_space<semaphore_mem>> -> memref<1x!tpu.dma_semaphore, #tpu.memory_space<semaphore_mem>>
    %dma_start3A_372 = tpu.memref_squeeze %dma_start3A_371 : memref<1x!tpu.dma_semaphore, #tpu.memory_space<semaphore_mem>> -> memref<!tpu.dma_semaphore, #tpu.memory_space<semaphore_mem>>
    %dma_start3A_373 = arith.constant 0 : i32
    %dma_start3A_374 = arith.constant 896 : i32
    %dma_start3A_375 = tpu.memref_slice %arg13[%dma_start3A_373, %dma_start3A_374] : memref<16x2048xf32, #tpu.memory_space<vmem>> -> memref<16x128xf32, #tpu.memory_space<vmem>>
    %dma_start3A_376 = arith.constant 0 : i32
    %dma_start3A_377 = tpu.memref_slice %arg5[%dma_start3A_376, %multiple_of3A_351] : memref<16x1000000xf32, #tpu.memory_space<hbm>> -> memref<16x128xf32, #tpu.memory_space<hbm>>
    tpu.enqueue_dma source(%dma_start3A_377 : memref<16x128xf32, #tpu.memory_space<hbm>>) target(%dma_start3A_375 : memref<16x128xf32, #tpu.memory_space<vmem>>) target_semaphore(%dma_start3A_372 : memref<!tpu.dma_semaphore, #tpu.memory_space<semaphore_mem>>)
    %slice3A_378 = vector.extract_strided_slice %get3A_50 {offsets = [4], sizes = [1], strides = [1]} : vector<16xi32> to vector<1xi32>
    %squeeze3A_379 = vector.extract %slice3A_378[0] : i32 from vector<1xi32>
    %slice3A_380 = vector.extract_strided_slice %get3A_52 {offsets = [4], sizes = [1], strides = [1]} : vector<16xi32> to vector<1xi32>
    %squeeze3A_381 = vector.extract %slice3A_380[0] : i32 from vector<1xi32>
    %jit3A_382 = arith.constant 128 : i32
    %div3A_383 = arith.divsi %squeeze3A_379, %jit3A_382 : i32
    %sign3A_384 = arith.constant 0 : i32
    %sign3A_385 = arith.cmpi sgt, %squeeze3A_379, %sign3A_384 : i32
    %sign3A_386 = arith.extui %sign3A_385 : i1 to i32
    %sign3A_387 = arith.constant 0 : i32
    %sign3A_388 = arith.cmpi slt, %squeeze3A_379, %sign3A_387 : i32
    %sign3A_389 = arith.extui %sign3A_388 : i1 to i32
    %sign3A_390 = arith.subi %sign3A_386, %sign3A_389 : i32
    %sign3A_391 = arith.constant 0 : i32
    %sign3A_392 = arith.cmpi sgt, %jit3A_382, %sign3A_391 : i32
    %sign3A_393 = arith.extui %sign3A_392 : i1 to i32
    %sign3A_394 = arith.constant 0 : i32
    %sign3A_395 = arith.cmpi slt, %jit3A_382, %sign3A_394 : i32
    %sign3A_396 = arith.extui %sign3A_395 : i1 to i32
    %sign3A_397 = arith.subi %sign3A_393, %sign3A_396 : i32
    %ne3A_398 = arith.cmpi ne, %sign3A_390, %sign3A_397 : i32
    %rem3A_399 = arith.remsi %squeeze3A_379, %jit3A_382 : i32
    %ne3A_400 = arith.constant 0 : i32
    %ne3A_401 = arith.cmpi ne, %rem3A_399, %ne3A_400 : i32
    %and3A_402 = arith.andi %ne3A_398, %ne3A_401 : i1
    %sub3A_403 = arith.constant 1 : i32
    %sub3A_404 = arith.subi %div3A_383, %sub3A_403 : i32
    %select_n3A_405 = arith.select %and3A_402, %sub3A_404, %div3A_383 : i32
    %mul3A_406 = arith.constant 128 : i32
    %mul3A_407 = arith.muli %select_n3A_405, %mul3A_406 : i32
    %multiple_of3A_408 = tpu.assume_multiple %mul3A_407, 128 : i32
    %jit3A_409 = arith.constant 128 : i32
    %div3A_410 = arith.divsi %squeeze3A_381, %jit3A_409 : i32
    %sign3A_411 = arith.constant 0 : i32
    %sign3A_412 = arith.cmpi sgt, %squeeze3A_381, %sign3A_411 : i32
    %sign3A_413 = arith.extui %sign3A_412 : i1 to i32
    %sign3A_414 = arith.constant 0 : i32
    %sign3A_415 = arith.cmpi slt, %squeeze3A_381, %sign3A_414 : i32
    %sign3A_416 = arith.extui %sign3A_415 : i1 to i32
    %sign3A_417 = arith.subi %sign3A_413, %sign3A_416 : i32
    %sign3A_418 = arith.constant 0 : i32
    %sign3A_419 = arith.cmpi sgt, %jit3A_409, %sign3A_418 : i32
    %sign3A_420 = arith.extui %sign3A_419 : i1 to i32
    %sign3A_421 = arith.constant 0 : i32
    %sign3A_422 = arith.cmpi slt, %jit3A_409, %sign3A_421 : i32
    %sign3A_423 = arith.extui %sign3A_422 : i1 to i32
    %sign3A_424 = arith.subi %sign3A_420, %sign3A_423 : i32
    %ne3A_425 = arith.cmpi ne, %sign3A_417, %sign3A_424 : i32
    %rem3A_426 = arith.remsi %squeeze3A_381, %jit3A_409 : i32
    %ne3A_427 = arith.constant 0 : i32
    %ne3A_428 = arith.cmpi ne, %rem3A_426, %ne3A_427 : i32
    %and3A_429 = arith.andi %ne3A_425, %ne3A_428 : i1
    %sub3A_430 = arith.constant 1 : i32
    %sub3A_431 = arith.subi %div3A_410, %sub3A_430 : i32
    %select_n3A_432 = arith.select %and3A_429, %sub3A_431, %div3A_410 : i32
    %mul3A_433 = arith.constant 128 : i32
    %mul3A_434 = arith.muli %select_n3A_432, %mul3A_433 : i32
    %multiple_of3A_435 = tpu.assume_multiple %mul3A_434, 128 : i32
    %dma_start3A_436 = arith.constant 4 : i32
    %dma_start3A_437 = arith.constant 0 : i32
    %dma_start3A_438 = arith.constant 1024 : i32
    %dma_start3A_439 = tpu.memref_slice %arg13[%dma_start3A_437, %dma_start3A_438] : memref<16x2048xf32, #tpu.memory_space<vmem>> -> memref<16x128xf32, #tpu.memory_space<vmem>>
    %dma_start3A_440 = arith.constant 0 : i32
    %dma_start3A_441 = tpu.memref_slice %arg4[%dma_start3A_440, %multiple_of3A_408] : memref<16x1000000xf32, #tpu.memory_space<hbm>> -> memref<16x128xf32, #tpu.memory_space<hbm>>
    %dma_start3A_442 = tpu.memref_slice %arg20[%dma_start3A_436] : memref<8x!tpu.dma_semaphore, #tpu.memory_space<semaphore_mem>> -> memref<1x!tpu.dma_semaphore, #tpu.memory_space<semaphore_mem>>
    %dma_start3A_443 = tpu.memref_squeeze %dma_start3A_442 : memref<1x!tpu.dma_semaphore, #tpu.memory_space<semaphore_mem>> -> memref<!tpu.dma_semaphore, #tpu.memory_space<semaphore_mem>>
    %dma_start3A_444 = arith.constant 0 : i32
    %dma_start3A_445 = arith.constant 1024 : i32
    %dma_start3A_446 = tpu.memref_slice %arg13[%dma_start3A_444, %dma_start3A_445] : memref<16x2048xf32, #tpu.memory_space<vmem>> -> memref<16x128xf32, #tpu.memory_space<vmem>>
    %dma_start3A_447 = arith.constant 0 : i32
    %dma_start3A_448 = tpu.memref_slice %arg4[%dma_start3A_447, %multiple_of3A_408] : memref<16x1000000xf32, #tpu.memory_space<hbm>> -> memref<16x128xf32, #tpu.memory_space<hbm>>
    tpu.enqueue_dma source(%dma_start3A_448 : memref<16x128xf32, #tpu.memory_space<hbm>>) target(%dma_start3A_446 : memref<16x128xf32, #tpu.memory_space<vmem>>) target_semaphore(%dma_start3A_443 : memref<!tpu.dma_semaphore, #tpu.memory_space<semaphore_mem>>)
    %dma_start3A_449 = arith.constant 4 : i32
    %dma_start3A_450 = arith.constant 0 : i32
    %dma_start3A_451 = arith.constant 1152 : i32
    %dma_start3A_452 = tpu.memref_slice %arg13[%dma_start3A_450, %dma_start3A_451] : memref<16x2048xf32, #tpu.memory_space<vmem>> -> memref<16x128xf32, #tpu.memory_space<vmem>>
    %dma_start3A_453 = arith.constant 0 : i32
    %dma_start3A_454 = tpu.memref_slice %arg5[%dma_start3A_453, %multiple_of3A_435] : memref<16x1000000xf32, #tpu.memory_space<hbm>> -> memref<16x128xf32, #tpu.memory_space<hbm>>
    %dma_start3A_455 = tpu.memref_slice %arg20[%dma_start3A_449] : memref<8x!tpu.dma_semaphore, #tpu.memory_space<semaphore_mem>> -> memref<1x!tpu.dma_semaphore, #tpu.memory_space<semaphore_mem>>
    %dma_start3A_456 = tpu.memref_squeeze %dma_start3A_455 : memref<1x!tpu.dma_semaphore, #tpu.memory_space<semaphore_mem>> -> memref<!tpu.dma_semaphore, #tpu.memory_space<semaphore_mem>>
    %dma_start3A_457 = arith.constant 0 : i32
    %dma_start3A_458 = arith.constant 1152 : i32
    %dma_start3A_459 = tpu.memref_slice %arg13[%dma_start3A_457, %dma_start3A_458] : memref<16x2048xf32, #tpu.memory_space<vmem>> -> memref<16x128xf32, #tpu.memory_space<vmem>>
    %dma_start3A_460 = arith.constant 0 : i32
    %dma_start3A_461 = tpu.memref_slice %arg5[%dma_start3A_460, %multiple_of3A_435] : memref<16x1000000xf32, #tpu.memory_space<hbm>> -> memref<16x128xf32, #tpu.memory_space<hbm>>
    tpu.enqueue_dma source(%dma_start3A_461 : memref<16x128xf32, #tpu.memory_space<hbm>>) target(%dma_start3A_459 : memref<16x128xf32, #tpu.memory_space<vmem>>) target_semaphore(%dma_start3A_456 : memref<!tpu.dma_semaphore, #tpu.memory_space<semaphore_mem>>)
    %slice3A_462 = vector.extract_strided_slice %get3A_50 {offsets = [5], sizes = [1], strides = [1]} : vector<16xi32> to vector<1xi32>
    %squeeze3A_463 = vector.extract %slice3A_462[0] : i32 from vector<1xi32>
    %slice3A_464 = vector.extract_strided_slice %get3A_52 {offsets = [5], sizes = [1], strides = [1]} : vector<16xi32> to vector<1xi32>
    %squeeze3A_465 = vector.extract %slice3A_464[0] : i32 from vector<1xi32>
    %jit3A_466 = arith.constant 128 : i32
    %div3A_467 = arith.divsi %squeeze3A_463, %jit3A_466 : i32
    %sign3A_468 = arith.constant 0 : i32
    %sign3A_469 = arith.cmpi sgt, %squeeze3A_463, %sign3A_468 : i32
    %sign3A_470 = arith.extui %sign3A_469 : i1 to i32
    %sign3A_471 = arith.constant 0 : i32
    %sign3A_472 = arith.cmpi slt, %squeeze3A_463, %sign3A_471 : i32
    %sign3A_473 = arith.extui %sign3A_472 : i1 to i32
    %sign3A_474 = arith.subi %sign3A_470, %sign3A_473 : i32
    %sign3A_475 = arith.constant 0 : i32
    %sign3A_476 = arith.cmpi sgt, %jit3A_466, %sign3A_475 : i32
    %sign3A_477 = arith.extui %sign3A_476 : i1 to i32
    %sign3A_478 = arith.constant 0 : i32
    %sign3A_479 = arith.cmpi slt, %jit3A_466, %sign3A_478 : i32
    %sign3A_480 = arith.extui %sign3A_479 : i1 to i32
    %sign3A_481 = arith.subi %sign3A_477, %sign3A_480 : i32
    %ne3A_482 = arith.cmpi ne, %sign3A_474, %sign3A_481 : i32
    %rem3A_483 = arith.remsi %squeeze3A_463, %jit3A_466 : i32
    %ne3A_484 = arith.constant 0 : i32
    %ne3A_485 = arith.cmpi ne, %rem3A_483, %ne3A_484 : i32
    %and3A_486 = arith.andi %ne3A_482, %ne3A_485 : i1
    %sub3A_487 = arith.constant 1 : i32
    %sub3A_488 = arith.subi %div3A_467, %sub3A_487 : i32
    %select_n3A_489 = arith.select %and3A_486, %sub3A_488, %div3A_467 : i32
    %mul3A_490 = arith.constant 128 : i32
    %mul3A_491 = arith.muli %select_n3A_489, %mul3A_490 : i32
    %multiple_of3A_492 = tpu.assume_multiple %mul3A_491, 128 : i32
    %jit3A_493 = arith.constant 128 : i32
    %div3A_494 = arith.divsi %squeeze3A_465, %jit3A_493 : i32
    %sign3A_495 = arith.constant 0 : i32
    %sign3A_496 = arith.cmpi sgt, %squeeze3A_465, %sign3A_495 : i32
    %sign3A_497 = arith.extui %sign3A_496 : i1 to i32
    %sign3A_498 = arith.constant 0 : i32
    %sign3A_499 = arith.cmpi slt, %squeeze3A_465, %sign3A_498 : i32
    %sign3A_500 = arith.extui %sign3A_499 : i1 to i32
    %sign3A_501 = arith.subi %sign3A_497, %sign3A_500 : i32
    %sign3A_502 = arith.constant 0 : i32
    %sign3A_503 = arith.cmpi sgt, %jit3A_493, %sign3A_502 : i32
    %sign3A_504 = arith.extui %sign3A_503 : i1 to i32
    %sign3A_505 = arith.constant 0 : i32
    %sign3A_506 = arith.cmpi slt, %jit3A_493, %sign3A_505 : i32
    %sign3A_507 = arith.extui %sign3A_506 : i1 to i32
    %sign3A_508 = arith.subi %sign3A_504, %sign3A_507 : i32
    %ne3A_509 = arith.cmpi ne, %sign3A_501, %sign3A_508 : i32
    %rem3A_510 = arith.remsi %squeeze3A_465, %jit3A_493 : i32
    %ne3A_511 = arith.constant 0 : i32
    %ne3A_512 = arith.cmpi ne, %rem3A_510, %ne3A_511 : i32
    %and3A_513 = arith.andi %ne3A_509, %ne3A_512 : i1
    %sub3A_514 = arith.constant 1 : i32
    %sub3A_515 = arith.subi %div3A_494, %sub3A_514 : i32
    %select_n3A_516 = arith.select %and3A_513, %sub3A_515, %div3A_494 : i32
    %mul3A_517 = arith.constant 128 : i32
    %mul3A_518 = arith.muli %select_n3A_516, %mul3A_517 : i32
    %multiple_of3A_519 = tpu.assume_multiple %mul3A_518, 128 : i32
    %dma_start3A_520 = arith.constant 5 : i32
    %dma_start3A_521 = arith.constant 0 : i32
    %dma_start3A_522 = arith.constant 1280 : i32
    %dma_start3A_523 = tpu.memref_slice %arg13[%dma_start3A_521, %dma_start3A_522] : memref<16x2048xf32, #tpu.memory_space<vmem>> -> memref<16x128xf32, #tpu.memory_space<vmem>>
    %dma_start3A_524 = arith.constant 0 : i32
    %dma_start3A_525 = tpu.memref_slice %arg4[%dma_start3A_524, %multiple_of3A_492] : memref<16x1000000xf32, #tpu.memory_space<hbm>> -> memref<16x128xf32, #tpu.memory_space<hbm>>
    %dma_start3A_526 = tpu.memref_slice %arg20[%dma_start3A_520] : memref<8x!tpu.dma_semaphore, #tpu.memory_space<semaphore_mem>> -> memref<1x!tpu.dma_semaphore, #tpu.memory_space<semaphore_mem>>
    %dma_start3A_527 = tpu.memref_squeeze %dma_start3A_526 : memref<1x!tpu.dma_semaphore, #tpu.memory_space<semaphore_mem>> -> memref<!tpu.dma_semaphore, #tpu.memory_space<semaphore_mem>>
    %dma_start3A_528 = arith.constant 0 : i32
    %dma_start3A_529 = arith.constant 1280 : i32
    %dma_start3A_530 = tpu.memref_slice %arg13[%dma_start3A_528, %dma_start3A_529] : memref<16x2048xf32, #tpu.memory_space<vmem>> -> memref<16x128xf32, #tpu.memory_space<vmem>>
    %dma_start3A_531 = arith.constant 0 : i32
    %dma_start3A_532 = tpu.memref_slice %arg4[%dma_start3A_531, %multiple_of3A_492] : memref<16x1000000xf32, #tpu.memory_space<hbm>> -> memref<16x128xf32, #tpu.memory_space<hbm>>
    tpu.enqueue_dma source(%dma_start3A_532 : memref<16x128xf32, #tpu.memory_space<hbm>>) target(%dma_start3A_530 : memref<16x128xf32, #tpu.memory_space<vmem>>) target_semaphore(%dma_start3A_527 : memref<!tpu.dma_semaphore, #tpu.memory_space<semaphore_mem>>)
    %dma_start3A_533 = arith.constant 5 : i32
    %dma_start3A_534 = arith.constant 0 : i32
    %dma_start3A_535 = arith.constant 1408 : i32
    %dma_start3A_536 = tpu.memref_slice %arg13[%dma_start3A_534, %dma_start3A_535] : memref<16x2048xf32, #tpu.memory_space<vmem>> -> memref<16x128xf32, #tpu.memory_space<vmem>>
    %dma_start3A_537 = arith.constant 0 : i32
    %dma_start3A_538 = tpu.memref_slice %arg5[%dma_start3A_537, %multiple_of3A_519] : memref<16x1000000xf32, #tpu.memory_space<hbm>> -> memref<16x128xf32, #tpu.memory_space<hbm>>
    %dma_start3A_539 = tpu.memref_slice %arg20[%dma_start3A_533] : memref<8x!tpu.dma_semaphore, #tpu.memory_space<semaphore_mem>> -> memref<1x!tpu.dma_semaphore, #tpu.memory_space<semaphore_mem>>
    %dma_start3A_540 = tpu.memref_squeeze %dma_start3A_539 : memref<1x!tpu.dma_semaphore, #tpu.memory_space<semaphore_mem>> -> memref<!tpu.dma_semaphore, #tpu.memory_space<semaphore_mem>>
    %dma_start3A_541 = arith.constant 0 : i32
    %dma_start3A_542 = arith.constant 1408 : i32
    %dma_start3A_543 = tpu.memref_slice %arg13[%dma_start3A_541, %dma_start3A_542] : memref<16x2048xf32, #tpu.memory_space<vmem>> -> memref<16x128xf32, #tpu.memory_space<vmem>>
    %dma_start3A_544 = arith.constant 0 : i32
    %dma_start3A_545 = tpu.memref_slice %arg5[%dma_start3A_544, %multiple_of3A_519] : memref<16x1000000xf32, #tpu.memory_space<hbm>> -> memref<16x128xf32, #tpu.memory_space<hbm>>
    tpu.enqueue_dma source(%dma_start3A_545 : memref<16x128xf32, #tpu.memory_space<hbm>>) target(%dma_start3A_543 : memref<16x128xf32, #tpu.memory_space<vmem>>) target_semaphore(%dma_start3A_540 : memref<!tpu.dma_semaphore, #tpu.memory_space<semaphore_mem>>)
    %slice3A_546 = vector.extract_strided_slice %get3A_50 {offsets = [6], sizes = [1], strides = [1]} : vector<16xi32> to vector<1xi32>
    %squeeze3A_547 = vector.extract %slice3A_546[0] : i32 from vector<1xi32>
    %slice3A_548 = vector.extract_strided_slice %get3A_52 {offsets = [6], sizes = [1], strides = [1]} : vector<16xi32> to vector<1xi32>
    %squeeze3A_549 = vector.extract %slice3A_548[0] : i32 from vector<1xi32>
    %jit3A_550 = arith.constant 128 : i32
    %div3A_551 = arith.divsi %squeeze3A_547, %jit3A_550 : i32
    %sign3A_552 = arith.constant 0 : i32
    %sign3A_553 = arith.cmpi sgt, %squeeze3A_547, %sign3A_552 : i32
    %sign3A_554 = arith.extui %sign3A_553 : i1 to i32
    %sign3A_555 = arith.constant 0 : i32
    %sign3A_556 = arith.cmpi slt, %squeeze3A_547, %sign3A_555 : i32
    %sign3A_557 = arith.extui %sign3A_556 : i1 to i32
    %sign3A_558 = arith.subi %sign3A_554, %sign3A_557 : i32
    %sign3A_559 = arith.constant 0 : i32
    %sign3A_560 = arith.cmpi sgt, %jit3A_550, %sign3A_559 : i32
    %sign3A_561 = arith.extui %sign3A_560 : i1 to i32
    %sign3A_562 = arith.constant 0 : i32
    %sign3A_563 = arith.cmpi slt, %jit3A_550, %sign3A_562 : i32
    %sign3A_564 = arith.extui %sign3A_563 : i1 to i32
    %sign3A_565 = arith.subi %sign3A_561, %sign3A_564 : i32
    %ne3A_566 = arith.cmpi ne, %sign3A_558, %sign3A_565 : i32
    %rem3A_567 = arith.remsi %squeeze3A_547, %jit3A_550 : i32
    %ne3A_568 = arith.constant 0 : i32
    %ne3A_569 = arith.cmpi ne, %rem3A_567, %ne3A_568 : i32
    %and3A_570 = arith.andi %ne3A_566, %ne3A_569 : i1
    %sub3A_571 = arith.constant 1 : i32
    %sub3A_572 = arith.subi %div3A_551, %sub3A_571 : i32
    %select_n3A_573 = arith.select %and3A_570, %sub3A_572, %div3A_551 : i32
    %mul3A_574 = arith.constant 128 : i32
    %mul3A_575 = arith.muli %select_n3A_573, %mul3A_574 : i32
    %multiple_of3A_576 = tpu.assume_multiple %mul3A_575, 128 : i32
    %jit3A_577 = arith.constant 128 : i32
    %div3A_578 = arith.divsi %squeeze3A_549, %jit3A_577 : i32
    %sign3A_579 = arith.constant 0 : i32
    %sign3A_580 = arith.cmpi sgt, %squeeze3A_549, %sign3A_579 : i32
    %sign3A_581 = arith.extui %sign3A_580 : i1 to i32
    %sign3A_582 = arith.constant 0 : i32
    %sign3A_583 = arith.cmpi slt, %squeeze3A_549, %sign3A_582 : i32
    %sign3A_584 = arith.extui %sign3A_583 : i1 to i32
    %sign3A_585 = arith.subi %sign3A_581, %sign3A_584 : i32
    %sign3A_586 = arith.constant 0 : i32
    %sign3A_587 = arith.cmpi sgt, %jit3A_577, %sign3A_586 : i32
    %sign3A_588 = arith.extui %sign3A_587 : i1 to i32
    %sign3A_589 = arith.constant 0 : i32
    %sign3A_590 = arith.cmpi slt, %jit3A_577, %sign3A_589 : i32
    %sign3A_591 = arith.extui %sign3A_590 : i1 to i32
    %sign3A_592 = arith.subi %sign3A_588, %sign3A_591 : i32
    %ne3A_593 = arith.cmpi ne, %sign3A_585, %sign3A_592 : i32
    %rem3A_594 = arith.remsi %squeeze3A_549, %jit3A_577 : i32
    %ne3A_595 = arith.constant 0 : i32
    %ne3A_596 = arith.cmpi ne, %rem3A_594, %ne3A_595 : i32
    %and3A_597 = arith.andi %ne3A_593, %ne3A_596 : i1
    %sub3A_598 = arith.constant 1 : i32
    %sub3A_599 = arith.subi %div3A_578, %sub3A_598 : i32
    %select_n3A_600 = arith.select %and3A_597, %sub3A_599, %div3A_578 : i32
    %mul3A_601 = arith.constant 128 : i32
    %mul3A_602 = arith.muli %select_n3A_600, %mul3A_601 : i32
    %multiple_of3A_603 = tpu.assume_multiple %mul3A_602, 128 : i32
    %dma_start3A_604 = arith.constant 6 : i32
    %dma_start3A_605 = arith.constant 0 : i32
    %dma_start3A_606 = arith.constant 1536 : i32
    %dma_start3A_607 = tpu.memref_slice %arg13[%dma_start3A_605, %dma_start3A_606] : memref<16x2048xf32, #tpu.memory_space<vmem>> -> memref<16x128xf32, #tpu.memory_space<vmem>>
    %dma_start3A_608 = arith.constant 0 : i32
    %dma_start3A_609 = tpu.memref_slice %arg4[%dma_start3A_608, %multiple_of3A_576] : memref<16x1000000xf32, #tpu.memory_space<hbm>> -> memref<16x128xf32, #tpu.memory_space<hbm>>
    %dma_start3A_610 = tpu.memref_slice %arg20[%dma_start3A_604] : memref<8x!tpu.dma_semaphore, #tpu.memory_space<semaphore_mem>> -> memref<1x!tpu.dma_semaphore, #tpu.memory_space<semaphore_mem>>
    %dma_start3A_611 = tpu.memref_squeeze %dma_start3A_610 : memref<1x!tpu.dma_semaphore, #tpu.memory_space<semaphore_mem>> -> memref<!tpu.dma_semaphore, #tpu.memory_space<semaphore_mem>>
    %dma_start3A_612 = arith.constant 0 : i32
    %dma_start3A_613 = arith.constant 1536 : i32
    %dma_start3A_614 = tpu.memref_slice %arg13[%dma_start3A_612, %dma_start3A_613] : memref<16x2048xf32, #tpu.memory_space<vmem>> -> memref<16x128xf32, #tpu.memory_space<vmem>>
    %dma_start3A_615 = arith.constant 0 : i32
    %dma_start3A_616 = tpu.memref_slice %arg4[%dma_start3A_615, %multiple_of3A_576] : memref<16x1000000xf32, #tpu.memory_space<hbm>> -> memref<16x128xf32, #tpu.memory_space<hbm>>
    tpu.enqueue_dma source(%dma_start3A_616 : memref<16x128xf32, #tpu.memory_space<hbm>>) target(%dma_start3A_614 : memref<16x128xf32, #tpu.memory_space<vmem>>) target_semaphore(%dma_start3A_611 : memref<!tpu.dma_semaphore, #tpu.memory_space<semaphore_mem>>)
    %dma_start3A_617 = arith.constant 6 : i32
    %dma_start3A_618 = arith.constant 0 : i32
    %dma_start3A_619 = arith.constant 1664 : i32
    %dma_start3A_620 = tpu.memref_slice %arg13[%dma_start3A_618, %dma_start3A_619] : memref<16x2048xf32, #tpu.memory_space<vmem>> -> memref<16x128xf32, #tpu.memory_space<vmem>>
    %dma_start3A_621 = arith.constant 0 : i32
    %dma_start3A_622 = tpu.memref_slice %arg5[%dma_start3A_621, %multiple_of3A_603] : memref<16x1000000xf32, #tpu.memory_space<hbm>> -> memref<16x128xf32, #tpu.memory_space<hbm>>
    %dma_start3A_623 = tpu.memref_slice %arg20[%dma_start3A_617] : memref<8x!tpu.dma_semaphore, #tpu.memory_space<semaphore_mem>> -> memref<1x!tpu.dma_semaphore, #tpu.memory_space<semaphore_mem>>
    %dma_start3A_624 = tpu.memref_squeeze %dma_start3A_623 : memref<1x!tpu.dma_semaphore, #tpu.memory_space<semaphore_mem>> -> memref<!tpu.dma_semaphore, #tpu.memory_space<semaphore_mem>>
    %dma_start3A_625 = arith.constant 0 : i32
    %dma_start3A_626 = arith.constant 1664 : i32
    %dma_start3A_627 = tpu.memref_slice %arg13[%dma_start3A_625, %dma_start3A_626] : memref<16x2048xf32, #tpu.memory_space<vmem>> -> memref<16x128xf32, #tpu.memory_space<vmem>>
    %dma_start3A_628 = arith.constant 0 : i32
    %dma_start3A_629 = tpu.memref_slice %arg5[%dma_start3A_628, %multiple_of3A_603] : memref<16x1000000xf32, #tpu.memory_space<hbm>> -> memref<16x128xf32, #tpu.memory_space<hbm>>
    tpu.enqueue_dma source(%dma_start3A_629 : memref<16x128xf32, #tpu.memory_space<hbm>>) target(%dma_start3A_627 : memref<16x128xf32, #tpu.memory_space<vmem>>) target_semaphore(%dma_start3A_624 : memref<!tpu.dma_semaphore, #tpu.memory_space<semaphore_mem>>)
    %slice3A_630 = vector.extract_strided_slice %get3A_50 {offsets = [7], sizes = [1], strides = [1]} : vector<16xi32> to vector<1xi32>
    %squeeze3A_631 = vector.extract %slice3A_630[0] : i32 from vector<1xi32>
    %slice3A_632 = vector.extract_strided_slice %get3A_52 {offsets = [7], sizes = [1], strides = [1]} : vector<16xi32> to vector<1xi32>
    %squeeze3A_633 = vector.extract %slice3A_632[0] : i32 from vector<1xi32>
    %jit3A_634 = arith.constant 128 : i32
    %div3A_635 = arith.divsi %squeeze3A_631, %jit3A_634 : i32
    %sign3A_636 = arith.constant 0 : i32
    %sign3A_637 = arith.cmpi sgt, %squeeze3A_631, %sign3A_636 : i32
    %sign3A_638 = arith.extui %sign3A_637 : i1 to i32
    %sign3A_639 = arith.constant 0 : i32
    %sign3A_640 = arith.cmpi slt, %squeeze3A_631, %sign3A_639 : i32
    %sign3A_641 = arith.extui %sign3A_640 : i1 to i32
    %sign3A_642 = arith.subi %sign3A_638, %sign3A_641 : i32
    %sign3A_643 = arith.constant 0 : i32
    %sign3A_644 = arith.cmpi sgt, %jit3A_634, %sign3A_643 : i32
    %sign3A_645 = arith.extui %sign3A_644 : i1 to i32
    %sign3A_646 = arith.constant 0 : i32
    %sign3A_647 = arith.cmpi slt, %jit3A_634, %sign3A_646 : i32
    %sign3A_648 = arith.extui %sign3A_647 : i1 to i32
    %sign3A_649 = arith.subi %sign3A_645, %sign3A_648 : i32
    %ne3A_650 = arith.cmpi ne, %sign3A_642, %sign3A_649 : i32
    %rem3A_651 = arith.remsi %squeeze3A_631, %jit3A_634 : i32
    %ne3A_652 = arith.constant 0 : i32
    %ne3A_653 = arith.cmpi ne, %rem3A_651, %ne3A_652 : i32
    %and3A_654 = arith.andi %ne3A_650, %ne3A_653 : i1
    %sub3A_655 = arith.constant 1 : i32
    %sub3A_656 = arith.subi %div3A_635, %sub3A_655 : i32
    %select_n3A_657 = arith.select %and3A_654, %sub3A_656, %div3A_635 : i32
    %mul3A_658 = arith.constant 128 : i32
    %mul3A_659 = arith.muli %select_n3A_657, %mul3A_658 : i32
    %multiple_of3A_660 = tpu.assume_multiple %mul3A_659, 128 : i32
    %jit3A_661 = arith.constant 128 : i32
    %div3A_662 = arith.divsi %squeeze3A_633, %jit3A_661 : i32
    %sign3A_663 = arith.constant 0 : i32
    %sign3A_664 = arith.cmpi sgt, %squeeze3A_633, %sign3A_663 : i32
    %sign3A_665 = arith.extui %sign3A_664 : i1 to i32
    %sign3A_666 = arith.constant 0 : i32
    %sign3A_667 = arith.cmpi slt, %squeeze3A_633, %sign3A_666 : i32
    %sign3A_668 = arith.extui %sign3A_667 : i1 to i32
    %sign3A_669 = arith.subi %sign3A_665, %sign3A_668 : i32
    %sign3A_670 = arith.constant 0 : i32
    %sign3A_671 = arith.cmpi sgt, %jit3A_661, %sign3A_670 : i32
    %sign3A_672 = arith.extui %sign3A_671 : i1 to i32
    %sign3A_673 = arith.constant 0 : i32
    %sign3A_674 = arith.cmpi slt, %jit3A_661, %sign3A_673 : i32
    %sign3A_675 = arith.extui %sign3A_674 : i1 to i32
    %sign3A_676 = arith.subi %sign3A_672, %sign3A_675 : i32
    %ne3A_677 = arith.cmpi ne, %sign3A_669, %sign3A_676 : i32
    %rem3A_678 = arith.remsi %squeeze3A_633, %jit3A_661 : i32
    %ne3A_679 = arith.constant 0 : i32
    %ne3A_680 = arith.cmpi ne, %rem3A_678, %ne3A_679 : i32
    %and3A_681 = arith.andi %ne3A_677, %ne3A_680 : i1
    %sub3A_682 = arith.constant 1 : i32
    %sub3A_683 = arith.subi %div3A_662, %sub3A_682 : i32
    %select_n3A_684 = arith.select %and3A_681, %sub3A_683, %div3A_662 : i32
    %mul3A_685 = arith.constant 128 : i32
    %mul3A_686 = arith.muli %select_n3A_684, %mul3A_685 : i32
    %multiple_of3A_687 = tpu.assume_multiple %mul3A_686, 128 : i32
    %dma_start3A_688 = arith.constant 7 : i32
    %dma_start3A_689 = arith.constant 0 : i32
    %dma_start3A_690 = arith.constant 1792 : i32
    %dma_start3A_691 = tpu.memref_slice %arg13[%dma_start3A_689, %dma_start3A_690] : memref<16x2048xf32, #tpu.memory_space<vmem>> -> memref<16x128xf32, #tpu.memory_space<vmem>>
    %dma_start3A_692 = arith.constant 0 : i32
    %dma_start3A_693 = tpu.memref_slice %arg4[%dma_start3A_692, %multiple_of3A_660] : memref<16x1000000xf32, #tpu.memory_space<hbm>> -> memref<16x128xf32, #tpu.memory_space<hbm>>
    %dma_start3A_694 = tpu.memref_slice %arg20[%dma_start3A_688] : memref<8x!tpu.dma_semaphore, #tpu.memory_space<semaphore_mem>> -> memref<1x!tpu.dma_semaphore, #tpu.memory_space<semaphore_mem>>
    %dma_start3A_695 = tpu.memref_squeeze %dma_start3A_694 : memref<1x!tpu.dma_semaphore, #tpu.memory_space<semaphore_mem>> -> memref<!tpu.dma_semaphore, #tpu.memory_space<semaphore_mem>>
    %dma_start3A_696 = arith.constant 0 : i32
    %dma_start3A_697 = arith.constant 1792 : i32
    %dma_start3A_698 = tpu.memref_slice %arg13[%dma_start3A_696, %dma_start3A_697] : memref<16x2048xf32, #tpu.memory_space<vmem>> -> memref<16x128xf32, #tpu.memory_space<vmem>>
    %dma_start3A_699 = arith.constant 0 : i32
    %dma_start3A_700 = tpu.memref_slice %arg4[%dma_start3A_699, %multiple_of3A_660] : memref<16x1000000xf32, #tpu.memory_space<hbm>> -> memref<16x128xf32, #tpu.memory_space<hbm>>
    tpu.enqueue_dma source(%dma_start3A_700 : memref<16x128xf32, #tpu.memory_space<hbm>>) target(%dma_start3A_698 : memref<16x128xf32, #tpu.memory_space<vmem>>) target_semaphore(%dma_start3A_695 : memref<!tpu.dma_semaphore, #tpu.memory_space<semaphore_mem>>)
    %dma_start3A_701 = arith.constant 7 : i32
    %dma_start3A_702 = arith.constant 0 : i32
    %dma_start3A_703 = arith.constant 1920 : i32
    %dma_start3A_704 = tpu.memref_slice %arg13[%dma_start3A_702, %dma_start3A_703] : memref<16x2048xf32, #tpu.memory_space<vmem>> -> memref<16x128xf32, #tpu.memory_space<vmem>>
    %dma_start3A_705 = arith.constant 0 : i32
    %dma_start3A_706 = tpu.memref_slice %arg5[%dma_start3A_705, %multiple_of3A_687] : memref<16x1000000xf32, #tpu.memory_space<hbm>> -> memref<16x128xf32, #tpu.memory_space<hbm>>
    %dma_start3A_707 = tpu.memref_slice %arg20[%dma_start3A_701] : memref<8x!tpu.dma_semaphore, #tpu.memory_space<semaphore_mem>> -> memref<1x!tpu.dma_semaphore, #tpu.memory_space<semaphore_mem>>
    %dma_start3A_708 = tpu.memref_squeeze %dma_start3A_707 : memref<1x!tpu.dma_semaphore, #tpu.memory_space<semaphore_mem>> -> memref<!tpu.dma_semaphore, #tpu.memory_space<semaphore_mem>>
    %dma_start3A_709 = arith.constant 0 : i32
    %dma_start3A_710 = arith.constant 1920 : i32
    %dma_start3A_711 = tpu.memref_slice %arg13[%dma_start3A_709, %dma_start3A_710] : memref<16x2048xf32, #tpu.memory_space<vmem>> -> memref<16x128xf32, #tpu.memory_space<vmem>>
    %dma_start3A_712 = arith.constant 0 : i32
    %dma_start3A_713 = tpu.memref_slice %arg5[%dma_start3A_712, %multiple_of3A_687] : memref<16x1000000xf32, #tpu.memory_space<hbm>> -> memref<16x128xf32, #tpu.memory_space<hbm>>
    tpu.enqueue_dma source(%dma_start3A_713 : memref<16x128xf32, #tpu.memory_space<hbm>>) target(%dma_start3A_711 : memref<16x128xf32, #tpu.memory_space<vmem>>) target_semaphore(%dma_start3A_708 : memref<!tpu.dma_semaphore, #tpu.memory_space<semaphore_mem>>)
    %scan3A = arith.constant 0 : i32
    %scan3A_714 = arith.constant 0 : i32
    %scan3A_715 = arith.constant 32 : i32
    %scan3A_716 = arith.addi %scan3A_714, %scan3A_715 : i32
    %scan3A_717 = arith.constant 1 : i32
    scf.for %scan3A_894 = %scan3A_714 to %scan3A_716 step %scan3A_717  : i32 {
      %mul3A_895 = arith.constant 16 : i32
      %mul3A_896 = arith.muli %scan3A_894, %mul3A_895 : i32
      %get3A_897 = arith.index_cast %mul3A_896 : i32 to index
      %get3A_898 = tpu.vector_load %arg11[%get3A_897] {strides = array<i32>} : memref<512xi32, #tpu.memory_space<vmem>>, vector<16xi32>,
      %mul3A_899 = arith.constant 16 : i32
      %mul3A_900 = arith.muli %scan3A_894, %mul3A_899 : i32
      %get3A_901 = arith.index_cast %mul3A_900 : i32 to index
      %get3A_902 = tpu.vector_load %arg12[%get3A_901] {strides = array<i32>} : memref<512xi32, #tpu.memory_space<vmem>>, vector<16xi32>,
      %add3A_903 = arith.constant 1 : i32
      %add3A_904 = arith.addi %scan3A_894, %add3A_903 : i32
      %mul3A_905 = arith.constant 16 : i32
      %mul3A_906 = arith.muli %add3A_904, %mul3A_905 : i32
      %min3A = arith.constant 496 : i32
      %min3A_907 = arith.minsi %mul3A_906, %min3A : i32
      %get3A_908 = arith.index_cast %min3A_907 : i32 to index
      %get3A_909 = tpu.vector_load %arg11[%get3A_908] {strides = array<i32>} : memref<512xi32, #tpu.memory_space<vmem>>, vector<16xi32>,
      %get3A_910 = arith.index_cast %min3A_907 : i32 to index
      %get3A_911 = tpu.vector_load %arg12[%get3A_910] {strides = array<i32>} : memref<512xi32, #tpu.memory_space<vmem>>, vector<16xi32>,
      %dma_wait3A_912 = arith.constant 0 : i32
      %dma_wait3A_913 = arith.constant 0 : i32
      %dma_wait3A_914 = arith.constant 0 : i32
      %dma_wait3A_915 = tpu.memref_slice %arg13[%dma_wait3A_913, %dma_wait3A_914] : memref<16x2048xf32, #tpu.memory_space<vmem>> -> memref<16x256xf32, #tpu.memory_space<vmem>>
      %dma_wait3A_916 = arith.constant 0 : i32
      %dma_wait3A_917 = arith.constant 0 : i32
      %dma_wait3A_918 = tpu.memref_slice %arg4[%dma_wait3A_916, %dma_wait3A_917] : memref<16x1000000xf32, #tpu.memory_space<hbm>> -> memref<16x256xf32, #tpu.memory_space<hbm>>
      %dma_wait3A_919 = tpu.memref_slice %arg20[%dma_wait3A_912] : memref<8x!tpu.dma_semaphore, #tpu.memory_space<semaphore_mem>> -> memref<1x!tpu.dma_semaphore, #tpu.memory_space<semaphore_mem>>
      %dma_wait3A_920 = tpu.memref_squeeze %dma_wait3A_919 : memref<1x!tpu.dma_semaphore, #tpu.memory_space<semaphore_mem>> -> memref<!tpu.dma_semaphore, #tpu.memory_space<semaphore_mem>>
      %dma_wait3A_921 = arith.constant 0 : i32
      %dma_wait3A_922 = arith.constant 0 : i32
      %dma_wait3A_923 = tpu.memref_slice %arg13[%dma_wait3A_921, %dma_wait3A_922] : memref<16x2048xf32, #tpu.memory_space<vmem>> -> memref<16x256xf32, #tpu.memory_space<vmem>>
      %dma_wait3A_924 = arith.constant 0 : i32
      %dma_wait3A_925 = arith.constant 0 : i32
      %dma_wait3A_926 = tpu.memref_slice %arg4[%dma_wait3A_924, %dma_wait3A_925] : memref<16x1000000xf32, #tpu.memory_space<hbm>> -> memref<16x256xf32, #tpu.memory_space<hbm>>
      tpu.wait_dma2 semaphore(%dma_wait3A_920 : memref<!tpu.dma_semaphore, #tpu.memory_space<semaphore_mem>>) src(%dma_wait3A_926 : memref<16x256xf32, #tpu.memory_space<hbm>>) dst(%dma_wait3A_923 : memref<16x256xf32, #tpu.memory_space<vmem>>)
      %broadcast_in_dim3A = arith.constant 0 : i32
      %broadcast_in_dim3A_927 = vector.broadcast %broadcast_in_dim3A : i32 to vector<16xi32>
      %slice3A_928 = vector.extract_strided_slice %get3A_898 {offsets = [0], sizes = [1], strides = [1]} : vector<16xi32> to vector<1xi32>
      %squeeze3A_929 = vector.extract %slice3A_928[0] : i32 from vector<1xi32>
      %jit3A_930 = arith.constant 128 : i32
      %eq3A = arith.constant 0 : i32
      %eq3A_931 = arith.cmpi eq, %jit3A_930, %eq3A : i32
      %jit3A_932 = arith.constant 1 : i32
      %select_n3A_933 = arith.select %eq3A_931, %jit3A_932, %jit3A_930 : i32
      %rem3A_934 = arith.remsi %squeeze3A_929, %select_n3A_933 : i32
      %ne3A_935 = arith.constant 0 : i32
      %ne3A_936 = arith.cmpi ne, %rem3A_934, %ne3A_935 : i32
      %lt3A = arith.constant 0 : i32
      %lt3A_937 = arith.cmpi slt, %rem3A_934, %lt3A : i32
      %lt3A_938 = arith.constant 0 : i32
      %lt3A_939 = arith.cmpi slt, %select_n3A_933, %lt3A_938 : i32
      %ne3A_940 = arith.xori %lt3A_937, %lt3A_939 : i1
      %and3A_941 = arith.andi %ne3A_940, %ne3A_936 : i1
      %add3A_942 = arith.addi %rem3A_934, %select_n3A_933 : i32
      %select_n3A_943 = arith.select %and3A_941, %add3A_942, %rem3A_934 : i32
      %add3A_944 = vector.broadcast %select_n3A_943 : i32 to vector<16xi32>
      %add3A_945 = arith.addi %broadcast_in_dim3A_927, %add3A_944 : vector<16xi32>
      %broadcast_in_dim3A_946 = arith.constant 128 : i32
      %broadcast_in_dim3A_947 = vector.broadcast %broadcast_in_dim3A_946 : i32 to vector<16xi32>
      %slice3A_948 = vector.extract_strided_slice %get3A_902 {offsets = [0], sizes = [1], strides = [1]} : vector<16xi32> to vector<1xi32>
      %squeeze3A_949 = vector.extract %slice3A_948[0] : i32 from vector<1xi32>
      %jit3A_950 = arith.constant 128 : i32
      %eq3A_951 = arith.constant 0 : i32
      %eq3A_952 = arith.cmpi eq, %jit3A_950, %eq3A_951 : i32
      %jit3A_953 = arith.constant 1 : i32
      %select_n3A_954 = arith.select %eq3A_952, %jit3A_953, %jit3A_950 : i32
      %rem3A_955 = arith.remsi %squeeze3A_949, %select_n3A_954 : i32
      %ne3A_956 = arith.constant 0 : i32
      %ne3A_957 = arith.cmpi ne, %rem3A_955, %ne3A_956 : i32
      %lt3A_958 = arith.constant 0 : i32
      %lt3A_959 = arith.cmpi slt, %rem3A_955, %lt3A_958 : i32
      %lt3A_960 = arith.constant 0 : i32
      %lt3A_961 = arith.cmpi slt, %select_n3A_954, %lt3A_960 : i32
      %ne3A_962 = arith.xori %lt3A_959, %lt3A_961 : i1
      %and3A_963 = arith.andi %ne3A_962, %ne3A_957 : i1
      %add3A_964 = arith.addi %rem3A_955, %select_n3A_954 : i32
      %select_n3A_965 = arith.select %and3A_963, %add3A_964, %rem3A_955 : i32
      %add3A_966 = vector.broadcast %select_n3A_965 : i32 to vector<16xi32>
      %add3A_967 = arith.addi %broadcast_in_dim3A_947, %add3A_966 : vector<16xi32>
      %gather3A = tpu.vector_load_idx %arg13[%iota3A, %add3A_945] : memref<16x2048xf32, #tpu.memory_space<vmem>>[vector<16xi32>, vector<16xi32>], vector<16xf32>,
      %gather3A_968 = tpu.vector_load_idx %arg13[%iota3A, %add3A_967] : memref<16x2048xf32, #tpu.memory_space<vmem>>[vector<16xi32>, vector<16xi32>], vector<16xf32>,
      %mul3A_969 = arith.mulf %gather3A, %gather3A_968 : vector<16xf32>
      %swap3A = arith.constant 0 : index
      %swap3A_970 = tpu.vector_load %arg14[%swap3A] {strides = array<i32>} : memref<256xf32, #tpu.memory_space<vmem>>, vector<16xf32>,
      tpu.vector_store %arg14[%swap3A], %mul3A_969 {strides = array<i32>} : memref<256xf32, #tpu.memory_space<vmem>>, vector<16xf32>,
      %slice3A_971 = vector.extract_strided_slice %get3A_898 {offsets = [8], sizes = [1], strides = [1]} : vector<16xi32> to vector<1xi32>
      %squeeze3A_972 = vector.extract %slice3A_971[0] : i32 from vector<1xi32>
      %slice3A_973 = vector.extract_strided_slice %get3A_902 {offsets = [8], sizes = [1], strides = [1]} : vector<16xi32> to vector<1xi32>
      %squeeze3A_974 = vector.extract %slice3A_973[0] : i32 from vector<1xi32>
      %jit3A_975 = arith.constant 128 : i32
      %div3A_976 = arith.divsi %squeeze3A_972, %jit3A_975 : i32
      %sign3A_977 = arith.constant 0 : i32
      %sign3A_978 = arith.cmpi sgt, %squeeze3A_972, %sign3A_977 : i32
      %sign3A_979 = arith.extui %sign3A_978 : i1 to i32
      %sign3A_980 = arith.constant 0 : i32
      %sign3A_981 = arith.cmpi slt, %squeeze3A_972, %sign3A_980 : i32
      %sign3A_982 = arith.extui %sign3A_981 : i1 to i32
      %sign3A_983 = arith.subi %sign3A_979, %sign3A_982 : i32
      %sign3A_984 = arith.constant 0 : i32
      %sign3A_985 = arith.cmpi sgt, %jit3A_975, %sign3A_984 : i32
      %sign3A_986 = arith.extui %sign3A_985 : i1 to i32
      %sign3A_987 = arith.constant 0 : i32
      %sign3A_988 = arith.cmpi slt, %jit3A_975, %sign3A_987 : i32
      %sign3A_989 = arith.extui %sign3A_988 : i1 to i32
      %sign3A_990 = arith.subi %sign3A_986, %sign3A_989 : i32
      %ne3A_991 = arith.cmpi ne, %sign3A_983, %sign3A_990 : i32
      %rem3A_992 = arith.remsi %squeeze3A_972, %jit3A_975 : i32
      %ne3A_993 = arith.constant 0 : i32
      %ne3A_994 = arith.cmpi ne, %rem3A_992, %ne3A_993 : i32
      %and3A_995 = arith.andi %ne3A_991, %ne3A_994 : i1
      %sub3A_996 = arith.constant 1 : i32
      %sub3A_997 = arith.subi %div3A_976, %sub3A_996 : i32
      %select_n3A_998 = arith.select %and3A_995, %sub3A_997, %div3A_976 : i32
      %mul3A_999 = arith.constant 128 : i32
      %mul3A_1000 = arith.muli %select_n3A_998, %mul3A_999 : i32
      %multiple_of3A_1001 = tpu.assume_multiple %mul3A_1000, 128 : i32
      %jit3A_1002 = arith.constant 128 : i32
      %div3A_1003 = arith.divsi %squeeze3A_974, %jit3A_1002 : i32
      %sign3A_1004 = arith.constant 0 : i32
      %sign3A_1005 = arith.cmpi sgt, %squeeze3A_974, %sign3A_1004 : i32
      %sign3A_1006 = arith.extui %sign3A_1005 : i1 to i32
      %sign3A_1007 = arith.constant 0 : i32
      %sign3A_1008 = arith.cmpi slt, %squeeze3A_974, %sign3A_1007 : i32
      %sign3A_1009 = arith.extui %sign3A_1008 : i1 to i32
      %sign3A_1010 = arith.subi %sign3A_1006, %sign3A_1009 : i32
      %sign3A_1011 = arith.constant 0 : i32
      %sign3A_1012 = arith.cmpi sgt, %jit3A_1002, %sign3A_1011 : i32
      %sign3A_1013 = arith.extui %sign3A_1012 : i1 to i32
      %sign3A_1014 = arith.constant 0 : i32
      %sign3A_1015 = arith.cmpi slt, %jit3A_1002, %sign3A_1014 : i32
      %sign3A_1016 = arith.extui %sign3A_1015 : i1 to i32
      %sign3A_1017 = arith.subi %sign3A_1013, %sign3A_1016 : i32
      %ne3A_1018 = arith.cmpi ne, %sign3A_1010, %sign3A_1017 : i32
      %rem3A_1019 = arith.remsi %squeeze3A_974, %jit3A_1002 : i32
      %ne3A_1020 = arith.constant 0 : i32
      %ne3A_1021 = arith.cmpi ne, %rem3A_1019, %ne3A_1020 : i32
      %and3A_1022 = arith.andi %ne3A_1018, %ne3A_1021 : i1
      %sub3A_1023 = arith.constant 1 : i32
      %sub3A_1024 = arith.subi %div3A_1003, %sub3A_1023 : i32
      %select_n3A_1025 = arith.select %and3A_1022, %sub3A_1024, %div3A_1003 : i32
      %mul3A_1026 = arith.constant 128 : i32
      %mul3A_1027 = arith.muli %select_n3A_1025, %mul3A_1026 : i32
      %multiple_of3A_1028 = tpu.assume_multiple %mul3A_1027, 128 : i32
      %dma_start3A_1029 = arith.constant 0 : i32
      %dma_start3A_1030 = arith.constant 0 : i32
      %dma_start3A_1031 = arith.constant 0 : i32
      %dma_start3A_1032 = tpu.memref_slice %arg13[%dma_start3A_1030, %dma_start3A_1031] : memref<16x2048xf32, #tpu.memory_space<vmem>> -> memref<16x128xf32, #tpu.memory_space<vmem>>
      %dma_start3A_1033 = arith.constant 0 : i32
      %dma_start3A_1034 = tpu.memref_slice %arg4[%dma_start3A_1033, %multiple_of3A_1001] : memref<16x1000000xf32, #tpu.memory_space<hbm>> -> memref<16x128xf32, #tpu.memory_space<hbm>>
      %dma_start3A_1035 = tpu.memref_slice %arg20[%dma_start3A_1029] : memref<8x!tpu.dma_semaphore, #tpu.memory_space<semaphore_mem>> -> memref<1x!tpu.dma_semaphore, #tpu.memory_space<semaphore_mem>>
      %dma_start3A_1036 = tpu.memref_squeeze %dma_start3A_1035 : memref<1x!tpu.dma_semaphore, #tpu.memory_space<semaphore_mem>> -> memref<!tpu.dma_semaphore, #tpu.memory_space<semaphore_mem>>
      %dma_start3A_1037 = arith.constant 0 : i32
      %dma_start3A_1038 = arith.constant 0 : i32
      %dma_start3A_1039 = tpu.memref_slice %arg13[%dma_start3A_1037, %dma_start3A_1038] : memref<16x2048xf32, #tpu.memory_space<vmem>> -> memref<16x128xf32, #tpu.memory_space<vmem>>
      %dma_start3A_1040 = arith.constant 0 : i32
      %dma_start3A_1041 = tpu.memref_slice %arg4[%dma_start3A_1040, %multiple_of3A_1001] : memref<16x1000000xf32, #tpu.memory_space<hbm>> -> memref<16x128xf32, #tpu.memory_space<hbm>>
      tpu.enqueue_dma source(%dma_start3A_1041 : memref<16x128xf32, #tpu.memory_space<hbm>>) target(%dma_start3A_1039 : memref<16x128xf32, #tpu.memory_space<vmem>>) target_semaphore(%dma_start3A_1036 : memref<!tpu.dma_semaphore, #tpu.memory_space<semaphore_mem>>)
      %dma_start3A_1042 = arith.constant 0 : i32
      %dma_start3A_1043 = arith.constant 0 : i32
      %dma_start3A_1044 = arith.constant 128 : i32
      %dma_start3A_1045 = tpu.memref_slice %arg13[%dma_start3A_1043, %dma_start3A_1044] : memref<16x2048xf32, #tpu.memory_space<vmem>> -> memref<16x128xf32, #tpu.memory_space<vmem>>
      %dma_start3A_1046 = arith.constant 0 : i32
      %dma_start3A_1047 = tpu.memref_slice %arg5[%dma_start3A_1046, %multiple_of3A_1028] : memref<16x1000000xf32, #tpu.memory_space<hbm>> -> memref<16x128xf32, #tpu.memory_space<hbm>>
      %dma_start3A_1048 = tpu.memref_slice %arg20[%dma_start3A_1042] : memref<8x!tpu.dma_semaphore, #tpu.memory_space<semaphore_mem>> -> memref<1x!tpu.dma_semaphore, #tpu.memory_space<semaphore_mem>>
      %dma_start3A_1049 = tpu.memref_squeeze %dma_start3A_1048 : memref<1x!tpu.dma_semaphore, #tpu.memory_space<semaphore_mem>> -> memref<!tpu.dma_semaphore, #tpu.memory_space<semaphore_mem>>
      %dma_start3A_1050 = arith.constant 0 : i32
      %dma_start3A_1051 = arith.constant 128 : i32
      %dma_start3A_1052 = tpu.memref_slice %arg13[%dma_start3A_1050, %dma_start3A_1051] : memref<16x2048xf32, #tpu.memory_space<vmem>> -> memref<16x128xf32, #tpu.memory_space<vmem>>
      %dma_start3A_1053 = arith.constant 0 : i32
      %dma_start3A_1054 = tpu.memref_slice %arg5[%dma_start3A_1053, %multiple_of3A_1028] : memref<16x1000000xf32, #tpu.memory_space<hbm>> -> memref<16x128xf32, #tpu.memory_space<hbm>>
      tpu.enqueue_dma source(%dma_start3A_1054 : memref<16x128xf32, #tpu.memory_space<hbm>>) target(%dma_start3A_1052 : memref<16x128xf32, #tpu.memory_space<vmem>>) target_semaphore(%dma_start3A_1049 : memref<!tpu.dma_semaphore, #tpu.memory_space<semaphore_mem>>)
      %dma_wait3A_1055 = arith.constant 1 : i32
      %dma_wait3A_1056 = arith.constant 0 : i32
      %dma_wait3A_1057 = arith.constant 256 : i32
      %dma_wait3A_1058 = tpu.memref_slice %arg13[%dma_wait3A_1056, %dma_wait3A_1057] : memref<16x2048xf32, #tpu.memory_space<vmem>> -> memref<16x256xf32, #tpu.memory_space<vmem>>
      %dma_wait3A_1059 = arith.constant 0 : i32
      %dma_wait3A_1060 = arith.constant 0 : i32
      %dma_wait3A_1061 = tpu.memref_slice %arg4[%dma_wait3A_1059, %dma_wait3A_1060] : memref<16x1000000xf32, #tpu.memory_space<hbm>> -> memref<16x256xf32, #tpu.memory_space<hbm>>
      %dma_wait3A_1062 = tpu.memref_slice %arg20[%dma_wait3A_1055] : memref<8x!tpu.dma_semaphore, #tpu.memory_space<semaphore_mem>> -> memref<1x!tpu.dma_semaphore, #tpu.memory_space<semaphore_mem>>
      %dma_wait3A_1063 = tpu.memref_squeeze %dma_wait3A_1062 : memref<1x!tpu.dma_semaphore, #tpu.memory_space<semaphore_mem>> -> memref<!tpu.dma_semaphore, #tpu.memory_space<semaphore_mem>>
      %dma_wait3A_1064 = arith.constant 0 : i32
      %dma_wait3A_1065 = arith.constant 256 : i32
      %dma_wait3A_1066 = tpu.memref_slice %arg13[%dma_wait3A_1064, %dma_wait3A_1065] : memref<16x2048xf32, #tpu.memory_space<vmem>> -> memref<16x256xf32, #tpu.memory_space<vmem>>
      %dma_wait3A_1067 = arith.constant 0 : i32
      %dma_wait3A_1068 = arith.constant 0 : i32
      %dma_wait3A_1069 = tpu.memref_slice %arg4[%dma_wait3A_1067, %dma_wait3A_1068] : memref<16x1000000xf32, #tpu.memory_space<hbm>> -> memref<16x256xf32, #tpu.memory_space<hbm>>
      tpu.wait_dma2 semaphore(%dma_wait3A_1063 : memref<!tpu.dma_semaphore, #tpu.memory_space<semaphore_mem>>) src(%dma_wait3A_1069 : memref<16x256xf32, #tpu.memory_space<hbm>>) dst(%dma_wait3A_1066 : memref<16x256xf32, #tpu.memory_space<vmem>>)
      %broadcast_in_dim3A_1070 = arith.constant 256 : i32
      %broadcast_in_dim3A_1071 = vector.broadcast %broadcast_in_dim3A_1070 : i32 to vector<16xi32>
      %slice3A_1072 = vector.extract_strided_slice %get3A_898 {offsets = [1], sizes = [1], strides = [1]} : vector<16xi32> to vector<1xi32>
      %squeeze3A_1073 = vector.extract %slice3A_1072[0] : i32 from vector<1xi32>
      %jit3A_1074 = arith.constant 128 : i32
      %eq3A_1075 = arith.constant 0 : i32
      %eq3A_1076 = arith.cmpi eq, %jit3A_1074, %eq3A_1075 : i32
      %jit3A_1077 = arith.constant 1 : i32
      %select_n3A_1078 = arith.select %eq3A_1076, %jit3A_1077, %jit3A_1074 : i32
      %rem3A_1079 = arith.remsi %squeeze3A_1073, %select_n3A_1078 : i32
      %ne3A_1080 = arith.constant 0 : i32
      %ne3A_1081 = arith.cmpi ne, %rem3A_1079, %ne3A_1080 : i32
      %lt3A_1082 = arith.constant 0 : i32
      %lt3A_1083 = arith.cmpi slt, %rem3A_1079, %lt3A_1082 : i32
      %lt3A_1084 = arith.constant 0 : i32
      %lt3A_1085 = arith.cmpi slt, %select_n3A_1078, %lt3A_1084 : i32
      %ne3A_1086 = arith.xori %lt3A_1083, %lt3A_1085 : i1
      %and3A_1087 = arith.andi %ne3A_1086, %ne3A_1081 : i1
      %add3A_1088 = arith.addi %rem3A_1079, %select_n3A_1078 : i32
      %select_n3A_1089 = arith.select %and3A_1087, %add3A_1088, %rem3A_1079 : i32
      %add3A_1090 = vector.broadcast %select_n3A_1089 : i32 to vector<16xi32>
      %add3A_1091 = arith.addi %broadcast_in_dim3A_1071, %add3A_1090 : vector<16xi32>
      %broadcast_in_dim3A_1092 = arith.constant 384 : i32
      %broadcast_in_dim3A_1093 = vector.broadcast %broadcast_in_dim3A_1092 : i32 to vector<16xi32>
      %slice3A_1094 = vector.extract_strided_slice %get3A_902 {offsets = [1], sizes = [1], strides = [1]} : vector<16xi32> to vector<1xi32>
      %squeeze3A_1095 = vector.extract %slice3A_1094[0] : i32 from vector<1xi32>
      %jit3A_1096 = arith.constant 128 : i32
      %eq3A_1097 = arith.constant 0 : i32
      %eq3A_1098 = arith.cmpi eq, %jit3A_1096, %eq3A_1097 : i32
      %jit3A_1099 = arith.constant 1 : i32
      %select_n3A_1100 = arith.select %eq3A_1098, %jit3A_1099, %jit3A_1096 : i32
      %rem3A_1101 = arith.remsi %squeeze3A_1095, %select_n3A_1100 : i32
      %ne3A_1102 = arith.constant 0 : i32
      %ne3A_1103 = arith.cmpi ne, %rem3A_1101, %ne3A_1102 : i32
      %lt3A_1104 = arith.constant 0 : i32
      %lt3A_1105 = arith.cmpi slt, %rem3A_1101, %lt3A_1104 : i32
      %lt3A_1106 = arith.constant 0 : i32
      %lt3A_1107 = arith.cmpi slt, %select_n3A_1100, %lt3A_1106 : i32
      %ne3A_1108 = arith.xori %lt3A_1105, %lt3A_1107 : i1
      %and3A_1109 = arith.andi %ne3A_1108, %ne3A_1103 : i1
      %add3A_1110 = arith.addi %rem3A_1101, %select_n3A_1100 : i32
      %select_n3A_1111 = arith.select %and3A_1109, %add3A_1110, %rem3A_1101 : i32
      %add3A_1112 = vector.broadcast %select_n3A_1111 : i32 to vector<16xi32>
      %add3A_1113 = arith.addi %broadcast_in_dim3A_1093, %add3A_1112 : vector<16xi32>
      %gather3A_1114 = tpu.vector_load_idx %arg13[%iota3A, %add3A_1091] : memref<16x2048xf32, #tpu.memory_space<vmem>>[vector<16xi32>, vector<16xi32>], vector<16xf32>,
      %gather3A_1115 = tpu.vector_load_idx %arg13[%iota3A, %add3A_1113] : memref<16x2048xf32, #tpu.memory_space<vmem>>[vector<16xi32>, vector<16xi32>], vector<16xf32>,
      %mul3A_1116 = arith.mulf %gather3A_1114, %gather3A_1115 : vector<16xf32>
      %swap3A_1117 = arith.constant 16 : index
      %swap3A_1118 = tpu.vector_load %arg14[%swap3A_1117] {strides = array<i32>} : memref<256xf32, #tpu.memory_space<vmem>>, vector<16xf32>,
      tpu.vector_store %arg14[%swap3A_1117], %mul3A_1116 {strides = array<i32>} : memref<256xf32, #tpu.memory_space<vmem>>, vector<16xf32>,
      %slice3A_1119 = vector.extract_strided_slice %get3A_898 {offsets = [9], sizes = [1], strides = [1]} : vector<16xi32> to vector<1xi32>
      %squeeze3A_1120 = vector.extract %slice3A_1119[0] : i32 from vector<1xi32>
      %slice3A_1121 = vector.extract_strided_slice %get3A_902 {offsets = [9], sizes = [1], strides = [1]} : vector<16xi32> to vector<1xi32>
      %squeeze3A_1122 = vector.extract %slice3A_1121[0] : i32 from vector<1xi32>
      %jit3A_1123 = arith.constant 128 : i32
      %div3A_1124 = arith.divsi %squeeze3A_1120, %jit3A_1123 : i32
      %sign3A_1125 = arith.constant 0 : i32
      %sign3A_1126 = arith.cmpi sgt, %squeeze3A_1120, %sign3A_1125 : i32
      %sign3A_1127 = arith.extui %sign3A_1126 : i1 to i32
      %sign3A_1128 = arith.constant 0 : i32
      %sign3A_1129 = arith.cmpi slt, %squeeze3A_1120, %sign3A_1128 : i32
      %sign3A_1130 = arith.extui %sign3A_1129 : i1 to i32
      %sign3A_1131 = arith.subi %sign3A_1127, %sign3A_1130 : i32
      %sign3A_1132 = arith.constant 0 : i32
      %sign3A_1133 = arith.cmpi sgt, %jit3A_1123, %sign3A_1132 : i32
      %sign3A_1134 = arith.extui %sign3A_1133 : i1 to i32
      %sign3A_1135 = arith.constant 0 : i32
      %sign3A_1136 = arith.cmpi slt, %jit3A_1123, %sign3A_1135 : i32
      %sign3A_1137 = arith.extui %sign3A_1136 : i1 to i32
      %sign3A_1138 = arith.subi %sign3A_1134, %sign3A_1137 : i32
      %ne3A_1139 = arith.cmpi ne, %sign3A_1131, %sign3A_1138 : i32
      %rem3A_1140 = arith.remsi %squeeze3A_1120, %jit3A_1123 : i32
      %ne3A_1141 = arith.constant 0 : i32
      %ne3A_1142 = arith.cmpi ne, %rem3A_1140, %ne3A_1141 : i32
      %and3A_1143 = arith.andi %ne3A_1139, %ne3A_1142 : i1
      %sub3A_1144 = arith.constant 1 : i32
      %sub3A_1145 = arith.subi %div3A_1124, %sub3A_1144 : i32
      %select_n3A_1146 = arith.select %and3A_1143, %sub3A_1145, %div3A_1124 : i32
      %mul3A_1147 = arith.constant 128 : i32
      %mul3A_1148 = arith.muli %select_n3A_1146, %mul3A_1147 : i32
      %multiple_of3A_1149 = tpu.assume_multiple %mul3A_1148, 128 : i32
      %jit3A_1150 = arith.constant 128 : i32
      %div3A_1151 = arith.divsi %squeeze3A_1122, %jit3A_1150 : i32
      %sign3A_1152 = arith.constant 0 : i32
      %sign3A_1153 = arith.cmpi sgt, %squeeze3A_1122, %sign3A_1152 : i32
      %sign3A_1154 = arith.extui %sign3A_1153 : i1 to i32
      %sign3A_1155 = arith.constant 0 : i32
      %sign3A_1156 = arith.cmpi slt, %squeeze3A_1122, %sign3A_1155 : i32
      %sign3A_1157 = arith.extui %sign3A_1156 : i1 to i32
      %sign3A_1158 = arith.subi %sign3A_1154, %sign3A_1157 : i32
      %sign3A_1159 = arith.constant 0 : i32
      %sign3A_1160 = arith.cmpi sgt, %jit3A_1150, %sign3A_1159 : i32
      %sign3A_1161 = arith.extui %sign3A_1160 : i1 to i32
      %sign3A_1162 = arith.constant 0 : i32
      %sign3A_1163 = arith.cmpi slt, %jit3A_1150, %sign3A_1162 : i32
      %sign3A_1164 = arith.extui %sign3A_1163 : i1 to i32
      %sign3A_1165 = arith.subi %sign3A_1161, %sign3A_1164 : i32
      %ne3A_1166 = arith.cmpi ne, %sign3A_1158, %sign3A_1165 : i32
      %rem3A_1167 = arith.remsi %squeeze3A_1122, %jit3A_1150 : i32
      %ne3A_1168 = arith.constant 0 : i32
      %ne3A_1169 = arith.cmpi ne, %rem3A_1167, %ne3A_1168 : i32
      %and3A_1170 = arith.andi %ne3A_1166, %ne3A_1169 : i1
      %sub3A_1171 = arith.constant 1 : i32
      %sub3A_1172 = arith.subi %div3A_1151, %sub3A_1171 : i32
      %select_n3A_1173 = arith.select %and3A_1170, %sub3A_1172, %div3A_1151 : i32
      %mul3A_1174 = arith.constant 128 : i32
      %mul3A_1175 = arith.muli %select_n3A_1173, %mul3A_1174 : i32
      %multiple_of3A_1176 = tpu.assume_multiple %mul3A_1175, 128 : i32
      %dma_start3A_1177 = arith.constant 1 : i32
      %dma_start3A_1178 = arith.constant 0 : i32
      %dma_start3A_1179 = arith.constant 256 : i32
      %dma_start3A_1180 = tpu.memref_slice %arg13[%dma_start3A_1178, %dma_start3A_1179] : memref<16x2048xf32, #tpu.memory_space<vmem>> -> memref<16x128xf32, #tpu.memory_space<vmem>>
      %dma_start3A_1181 = arith.constant 0 : i32
      %dma_start3A_1182 = tpu.memref_slice %arg4[%dma_start3A_1181, %multiple_of3A_1149] : memref<16x1000000xf32, #tpu.memory_space<hbm>> -> memref<16x128xf32, #tpu.memory_space<hbm>>
      %dma_start3A_1183 = tpu.memref_slice %arg20[%dma_start3A_1177] : memref<8x!tpu.dma_semaphore, #tpu.memory_space<semaphore_mem>> -> memref<1x!tpu.dma_semaphore, #tpu.memory_space<semaphore_mem>>
      %dma_start3A_1184 = tpu.memref_squeeze %dma_start3A_1183 : memref<1x!tpu.dma_semaphore, #tpu.memory_space<semaphore_mem>> -> memref<!tpu.dma_semaphore, #tpu.memory_space<semaphore_mem>>
      %dma_start3A_1185 = arith.constant 0 : i32
      %dma_start3A_1186 = arith.constant 256 : i32
      %dma_start3A_1187 = tpu.memref_slice %arg13[%dma_start3A_1185, %dma_start3A_1186] : memref<16x2048xf32, #tpu.memory_space<vmem>> -> memref<16x128xf32, #tpu.memory_space<vmem>>
      %dma_start3A_1188 = arith.constant 0 : i32
      %dma_start3A_1189 = tpu.memref_slice %arg4[%dma_start3A_1188, %multiple_of3A_1149] : memref<16x1000000xf32, #tpu.memory_space<hbm>> -> memref<16x128xf32, #tpu.memory_space<hbm>>
      tpu.enqueue_dma source(%dma_start3A_1189 : memref<16x128xf32, #tpu.memory_space<hbm>>) target(%dma_start3A_1187 : memref<16x128xf32, #tpu.memory_space<vmem>>) target_semaphore(%dma_start3A_1184 : memref<!tpu.dma_semaphore, #tpu.memory_space<semaphore_mem>>)
      %dma_start3A_1190 = arith.constant 1 : i32
      %dma_start3A_1191 = arith.constant 0 : i32
      %dma_start3A_1192 = arith.constant 384 : i32
      %dma_start3A_1193 = tpu.memref_slice %arg13[%dma_start3A_1191, %dma_start3A_1192] : memref<16x2048xf32, #tpu.memory_space<vmem>> -> memref<16x128xf32, #tpu.memory_space<vmem>>
      %dma_start3A_1194 = arith.constant 0 : i32
      %dma_start3A_1195 = tpu.memref_slice %arg5[%dma_start3A_1194, %multiple_of3A_1176] : memref<16x1000000xf32, #tpu.memory_space<hbm>> -> memref<16x128xf32, #tpu.memory_space<hbm>>
      %dma_start3A_1196 = tpu.memref_slice %arg20[%dma_start3A_1190] : memref<8x!tpu.dma_semaphore, #tpu.memory_space<semaphore_mem>> -> memref<1x!tpu.dma_semaphore, #tpu.memory_space<semaphore_mem>>
      %dma_start3A_1197 = tpu.memref_squeeze %dma_start3A_1196 : memref<1x!tpu.dma_semaphore, #tpu.memory_space<semaphore_mem>> -> memref<!tpu.dma_semaphore, #tpu.memory_space<semaphore_mem>>
      %dma_start3A_1198 = arith.constant 0 : i32
      %dma_start3A_1199 = arith.constant 384 : i32
      %dma_start3A_1200 = tpu.memref_slice %arg13[%dma_start3A_1198, %dma_start3A_1199] : memref<16x2048xf32, #tpu.memory_space<vmem>> -> memref<16x128xf32, #tpu.memory_space<vmem>>
      %dma_start3A_1201 = arith.constant 0 : i32
      %dma_start3A_1202 = tpu.memref_slice %arg5[%dma_start3A_1201, %multiple_of3A_1176] : memref<16x1000000xf32, #tpu.memory_space<hbm>> -> memref<16x128xf32, #tpu.memory_space<hbm>>
      tpu.enqueue_dma source(%dma_start3A_1202 : memref<16x128xf32, #tpu.memory_space<hbm>>) target(%dma_start3A_1200 : memref<16x128xf32, #tpu.memory_space<vmem>>) target_semaphore(%dma_start3A_1197 : memref<!tpu.dma_semaphore, #tpu.memory_space<semaphore_mem>>)
      %dma_wait3A_1203 = arith.constant 2 : i32
      %dma_wait3A_1204 = arith.constant 0 : i32
      %dma_wait3A_1205 = arith.constant 512 : i32
      %dma_wait3A_1206 = tpu.memref_slice %arg13[%dma_wait3A_1204, %dma_wait3A_1205] : memref<16x2048xf32, #tpu.memory_space<vmem>> -> memref<16x256xf32, #tpu.memory_space<vmem>>
      %dma_wait3A_1207 = arith.constant 0 : i32
      %dma_wait3A_1208 = arith.constant 0 : i32
      %dma_wait3A_1209 = tpu.memref_slice %arg4[%dma_wait3A_1207, %dma_wait3A_1208] : memref<16x1000000xf32, #tpu.memory_space<hbm>> -> memref<16x256xf32, #tpu.memory_space<hbm>>
      %dma_wait3A_1210 = tpu.memref_slice %arg20[%dma_wait3A_1203] : memref<8x!tpu.dma_semaphore, #tpu.memory_space<semaphore_mem>> -> memref<1x!tpu.dma_semaphore, #tpu.memory_space<semaphore_mem>>
      %dma_wait3A_1211 = tpu.memref_squeeze %dma_wait3A_1210 : memref<1x!tpu.dma_semaphore, #tpu.memory_space<semaphore_mem>> -> memref<!tpu.dma_semaphore, #tpu.memory_space<semaphore_mem>>
      %dma_wait3A_1212 = arith.constant 0 : i32
      %dma_wait3A_1213 = arith.constant 512 : i32
      %dma_wait3A_1214 = tpu.memref_slice %arg13[%dma_wait3A_1212, %dma_wait3A_1213] : memref<16x2048xf32, #tpu.memory_space<vmem>> -> memref<16x256xf32, #tpu.memory_space<vmem>>
      %dma_wait3A_1215 = arith.constant 0 : i32
      %dma_wait3A_1216 = arith.constant 0 : i32
      %dma_wait3A_1217 = tpu.memref_slice %arg4[%dma_wait3A_1215, %dma_wait3A_1216] : memref<16x1000000xf32, #tpu.memory_space<hbm>> -> memref<16x256xf32, #tpu.memory_space<hbm>>
      tpu.wait_dma2 semaphore(%dma_wait3A_1211 : memref<!tpu.dma_semaphore, #tpu.memory_space<semaphore_mem>>) src(%dma_wait3A_1217 : memref<16x256xf32, #tpu.memory_space<hbm>>) dst(%dma_wait3A_1214 : memref<16x256xf32, #tpu.memory_space<vmem>>)
      %broadcast_in_dim3A_1218 = arith.constant 512 : i32
      %broadcast_in_dim3A_1219 = vector.broadcast %broadcast_in_dim3A_1218 : i32 to vector<16xi32>
      %slice3A_1220 = vector.extract_strided_slice %get3A_898 {offsets = [2], sizes = [1], strides = [1]} : vector<16xi32> to vector<1xi32>
      %squeeze3A_1221 = vector.extract %slice3A_1220[0] : i32 from vector<1xi32>
      %jit3A_1222 = arith.constant 128 : i32
      %eq3A_1223 = arith.constant 0 : i32
      %eq3A_1224 = arith.cmpi eq, %jit3A_1222, %eq3A_1223 : i32
      %jit3A_1225 = arith.constant 1 : i32
      %select_n3A_1226 = arith.select %eq3A_1224, %jit3A_1225, %jit3A_1222 : i32
      %rem3A_1227 = arith.remsi %squeeze3A_1221, %select_n3A_1226 : i32
      %ne3A_1228 = arith.constant 0 : i32
      %ne3A_1229 = arith.cmpi ne, %rem3A_1227, %ne3A_1228 : i32
      %lt3A_1230 = arith.constant 0 : i32
      %lt3A_1231 = arith.cmpi slt, %rem3A_1227, %lt3A_1230 : i32
      %lt3A_1232 = arith.constant 0 : i32
      %lt3A_1233 = arith.cmpi slt, %select_n3A_1226, %lt3A_1232 : i32
      %ne3A_1234 = arith.xori %lt3A_1231, %lt3A_1233 : i1
      %and3A_1235 = arith.andi %ne3A_1234, %ne3A_1229 : i1
      %add3A_1236 = arith.addi %rem3A_1227, %select_n3A_1226 : i32
      %select_n3A_1237 = arith.select %and3A_1235, %add3A_1236, %rem3A_1227 : i32
      %add3A_1238 = vector.broadcast %select_n3A_1237 : i32 to vector<16xi32>
      %add3A_1239 = arith.addi %broadcast_in_dim3A_1219, %add3A_1238 : vector<16xi32>
      %broadcast_in_dim3A_1240 = arith.constant 640 : i32
      %broadcast_in_dim3A_1241 = vector.broadcast %broadcast_in_dim3A_1240 : i32 to vector<16xi32>
      %slice3A_1242 = vector.extract_strided_slice %get3A_902 {offsets = [2], sizes = [1], strides = [1]} : vector<16xi32> to vector<1xi32>
      %squeeze3A_1243 = vector.extract %slice3A_1242[0] : i32 from vector<1xi32>
      %jit3A_1244 = arith.constant 128 : i32
      %eq3A_1245 = arith.constant 0 : i32
      %eq3A_1246 = arith.cmpi eq, %jit3A_1244, %eq3A_1245 : i32
      %jit3A_1247 = arith.constant 1 : i32
      %select_n3A_1248 = arith.select %eq3A_1246, %jit3A_1247, %jit3A_1244 : i32
      %rem3A_1249 = arith.remsi %squeeze3A_1243, %select_n3A_1248 : i32
      %ne3A_1250 = arith.constant 0 : i32
      %ne3A_1251 = arith.cmpi ne, %rem3A_1249, %ne3A_1250 : i32
      %lt3A_1252 = arith.constant 0 : i32
      %lt3A_1253 = arith.cmpi slt, %rem3A_1249, %lt3A_1252 : i32
      %lt3A_1254 = arith.constant 0 : i32
      %lt3A_1255 = arith.cmpi slt, %select_n3A_1248, %lt3A_1254 : i32
      %ne3A_1256 = arith.xori %lt3A_1253, %lt3A_1255 : i1
      %and3A_1257 = arith.andi %ne3A_1256, %ne3A_1251 : i1
      %add3A_1258 = arith.addi %rem3A_1249, %select_n3A_1248 : i32
      %select_n3A_1259 = arith.select %and3A_1257, %add3A_1258, %rem3A_1249 : i32
      %add3A_1260 = vector.broadcast %select_n3A_1259 : i32 to vector<16xi32>
      %add3A_1261 = arith.addi %broadcast_in_dim3A_1241, %add3A_1260 : vector<16xi32>
      %gather3A_1262 = tpu.vector_load_idx %arg13[%iota3A, %add3A_1239] : memref<16x2048xf32, #tpu.memory_space<vmem>>[vector<16xi32>, vector<16xi32>], vector<16xf32>,
      %gather3A_1263 = tpu.vector_load_idx %arg13[%iota3A, %add3A_1261] : memref<16x2048xf32, #tpu.memory_space<vmem>>[vector<16xi32>, vector<16xi32>], vector<16xf32>,
      %mul3A_1264 = arith.mulf %gather3A_1262, %gather3A_1263 : vector<16xf32>
      %swap3A_1265 = arith.constant 32 : index
      %swap3A_1266 = tpu.vector_load %arg14[%swap3A_1265] {strides = array<i32>} : memref<256xf32, #tpu.memory_space<vmem>>, vector<16xf32>,
      tpu.vector_store %arg14[%swap3A_1265], %mul3A_1264 {strides = array<i32>} : memref<256xf32, #tpu.memory_space<vmem>>, vector<16xf32>,
      %slice3A_1267 = vector.extract_strided_slice %get3A_898 {offsets = [10], sizes = [1], strides = [1]} : vector<16xi32> to vector<1xi32>
      %squeeze3A_1268 = vector.extract %slice3A_1267[0] : i32 from vector<1xi32>
      %slice3A_1269 = vector.extract_strided_slice %get3A_902 {offsets = [10], sizes = [1], strides = [1]} : vector<16xi32> to vector<1xi32>
      %squeeze3A_1270 = vector.extract %slice3A_1269[0] : i32 from vector<1xi32>
      %jit3A_1271 = arith.constant 128 : i32
      %div3A_1272 = arith.divsi %squeeze3A_1268, %jit3A_1271 : i32
      %sign3A_1273 = arith.constant 0 : i32
      %sign3A_1274 = arith.cmpi sgt, %squeeze3A_1268, %sign3A_1273 : i32
      %sign3A_1275 = arith.extui %sign3A_1274 : i1 to i32
      %sign3A_1276 = arith.constant 0 : i32
      %sign3A_1277 = arith.cmpi slt, %squeeze3A_1268, %sign3A_1276 : i32
      %sign3A_1278 = arith.extui %sign3A_1277 : i1 to i32
      %sign3A_1279 = arith.subi %sign3A_1275, %sign3A_1278 : i32
      %sign3A_1280 = arith.constant 0 : i32
      %sign3A_1281 = arith.cmpi sgt, %jit3A_1271, %sign3A_1280 : i32
      %sign3A_1282 = arith.extui %sign3A_1281 : i1 to i32
      %sign3A_1283 = arith.constant 0 : i32
      %sign3A_1284 = arith.cmpi slt, %jit3A_1271, %sign3A_1283 : i32
      %sign3A_1285 = arith.extui %sign3A_1284 : i1 to i32
      %sign3A_1286 = arith.subi %sign3A_1282, %sign3A_1285 : i32
      %ne3A_1287 = arith.cmpi ne, %sign3A_1279, %sign3A_1286 : i32
      %rem3A_1288 = arith.remsi %squeeze3A_1268, %jit3A_1271 : i32
      %ne3A_1289 = arith.constant 0 : i32
      %ne3A_1290 = arith.cmpi ne, %rem3A_1288, %ne3A_1289 : i32
      %and3A_1291 = arith.andi %ne3A_1287, %ne3A_1290 : i1
      %sub3A_1292 = arith.constant 1 : i32
      %sub3A_1293 = arith.subi %div3A_1272, %sub3A_1292 : i32
      %select_n3A_1294 = arith.select %and3A_1291, %sub3A_1293, %div3A_1272 : i32
      %mul3A_1295 = arith.constant 128 : i32
      %mul3A_1296 = arith.muli %select_n3A_1294, %mul3A_1295 : i32
      %multiple_of3A_1297 = tpu.assume_multiple %mul3A_1296, 128 : i32
      %jit3A_1298 = arith.constant 128 : i32
      %div3A_1299 = arith.divsi %squeeze3A_1270, %jit3A_1298 : i32
      %sign3A_1300 = arith.constant 0 : i32
      %sign3A_1301 = arith.cmpi sgt, %squeeze3A_1270, %sign3A_1300 : i32
      %sign3A_1302 = arith.extui %sign3A_1301 : i1 to i32
      %sign3A_1303 = arith.constant 0 : i32
      %sign3A_1304 = arith.cmpi slt, %squeeze3A_1270, %sign3A_1303 : i32
      %sign3A_1305 = arith.extui %sign3A_1304 : i1 to i32
      %sign3A_1306 = arith.subi %sign3A_1302, %sign3A_1305 : i32
      %sign3A_1307 = arith.constant 0 : i32
      %sign3A_1308 = arith.cmpi sgt, %jit3A_1298, %sign3A_1307 : i32
      %sign3A_1309 = arith.extui %sign3A_1308 : i1 to i32
      %sign3A_1310 = arith.constant 0 : i32
      %sign3A_1311 = arith.cmpi slt, %jit3A_1298, %sign3A_1310 : i32
      %sign3A_1312 = arith.extui %sign3A_1311 : i1 to i32
      %sign3A_1313 = arith.subi %sign3A_1309, %sign3A_1312 : i32
      %ne3A_1314 = arith.cmpi ne, %sign3A_1306, %sign3A_1313 : i32
      %rem3A_1315 = arith.remsi %squeeze3A_1270, %jit3A_1298 : i32
      %ne3A_1316 = arith.constant 0 : i32
      %ne3A_1317 = arith.cmpi ne, %rem3A_1315, %ne3A_1316 : i32
      %and3A_1318 = arith.andi %ne3A_1314, %ne3A_1317 : i1
      %sub3A_1319 = arith.constant 1 : i32
      %sub3A_1320 = arith.subi %div3A_1299, %sub3A_1319 : i32
      %select_n3A_1321 = arith.select %and3A_1318, %sub3A_1320, %div3A_1299 : i32
      %mul3A_1322 = arith.constant 128 : i32
      %mul3A_1323 = arith.muli %select_n3A_1321, %mul3A_1322 : i32
      %multiple_of3A_1324 = tpu.assume_multiple %mul3A_1323, 128 : i32
      %dma_start3A_1325 = arith.constant 2 : i32
      %dma_start3A_1326 = arith.constant 0 : i32
      %dma_start3A_1327 = arith.constant 512 : i32
      %dma_start3A_1328 = tpu.memref_slice %arg13[%dma_start3A_1326, %dma_start3A_1327] : memref<16x2048xf32, #tpu.memory_space<vmem>> -> memref<16x128xf32, #tpu.memory_space<vmem>>
      %dma_start3A_1329 = arith.constant 0 : i32
      %dma_start3A_1330 = tpu.memref_slice %arg4[%dma_start3A_1329, %multiple_of3A_1297] : memref<16x1000000xf32, #tpu.memory_space<hbm>> -> memref<16x128xf32, #tpu.memory_space<hbm>>
      %dma_start3A_1331 = tpu.memref_slice %arg20[%dma_start3A_1325] : memref<8x!tpu.dma_semaphore, #tpu.memory_space<semaphore_mem>> -> memref<1x!tpu.dma_semaphore, #tpu.memory_space<semaphore_mem>>
      %dma_start3A_1332 = tpu.memref_squeeze %dma_start3A_1331 : memref<1x!tpu.dma_semaphore, #tpu.memory_space<semaphore_mem>> -> memref<!tpu.dma_semaphore, #tpu.memory_space<semaphore_mem>>
      %dma_start3A_1333 = arith.constant 0 : i32
      %dma_start3A_1334 = arith.constant 512 : i32
      %dma_start3A_1335 = tpu.memref_slice %arg13[%dma_start3A_1333, %dma_start3A_1334] : memref<16x2048xf32, #tpu.memory_space<vmem>> -> memref<16x128xf32, #tpu.memory_space<vmem>>
      %dma_start3A_1336 = arith.constant 0 : i32
      %dma_start3A_1337 = tpu.memref_slice %arg4[%dma_start3A_1336, %multiple_of3A_1297] : memref<16x1000000xf32, #tpu.memory_space<hbm>> -> memref<16x128xf32, #tpu.memory_space<hbm>>
      tpu.enqueue_dma source(%dma_start3A_1337 : memref<16x128xf32, #tpu.memory_space<hbm>>) target(%dma_start3A_1335 : memref<16x128xf32, #tpu.memory_space<vmem>>) target_semaphore(%dma_start3A_1332 : memref<!tpu.dma_semaphore, #tpu.memory_space<semaphore_mem>>)
      %dma_start3A_1338 = arith.constant 2 : i32
      %dma_start3A_1339 = arith.constant 0 : i32
      %dma_start3A_1340 = arith.constant 640 : i32
      %dma_start3A_1341 = tpu.memref_slice %arg13[%dma_start3A_1339, %dma_start3A_1340] : memref<16x2048xf32, #tpu.memory_space<vmem>> -> memref<16x128xf32, #tpu.memory_space<vmem>>
      %dma_start3A_1342 = arith.constant 0 : i32
      %dma_start3A_1343 = tpu.memref_slice %arg5[%dma_start3A_1342, %multiple_of3A_1324] : memref<16x1000000xf32, #tpu.memory_space<hbm>> -> memref<16x128xf32, #tpu.memory_space<hbm>>
      %dma_start3A_1344 = tpu.memref_slice %arg20[%dma_start3A_1338] : memref<8x!tpu.dma_semaphore, #tpu.memory_space<semaphore_mem>> -> memref<1x!tpu.dma_semaphore, #tpu.memory_space<semaphore_mem>>
      %dma_start3A_1345 = tpu.memref_squeeze %dma_start3A_1344 : memref<1x!tpu.dma_semaphore, #tpu.memory_space<semaphore_mem>> -> memref<!tpu.dma_semaphore, #tpu.memory_space<semaphore_mem>>
      %dma_start3A_1346 = arith.constant 0 : i32
      %dma_start3A_1347 = arith.constant 640 : i32
      %dma_start3A_1348 = tpu.memref_slice %arg13[%dma_start3A_1346, %dma_start3A_1347] : memref<16x2048xf32, #tpu.memory_space<vmem>> -> memref<16x128xf32, #tpu.memory_space<vmem>>
      %dma_start3A_1349 = arith.constant 0 : i32
      %dma_start3A_1350 = tpu.memref_slice %arg5[%dma_start3A_1349, %multiple_of3A_1324] : memref<16x1000000xf32, #tpu.memory_space<hbm>> -> memref<16x128xf32, #tpu.memory_space<hbm>>
      tpu.enqueue_dma source(%dma_start3A_1350 : memref<16x128xf32, #tpu.memory_space<hbm>>) target(%dma_start3A_1348 : memref<16x128xf32, #tpu.memory_space<vmem>>) target_semaphore(%dma_start3A_1345 : memref<!tpu.dma_semaphore, #tpu.memory_space<semaphore_mem>>)
      %dma_wait3A_1351 = arith.constant 3 : i32
      %dma_wait3A_1352 = arith.constant 0 : i32
      %dma_wait3A_1353 = arith.constant 768 : i32
      %dma_wait3A_1354 = tpu.memref_slice %arg13[%dma_wait3A_1352, %dma_wait3A_1353] : memref<16x2048xf32, #tpu.memory_space<vmem>> -> memref<16x256xf32, #tpu.memory_space<vmem>>
      %dma_wait3A_1355 = arith.constant 0 : i32
      %dma_wait3A_1356 = arith.constant 0 : i32
      %dma_wait3A_1357 = tpu.memref_slice %arg4[%dma_wait3A_1355, %dma_wait3A_1356] : memref<16x1000000xf32, #tpu.memory_space<hbm>> -> memref<16x256xf32, #tpu.memory_space<hbm>>
      %dma_wait3A_1358 = tpu.memref_slice %arg20[%dma_wait3A_1351] : memref<8x!tpu.dma_semaphore, #tpu.memory_space<semaphore_mem>> -> memref<1x!tpu.dma_semaphore, #tpu.memory_space<semaphore_mem>>
      %dma_wait3A_1359 = tpu.memref_squeeze %dma_wait3A_1358 : memref<1x!tpu.dma_semaphore, #tpu.memory_space<semaphore_mem>> -> memref<!tpu.dma_semaphore, #tpu.memory_space<semaphore_mem>>
      %dma_wait3A_1360 = arith.constant 0 : i32
      %dma_wait3A_1361 = arith.constant 768 : i32
      %dma_wait3A_1362 = tpu.memref_slice %arg13[%dma_wait3A_1360, %dma_wait3A_1361] : memref<16x2048xf32, #tpu.memory_space<vmem>> -> memref<16x256xf32, #tpu.memory_space<vmem>>
      %dma_wait3A_1363 = arith.constant 0 : i32
      %dma_wait3A_1364 = arith.constant 0 : i32
      %dma_wait3A_1365 = tpu.memref_slice %arg4[%dma_wait3A_1363, %dma_wait3A_1364] : memref<16x1000000xf32, #tpu.memory_space<hbm>> -> memref<16x256xf32, #tpu.memory_space<hbm>>
      tpu.wait_dma2 semaphore(%dma_wait3A_1359 : memref<!tpu.dma_semaphore, #tpu.memory_space<semaphore_mem>>) src(%dma_wait3A_1365 : memref<16x256xf32, #tpu.memory_space<hbm>>) dst(%dma_wait3A_1362 : memref<16x256xf32, #tpu.memory_space<vmem>>)
      %broadcast_in_dim3A_1366 = arith.constant 768 : i32
      %broadcast_in_dim3A_1367 = vector.broadcast %broadcast_in_dim3A_1366 : i32 to vector<16xi32>
      %slice3A_1368 = vector.extract_strided_slice %get3A_898 {offsets = [3], sizes = [1], strides = [1]} : vector<16xi32> to vector<1xi32>
      %squeeze3A_1369 = vector.extract %slice3A_1368[0] : i32 from vector<1xi32>
      %jit3A_1370 = arith.constant 128 : i32
      %eq3A_1371 = arith.constant 0 : i32
      %eq3A_1372 = arith.cmpi eq, %jit3A_1370, %eq3A_1371 : i32
      %jit3A_1373 = arith.constant 1 : i32
      %select_n3A_1374 = arith.select %eq3A_1372, %jit3A_1373, %jit3A_1370 : i32
      %rem3A_1375 = arith.remsi %squeeze3A_1369, %select_n3A_1374 : i32
      %ne3A_1376 = arith.constant 0 : i32
      %ne3A_1377 = arith.cmpi ne, %rem3A_1375, %ne3A_1376 : i32
      %lt3A_1378 = arith.constant 0 : i32
      %lt3A_1379 = arith.cmpi slt, %rem3A_1375, %lt3A_1378 : i32
      %lt3A_1380 = arith.constant 0 : i32
      %lt3A_1381 = arith.cmpi slt, %select_n3A_1374, %lt3A_1380 : i32
      %ne3A_1382 = arith.xori %lt3A_1379, %lt3A_1381 : i1
      %and3A_1383 = arith.andi %ne3A_1382, %ne3A_1377 : i1
      %add3A_1384 = arith.addi %rem3A_1375, %select_n3A_1374 : i32
      %select_n3A_1385 = arith.select %and3A_1383, %add3A_1384, %rem3A_1375 : i32
      %add3A_1386 = vector.broadcast %select_n3A_1385 : i32 to vector<16xi32>
      %add3A_1387 = arith.addi %broadcast_in_dim3A_1367, %add3A_1386 : vector<16xi32>
      %broadcast_in_dim3A_1388 = arith.constant 896 : i32
      %broadcast_in_dim3A_1389 = vector.broadcast %broadcast_in_dim3A_1388 : i32 to vector<16xi32>
      %slice3A_1390 = vector.extract_strided_slice %get3A_902 {offsets = [3], sizes = [1], strides = [1]} : vector<16xi32> to vector<1xi32>
      %squeeze3A_1391 = vector.extract %slice3A_1390[0] : i32 from vector<1xi32>
      %jit3A_1392 = arith.constant 128 : i32
      %eq3A_1393 = arith.constant 0 : i32
      %eq3A_1394 = arith.cmpi eq, %jit3A_1392, %eq3A_1393 : i32
      %jit3A_1395 = arith.constant 1 : i32
      %select_n3A_1396 = arith.select %eq3A_1394, %jit3A_1395, %jit3A_1392 : i32
      %rem3A_1397 = arith.remsi %squeeze3A_1391, %select_n3A_1396 : i32
      %ne3A_1398 = arith.constant 0 : i32
      %ne3A_1399 = arith.cmpi ne, %rem3A_1397, %ne3A_1398 : i32
      %lt3A_1400 = arith.constant 0 : i32
      %lt3A_1401 = arith.cmpi slt, %rem3A_1397, %lt3A_1400 : i32
      %lt3A_1402 = arith.constant 0 : i32
      %lt3A_1403 = arith.cmpi slt, %select_n3A_1396, %lt3A_1402 : i32
      %ne3A_1404 = arith.xori %lt3A_1401, %lt3A_1403 : i1
      %and3A_1405 = arith.andi %ne3A_1404, %ne3A_1399 : i1
      %add3A_1406 = arith.addi %rem3A_1397, %select_n3A_1396 : i32
      %select_n3A_1407 = arith.select %and3A_1405, %add3A_1406, %rem3A_1397 : i32
      %add3A_1408 = vector.broadcast %select_n3A_1407 : i32 to vector<16xi32>
      %add3A_1409 = arith.addi %broadcast_in_dim3A_1389, %add3A_1408 : vector<16xi32>
      %gather3A_1410 = tpu.vector_load_idx %arg13[%iota3A, %add3A_1387] : memref<16x2048xf32, #tpu.memory_space<vmem>>[vector<16xi32>, vector<16xi32>], vector<16xf32>,
      %gather3A_1411 = tpu.vector_load_idx %arg13[%iota3A, %add3A_1409] : memref<16x2048xf32, #tpu.memory_space<vmem>>[vector<16xi32>, vector<16xi32>], vector<16xf32>,
      %mul3A_1412 = arith.mulf %gather3A_1410, %gather3A_1411 : vector<16xf32>
      %swap3A_1413 = arith.constant 48 : index
      %swap3A_1414 = tpu.vector_load %arg14[%swap3A_1413] {strides = array<i32>} : memref<256xf32, #tpu.memory_space<vmem>>, vector<16xf32>,
      tpu.vector_store %arg14[%swap3A_1413], %mul3A_1412 {strides = array<i32>} : memref<256xf32, #tpu.memory_space<vmem>>, vector<16xf32>,
      %slice3A_1415 = vector.extract_strided_slice %get3A_898 {offsets = [11], sizes = [1], strides = [1]} : vector<16xi32> to vector<1xi32>
      %squeeze3A_1416 = vector.extract %slice3A_1415[0] : i32 from vector<1xi32>
      %slice3A_1417 = vector.extract_strided_slice %get3A_902 {offsets = [11], sizes = [1], strides = [1]} : vector<16xi32> to vector<1xi32>
      %squeeze3A_1418 = vector.extract %slice3A_1417[0] : i32 from vector<1xi32>
      %jit3A_1419 = arith.constant 128 : i32
      %div3A_1420 = arith.divsi %squeeze3A_1416, %jit3A_1419 : i32
      %sign3A_1421 = arith.constant 0 : i32
      %sign3A_1422 = arith.cmpi sgt, %squeeze3A_1416, %sign3A_1421 : i32
      %sign3A_1423 = arith.extui %sign3A_1422 : i1 to i32
      %sign3A_1424 = arith.constant 0 : i32
      %sign3A_1425 = arith.cmpi slt, %squeeze3A_1416, %sign3A_1424 : i32
      %sign3A_1426 = arith.extui %sign3A_1425 : i1 to i32
      %sign3A_1427 = arith.subi %sign3A_1423, %sign3A_1426 : i32
      %sign3A_1428 = arith.constant 0 : i32
      %sign3A_1429 = arith.cmpi sgt, %jit3A_1419, %sign3A_1428 : i32
      %sign3A_1430 = arith.extui %sign3A_1429 : i1 to i32
      %sign3A_1431 = arith.constant 0 : i32
      %sign3A_1432 = arith.cmpi slt, %jit3A_1419, %sign3A_1431 : i32
      %sign3A_1433 = arith.extui %sign3A_1432 : i1 to i32
      %sign3A_1434 = arith.subi %sign3A_1430, %sign3A_1433 : i32
      %ne3A_1435 = arith.cmpi ne, %sign3A_1427, %sign3A_1434 : i32
      %rem3A_1436 = arith.remsi %squeeze3A_1416, %jit3A_1419 : i32
      %ne3A_1437 = arith.constant 0 : i32
      %ne3A_1438 = arith.cmpi ne, %rem3A_1436, %ne3A_1437 : i32
      %and3A_1439 = arith.andi %ne3A_1435, %ne3A_1438 : i1
      %sub3A_1440 = arith.constant 1 : i32
      %sub3A_1441 = arith.subi %div3A_1420, %sub3A_1440 : i32
      %select_n3A_1442 = arith.select %and3A_1439, %sub3A_1441, %div3A_1420 : i32
      %mul3A_1443 = arith.constant 128 : i32
      %mul3A_1444 = arith.muli %select_n3A_1442, %mul3A_1443 : i32
      %multiple_of3A_1445 = tpu.assume_multiple %mul3A_1444, 128 : i32
      %jit3A_1446 = arith.constant 128 : i32
      %div3A_1447 = arith.divsi %squeeze3A_1418, %jit3A_1446 : i32
      %sign3A_1448 = arith.constant 0 : i32
      %sign3A_1449 = arith.cmpi sgt, %squeeze3A_1418, %sign3A_1448 : i32
      %sign3A_1450 = arith.extui %sign3A_1449 : i1 to i32
      %sign3A_1451 = arith.constant 0 : i32
      %sign3A_1452 = arith.cmpi slt, %squeeze3A_1418, %sign3A_1451 : i32
      %sign3A_1453 = arith.extui %sign3A_1452 : i1 to i32
      %sign3A_1454 = arith.subi %sign3A_1450, %sign3A_1453 : i32
      %sign3A_1455 = arith.constant 0 : i32
      %sign3A_1456 = arith.cmpi sgt, %jit3A_1446, %sign3A_1455 : i32
      %sign3A_1457 = arith.extui %sign3A_1456 : i1 to i32
      %sign3A_1458 = arith.constant 0 : i32
      %sign3A_1459 = arith.cmpi slt, %jit3A_1446, %sign3A_1458 : i32
      %sign3A_1460 = arith.extui %sign3A_1459 : i1 to i32
      %sign3A_1461 = arith.subi %sign3A_1457, %sign3A_1460 : i32
      %ne3A_1462 = arith.cmpi ne, %sign3A_1454, %sign3A_1461 : i32
      %rem3A_1463 = arith.remsi %squeeze3A_1418, %jit3A_1446 : i32
      %ne3A_1464 = arith.constant 0 : i32
      %ne3A_1465 = arith.cmpi ne, %rem3A_1463, %ne3A_1464 : i32
      %and3A_1466 = arith.andi %ne3A_1462, %ne3A_1465 : i1
      %sub3A_1467 = arith.constant 1 : i32
      %sub3A_1468 = arith.subi %div3A_1447, %sub3A_1467 : i32
      %select_n3A_1469 = arith.select %and3A_1466, %sub3A_1468, %div3A_1447 : i32
      %mul3A_1470 = arith.constant 128 : i32
      %mul3A_1471 = arith.muli %select_n3A_1469, %mul3A_1470 : i32
      %multiple_of3A_1472 = tpu.assume_multiple %mul3A_1471, 128 : i32
      %dma_start3A_1473 = arith.constant 3 : i32
      %dma_start3A_1474 = arith.constant 0 : i32
      %dma_start3A_1475 = arith.constant 768 : i32
      %dma_start3A_1476 = tpu.memref_slice %arg13[%dma_start3A_1474, %dma_start3A_1475] : memref<16x2048xf32, #tpu.memory_space<vmem>> -> memref<16x128xf32, #tpu.memory_space<vmem>>
      %dma_start3A_1477 = arith.constant 0 : i32
      %dma_start3A_1478 = tpu.memref_slice %arg4[%dma_start3A_1477, %multiple_of3A_1445] : memref<16x1000000xf32, #tpu.memory_space<hbm>> -> memref<16x128xf32, #tpu.memory_space<hbm>>
      %dma_start3A_1479 = tpu.memref_slice %arg20[%dma_start3A_1473] : memref<8x!tpu.dma_semaphore, #tpu.memory_space<semaphore_mem>> -> memref<1x!tpu.dma_semaphore, #tpu.memory_space<semaphore_mem>>
      %dma_start3A_1480 = tpu.memref_squeeze %dma_start3A_1479 : memref<1x!tpu.dma_semaphore, #tpu.memory_space<semaphore_mem>> -> memref<!tpu.dma_semaphore, #tpu.memory_space<semaphore_mem>>
      %dma_start3A_1481 = arith.constant 0 : i32
      %dma_start3A_1482 = arith.constant 768 : i32
      %dma_start3A_1483 = tpu.memref_slice %arg13[%dma_start3A_1481, %dma_start3A_1482] : memref<16x2048xf32, #tpu.memory_space<vmem>> -> memref<16x128xf32, #tpu.memory_space<vmem>>
      %dma_start3A_1484 = arith.constant 0 : i32
      %dma_start3A_1485 = tpu.memref_slice %arg4[%dma_start3A_1484, %multiple_of3A_1445] : memref<16x1000000xf32, #tpu.memory_space<hbm>> -> memref<16x128xf32, #tpu.memory_space<hbm>>
      tpu.enqueue_dma source(%dma_start3A_1485 : memref<16x128xf32, #tpu.memory_space<hbm>>) target(%dma_start3A_1483 : memref<16x128xf32, #tpu.memory_space<vmem>>) target_semaphore(%dma_start3A_1480 : memref<!tpu.dma_semaphore, #tpu.memory_space<semaphore_mem>>)
      %dma_start3A_1486 = arith.constant 3 : i32
      %dma_start3A_1487 = arith.constant 0 : i32
      %dma_start3A_1488 = arith.constant 896 : i32
      %dma_start3A_1489 = tpu.memref_slice %arg13[%dma_start3A_1487, %dma_start3A_1488] : memref<16x2048xf32, #tpu.memory_space<vmem>> -> memref<16x128xf32, #tpu.memory_space<vmem>>
      %dma_start3A_1490 = arith.constant 0 : i32
      %dma_start3A_1491 = tpu.memref_slice %arg5[%dma_start3A_1490, %multiple_of3A_1472] : memref<16x1000000xf32, #tpu.memory_space<hbm>> -> memref<16x128xf32, #tpu.memory_space<hbm>>
      %dma_start3A_1492 = tpu.memref_slice %arg20[%dma_start3A_1486] : memref<8x!tpu.dma_semaphore, #tpu.memory_space<semaphore_mem>> -> memref<1x!tpu.dma_semaphore, #tpu.memory_space<semaphore_mem>>
      %dma_start3A_1493 = tpu.memref_squeeze %dma_start3A_1492 : memref<1x!tpu.dma_semaphore, #tpu.memory_space<semaphore_mem>> -> memref<!tpu.dma_semaphore, #tpu.memory_space<semaphore_mem>>
      %dma_start3A_1494 = arith.constant 0 : i32
      %dma_start3A_1495 = arith.constant 896 : i32
      %dma_start3A_1496 = tpu.memref_slice %arg13[%dma_start3A_1494, %dma_start3A_1495] : memref<16x2048xf32, #tpu.memory_space<vmem>> -> memref<16x128xf32, #tpu.memory_space<vmem>>
      %dma_start3A_1497 = arith.constant 0 : i32
      %dma_start3A_1498 = tpu.memref_slice %arg5[%dma_start3A_1497, %multiple_of3A_1472] : memref<16x1000000xf32, #tpu.memory_space<hbm>> -> memref<16x128xf32, #tpu.memory_space<hbm>>
      tpu.enqueue_dma source(%dma_start3A_1498 : memref<16x128xf32, #tpu.memory_space<hbm>>) target(%dma_start3A_1496 : memref<16x128xf32, #tpu.memory_space<vmem>>) target_semaphore(%dma_start3A_1493 : memref<!tpu.dma_semaphore, #tpu.memory_space<semaphore_mem>>)
      %dma_wait3A_1499 = arith.constant 4 : i32
      %dma_wait3A_1500 = arith.constant 0 : i32
      %dma_wait3A_1501 = arith.constant 1024 : i32
      %dma_wait3A_1502 = tpu.memref_slice %arg13[%dma_wait3A_1500, %dma_wait3A_1501] : memref<16x2048xf32, #tpu.memory_space<vmem>> -> memref<16x256xf32, #tpu.memory_space<vmem>>
      %dma_wait3A_1503 = arith.constant 0 : i32
      %dma_wait3A_1504 = arith.constant 0 : i32
      %dma_wait3A_1505 = tpu.memref_slice %arg4[%dma_wait3A_1503, %dma_wait3A_1504] : memref<16x1000000xf32, #tpu.memory_space<hbm>> -> memref<16x256xf32, #tpu.memory_space<hbm>>
      %dma_wait3A_1506 = tpu.memref_slice %arg20[%dma_wait3A_1499] : memref<8x!tpu.dma_semaphore, #tpu.memory_space<semaphore_mem>> -> memref<1x!tpu.dma_semaphore, #tpu.memory_space<semaphore_mem>>
      %dma_wait3A_1507 = tpu.memref_squeeze %dma_wait3A_1506 : memref<1x!tpu.dma_semaphore, #tpu.memory_space<semaphore_mem>> -> memref<!tpu.dma_semaphore, #tpu.memory_space<semaphore_mem>>
      %dma_wait3A_1508 = arith.constant 0 : i32
      %dma_wait3A_1509 = arith.constant 1024 : i32
      %dma_wait3A_1510 = tpu.memref_slice %arg13[%dma_wait3A_1508, %dma_wait3A_1509] : memref<16x2048xf32, #tpu.memory_space<vmem>> -> memref<16x256xf32, #tpu.memory_space<vmem>>
      %dma_wait3A_1511 = arith.constant 0 : i32
      %dma_wait3A_1512 = arith.constant 0 : i32
      %dma_wait3A_1513 = tpu.memref_slice %arg4[%dma_wait3A_1511, %dma_wait3A_1512] : memref<16x1000000xf32, #tpu.memory_space<hbm>> -> memref<16x256xf32, #tpu.memory_space<hbm>>
      tpu.wait_dma2 semaphore(%dma_wait3A_1507 : memref<!tpu.dma_semaphore, #tpu.memory_space<semaphore_mem>>) src(%dma_wait3A_1513 : memref<16x256xf32, #tpu.memory_space<hbm>>) dst(%dma_wait3A_1510 : memref<16x256xf32, #tpu.memory_space<vmem>>)
      %broadcast_in_dim3A_1514 = arith.constant 1024 : i32
      %broadcast_in_dim3A_1515 = vector.broadcast %broadcast_in_dim3A_1514 : i32 to vector<16xi32>
      %slice3A_1516 = vector.extract_strided_slice %get3A_898 {offsets = [4], sizes = [1], strides = [1]} : vector<16xi32> to vector<1xi32>
      %squeeze3A_1517 = vector.extract %slice3A_1516[0] : i32 from vector<1xi32>
      %jit3A_1518 = arith.constant 128 : i32
      %eq3A_1519 = arith.constant 0 : i32
      %eq3A_1520 = arith.cmpi eq, %jit3A_1518, %eq3A_1519 : i32
      %jit3A_1521 = arith.constant 1 : i32
      %select_n3A_1522 = arith.select %eq3A_1520, %jit3A_1521, %jit3A_1518 : i32
      %rem3A_1523 = arith.remsi %squeeze3A_1517, %select_n3A_1522 : i32
      %ne3A_1524 = arith.constant 0 : i32
      %ne3A_1525 = arith.cmpi ne, %rem3A_1523, %ne3A_1524 : i32
      %lt3A_1526 = arith.constant 0 : i32
      %lt3A_1527 = arith.cmpi slt, %rem3A_1523, %lt3A_1526 : i32
      %lt3A_1528 = arith.constant 0 : i32
      %lt3A_1529 = arith.cmpi slt, %select_n3A_1522, %lt3A_1528 : i32
      %ne3A_1530 = arith.xori %lt3A_1527, %lt3A_1529 : i1
      %and3A_1531 = arith.andi %ne3A_1530, %ne3A_1525 : i1
      %add3A_1532 = arith.addi %rem3A_1523, %select_n3A_1522 : i32
      %select_n3A_1533 = arith.select %and3A_1531, %add3A_1532, %rem3A_1523 : i32
      %add3A_1534 = vector.broadcast %select_n3A_1533 : i32 to vector<16xi32>
      %add3A_1535 = arith.addi %broadcast_in_dim3A_1515, %add3A_1534 : vector<16xi32>
      %broadcast_in_dim3A_1536 = arith.constant 1152 : i32
      %broadcast_in_dim3A_1537 = vector.broadcast %broadcast_in_dim3A_1536 : i32 to vector<16xi32>
      %slice3A_1538 = vector.extract_strided_slice %get3A_902 {offsets = [4], sizes = [1], strides = [1]} : vector<16xi32> to vector<1xi32>
      %squeeze3A_1539 = vector.extract %slice3A_1538[0] : i32 from vector<1xi32>
      %jit3A_1540 = arith.constant 128 : i32
      %eq3A_1541 = arith.constant 0 : i32
      %eq3A_1542 = arith.cmpi eq, %jit3A_1540, %eq3A_1541 : i32
      %jit3A_1543 = arith.constant 1 : i32
      %select_n3A_1544 = arith.select %eq3A_1542, %jit3A_1543, %jit3A_1540 : i32
      %rem3A_1545 = arith.remsi %squeeze3A_1539, %select_n3A_1544 : i32
      %ne3A_1546 = arith.constant 0 : i32
      %ne3A_1547 = arith.cmpi ne, %rem3A_1545, %ne3A_1546 : i32
      %lt3A_1548 = arith.constant 0 : i32
      %lt3A_1549 = arith.cmpi slt, %rem3A_1545, %lt3A_1548 : i32
      %lt3A_1550 = arith.constant 0 : i32
      %lt3A_1551 = arith.cmpi slt, %select_n3A_1544, %lt3A_1550 : i32
      %ne3A_1552 = arith.xori %lt3A_1549, %lt3A_1551 : i1
      %and3A_1553 = arith.andi %ne3A_1552, %ne3A_1547 : i1
      %add3A_1554 = arith.addi %rem3A_1545, %select_n3A_1544 : i32
      %select_n3A_1555 = arith.select %and3A_1553, %add3A_1554, %rem3A_1545 : i32
      %add3A_1556 = vector.broadcast %select_n3A_1555 : i32 to vector<16xi32>
      %add3A_1557 = arith.addi %broadcast_in_dim3A_1537, %add3A_1556 : vector<16xi32>
      %gather3A_1558 = tpu.vector_load_idx %arg13[%iota3A, %add3A_1535] : memref<16x2048xf32, #tpu.memory_space<vmem>>[vector<16xi32>, vector<16xi32>], vector<16xf32>,
      %gather3A_1559 = tpu.vector_load_idx %arg13[%iota3A, %add3A_1557] : memref<16x2048xf32, #tpu.memory_space<vmem>>[vector<16xi32>, vector<16xi32>], vector<16xf32>,
      %mul3A_1560 = arith.mulf %gather3A_1558, %gather3A_1559 : vector<16xf32>
      %swap3A_1561 = arith.constant 64 : index
      %swap3A_1562 = tpu.vector_load %arg14[%swap3A_1561] {strides = array<i32>} : memref<256xf32, #tpu.memory_space<vmem>>, vector<16xf32>,
      tpu.vector_store %arg14[%swap3A_1561], %mul3A_1560 {strides = array<i32>} : memref<256xf32, #tpu.memory_space<vmem>>, vector<16xf32>,
      %slice3A_1563 = vector.extract_strided_slice %get3A_898 {offsets = [12], sizes = [1], strides = [1]} : vector<16xi32> to vector<1xi32>
      %squeeze3A_1564 = vector.extract %slice3A_1563[0] : i32 from vector<1xi32>
      %slice3A_1565 = vector.extract_strided_slice %get3A_902 {offsets = [12], sizes = [1], strides = [1]} : vector<16xi32> to vector<1xi32>
      %squeeze3A_1566 = vector.extract %slice3A_1565[0] : i32 from vector<1xi32>
      %jit3A_1567 = arith.constant 128 : i32
      %div3A_1568 = arith.divsi %squeeze3A_1564, %jit3A_1567 : i32
      %sign3A_1569 = arith.constant 0 : i32
      %sign3A_1570 = arith.cmpi sgt, %squeeze3A_1564, %sign3A_1569 : i32
      %sign3A_1571 = arith.extui %sign3A_1570 : i1 to i32
      %sign3A_1572 = arith.constant 0 : i32
      %sign3A_1573 = arith.cmpi slt, %squeeze3A_1564, %sign3A_1572 : i32
      %sign3A_1574 = arith.extui %sign3A_1573 : i1 to i32
      %sign3A_1575 = arith.subi %sign3A_1571, %sign3A_1574 : i32
      %sign3A_1576 = arith.constant 0 : i32
      %sign3A_1577 = arith.cmpi sgt, %jit3A_1567, %sign3A_1576 : i32
      %sign3A_1578 = arith.extui %sign3A_1577 : i1 to i32
      %sign3A_1579 = arith.constant 0 : i32
      %sign3A_1580 = arith.cmpi slt, %jit3A_1567, %sign3A_1579 : i32
      %sign3A_1581 = arith.extui %sign3A_1580 : i1 to i32
      %sign3A_1582 = arith.subi %sign3A_1578, %sign3A_1581 : i32
      %ne3A_1583 = arith.cmpi ne, %sign3A_1575, %sign3A_1582 : i32
      %rem3A_1584 = arith.remsi %squeeze3A_1564, %jit3A_1567 : i32
      %ne3A_1585 = arith.constant 0 : i32
      %ne3A_1586 = arith.cmpi ne, %rem3A_1584, %ne3A_1585 : i32
      %and3A_1587 = arith.andi %ne3A_1583, %ne3A_1586 : i1
      %sub3A_1588 = arith.constant 1 : i32
      %sub3A_1589 = arith.subi %div3A_1568, %sub3A_1588 : i32
      %select_n3A_1590 = arith.select %and3A_1587, %sub3A_1589, %div3A_1568 : i32
      %mul3A_1591 = arith.constant 128 : i32
      %mul3A_1592 = arith.muli %select_n3A_1590, %mul3A_1591 : i32
      %multiple_of3A_1593 = tpu.assume_multiple %mul3A_1592, 128 : i32
      %jit3A_1594 = arith.constant 128 : i32
      %div3A_1595 = arith.divsi %squeeze3A_1566, %jit3A_1594 : i32
      %sign3A_1596 = arith.constant 0 : i32
      %sign3A_1597 = arith.cmpi sgt, %squeeze3A_1566, %sign3A_1596 : i32
      %sign3A_1598 = arith.extui %sign3A_1597 : i1 to i32
      %sign3A_1599 = arith.constant 0 : i32
      %sign3A_1600 = arith.cmpi slt, %squeeze3A_1566, %sign3A_1599 : i32
      %sign3A_1601 = arith.extui %sign3A_1600 : i1 to i32
      %sign3A_1602 = arith.subi %sign3A_1598, %sign3A_1601 : i32
      %sign3A_1603 = arith.constant 0 : i32
      %sign3A_1604 = arith.cmpi sgt, %jit3A_1594, %sign3A_1603 : i32
      %sign3A_1605 = arith.extui %sign3A_1604 : i1 to i32
      %sign3A_1606 = arith.constant 0 : i32
      %sign3A_1607 = arith.cmpi slt, %jit3A_1594, %sign3A_1606 : i32
      %sign3A_1608 = arith.extui %sign3A_1607 : i1 to i32
      %sign3A_1609 = arith.subi %sign3A_1605, %sign3A_1608 : i32
      %ne3A_1610 = arith.cmpi ne, %sign3A_1602, %sign3A_1609 : i32
      %rem3A_1611 = arith.remsi %squeeze3A_1566, %jit3A_1594 : i32
      %ne3A_1612 = arith.constant 0 : i32
      %ne3A_1613 = arith.cmpi ne, %rem3A_1611, %ne3A_1612 : i32
      %and3A_1614 = arith.andi %ne3A_1610, %ne3A_1613 : i1
      %sub3A_1615 = arith.constant 1 : i32
      %sub3A_1616 = arith.subi %div3A_1595, %sub3A_1615 : i32
      %select_n3A_1617 = arith.select %and3A_1614, %sub3A_1616, %div3A_1595 : i32
      %mul3A_1618 = arith.constant 128 : i32
      %mul3A_1619 = arith.muli %select_n3A_1617, %mul3A_1618 : i32
      %multiple_of3A_1620 = tpu.assume_multiple %mul3A_1619, 128 : i32
      %dma_start3A_1621 = arith.constant 4 : i32
      %dma_start3A_1622 = arith.constant 0 : i32
      %dma_start3A_1623 = arith.constant 1024 : i32
      %dma_start3A_1624 = tpu.memref_slice %arg13[%dma_start3A_1622, %dma_start3A_1623] : memref<16x2048xf32, #tpu.memory_space<vmem>> -> memref<16x128xf32, #tpu.memory_space<vmem>>
      %dma_start3A_1625 = arith.constant 0 : i32
      %dma_start3A_1626 = tpu.memref_slice %arg4[%dma_start3A_1625, %multiple_of3A_1593] : memref<16x1000000xf32, #tpu.memory_space<hbm>> -> memref<16x128xf32, #tpu.memory_space<hbm>>
      %dma_start3A_1627 = tpu.memref_slice %arg20[%dma_start3A_1621] : memref<8x!tpu.dma_semaphore, #tpu.memory_space<semaphore_mem>> -> memref<1x!tpu.dma_semaphore, #tpu.memory_space<semaphore_mem>>
      %dma_start3A_1628 = tpu.memref_squeeze %dma_start3A_1627 : memref<1x!tpu.dma_semaphore, #tpu.memory_space<semaphore_mem>> -> memref<!tpu.dma_semaphore, #tpu.memory_space<semaphore_mem>>
      %dma_start3A_1629 = arith.constant 0 : i32
      %dma_start3A_1630 = arith.constant 1024 : i32
      %dma_start3A_1631 = tpu.memref_slice %arg13[%dma_start3A_1629, %dma_start3A_1630] : memref<16x2048xf32, #tpu.memory_space<vmem>> -> memref<16x128xf32, #tpu.memory_space<vmem>>
      %dma_start3A_1632 = arith.constant 0 : i32
      %dma_start3A_1633 = tpu.memref_slice %arg4[%dma_start3A_1632, %multiple_of3A_1593] : memref<16x1000000xf32, #tpu.memory_space<hbm>> -> memref<16x128xf32, #tpu.memory_space<hbm>>
      tpu.enqueue_dma source(%dma_start3A_1633 : memref<16x128xf32, #tpu.memory_space<hbm>>) target(%dma_start3A_1631 : memref<16x128xf32, #tpu.memory_space<vmem>>) target_semaphore(%dma_start3A_1628 : memref<!tpu.dma_semaphore, #tpu.memory_space<semaphore_mem>>)
      %dma_start3A_1634 = arith.constant 4 : i32
      %dma_start3A_1635 = arith.constant 0 : i32
      %dma_start3A_1636 = arith.constant 1152 : i32
      %dma_start3A_1637 = tpu.memref_slice %arg13[%dma_start3A_1635, %dma_start3A_1636] : memref<16x2048xf32, #tpu.memory_space<vmem>> -> memref<16x128xf32, #tpu.memory_space<vmem>>
      %dma_start3A_1638 = arith.constant 0 : i32
      %dma_start3A_1639 = tpu.memref_slice %arg5[%dma_start3A_1638, %multiple_of3A_1620] : memref<16x1000000xf32, #tpu.memory_space<hbm>> -> memref<16x128xf32, #tpu.memory_space<hbm>>
      %dma_start3A_1640 = tpu.memref_slice %arg20[%dma_start3A_1634] : memref<8x!tpu.dma_semaphore, #tpu.memory_space<semaphore_mem>> -> memref<1x!tpu.dma_semaphore, #tpu.memory_space<semaphore_mem>>
      %dma_start3A_1641 = tpu.memref_squeeze %dma_start3A_1640 : memref<1x!tpu.dma_semaphore, #tpu.memory_space<semaphore_mem>> -> memref<!tpu.dma_semaphore, #tpu.memory_space<semaphore_mem>>
      %dma_start3A_1642 = arith.constant 0 : i32
      %dma_start3A_1643 = arith.constant 1152 : i32
      %dma_start3A_1644 = tpu.memref_slice %arg13[%dma_start3A_1642, %dma_start3A_1643] : memref<16x2048xf32, #tpu.memory_space<vmem>> -> memref<16x128xf32, #tpu.memory_space<vmem>>
      %dma_start3A_1645 = arith.constant 0 : i32
      %dma_start3A_1646 = tpu.memref_slice %arg5[%dma_start3A_1645, %multiple_of3A_1620] : memref<16x1000000xf32, #tpu.memory_space<hbm>> -> memref<16x128xf32, #tpu.memory_space<hbm>>
      tpu.enqueue_dma source(%dma_start3A_1646 : memref<16x128xf32, #tpu.memory_space<hbm>>) target(%dma_start3A_1644 : memref<16x128xf32, #tpu.memory_space<vmem>>) target_semaphore(%dma_start3A_1641 : memref<!tpu.dma_semaphore, #tpu.memory_space<semaphore_mem>>)
      %dma_wait3A_1647 = arith.constant 5 : i32
      %dma_wait3A_1648 = arith.constant 0 : i32
      %dma_wait3A_1649 = arith.constant 1280 : i32
      %dma_wait3A_1650 = tpu.memref_slice %arg13[%dma_wait3A_1648, %dma_wait3A_1649] : memref<16x2048xf32, #tpu.memory_space<vmem>> -> memref<16x256xf32, #tpu.memory_space<vmem>>
      %dma_wait3A_1651 = arith.constant 0 : i32
      %dma_wait3A_1652 = arith.constant 0 : i32
      %dma_wait3A_1653 = tpu.memref_slice %arg4[%dma_wait3A_1651, %dma_wait3A_1652] : memref<16x1000000xf32, #tpu.memory_space<hbm>> -> memref<16x256xf32, #tpu.memory_space<hbm>>
      %dma_wait3A_1654 = tpu.memref_slice %arg20[%dma_wait3A_1647] : memref<8x!tpu.dma_semaphore, #tpu.memory_space<semaphore_mem>> -> memref<1x!tpu.dma_semaphore, #tpu.memory_space<semaphore_mem>>
      %dma_wait3A_1655 = tpu.memref_squeeze %dma_wait3A_1654 : memref<1x!tpu.dma_semaphore, #tpu.memory_space<semaphore_mem>> -> memref<!tpu.dma_semaphore, #tpu.memory_space<semaphore_mem>>
      %dma_wait3A_1656 = arith.constant 0 : i32
      %dma_wait3A_1657 = arith.constant 1280 : i32
      %dma_wait3A_1658 = tpu.memref_slice %arg13[%dma_wait3A_1656, %dma_wait3A_1657] : memref<16x2048xf32, #tpu.memory_space<vmem>> -> memref<16x256xf32, #tpu.memory_space<vmem>>
      %dma_wait3A_1659 = arith.constant 0 : i32
      %dma_wait3A_1660 = arith.constant 0 : i32
      %dma_wait3A_1661 = tpu.memref_slice %arg4[%dma_wait3A_1659, %dma_wait3A_1660] : memref<16x1000000xf32, #tpu.memory_space<hbm>> -> memref<16x256xf32, #tpu.memory_space<hbm>>
      tpu.wait_dma2 semaphore(%dma_wait3A_1655 : memref<!tpu.dma_semaphore, #tpu.memory_space<semaphore_mem>>) src(%dma_wait3A_1661 : memref<16x256xf32, #tpu.memory_space<hbm>>) dst(%dma_wait3A_1658 : memref<16x256xf32, #tpu.memory_space<vmem>>)
      %broadcast_in_dim3A_1662 = arith.constant 1280 : i32
      %broadcast_in_dim3A_1663 = vector.broadcast %broadcast_in_dim3A_1662 : i32 to vector<16xi32>
      %slice3A_1664 = vector.extract_strided_slice %get3A_898 {offsets = [5], sizes = [1], strides = [1]} : vector<16xi32> to vector<1xi32>
      %squeeze3A_1665 = vector.extract %slice3A_1664[0] : i32 from vector<1xi32>
      %jit3A_1666 = arith.constant 128 : i32
      %eq3A_1667 = arith.constant 0 : i32
      %eq3A_1668 = arith.cmpi eq, %jit3A_1666, %eq3A_1667 : i32
      %jit3A_1669 = arith.constant 1 : i32
      %select_n3A_1670 = arith.select %eq3A_1668, %jit3A_1669, %jit3A_1666 : i32
      %rem3A_1671 = arith.remsi %squeeze3A_1665, %select_n3A_1670 : i32
      %ne3A_1672 = arith.constant 0 : i32
      %ne3A_1673 = arith.cmpi ne, %rem3A_1671, %ne3A_1672 : i32
      %lt3A_1674 = arith.constant 0 : i32
      %lt3A_1675 = arith.cmpi slt, %rem3A_1671, %lt3A_1674 : i32
      %lt3A_1676 = arith.constant 0 : i32
      %lt3A_1677 = arith.cmpi slt, %select_n3A_1670, %lt3A_1676 : i32
      %ne3A_1678 = arith.xori %lt3A_1675, %lt3A_1677 : i1
      %and3A_1679 = arith.andi %ne3A_1678, %ne3A_1673 : i1
      %add3A_1680 = arith.addi %rem3A_1671, %select_n3A_1670 : i32
      %select_n3A_1681 = arith.select %and3A_1679, %add3A_1680, %rem3A_1671 : i32
      %add3A_1682 = vector.broadcast %select_n3A_1681 : i32 to vector<16xi32>
      %add3A_1683 = arith.addi %broadcast_in_dim3A_1663, %add3A_1682 : vector<16xi32>
      %broadcast_in_dim3A_1684 = arith.constant 1408 : i32
      %broadcast_in_dim3A_1685 = vector.broadcast %broadcast_in_dim3A_1684 : i32 to vector<16xi32>
      %slice3A_1686 = vector.extract_strided_slice %get3A_902 {offsets = [5], sizes = [1], strides = [1]} : vector<16xi32> to vector<1xi32>
      %squeeze3A_1687 = vector.extract %slice3A_1686[0] : i32 from vector<1xi32>
      %jit3A_1688 = arith.constant 128 : i32
      %eq3A_1689 = arith.constant 0 : i32
      %eq3A_1690 = arith.cmpi eq, %jit3A_1688, %eq3A_1689 : i32
      %jit3A_1691 = arith.constant 1 : i32
      %select_n3A_1692 = arith.select %eq3A_1690, %jit3A_1691, %jit3A_1688 : i32
      %rem3A_1693 = arith.remsi %squeeze3A_1687, %select_n3A_1692 : i32
      %ne3A_1694 = arith.constant 0 : i32
      %ne3A_1695 = arith.cmpi ne, %rem3A_1693, %ne3A_1694 : i32
      %lt3A_1696 = arith.constant 0 : i32
      %lt3A_1697 = arith.cmpi slt, %rem3A_1693, %lt3A_1696 : i32
      %lt3A_1698 = arith.constant 0 : i32
      %lt3A_1699 = arith.cmpi slt, %select_n3A_1692, %lt3A_1698 : i32
      %ne3A_1700 = arith.xori %lt3A_1697, %lt3A_1699 : i1
      %and3A_1701 = arith.andi %ne3A_1700, %ne3A_1695 : i1
      %add3A_1702 = arith.addi %rem3A_1693, %select_n3A_1692 : i32
      %select_n3A_1703 = arith.select %and3A_1701, %add3A_1702, %rem3A_1693 : i32
      %add3A_1704 = vector.broadcast %select_n3A_1703 : i32 to vector<16xi32>
      %add3A_1705 = arith.addi %broadcast_in_dim3A_1685, %add3A_1704 : vector<16xi32>
      %gather3A_1706 = tpu.vector_load_idx %arg13[%iota3A, %add3A_1683] : memref<16x2048xf32, #tpu.memory_space<vmem>>[vector<16xi32>, vector<16xi32>], vector<16xf32>,
      %gather3A_1707 = tpu.vector_load_idx %arg13[%iota3A, %add3A_1705] : memref<16x2048xf32, #tpu.memory_space<vmem>>[vector<16xi32>, vector<16xi32>], vector<16xf32>,
      %mul3A_1708 = arith.mulf %gather3A_1706, %gather3A_1707 : vector<16xf32>
      %swap3A_1709 = arith.constant 80 : index
      %swap3A_1710 = tpu.vector_load %arg14[%swap3A_1709] {strides = array<i32>} : memref<256xf32, #tpu.memory_space<vmem>>, vector<16xf32>,
      tpu.vector_store %arg14[%swap3A_1709], %mul3A_1708 {strides = array<i32>} : memref<256xf32, #tpu.memory_space<vmem>>, vector<16xf32>,
      %slice3A_1711 = vector.extract_strided_slice %get3A_898 {offsets = [13], sizes = [1], strides = [1]} : vector<16xi32> to vector<1xi32>
      %squeeze3A_1712 = vector.extract %slice3A_1711[0] : i32 from vector<1xi32>
      %slice3A_1713 = vector.extract_strided_slice %get3A_902 {offsets = [13], sizes = [1], strides = [1]} : vector<16xi32> to vector<1xi32>
      %squeeze3A_1714 = vector.extract %slice3A_1713[0] : i32 from vector<1xi32>
      %jit3A_1715 = arith.constant 128 : i32
      %div3A_1716 = arith.divsi %squeeze3A_1712, %jit3A_1715 : i32
      %sign3A_1717 = arith.constant 0 : i32
      %sign3A_1718 = arith.cmpi sgt, %squeeze3A_1712, %sign3A_1717 : i32
      %sign3A_1719 = arith.extui %sign3A_1718 : i1 to i32
      %sign3A_1720 = arith.constant 0 : i32
      %sign3A_1721 = arith.cmpi slt, %squeeze3A_1712, %sign3A_1720 : i32
      %sign3A_1722 = arith.extui %sign3A_1721 : i1 to i32
      %sign3A_1723 = arith.subi %sign3A_1719, %sign3A_1722 : i32
      %sign3A_1724 = arith.constant 0 : i32
      %sign3A_1725 = arith.cmpi sgt, %jit3A_1715, %sign3A_1724 : i32
      %sign3A_1726 = arith.extui %sign3A_1725 : i1 to i32
      %sign3A_1727 = arith.constant 0 : i32
      %sign3A_1728 = arith.cmpi slt, %jit3A_1715, %sign3A_1727 : i32
      %sign3A_1729 = arith.extui %sign3A_1728 : i1 to i32
      %sign3A_1730 = arith.subi %sign3A_1726, %sign3A_1729 : i32
      %ne3A_1731 = arith.cmpi ne, %sign3A_1723, %sign3A_1730 : i32
      %rem3A_1732 = arith.remsi %squeeze3A_1712, %jit3A_1715 : i32
      %ne3A_1733 = arith.constant 0 : i32
      %ne3A_1734 = arith.cmpi ne, %rem3A_1732, %ne3A_1733 : i32
      %and3A_1735 = arith.andi %ne3A_1731, %ne3A_1734 : i1
      %sub3A_1736 = arith.constant 1 : i32
      %sub3A_1737 = arith.subi %div3A_1716, %sub3A_1736 : i32
      %select_n3A_1738 = arith.select %and3A_1735, %sub3A_1737, %div3A_1716 : i32
      %mul3A_1739 = arith.constant 128 : i32
      %mul3A_1740 = arith.muli %select_n3A_1738, %mul3A_1739 : i32
      %multiple_of3A_1741 = tpu.assume_multiple %mul3A_1740, 128 : i32
      %jit3A_1742 = arith.constant 128 : i32
      %div3A_1743 = arith.divsi %squeeze3A_1714, %jit3A_1742 : i32
      %sign3A_1744 = arith.constant 0 : i32
      %sign3A_1745 = arith.cmpi sgt, %squeeze3A_1714, %sign3A_1744 : i32
      %sign3A_1746 = arith.extui %sign3A_1745 : i1 to i32
      %sign3A_1747 = arith.constant 0 : i32
      %sign3A_1748 = arith.cmpi slt, %squeeze3A_1714, %sign3A_1747 : i32
      %sign3A_1749 = arith.extui %sign3A_1748 : i1 to i32
      %sign3A_1750 = arith.subi %sign3A_1746, %sign3A_1749 : i32
      %sign3A_1751 = arith.constant 0 : i32
      %sign3A_1752 = arith.cmpi sgt, %jit3A_1742, %sign3A_1751 : i32
      %sign3A_1753 = arith.extui %sign3A_1752 : i1 to i32
      %sign3A_1754 = arith.constant 0 : i32
      %sign3A_1755 = arith.cmpi slt, %jit3A_1742, %sign3A_1754 : i32
      %sign3A_1756 = arith.extui %sign3A_1755 : i1 to i32
      %sign3A_1757 = arith.subi %sign3A_1753, %sign3A_1756 : i32
      %ne3A_1758 = arith.cmpi ne, %sign3A_1750, %sign3A_1757 : i32
      %rem3A_1759 = arith.remsi %squeeze3A_1714, %jit3A_1742 : i32
      %ne3A_1760 = arith.constant 0 : i32
      %ne3A_1761 = arith.cmpi ne, %rem3A_1759, %ne3A_1760 : i32
      %and3A_1762 = arith.andi %ne3A_1758, %ne3A_1761 : i1
      %sub3A_1763 = arith.constant 1 : i32
      %sub3A_1764 = arith.subi %div3A_1743, %sub3A_1763 : i32
      %select_n3A_1765 = arith.select %and3A_1762, %sub3A_1764, %div3A_1743 : i32
      %mul3A_1766 = arith.constant 128 : i32
      %mul3A_1767 = arith.muli %select_n3A_1765, %mul3A_1766 : i32
      %multiple_of3A_1768 = tpu.assume_multiple %mul3A_1767, 128 : i32
      %dma_start3A_1769 = arith.constant 5 : i32
      %dma_start3A_1770 = arith.constant 0 : i32
      %dma_start3A_1771 = arith.constant 1280 : i32
      %dma_start3A_1772 = tpu.memref_slice %arg13[%dma_start3A_1770, %dma_start3A_1771] : memref<16x2048xf32, #tpu.memory_space<vmem>> -> memref<16x128xf32, #tpu.memory_space<vmem>>
      %dma_start3A_1773 = arith.constant 0 : i32
      %dma_start3A_1774 = tpu.memref_slice %arg4[%dma_start3A_1773, %multiple_of3A_1741] : memref<16x1000000xf32, #tpu.memory_space<hbm>> -> memref<16x128xf32, #tpu.memory_space<hbm>>
      %dma_start3A_1775 = tpu.memref_slice %arg20[%dma_start3A_1769] : memref<8x!tpu.dma_semaphore, #tpu.memory_space<semaphore_mem>> -> memref<1x!tpu.dma_semaphore, #tpu.memory_space<semaphore_mem>>
      %dma_start3A_1776 = tpu.memref_squeeze %dma_start3A_1775 : memref<1x!tpu.dma_semaphore, #tpu.memory_space<semaphore_mem>> -> memref<!tpu.dma_semaphore, #tpu.memory_space<semaphore_mem>>
      %dma_start3A_1777 = arith.constant 0 : i32
      %dma_start3A_1778 = arith.constant 1280 : i32
      %dma_start3A_1779 = tpu.memref_slice %arg13[%dma_start3A_1777, %dma_start3A_1778] : memref<16x2048xf32, #tpu.memory_space<vmem>> -> memref<16x128xf32, #tpu.memory_space<vmem>>
      %dma_start3A_1780 = arith.constant 0 : i32
      %dma_start3A_1781 = tpu.memref_slice %arg4[%dma_start3A_1780, %multiple_of3A_1741] : memref<16x1000000xf32, #tpu.memory_space<hbm>> -> memref<16x128xf32, #tpu.memory_space<hbm>>
      tpu.enqueue_dma source(%dma_start3A_1781 : memref<16x128xf32, #tpu.memory_space<hbm>>) target(%dma_start3A_1779 : memref<16x128xf32, #tpu.memory_space<vmem>>) target_semaphore(%dma_start3A_1776 : memref<!tpu.dma_semaphore, #tpu.memory_space<semaphore_mem>>)
      %dma_start3A_1782 = arith.constant 5 : i32
      %dma_start3A_1783 = arith.constant 0 : i32
      %dma_start3A_1784 = arith.constant 1408 : i32
      %dma_start3A_1785 = tpu.memref_slice %arg13[%dma_start3A_1783, %dma_start3A_1784] : memref<16x2048xf32, #tpu.memory_space<vmem>> -> memref<16x128xf32, #tpu.memory_space<vmem>>
      %dma_start3A_1786 = arith.constant 0 : i32
      %dma_start3A_1787 = tpu.memref_slice %arg5[%dma_start3A_1786, %multiple_of3A_1768] : memref<16x1000000xf32, #tpu.memory_space<hbm>> -> memref<16x128xf32, #tpu.memory_space<hbm>>
      %dma_start3A_1788 = tpu.memref_slice %arg20[%dma_start3A_1782] : memref<8x!tpu.dma_semaphore, #tpu.memory_space<semaphore_mem>> -> memref<1x!tpu.dma_semaphore, #tpu.memory_space<semaphore_mem>>
      %dma_start3A_1789 = tpu.memref_squeeze %dma_start3A_1788 : memref<1x!tpu.dma_semaphore, #tpu.memory_space<semaphore_mem>> -> memref<!tpu.dma_semaphore, #tpu.memory_space<semaphore_mem>>
      %dma_start3A_1790 = arith.constant 0 : i32
      %dma_start3A_1791 = arith.constant 1408 : i32
      %dma_start3A_1792 = tpu.memref_slice %arg13[%dma_start3A_1790, %dma_start3A_1791] : memref<16x2048xf32, #tpu.memory_space<vmem>> -> memref<16x128xf32, #tpu.memory_space<vmem>>
      %dma_start3A_1793 = arith.constant 0 : i32
      %dma_start3A_1794 = tpu.memref_slice %arg5[%dma_start3A_1793, %multiple_of3A_1768] : memref<16x1000000xf32, #tpu.memory_space<hbm>> -> memref<16x128xf32, #tpu.memory_space<hbm>>
      tpu.enqueue_dma source(%dma_start3A_1794 : memref<16x128xf32, #tpu.memory_space<hbm>>) target(%dma_start3A_1792 : memref<16x128xf32, #tpu.memory_space<vmem>>) target_semaphore(%dma_start3A_1789 : memref<!tpu.dma_semaphore, #tpu.memory_space<semaphore_mem>>)
      %dma_wait3A_1795 = arith.constant 6 : i32
      %dma_wait3A_1796 = arith.constant 0 : i32
      %dma_wait3A_1797 = arith.constant 1536 : i32
      %dma_wait3A_1798 = tpu.memref_slice %arg13[%dma_wait3A_1796, %dma_wait3A_1797] : memref<16x2048xf32, #tpu.memory_space<vmem>> -> memref<16x256xf32, #tpu.memory_space<vmem>>
      %dma_wait3A_1799 = arith.constant 0 : i32
      %dma_wait3A_1800 = arith.constant 0 : i32
      %dma_wait3A_1801 = tpu.memref_slice %arg4[%dma_wait3A_1799, %dma_wait3A_1800] : memref<16x1000000xf32, #tpu.memory_space<hbm>> -> memref<16x256xf32, #tpu.memory_space<hbm>>
      %dma_wait3A_1802 = tpu.memref_slice %arg20[%dma_wait3A_1795] : memref<8x!tpu.dma_semaphore, #tpu.memory_space<semaphore_mem>> -> memref<1x!tpu.dma_semaphore, #tpu.memory_space<semaphore_mem>>
      %dma_wait3A_1803 = tpu.memref_squeeze %dma_wait3A_1802 : memref<1x!tpu.dma_semaphore, #tpu.memory_space<semaphore_mem>> -> memref<!tpu.dma_semaphore, #tpu.memory_space<semaphore_mem>>
      %dma_wait3A_1804 = arith.constant 0 : i32
      %dma_wait3A_1805 = arith.constant 1536 : i32
      %dma_wait3A_1806 = tpu.memref_slice %arg13[%dma_wait3A_1804, %dma_wait3A_1805] : memref<16x2048xf32, #tpu.memory_space<vmem>> -> memref<16x256xf32, #tpu.memory_space<vmem>>
      %dma_wait3A_1807 = arith.constant 0 : i32
      %dma_wait3A_1808 = arith.constant 0 : i32
      %dma_wait3A_1809 = tpu.memref_slice %arg4[%dma_wait3A_1807, %dma_wait3A_1808] : memref<16x1000000xf32, #tpu.memory_space<hbm>> -> memref<16x256xf32, #tpu.memory_space<hbm>>
      tpu.wait_dma2 semaphore(%dma_wait3A_1803 : memref<!tpu.dma_semaphore, #tpu.memory_space<semaphore_mem>>) src(%dma_wait3A_1809 : memref<16x256xf32, #tpu.memory_space<hbm>>) dst(%dma_wait3A_1806 : memref<16x256xf32, #tpu.memory_space<vmem>>)
      %broadcast_in_dim3A_1810 = arith.constant 1536 : i32
      %broadcast_in_dim3A_1811 = vector.broadcast %broadcast_in_dim3A_1810 : i32 to vector<16xi32>
      %slice3A_1812 = vector.extract_strided_slice %get3A_898 {offsets = [6], sizes = [1], strides = [1]} : vector<16xi32> to vector<1xi32>
      %squeeze3A_1813 = vector.extract %slice3A_1812[0] : i32 from vector<1xi32>
      %jit3A_1814 = arith.constant 128 : i32
      %eq3A_1815 = arith.constant 0 : i32
      %eq3A_1816 = arith.cmpi eq, %jit3A_1814, %eq3A_1815 : i32
      %jit3A_1817 = arith.constant 1 : i32
      %select_n3A_1818 = arith.select %eq3A_1816, %jit3A_1817, %jit3A_1814 : i32
      %rem3A_1819 = arith.remsi %squeeze3A_1813, %select_n3A_1818 : i32
      %ne3A_1820 = arith.constant 0 : i32
      %ne3A_1821 = arith.cmpi ne, %rem3A_1819, %ne3A_1820 : i32
      %lt3A_1822 = arith.constant 0 : i32
      %lt3A_1823 = arith.cmpi slt, %rem3A_1819, %lt3A_1822 : i32
      %lt3A_1824 = arith.constant 0 : i32
      %lt3A_1825 = arith.cmpi slt, %select_n3A_1818, %lt3A_1824 : i32
      %ne3A_1826 = arith.xori %lt3A_1823, %lt3A_1825 : i1
      %and3A_1827 = arith.andi %ne3A_1826, %ne3A_1821 : i1
      %add3A_1828 = arith.addi %rem3A_1819, %select_n3A_1818 : i32
      %select_n3A_1829 = arith.select %and3A_1827, %add3A_1828, %rem3A_1819 : i32
      %add3A_1830 = vector.broadcast %select_n3A_1829 : i32 to vector<16xi32>
      %add3A_1831 = arith.addi %broadcast_in_dim3A_1811, %add3A_1830 : vector<16xi32>
      %broadcast_in_dim3A_1832 = arith.constant 1664 : i32
      %broadcast_in_dim3A_1833 = vector.broadcast %broadcast_in_dim3A_1832 : i32 to vector<16xi32>
      %slice3A_1834 = vector.extract_strided_slice %get3A_902 {offsets = [6], sizes = [1], strides = [1]} : vector<16xi32> to vector<1xi32>
      %squeeze3A_1835 = vector.extract %slice3A_1834[0] : i32 from vector<1xi32>
      %jit3A_1836 = arith.constant 128 : i32
      %eq3A_1837 = arith.constant 0 : i32
      %eq3A_1838 = arith.cmpi eq, %jit3A_1836, %eq3A_1837 : i32
      %jit3A_1839 = arith.constant 1 : i32
      %select_n3A_1840 = arith.select %eq3A_1838, %jit3A_1839, %jit3A_1836 : i32
      %rem3A_1841 = arith.remsi %squeeze3A_1835, %select_n3A_1840 : i32
      %ne3A_1842 = arith.constant 0 : i32
      %ne3A_1843 = arith.cmpi ne, %rem3A_1841, %ne3A_1842 : i32
      %lt3A_1844 = arith.constant 0 : i32
      %lt3A_1845 = arith.cmpi slt, %rem3A_1841, %lt3A_1844 : i32
      %lt3A_1846 = arith.constant 0 : i32
      %lt3A_1847 = arith.cmpi slt, %select_n3A_1840, %lt3A_1846 : i32
      %ne3A_1848 = arith.xori %lt3A_1845, %lt3A_1847 : i1
      %and3A_1849 = arith.andi %ne3A_1848, %ne3A_1843 : i1
      %add3A_1850 = arith.addi %rem3A_1841, %select_n3A_1840 : i32
      %select_n3A_1851 = arith.select %and3A_1849, %add3A_1850, %rem3A_1841 : i32
      %add3A_1852 = vector.broadcast %select_n3A_1851 : i32 to vector<16xi32>
      %add3A_1853 = arith.addi %broadcast_in_dim3A_1833, %add3A_1852 : vector<16xi32>
      %gather3A_1854 = tpu.vector_load_idx %arg13[%iota3A, %add3A_1831] : memref<16x2048xf32, #tpu.memory_space<vmem>>[vector<16xi32>, vector<16xi32>], vector<16xf32>,
      %gather3A_1855 = tpu.vector_load_idx %arg13[%iota3A, %add3A_1853] : memref<16x2048xf32, #tpu.memory_space<vmem>>[vector<16xi32>, vector<16xi32>], vector<16xf32>,
      %mul3A_1856 = arith.mulf %gather3A_1854, %gather3A_1855 : vector<16xf32>
      %swap3A_1857 = arith.constant 96 : index
      %swap3A_1858 = tpu.vector_load %arg14[%swap3A_1857] {strides = array<i32>} : memref<256xf32, #tpu.memory_space<vmem>>, vector<16xf32>,
      tpu.vector_store %arg14[%swap3A_1857], %mul3A_1856 {strides = array<i32>} : memref<256xf32, #tpu.memory_space<vmem>>, vector<16xf32>,
      %slice3A_1859 = vector.extract_strided_slice %get3A_898 {offsets = [14], sizes = [1], strides = [1]} : vector<16xi32> to vector<1xi32>
      %squeeze3A_1860 = vector.extract %slice3A_1859[0] : i32 from vector<1xi32>
      %slice3A_1861 = vector.extract_strided_slice %get3A_902 {offsets = [14], sizes = [1], strides = [1]} : vector<16xi32> to vector<1xi32>
      %squeeze3A_1862 = vector.extract %slice3A_1861[0] : i32 from vector<1xi32>
      %jit3A_1863 = arith.constant 128 : i32
      %div3A_1864 = arith.divsi %squeeze3A_1860, %jit3A_1863 : i32
      %sign3A_1865 = arith.constant 0 : i32
      %sign3A_1866 = arith.cmpi sgt, %squeeze3A_1860, %sign3A_1865 : i32
      %sign3A_1867 = arith.extui %sign3A_1866 : i1 to i32
      %sign3A_1868 = arith.constant 0 : i32
      %sign3A_1869 = arith.cmpi slt, %squeeze3A_1860, %sign3A_1868 : i32
      %sign3A_1870 = arith.extui %sign3A_1869 : i1 to i32
      %sign3A_1871 = arith.subi %sign3A_1867, %sign3A_1870 : i32
      %sign3A_1872 = arith.constant 0 : i32
      %sign3A_1873 = arith.cmpi sgt, %jit3A_1863, %sign3A_1872 : i32
      %sign3A_1874 = arith.extui %sign3A_1873 : i1 to i32
      %sign3A_1875 = arith.constant 0 : i32
      %sign3A_1876 = arith.cmpi slt, %jit3A_1863, %sign3A_1875 : i32
      %sign3A_1877 = arith.extui %sign3A_1876 : i1 to i32
      %sign3A_1878 = arith.subi %sign3A_1874, %sign3A_1877 : i32
      %ne3A_1879 = arith.cmpi ne, %sign3A_1871, %sign3A_1878 : i32
      %rem3A_1880 = arith.remsi %squeeze3A_1860, %jit3A_1863 : i32
      %ne3A_1881 = arith.constant 0 : i32
      %ne3A_1882 = arith.cmpi ne, %rem3A_1880, %ne3A_1881 : i32
      %and3A_1883 = arith.andi %ne3A_1879, %ne3A_1882 : i1
      %sub3A_1884 = arith.constant 1 : i32
      %sub3A_1885 = arith.subi %div3A_1864, %sub3A_1884 : i32
      %select_n3A_1886 = arith.select %and3A_1883, %sub3A_1885, %div3A_1864 : i32
      %mul3A_1887 = arith.constant 128 : i32
      %mul3A_1888 = arith.muli %select_n3A_1886, %mul3A_1887 : i32
      %multiple_of3A_1889 = tpu.assume_multiple %mul3A_1888, 128 : i32
      %jit3A_1890 = arith.constant 128 : i32
      %div3A_1891 = arith.divsi %squeeze3A_1862, %jit3A_1890 : i32
      %sign3A_1892 = arith.constant 0 : i32
      %sign3A_1893 = arith.cmpi sgt, %squeeze3A_1862, %sign3A_1892 : i32
      %sign3A_1894 = arith.extui %sign3A_1893 : i1 to i32
      %sign3A_1895 = arith.constant 0 : i32
      %sign3A_1896 = arith.cmpi slt, %squeeze3A_1862, %sign3A_1895 : i32
      %sign3A_1897 = arith.extui %sign3A_1896 : i1 to i32
      %sign3A_1898 = arith.subi %sign3A_1894, %sign3A_1897 : i32
      %sign3A_1899 = arith.constant 0 : i32
      %sign3A_1900 = arith.cmpi sgt, %jit3A_1890, %sign3A_1899 : i32
      %sign3A_1901 = arith.extui %sign3A_1900 : i1 to i32
      %sign3A_1902 = arith.constant 0 : i32
      %sign3A_1903 = arith.cmpi slt, %jit3A_1890, %sign3A_1902 : i32
      %sign3A_1904 = arith.extui %sign3A_1903 : i1 to i32
      %sign3A_1905 = arith.subi %sign3A_1901, %sign3A_1904 : i32
      %ne3A_1906 = arith.cmpi ne, %sign3A_1898, %sign3A_1905 : i32
      %rem3A_1907 = arith.remsi %squeeze3A_1862, %jit3A_1890 : i32
      %ne3A_1908 = arith.constant 0 : i32
      %ne3A_1909 = arith.cmpi ne, %rem3A_1907, %ne3A_1908 : i32
      %and3A_1910 = arith.andi %ne3A_1906, %ne3A_1909 : i1
      %sub3A_1911 = arith.constant 1 : i32
      %sub3A_1912 = arith.subi %div3A_1891, %sub3A_1911 : i32
      %select_n3A_1913 = arith.select %and3A_1910, %sub3A_1912, %div3A_1891 : i32
      %mul3A_1914 = arith.constant 128 : i32
      %mul3A_1915 = arith.muli %select_n3A_1913, %mul3A_1914 : i32
      %multiple_of3A_1916 = tpu.assume_multiple %mul3A_1915, 128 : i32
      %dma_start3A_1917 = arith.constant 6 : i32
      %dma_start3A_1918 = arith.constant 0 : i32
      %dma_start3A_1919 = arith.constant 1536 : i32
      %dma_start3A_1920 = tpu.memref_slice %arg13[%dma_start3A_1918, %dma_start3A_1919] : memref<16x2048xf32, #tpu.memory_space<vmem>> -> memref<16x128xf32, #tpu.memory_space<vmem>>
      %dma_start3A_1921 = arith.constant 0 : i32
      %dma_start3A_1922 = tpu.memref_slice %arg4[%dma_start3A_1921, %multiple_of3A_1889] : memref<16x1000000xf32, #tpu.memory_space<hbm>> -> memref<16x128xf32, #tpu.memory_space<hbm>>
      %dma_start3A_1923 = tpu.memref_slice %arg20[%dma_start3A_1917] : memref<8x!tpu.dma_semaphore, #tpu.memory_space<semaphore_mem>> -> memref<1x!tpu.dma_semaphore, #tpu.memory_space<semaphore_mem>>
      %dma_start3A_1924 = tpu.memref_squeeze %dma_start3A_1923 : memref<1x!tpu.dma_semaphore, #tpu.memory_space<semaphore_mem>> -> memref<!tpu.dma_semaphore, #tpu.memory_space<semaphore_mem>>
      %dma_start3A_1925 = arith.constant 0 : i32
      %dma_start3A_1926 = arith.constant 1536 : i32
      %dma_start3A_1927 = tpu.memref_slice %arg13[%dma_start3A_1925, %dma_start3A_1926] : memref<16x2048xf32, #tpu.memory_space<vmem>> -> memref<16x128xf32, #tpu.memory_space<vmem>>
      %dma_start3A_1928 = arith.constant 0 : i32
      %dma_start3A_1929 = tpu.memref_slice %arg4[%dma_start3A_1928, %multiple_of3A_1889] : memref<16x1000000xf32, #tpu.memory_space<hbm>> -> memref<16x128xf32, #tpu.memory_space<hbm>>
      tpu.enqueue_dma source(%dma_start3A_1929 : memref<16x128xf32, #tpu.memory_space<hbm>>) target(%dma_start3A_1927 : memref<16x128xf32, #tpu.memory_space<vmem>>) target_semaphore(%dma_start3A_1924 : memref<!tpu.dma_semaphore, #tpu.memory_space<semaphore_mem>>)
      %dma_start3A_1930 = arith.constant 6 : i32
      %dma_start3A_1931 = arith.constant 0 : i32
      %dma_start3A_1932 = arith.constant 1664 : i32
      %dma_start3A_1933 = tpu.memref_slice %arg13[%dma_start3A_1931, %dma_start3A_1932] : memref<16x2048xf32, #tpu.memory_space<vmem>> -> memref<16x128xf32, #tpu.memory_space<vmem>>
      %dma_start3A_1934 = arith.constant 0 : i32
      %dma_start3A_1935 = tpu.memref_slice %arg5[%dma_start3A_1934, %multiple_of3A_1916] : memref<16x1000000xf32, #tpu.memory_space<hbm>> -> memref<16x128xf32, #tpu.memory_space<hbm>>
      %dma_start3A_1936 = tpu.memref_slice %arg20[%dma_start3A_1930] : memref<8x!tpu.dma_semaphore, #tpu.memory_space<semaphore_mem>> -> memref<1x!tpu.dma_semaphore, #tpu.memory_space<semaphore_mem>>
      %dma_start3A_1937 = tpu.memref_squeeze %dma_start3A_1936 : memref<1x!tpu.dma_semaphore, #tpu.memory_space<semaphore_mem>> -> memref<!tpu.dma_semaphore, #tpu.memory_space<semaphore_mem>>
      %dma_start3A_1938 = arith.constant 0 : i32
      %dma_start3A_1939 = arith.constant 1664 : i32
      %dma_start3A_1940 = tpu.memref_slice %arg13[%dma_start3A_1938, %dma_start3A_1939] : memref<16x2048xf32, #tpu.memory_space<vmem>> -> memref<16x128xf32, #tpu.memory_space<vmem>>
      %dma_start3A_1941 = arith.constant 0 : i32
      %dma_start3A_1942 = tpu.memref_slice %arg5[%dma_start3A_1941, %multiple_of3A_1916] : memref<16x1000000xf32, #tpu.memory_space<hbm>> -> memref<16x128xf32, #tpu.memory_space<hbm>>
      tpu.enqueue_dma source(%dma_start3A_1942 : memref<16x128xf32, #tpu.memory_space<hbm>>) target(%dma_start3A_1940 : memref<16x128xf32, #tpu.memory_space<vmem>>) target_semaphore(%dma_start3A_1937 : memref<!tpu.dma_semaphore, #tpu.memory_space<semaphore_mem>>)
      %dma_wait3A_1943 = arith.constant 7 : i32
      %dma_wait3A_1944 = arith.constant 0 : i32
      %dma_wait3A_1945 = arith.constant 1792 : i32
      %dma_wait3A_1946 = tpu.memref_slice %arg13[%dma_wait3A_1944, %dma_wait3A_1945] : memref<16x2048xf32, #tpu.memory_space<vmem>> -> memref<16x256xf32, #tpu.memory_space<vmem>>
      %dma_wait3A_1947 = arith.constant 0 : i32
      %dma_wait3A_1948 = arith.constant 0 : i32
      %dma_wait3A_1949 = tpu.memref_slice %arg4[%dma_wait3A_1947, %dma_wait3A_1948] : memref<16x1000000xf32, #tpu.memory_space<hbm>> -> memref<16x256xf32, #tpu.memory_space<hbm>>
      %dma_wait3A_1950 = tpu.memref_slice %arg20[%dma_wait3A_1943] : memref<8x!tpu.dma_semaphore, #tpu.memory_space<semaphore_mem>> -> memref<1x!tpu.dma_semaphore, #tpu.memory_space<semaphore_mem>>
      %dma_wait3A_1951 = tpu.memref_squeeze %dma_wait3A_1950 : memref<1x!tpu.dma_semaphore, #tpu.memory_space<semaphore_mem>> -> memref<!tpu.dma_semaphore, #tpu.memory_space<semaphore_mem>>
      %dma_wait3A_1952 = arith.constant 0 : i32
      %dma_wait3A_1953 = arith.constant 1792 : i32
      %dma_wait3A_1954 = tpu.memref_slice %arg13[%dma_wait3A_1952, %dma_wait3A_1953] : memref<16x2048xf32, #tpu.memory_space<vmem>> -> memref<16x256xf32, #tpu.memory_space<vmem>>
      %dma_wait3A_1955 = arith.constant 0 : i32
      %dma_wait3A_1956 = arith.constant 0 : i32
      %dma_wait3A_1957 = tpu.memref_slice %arg4[%dma_wait3A_1955, %dma_wait3A_1956] : memref<16x1000000xf32, #tpu.memory_space<hbm>> -> memref<16x256xf32, #tpu.memory_space<hbm>>
      tpu.wait_dma2 semaphore(%dma_wait3A_1951 : memref<!tpu.dma_semaphore, #tpu.memory_space<semaphore_mem>>) src(%dma_wait3A_1957 : memref<16x256xf32, #tpu.memory_space<hbm>>) dst(%dma_wait3A_1954 : memref<16x256xf32, #tpu.memory_space<vmem>>)
      %broadcast_in_dim3A_1958 = arith.constant 1792 : i32
      %broadcast_in_dim3A_1959 = vector.broadcast %broadcast_in_dim3A_1958 : i32 to vector<16xi32>
      %slice3A_1960 = vector.extract_strided_slice %get3A_898 {offsets = [7], sizes = [1], strides = [1]} : vector<16xi32> to vector<1xi32>
      %squeeze3A_1961 = vector.extract %slice3A_1960[0] : i32 from vector<1xi32>
      %jit3A_1962 = arith.constant 128 : i32
      %eq3A_1963 = arith.constant 0 : i32
      %eq3A_1964 = arith.cmpi eq, %jit3A_1962, %eq3A_1963 : i32
      %jit3A_1965 = arith.constant 1 : i32
      %select_n3A_1966 = arith.select %eq3A_1964, %jit3A_1965, %jit3A_1962 : i32
      %rem3A_1967 = arith.remsi %squeeze3A_1961, %select_n3A_1966 : i32
      %ne3A_1968 = arith.constant 0 : i32
      %ne3A_1969 = arith.cmpi ne, %rem3A_1967, %ne3A_1968 : i32
      %lt3A_1970 = arith.constant 0 : i32
      %lt3A_1971 = arith.cmpi slt, %rem3A_1967, %lt3A_1970 : i32
      %lt3A_1972 = arith.constant 0 : i32
      %lt3A_1973 = arith.cmpi slt, %select_n3A_1966, %lt3A_1972 : i32
      %ne3A_1974 = arith.xori %lt3A_1971, %lt3A_1973 : i1
      %and3A_1975 = arith.andi %ne3A_1974, %ne3A_1969 : i1
      %add3A_1976 = arith.addi %rem3A_1967, %select_n3A_1966 : i32
      %select_n3A_1977 = arith.select %and3A_1975, %add3A_1976, %rem3A_1967 : i32
      %add3A_1978 = vector.broadcast %select_n3A_1977 : i32 to vector<16xi32>
      %add3A_1979 = arith.addi %broadcast_in_dim3A_1959, %add3A_1978 : vector<16xi32>
      %broadcast_in_dim3A_1980 = arith.constant 1920 : i32
      %broadcast_in_dim3A_1981 = vector.broadcast %broadcast_in_dim3A_1980 : i32 to vector<16xi32>
      %slice3A_1982 = vector.extract_strided_slice %get3A_902 {offsets = [7], sizes = [1], strides = [1]} : vector<16xi32> to vector<1xi32>
      %squeeze3A_1983 = vector.extract %slice3A_1982[0] : i32 from vector<1xi32>
      %jit3A_1984 = arith.constant 128 : i32
      %eq3A_1985 = arith.constant 0 : i32
      %eq3A_1986 = arith.cmpi eq, %jit3A_1984, %eq3A_1985 : i32
      %jit3A_1987 = arith.constant 1 : i32
      %select_n3A_1988 = arith.select %eq3A_1986, %jit3A_1987, %jit3A_1984 : i32
      %rem3A_1989 = arith.remsi %squeeze3A_1983, %select_n3A_1988 : i32
      %ne3A_1990 = arith.constant 0 : i32
      %ne3A_1991 = arith.cmpi ne, %rem3A_1989, %ne3A_1990 : i32
      %lt3A_1992 = arith.constant 0 : i32
      %lt3A_1993 = arith.cmpi slt, %rem3A_1989, %lt3A_1992 : i32
      %lt3A_1994 = arith.constant 0 : i32
      %lt3A_1995 = arith.cmpi slt, %select_n3A_1988, %lt3A_1994 : i32
      %ne3A_1996 = arith.xori %lt3A_1993, %lt3A_1995 : i1
      %and3A_1997 = arith.andi %ne3A_1996, %ne3A_1991 : i1
      %add3A_1998 = arith.addi %rem3A_1989, %select_n3A_1988 : i32
      %select_n3A_1999 = arith.select %and3A_1997, %add3A_1998, %rem3A_1989 : i32
      %add3A_2000 = vector.broadcast %select_n3A_1999 : i32 to vector<16xi32>
      %add3A_2001 = arith.addi %broadcast_in_dim3A_1981, %add3A_2000 : vector<16xi32>
      %gather3A_2002 = tpu.vector_load_idx %arg13[%iota3A, %add3A_1979] : memref<16x2048xf32, #tpu.memory_space<vmem>>[vector<16xi32>, vector<16xi32>], vector<16xf32>,
      %gather3A_2003 = tpu.vector_load_idx %arg13[%iota3A, %add3A_2001] : memref<16x2048xf32, #tpu.memory_space<vmem>>[vector<16xi32>, vector<16xi32>], vector<16xf32>,
      %mul3A_2004 = arith.mulf %gather3A_2002, %gather3A_2003 : vector<16xf32>
      %swap3A_2005 = arith.constant 112 : index
      %swap3A_2006 = tpu.vector_load %arg14[%swap3A_2005] {strides = array<i32>} : memref<256xf32, #tpu.memory_space<vmem>>, vector<16xf32>,
      tpu.vector_store %arg14[%swap3A_2005], %mul3A_2004 {strides = array<i32>} : memref<256xf32, #tpu.memory_space<vmem>>, vector<16xf32>,
      %slice3A_2007 = vector.extract_strided_slice %get3A_898 {offsets = [15], sizes = [1], strides = [1]} : vector<16xi32> to vector<1xi32>
      %squeeze3A_2008 = vector.extract %slice3A_2007[0] : i32 from vector<1xi32>
      %slice3A_2009 = vector.extract_strided_slice %get3A_902 {offsets = [15], sizes = [1], strides = [1]} : vector<16xi32> to vector<1xi32>
      %squeeze3A_2010 = vector.extract %slice3A_2009[0] : i32 from vector<1xi32>
      %jit3A_2011 = arith.constant 128 : i32
      %div3A_2012 = arith.divsi %squeeze3A_2008, %jit3A_2011 : i32
      %sign3A_2013 = arith.constant 0 : i32
      %sign3A_2014 = arith.cmpi sgt, %squeeze3A_2008, %sign3A_2013 : i32
      %sign3A_2015 = arith.extui %sign3A_2014 : i1 to i32
      %sign3A_2016 = arith.constant 0 : i32
      %sign3A_2017 = arith.cmpi slt, %squeeze3A_2008, %sign3A_2016 : i32
      %sign3A_2018 = arith.extui %sign3A_2017 : i1 to i32
      %sign3A_2019 = arith.subi %sign3A_2015, %sign3A_2018 : i32
      %sign3A_2020 = arith.constant 0 : i32
      %sign3A_2021 = arith.cmpi sgt, %jit3A_2011, %sign3A_2020 : i32
      %sign3A_2022 = arith.extui %sign3A_2021 : i1 to i32
      %sign3A_2023 = arith.constant 0 : i32
      %sign3A_2024 = arith.cmpi slt, %jit3A_2011, %sign3A_2023 : i32
      %sign3A_2025 = arith.extui %sign3A_2024 : i1 to i32
      %sign3A_2026 = arith.subi %sign3A_2022, %sign3A_2025 : i32
      %ne3A_2027 = arith.cmpi ne, %sign3A_2019, %sign3A_2026 : i32
      %rem3A_2028 = arith.remsi %squeeze3A_2008, %jit3A_2011 : i32
      %ne3A_2029 = arith.constant 0 : i32
      %ne3A_2030 = arith.cmpi ne, %rem3A_2028, %ne3A_2029 : i32
      %and3A_2031 = arith.andi %ne3A_2027, %ne3A_2030 : i1
      %sub3A_2032 = arith.constant 1 : i32
      %sub3A_2033 = arith.subi %div3A_2012, %sub3A_2032 : i32
      %select_n3A_2034 = arith.select %and3A_2031, %sub3A_2033, %div3A_2012 : i32
      %mul3A_2035 = arith.constant 128 : i32
      %mul3A_2036 = arith.muli %select_n3A_2034, %mul3A_2035 : i32
      %multiple_of3A_2037 = tpu.assume_multiple %mul3A_2036, 128 : i32
      %jit3A_2038 = arith.constant 128 : i32
      %div3A_2039 = arith.divsi %squeeze3A_2010, %jit3A_2038 : i32
      %sign3A_2040 = arith.constant 0 : i32
      %sign3A_2041 = arith.cmpi sgt, %squeeze3A_2010, %sign3A_2040 : i32
      %sign3A_2042 = arith.extui %sign3A_2041 : i1 to i32
      %sign3A_2043 = arith.constant 0 : i32
      %sign3A_2044 = arith.cmpi slt, %squeeze3A_2010, %sign3A_2043 : i32
      %sign3A_2045 = arith.extui %sign3A_2044 : i1 to i32
      %sign3A_2046 = arith.subi %sign3A_2042, %sign3A_2045 : i32
      %sign3A_2047 = arith.constant 0 : i32
      %sign3A_2048 = arith.cmpi sgt, %jit3A_2038, %sign3A_2047 : i32
      %sign3A_2049 = arith.extui %sign3A_2048 : i1 to i32
      %sign3A_2050 = arith.constant 0 : i32
      %sign3A_2051 = arith.cmpi slt, %jit3A_2038, %sign3A_2050 : i32
      %sign3A_2052 = arith.extui %sign3A_2051 : i1 to i32
      %sign3A_2053 = arith.subi %sign3A_2049, %sign3A_2052 : i32
      %ne3A_2054 = arith.cmpi ne, %sign3A_2046, %sign3A_2053 : i32
      %rem3A_2055 = arith.remsi %squeeze3A_2010, %jit3A_2038 : i32
      %ne3A_2056 = arith.constant 0 : i32
      %ne3A_2057 = arith.cmpi ne, %rem3A_2055, %ne3A_2056 : i32
      %and3A_2058 = arith.andi %ne3A_2054, %ne3A_2057 : i1
      %sub3A_2059 = arith.constant 1 : i32
      %sub3A_2060 = arith.subi %div3A_2039, %sub3A_2059 : i32
      %select_n3A_2061 = arith.select %and3A_2058, %sub3A_2060, %div3A_2039 : i32
      %mul3A_2062 = arith.constant 128 : i32
      %mul3A_2063 = arith.muli %select_n3A_2061, %mul3A_2062 : i32
      %multiple_of3A_2064 = tpu.assume_multiple %mul3A_2063, 128 : i32
      %dma_start3A_2065 = arith.constant 7 : i32
      %dma_start3A_2066 = arith.constant 0 : i32
      %dma_start3A_2067 = arith.constant 1792 : i32
      %dma_start3A_2068 = tpu.memref_slice %arg13[%dma_start3A_2066, %dma_start3A_2067] : memref<16x2048xf32, #tpu.memory_space<vmem>> -> memref<16x128xf32, #tpu.memory_space<vmem>>
      %dma_start3A_2069 = arith.constant 0 : i32
      %dma_start3A_2070 = tpu.memref_slice %arg4[%dma_start3A_2069, %multiple_of3A_2037] : memref<16x1000000xf32, #tpu.memory_space<hbm>> -> memref<16x128xf32, #tpu.memory_space<hbm>>
      %dma_start3A_2071 = tpu.memref_slice %arg20[%dma_start3A_2065] : memref<8x!tpu.dma_semaphore, #tpu.memory_space<semaphore_mem>> -> memref<1x!tpu.dma_semaphore, #tpu.memory_space<semaphore_mem>>
      %dma_start3A_2072 = tpu.memref_squeeze %dma_start3A_2071 : memref<1x!tpu.dma_semaphore, #tpu.memory_space<semaphore_mem>> -> memref<!tpu.dma_semaphore, #tpu.memory_space<semaphore_mem>>
      %dma_start3A_2073 = arith.constant 0 : i32
      %dma_start3A_2074 = arith.constant 1792 : i32
      %dma_start3A_2075 = tpu.memref_slice %arg13[%dma_start3A_2073, %dma_start3A_2074] : memref<16x2048xf32, #tpu.memory_space<vmem>> -> memref<16x128xf32, #tpu.memory_space<vmem>>
      %dma_start3A_2076 = arith.constant 0 : i32
      %dma_start3A_2077 = tpu.memref_slice %arg4[%dma_start3A_2076, %multiple_of3A_2037] : memref<16x1000000xf32, #tpu.memory_space<hbm>> -> memref<16x128xf32, #tpu.memory_space<hbm>>
      tpu.enqueue_dma source(%dma_start3A_2077 : memref<16x128xf32, #tpu.memory_space<hbm>>) target(%dma_start3A_2075 : memref<16x128xf32, #tpu.memory_space<vmem>>) target_semaphore(%dma_start3A_2072 : memref<!tpu.dma_semaphore, #tpu.memory_space<semaphore_mem>>)
      %dma_start3A_2078 = arith.constant 7 : i32
      %dma_start3A_2079 = arith.constant 0 : i32
      %dma_start3A_2080 = arith.constant 1920 : i32
      %dma_start3A_2081 = tpu.memref_slice %arg13[%dma_start3A_2079, %dma_start3A_2080] : memref<16x2048xf32, #tpu.memory_space<vmem>> -> memref<16x128xf32, #tpu.memory_space<vmem>>
      %dma_start3A_2082 = arith.constant 0 : i32
      %dma_start3A_2083 = tpu.memref_slice %arg5[%dma_start3A_2082, %multiple_of3A_2064] : memref<16x1000000xf32, #tpu.memory_space<hbm>> -> memref<16x128xf32, #tpu.memory_space<hbm>>
      %dma_start3A_2084 = tpu.memref_slice %arg20[%dma_start3A_2078] : memref<8x!tpu.dma_semaphore, #tpu.memory_space<semaphore_mem>> -> memref<1x!tpu.dma_semaphore, #tpu.memory_space<semaphore_mem>>
      %dma_start3A_2085 = tpu.memref_squeeze %dma_start3A_2084 : memref<1x!tpu.dma_semaphore, #tpu.memory_space<semaphore_mem>> -> memref<!tpu.dma_semaphore, #tpu.memory_space<semaphore_mem>>
      %dma_start3A_2086 = arith.constant 0 : i32
      %dma_start3A_2087 = arith.constant 1920 : i32
      %dma_start3A_2088 = tpu.memref_slice %arg13[%dma_start3A_2086, %dma_start3A_2087] : memref<16x2048xf32, #tpu.memory_space<vmem>> -> memref<16x128xf32, #tpu.memory_space<vmem>>
      %dma_start3A_2089 = arith.constant 0 : i32
      %dma_start3A_2090 = tpu.memref_slice %arg5[%dma_start3A_2089, %multiple_of3A_2064] : memref<16x1000000xf32, #tpu.memory_space<hbm>> -> memref<16x128xf32, #tpu.memory_space<hbm>>
      tpu.enqueue_dma source(%dma_start3A_2090 : memref<16x128xf32, #tpu.memory_space<hbm>>) target(%dma_start3A_2088 : memref<16x128xf32, #tpu.memory_space<vmem>>) target_semaphore(%dma_start3A_2085 : memref<!tpu.dma_semaphore, #tpu.memory_space<semaphore_mem>>)
      %dma_wait3A_2091 = arith.constant 0 : i32
      %dma_wait3A_2092 = arith.constant 0 : i32
      %dma_wait3A_2093 = arith.constant 0 : i32
      %dma_wait3A_2094 = tpu.memref_slice %arg13[%dma_wait3A_2092, %dma_wait3A_2093] : memref<16x2048xf32, #tpu.memory_space<vmem>> -> memref<16x256xf32, #tpu.memory_space<vmem>>
      %dma_wait3A_2095 = arith.constant 0 : i32
      %dma_wait3A_2096 = arith.constant 0 : i32
      %dma_wait3A_2097 = tpu.memref_slice %arg4[%dma_wait3A_2095, %dma_wait3A_2096] : memref<16x1000000xf32, #tpu.memory_space<hbm>> -> memref<16x256xf32, #tpu.memory_space<hbm>>
      %dma_wait3A_2098 = tpu.memref_slice %arg20[%dma_wait3A_2091] : memref<8x!tpu.dma_semaphore, #tpu.memory_space<semaphore_mem>> -> memref<1x!tpu.dma_semaphore, #tpu.memory_space<semaphore_mem>>
      %dma_wait3A_2099 = tpu.memref_squeeze %dma_wait3A_2098 : memref<1x!tpu.dma_semaphore, #tpu.memory_space<semaphore_mem>> -> memref<!tpu.dma_semaphore, #tpu.memory_space<semaphore_mem>>
      %dma_wait3A_2100 = arith.constant 0 : i32
      %dma_wait3A_2101 = arith.constant 0 : i32
      %dma_wait3A_2102 = tpu.memref_slice %arg13[%dma_wait3A_2100, %dma_wait3A_2101] : memref<16x2048xf32, #tpu.memory_space<vmem>> -> memref<16x256xf32, #tpu.memory_space<vmem>>
      %dma_wait3A_2103 = arith.constant 0 : i32
      %dma_wait3A_2104 = arith.constant 0 : i32
      %dma_wait3A_2105 = tpu.memref_slice %arg4[%dma_wait3A_2103, %dma_wait3A_2104] : memref<16x1000000xf32, #tpu.memory_space<hbm>> -> memref<16x256xf32, #tpu.memory_space<hbm>>
      tpu.wait_dma2 semaphore(%dma_wait3A_2099 : memref<!tpu.dma_semaphore, #tpu.memory_space<semaphore_mem>>) src(%dma_wait3A_2105 : memref<16x256xf32, #tpu.memory_space<hbm>>) dst(%dma_wait3A_2102 : memref<16x256xf32, #tpu.memory_space<vmem>>)
      %broadcast_in_dim3A_2106 = arith.constant 0 : i32
      %broadcast_in_dim3A_2107 = vector.broadcast %broadcast_in_dim3A_2106 : i32 to vector<16xi32>
      %slice3A_2108 = vector.extract_strided_slice %get3A_898 {offsets = [8], sizes = [1], strides = [1]} : vector<16xi32> to vector<1xi32>
      %squeeze3A_2109 = vector.extract %slice3A_2108[0] : i32 from vector<1xi32>
      %jit3A_2110 = arith.constant 128 : i32
      %eq3A_2111 = arith.constant 0 : i32
      %eq3A_2112 = arith.cmpi eq, %jit3A_2110, %eq3A_2111 : i32
      %jit3A_2113 = arith.constant 1 : i32
      %select_n3A_2114 = arith.select %eq3A_2112, %jit3A_2113, %jit3A_2110 : i32
      %rem3A_2115 = arith.remsi %squeeze3A_2109, %select_n3A_2114 : i32
      %ne3A_2116 = arith.constant 0 : i32
      %ne3A_2117 = arith.cmpi ne, %rem3A_2115, %ne3A_2116 : i32
      %lt3A_2118 = arith.constant 0 : i32
      %lt3A_2119 = arith.cmpi slt, %rem3A_2115, %lt3A_2118 : i32
      %lt3A_2120 = arith.constant 0 : i32
      %lt3A_2121 = arith.cmpi slt, %select_n3A_2114, %lt3A_2120 : i32
      %ne3A_2122 = arith.xori %lt3A_2119, %lt3A_2121 : i1
      %and3A_2123 = arith.andi %ne3A_2122, %ne3A_2117 : i1
      %add3A_2124 = arith.addi %rem3A_2115, %select_n3A_2114 : i32
      %select_n3A_2125 = arith.select %and3A_2123, %add3A_2124, %rem3A_2115 : i32
      %add3A_2126 = vector.broadcast %select_n3A_2125 : i32 to vector<16xi32>
      %add3A_2127 = arith.addi %broadcast_in_dim3A_2107, %add3A_2126 : vector<16xi32>
      %broadcast_in_dim3A_2128 = arith.constant 128 : i32
      %broadcast_in_dim3A_2129 = vector.broadcast %broadcast_in_dim3A_2128 : i32 to vector<16xi32>
      %slice3A_2130 = vector.extract_strided_slice %get3A_902 {offsets = [8], sizes = [1], strides = [1]} : vector<16xi32> to vector<1xi32>
      %squeeze3A_2131 = vector.extract %slice3A_2130[0] : i32 from vector<1xi32>
      %jit3A_2132 = arith.constant 128 : i32
      %eq3A_2133 = arith.constant 0 : i32
      %eq3A_2134 = arith.cmpi eq, %jit3A_2132, %eq3A_2133 : i32
      %jit3A_2135 = arith.constant 1 : i32
      %select_n3A_2136 = arith.select %eq3A_2134, %jit3A_2135, %jit3A_2132 : i32
      %rem3A_2137 = arith.remsi %squeeze3A_2131, %select_n3A_2136 : i32
      %ne3A_2138 = arith.constant 0 : i32
      %ne3A_2139 = arith.cmpi ne, %rem3A_2137, %ne3A_2138 : i32
      %lt3A_2140 = arith.constant 0 : i32
      %lt3A_2141 = arith.cmpi slt, %rem3A_2137, %lt3A_2140 : i32
      %lt3A_2142 = arith.constant 0 : i32
      %lt3A_2143 = arith.cmpi slt, %select_n3A_2136, %lt3A_2142 : i32
      %ne3A_2144 = arith.xori %lt3A_2141, %lt3A_2143 : i1
      %and3A_2145 = arith.andi %ne3A_2144, %ne3A_2139 : i1
      %add3A_2146 = arith.addi %rem3A_2137, %select_n3A_2136 : i32
      %select_n3A_2147 = arith.select %and3A_2145, %add3A_2146, %rem3A_2137 : i32
      %add3A_2148 = vector.broadcast %select_n3A_2147 : i32 to vector<16xi32>
      %add3A_2149 = arith.addi %broadcast_in_dim3A_2129, %add3A_2148 : vector<16xi32>
      %gather3A_2150 = tpu.vector_load_idx %arg13[%iota3A, %add3A_2127] : memref<16x2048xf32, #tpu.memory_space<vmem>>[vector<16xi32>, vector<16xi32>], vector<16xf32>,
      %gather3A_2151 = tpu.vector_load_idx %arg13[%iota3A, %add3A_2149] : memref<16x2048xf32, #tpu.memory_space<vmem>>[vector<16xi32>, vector<16xi32>], vector<16xf32>,
      %mul3A_2152 = arith.mulf %gather3A_2150, %gather3A_2151 : vector<16xf32>
      %swap3A_2153 = arith.constant 128 : index
      %swap3A_2154 = tpu.vector_load %arg14[%swap3A_2153] {strides = array<i32>} : memref<256xf32, #tpu.memory_space<vmem>>, vector<16xf32>,
      tpu.vector_store %arg14[%swap3A_2153], %mul3A_2152 {strides = array<i32>} : memref<256xf32, #tpu.memory_space<vmem>>, vector<16xf32>,
      %slice3A_2155 = vector.extract_strided_slice %get3A_909 {offsets = [0], sizes = [1], strides = [1]} : vector<16xi32> to vector<1xi32>
      %squeeze3A_2156 = vector.extract %slice3A_2155[0] : i32 from vector<1xi32>
      %slice3A_2157 = vector.extract_strided_slice %get3A_911 {offsets = [0], sizes = [1], strides = [1]} : vector<16xi32> to vector<1xi32>
      %squeeze3A_2158 = vector.extract %slice3A_2157[0] : i32 from vector<1xi32>
      %jit3A_2159 = arith.constant 128 : i32
      %div3A_2160 = arith.divsi %squeeze3A_2156, %jit3A_2159 : i32
      %sign3A_2161 = arith.constant 0 : i32
      %sign3A_2162 = arith.cmpi sgt, %squeeze3A_2156, %sign3A_2161 : i32
      %sign3A_2163 = arith.extui %sign3A_2162 : i1 to i32
      %sign3A_2164 = arith.constant 0 : i32
      %sign3A_2165 = arith.cmpi slt, %squeeze3A_2156, %sign3A_2164 : i32
      %sign3A_2166 = arith.extui %sign3A_2165 : i1 to i32
      %sign3A_2167 = arith.subi %sign3A_2163, %sign3A_2166 : i32
      %sign3A_2168 = arith.constant 0 : i32
      %sign3A_2169 = arith.cmpi sgt, %jit3A_2159, %sign3A_2168 : i32
      %sign3A_2170 = arith.extui %sign3A_2169 : i1 to i32
      %sign3A_2171 = arith.constant 0 : i32
      %sign3A_2172 = arith.cmpi slt, %jit3A_2159, %sign3A_2171 : i32
      %sign3A_2173 = arith.extui %sign3A_2172 : i1 to i32
      %sign3A_2174 = arith.subi %sign3A_2170, %sign3A_2173 : i32
      %ne3A_2175 = arith.cmpi ne, %sign3A_2167, %sign3A_2174 : i32
      %rem3A_2176 = arith.remsi %squeeze3A_2156, %jit3A_2159 : i32
      %ne3A_2177 = arith.constant 0 : i32
      %ne3A_2178 = arith.cmpi ne, %rem3A_2176, %ne3A_2177 : i32
      %and3A_2179 = arith.andi %ne3A_2175, %ne3A_2178 : i1
      %sub3A_2180 = arith.constant 1 : i32
      %sub3A_2181 = arith.subi %div3A_2160, %sub3A_2180 : i32
      %select_n3A_2182 = arith.select %and3A_2179, %sub3A_2181, %div3A_2160 : i32
      %mul3A_2183 = arith.constant 128 : i32
      %mul3A_2184 = arith.muli %select_n3A_2182, %mul3A_2183 : i32
      %multiple_of3A_2185 = tpu.assume_multiple %mul3A_2184, 128 : i32
      %jit3A_2186 = arith.constant 128 : i32
      %div3A_2187 = arith.divsi %squeeze3A_2158, %jit3A_2186 : i32
      %sign3A_2188 = arith.constant 0 : i32
      %sign3A_2189 = arith.cmpi sgt, %squeeze3A_2158, %sign3A_2188 : i32
      %sign3A_2190 = arith.extui %sign3A_2189 : i1 to i32
      %sign3A_2191 = arith.constant 0 : i32
      %sign3A_2192 = arith.cmpi slt, %squeeze3A_2158, %sign3A_2191 : i32
      %sign3A_2193 = arith.extui %sign3A_2192 : i1 to i32
      %sign3A_2194 = arith.subi %sign3A_2190, %sign3A_2193 : i32
      %sign3A_2195 = arith.constant 0 : i32
      %sign3A_2196 = arith.cmpi sgt, %jit3A_2186, %sign3A_2195 : i32
      %sign3A_2197 = arith.extui %sign3A_2196 : i1 to i32
      %sign3A_2198 = arith.constant 0 : i32
      %sign3A_2199 = arith.cmpi slt, %jit3A_2186, %sign3A_2198 : i32
      %sign3A_2200 = arith.extui %sign3A_2199 : i1 to i32
      %sign3A_2201 = arith.subi %sign3A_2197, %sign3A_2200 : i32
      %ne3A_2202 = arith.cmpi ne, %sign3A_2194, %sign3A_2201 : i32
      %rem3A_2203 = arith.remsi %squeeze3A_2158, %jit3A_2186 : i32
      %ne3A_2204 = arith.constant 0 : i32
      %ne3A_2205 = arith.cmpi ne, %rem3A_2203, %ne3A_2204 : i32
      %and3A_2206 = arith.andi %ne3A_2202, %ne3A_2205 : i1
      %sub3A_2207 = arith.constant 1 : i32
      %sub3A_2208 = arith.subi %div3A_2187, %sub3A_2207 : i32
      %select_n3A_2209 = arith.select %and3A_2206, %sub3A_2208, %div3A_2187 : i32
      %mul3A_2210 = arith.constant 128 : i32
      %mul3A_2211 = arith.muli %select_n3A_2209, %mul3A_2210 : i32
      %multiple_of3A_2212 = tpu.assume_multiple %mul3A_2211, 128 : i32
      %dma_start3A_2213 = arith.constant 0 : i32
      %dma_start3A_2214 = arith.constant 0 : i32
      %dma_start3A_2215 = arith.constant 0 : i32
      %dma_start3A_2216 = tpu.memref_slice %arg13[%dma_start3A_2214, %dma_start3A_2215] : memref<16x2048xf32, #tpu.memory_space<vmem>> -> memref<16x128xf32, #tpu.memory_space<vmem>>
      %dma_start3A_2217 = arith.constant 0 : i32
      %dma_start3A_2218 = tpu.memref_slice %arg4[%dma_start3A_2217, %multiple_of3A_2185] : memref<16x1000000xf32, #tpu.memory_space<hbm>> -> memref<16x128xf32, #tpu.memory_space<hbm>>
      %dma_start3A_2219 = tpu.memref_slice %arg20[%dma_start3A_2213] : memref<8x!tpu.dma_semaphore, #tpu.memory_space<semaphore_mem>> -> memref<1x!tpu.dma_semaphore, #tpu.memory_space<semaphore_mem>>
      %dma_start3A_2220 = tpu.memref_squeeze %dma_start3A_2219 : memref<1x!tpu.dma_semaphore, #tpu.memory_space<semaphore_mem>> -> memref<!tpu.dma_semaphore, #tpu.memory_space<semaphore_mem>>
      %dma_start3A_2221 = arith.constant 0 : i32
      %dma_start3A_2222 = arith.constant 0 : i32
      %dma_start3A_2223 = tpu.memref_slice %arg13[%dma_start3A_2221, %dma_start3A_2222] : memref<16x2048xf32, #tpu.memory_space<vmem>> -> memref<16x128xf32, #tpu.memory_space<vmem>>
      %dma_start3A_2224 = arith.constant 0 : i32
      %dma_start3A_2225 = tpu.memref_slice %arg4[%dma_start3A_2224, %multiple_of3A_2185] : memref<16x1000000xf32, #tpu.memory_space<hbm>> -> memref<16x128xf32, #tpu.memory_space<hbm>>
      tpu.enqueue_dma source(%dma_start3A_2225 : memref<16x128xf32, #tpu.memory_space<hbm>>) target(%dma_start3A_2223 : memref<16x128xf32, #tpu.memory_space<vmem>>) target_semaphore(%dma_start3A_2220 : memref<!tpu.dma_semaphore, #tpu.memory_space<semaphore_mem>>)
      %dma_start3A_2226 = arith.constant 0 : i32
      %dma_start3A_2227 = arith.constant 0 : i32
      %dma_start3A_2228 = arith.constant 128 : i32
      %dma_start3A_2229 = tpu.memref_slice %arg13[%dma_start3A_2227, %dma_start3A_2228] : memref<16x2048xf32, #tpu.memory_space<vmem>> -> memref<16x128xf32, #tpu.memory_space<vmem>>
      %dma_start3A_2230 = arith.constant 0 : i32
      %dma_start3A_2231 = tpu.memref_slice %arg5[%dma_start3A_2230, %multiple_of3A_2212] : memref<16x1000000xf32, #tpu.memory_space<hbm>> -> memref<16x128xf32, #tpu.memory_space<hbm>>
      %dma_start3A_2232 = tpu.memref_slice %arg20[%dma_start3A_2226] : memref<8x!tpu.dma_semaphore, #tpu.memory_space<semaphore_mem>> -> memref<1x!tpu.dma_semaphore, #tpu.memory_space<semaphore_mem>>
      %dma_start3A_2233 = tpu.memref_squeeze %dma_start3A_2232 : memref<1x!tpu.dma_semaphore, #tpu.memory_space<semaphore_mem>> -> memref<!tpu.dma_semaphore, #tpu.memory_space<semaphore_mem>>
      %dma_start3A_2234 = arith.constant 0 : i32
      %dma_start3A_2235 = arith.constant 128 : i32
      %dma_start3A_2236 = tpu.memref_slice %arg13[%dma_start3A_2234, %dma_start3A_2235] : memref<16x2048xf32, #tpu.memory_space<vmem>> -> memref<16x128xf32, #tpu.memory_space<vmem>>
      %dma_start3A_2237 = arith.constant 0 : i32
      %dma_start3A_2238 = tpu.memref_slice %arg5[%dma_start3A_2237, %multiple_of3A_2212] : memref<16x1000000xf32, #tpu.memory_space<hbm>> -> memref<16x128xf32, #tpu.memory_space<hbm>>
      tpu.enqueue_dma source(%dma_start3A_2238 : memref<16x128xf32, #tpu.memory_space<hbm>>) target(%dma_start3A_2236 : memref<16x128xf32, #tpu.memory_space<vmem>>) target_semaphore(%dma_start3A_2233 : memref<!tpu.dma_semaphore, #tpu.memory_space<semaphore_mem>>)
      %dma_wait3A_2239 = arith.constant 1 : i32
      %dma_wait3A_2240 = arith.constant 0 : i32
      %dma_wait3A_2241 = arith.constant 256 : i32
      %dma_wait3A_2242 = tpu.memref_slice %arg13[%dma_wait3A_2240, %dma_wait3A_2241] : memref<16x2048xf32, #tpu.memory_space<vmem>> -> memref<16x256xf32, #tpu.memory_space<vmem>>
      %dma_wait3A_2243 = arith.constant 0 : i32
      %dma_wait3A_2244 = arith.constant 0 : i32
      %dma_wait3A_2245 = tpu.memref_slice %arg4[%dma_wait3A_2243, %dma_wait3A_2244] : memref<16x1000000xf32, #tpu.memory_space<hbm>> -> memref<16x256xf32, #tpu.memory_space<hbm>>
      %dma_wait3A_2246 = tpu.memref_slice %arg20[%dma_wait3A_2239] : memref<8x!tpu.dma_semaphore, #tpu.memory_space<semaphore_mem>> -> memref<1x!tpu.dma_semaphore, #tpu.memory_space<semaphore_mem>>
      %dma_wait3A_2247 = tpu.memref_squeeze %dma_wait3A_2246 : memref<1x!tpu.dma_semaphore, #tpu.memory_space<semaphore_mem>> -> memref<!tpu.dma_semaphore, #tpu.memory_space<semaphore_mem>>
      %dma_wait3A_2248 = arith.constant 0 : i32
      %dma_wait3A_2249 = arith.constant 256 : i32
      %dma_wait3A_2250 = tpu.memref_slice %arg13[%dma_wait3A_2248, %dma_wait3A_2249] : memref<16x2048xf32, #tpu.memory_space<vmem>> -> memref<16x256xf32, #tpu.memory_space<vmem>>
      %dma_wait3A_2251 = arith.constant 0 : i32
      %dma_wait3A_2252 = arith.constant 0 : i32
      %dma_wait3A_2253 = tpu.memref_slice %arg4[%dma_wait3A_2251, %dma_wait3A_2252] : memref<16x1000000xf32, #tpu.memory_space<hbm>> -> memref<16x256xf32, #tpu.memory_space<hbm>>
      tpu.wait_dma2 semaphore(%dma_wait3A_2247 : memref<!tpu.dma_semaphore, #tpu.memory_space<semaphore_mem>>) src(%dma_wait3A_2253 : memref<16x256xf32, #tpu.memory_space<hbm>>) dst(%dma_wait3A_2250 : memref<16x256xf32, #tpu.memory_space<vmem>>)
      %broadcast_in_dim3A_2254 = arith.constant 256 : i32
      %broadcast_in_dim3A_2255 = vector.broadcast %broadcast_in_dim3A_2254 : i32 to vector<16xi32>
      %slice3A_2256 = vector.extract_strided_slice %get3A_898 {offsets = [9], sizes = [1], strides = [1]} : vector<16xi32> to vector<1xi32>
      %squeeze3A_2257 = vector.extract %slice3A_2256[0] : i32 from vector<1xi32>
      %jit3A_2258 = arith.constant 128 : i32
      %eq3A_2259 = arith.constant 0 : i32
      %eq3A_2260 = arith.cmpi eq, %jit3A_2258, %eq3A_2259 : i32
      %jit3A_2261 = arith.constant 1 : i32
      %select_n3A_2262 = arith.select %eq3A_2260, %jit3A_2261, %jit3A_2258 : i32
      %rem3A_2263 = arith.remsi %squeeze3A_2257, %select_n3A_2262 : i32
      %ne3A_2264 = arith.constant 0 : i32
      %ne3A_2265 = arith.cmpi ne, %rem3A_2263, %ne3A_2264 : i32
      %lt3A_2266 = arith.constant 0 : i32
      %lt3A_2267 = arith.cmpi slt, %rem3A_2263, %lt3A_2266 : i32
      %lt3A_2268 = arith.constant 0 : i32
      %lt3A_2269 = arith.cmpi slt, %select_n3A_2262, %lt3A_2268 : i32
      %ne3A_2270 = arith.xori %lt3A_2267, %lt3A_2269 : i1
      %and3A_2271 = arith.andi %ne3A_2270, %ne3A_2265 : i1
      %add3A_2272 = arith.addi %rem3A_2263, %select_n3A_2262 : i32
      %select_n3A_2273 = arith.select %and3A_2271, %add3A_2272, %rem3A_2263 : i32
      %add3A_2274 = vector.broadcast %select_n3A_2273 : i32 to vector<16xi32>
      %add3A_2275 = arith.addi %broadcast_in_dim3A_2255, %add3A_2274 : vector<16xi32>
      %broadcast_in_dim3A_2276 = arith.constant 384 : i32
      %broadcast_in_dim3A_2277 = vector.broadcast %broadcast_in_dim3A_2276 : i32 to vector<16xi32>
      %slice3A_2278 = vector.extract_strided_slice %get3A_902 {offsets = [9], sizes = [1], strides = [1]} : vector<16xi32> to vector<1xi32>
      %squeeze3A_2279 = vector.extract %slice3A_2278[0] : i32 from vector<1xi32>
      %jit3A_2280 = arith.constant 128 : i32
      %eq3A_2281 = arith.constant 0 : i32
      %eq3A_2282 = arith.cmpi eq, %jit3A_2280, %eq3A_2281 : i32
      %jit3A_2283 = arith.constant 1 : i32
      %select_n3A_2284 = arith.select %eq3A_2282, %jit3A_2283, %jit3A_2280 : i32
      %rem3A_2285 = arith.remsi %squeeze3A_2279, %select_n3A_2284 : i32
      %ne3A_2286 = arith.constant 0 : i32
      %ne3A_2287 = arith.cmpi ne, %rem3A_2285, %ne3A_2286 : i32
      %lt3A_2288 = arith.constant 0 : i32
      %lt3A_2289 = arith.cmpi slt, %rem3A_2285, %lt3A_2288 : i32
      %lt3A_2290 = arith.constant 0 : i32
      %lt3A_2291 = arith.cmpi slt, %select_n3A_2284, %lt3A_2290 : i32
      %ne3A_2292 = arith.xori %lt3A_2289, %lt3A_2291 : i1
      %and3A_2293 = arith.andi %ne3A_2292, %ne3A_2287 : i1
      %add3A_2294 = arith.addi %rem3A_2285, %select_n3A_2284 : i32
      %select_n3A_2295 = arith.select %and3A_2293, %add3A_2294, %rem3A_2285 : i32
      %add3A_2296 = vector.broadcast %select_n3A_2295 : i32 to vector<16xi32>
      %add3A_2297 = arith.addi %broadcast_in_dim3A_2277, %add3A_2296 : vector<16xi32>
      %gather3A_2298 = tpu.vector_load_idx %arg13[%iota3A, %add3A_2275] : memref<16x2048xf32, #tpu.memory_space<vmem>>[vector<16xi32>, vector<16xi32>], vector<16xf32>,
      %gather3A_2299 = tpu.vector_load_idx %arg13[%iota3A, %add3A_2297] : memref<16x2048xf32, #tpu.memory_space<vmem>>[vector<16xi32>, vector<16xi32>], vector<16xf32>,
      %mul3A_2300 = arith.mulf %gather3A_2298, %gather3A_2299 : vector<16xf32>
      %swap3A_2301 = arith.constant 144 : index
      %swap3A_2302 = tpu.vector_load %arg14[%swap3A_2301] {strides = array<i32>} : memref<256xf32, #tpu.memory_space<vmem>>, vector<16xf32>,
      tpu.vector_store %arg14[%swap3A_2301], %mul3A_2300 {strides = array<i32>} : memref<256xf32, #tpu.memory_space<vmem>>, vector<16xf32>,
      %slice3A_2303 = vector.extract_strided_slice %get3A_909 {offsets = [1], sizes = [1], strides = [1]} : vector<16xi32> to vector<1xi32>
      %squeeze3A_2304 = vector.extract %slice3A_2303[0] : i32 from vector<1xi32>
      %slice3A_2305 = vector.extract_strided_slice %get3A_911 {offsets = [1], sizes = [1], strides = [1]} : vector<16xi32> to vector<1xi32>
      %squeeze3A_2306 = vector.extract %slice3A_2305[0] : i32 from vector<1xi32>
      %jit3A_2307 = arith.constant 128 : i32
      %div3A_2308 = arith.divsi %squeeze3A_2304, %jit3A_2307 : i32
      %sign3A_2309 = arith.constant 0 : i32
      %sign3A_2310 = arith.cmpi sgt, %squeeze3A_2304, %sign3A_2309 : i32
      %sign3A_2311 = arith.extui %sign3A_2310 : i1 to i32
      %sign3A_2312 = arith.constant 0 : i32
      %sign3A_2313 = arith.cmpi slt, %squeeze3A_2304, %sign3A_2312 : i32
      %sign3A_2314 = arith.extui %sign3A_2313 : i1 to i32
      %sign3A_2315 = arith.subi %sign3A_2311, %sign3A_2314 : i32
      %sign3A_2316 = arith.constant 0 : i32
      %sign3A_2317 = arith.cmpi sgt, %jit3A_2307, %sign3A_2316 : i32
      %sign3A_2318 = arith.extui %sign3A_2317 : i1 to i32
      %sign3A_2319 = arith.constant 0 : i32
      %sign3A_2320 = arith.cmpi slt, %jit3A_2307, %sign3A_2319 : i32
      %sign3A_2321 = arith.extui %sign3A_2320 : i1 to i32
      %sign3A_2322 = arith.subi %sign3A_2318, %sign3A_2321 : i32
      %ne3A_2323 = arith.cmpi ne, %sign3A_2315, %sign3A_2322 : i32
      %rem3A_2324 = arith.remsi %squeeze3A_2304, %jit3A_2307 : i32
      %ne3A_2325 = arith.constant 0 : i32
      %ne3A_2326 = arith.cmpi ne, %rem3A_2324, %ne3A_2325 : i32
      %and3A_2327 = arith.andi %ne3A_2323, %ne3A_2326 : i1
      %sub3A_2328 = arith.constant 1 : i32
      %sub3A_2329 = arith.subi %div3A_2308, %sub3A_2328 : i32
      %select_n3A_2330 = arith.select %and3A_2327, %sub3A_2329, %div3A_2308 : i32
      %mul3A_2331 = arith.constant 128 : i32
      %mul3A_2332 = arith.muli %select_n3A_2330, %mul3A_2331 : i32
      %multiple_of3A_2333 = tpu.assume_multiple %mul3A_2332, 128 : i32
      %jit3A_2334 = arith.constant 128 : i32
      %div3A_2335 = arith.divsi %squeeze3A_2306, %jit3A_2334 : i32
      %sign3A_2336 = arith.constant 0 : i32
      %sign3A_2337 = arith.cmpi sgt, %squeeze3A_2306, %sign3A_2336 : i32
      %sign3A_2338 = arith.extui %sign3A_2337 : i1 to i32
      %sign3A_2339 = arith.constant 0 : i32
      %sign3A_2340 = arith.cmpi slt, %squeeze3A_2306, %sign3A_2339 : i32
      %sign3A_2341 = arith.extui %sign3A_2340 : i1 to i32
      %sign3A_2342 = arith.subi %sign3A_2338, %sign3A_2341 : i32
      %sign3A_2343 = arith.constant 0 : i32
      %sign3A_2344 = arith.cmpi sgt, %jit3A_2334, %sign3A_2343 : i32
      %sign3A_2345 = arith.extui %sign3A_2344 : i1 to i32
      %sign3A_2346 = arith.constant 0 : i32
      %sign3A_2347 = arith.cmpi slt, %jit3A_2334, %sign3A_2346 : i32
      %sign3A_2348 = arith.extui %sign3A_2347 : i1 to i32
      %sign3A_2349 = arith.subi %sign3A_2345, %sign3A_2348 : i32
      %ne3A_2350 = arith.cmpi ne, %sign3A_2342, %sign3A_2349 : i32
      %rem3A_2351 = arith.remsi %squeeze3A_2306, %jit3A_2334 : i32
      %ne3A_2352 = arith.constant 0 : i32
      %ne3A_2353 = arith.cmpi ne, %rem3A_2351, %ne3A_2352 : i32
      %and3A_2354 = arith.andi %ne3A_2350, %ne3A_2353 : i1
      %sub3A_2355 = arith.constant 1 : i32
      %sub3A_2356 = arith.subi %div3A_2335, %sub3A_2355 : i32
      %select_n3A_2357 = arith.select %and3A_2354, %sub3A_2356, %div3A_2335 : i32
      %mul3A_2358 = arith.constant 128 : i32
      %mul3A_2359 = arith.muli %select_n3A_2357, %mul3A_2358 : i32
      %multiple_of3A_2360 = tpu.assume_multiple %mul3A_2359, 128 : i32
      %dma_start3A_2361 = arith.constant 1 : i32
      %dma_start3A_2362 = arith.constant 0 : i32
      %dma_start3A_2363 = arith.constant 256 : i32
      %dma_start3A_2364 = tpu.memref_slice %arg13[%dma_start3A_2362, %dma_start3A_2363] : memref<16x2048xf32, #tpu.memory_space<vmem>> -> memref<16x128xf32, #tpu.memory_space<vmem>>
      %dma_start3A_2365 = arith.constant 0 : i32
      %dma_start3A_2366 = tpu.memref_slice %arg4[%dma_start3A_2365, %multiple_of3A_2333] : memref<16x1000000xf32, #tpu.memory_space<hbm>> -> memref<16x128xf32, #tpu.memory_space<hbm>>
      %dma_start3A_2367 = tpu.memref_slice %arg20[%dma_start3A_2361] : memref<8x!tpu.dma_semaphore, #tpu.memory_space<semaphore_mem>> -> memref<1x!tpu.dma_semaphore, #tpu.memory_space<semaphore_mem>>
      %dma_start3A_2368 = tpu.memref_squeeze %dma_start3A_2367 : memref<1x!tpu.dma_semaphore, #tpu.memory_space<semaphore_mem>> -> memref<!tpu.dma_semaphore, #tpu.memory_space<semaphore_mem>>
      %dma_start3A_2369 = arith.constant 0 : i32
      %dma_start3A_2370 = arith.constant 256 : i32
      %dma_start3A_2371 = tpu.memref_slice %arg13[%dma_start3A_2369, %dma_start3A_2370] : memref<16x2048xf32, #tpu.memory_space<vmem>> -> memref<16x128xf32, #tpu.memory_space<vmem>>
      %dma_start3A_2372 = arith.constant 0 : i32
      %dma_start3A_2373 = tpu.memref_slice %arg4[%dma_start3A_2372, %multiple_of3A_2333] : memref<16x1000000xf32, #tpu.memory_space<hbm>> -> memref<16x128xf32, #tpu.memory_space<hbm>>
      tpu.enqueue_dma source(%dma_start3A_2373 : memref<16x128xf32, #tpu.memory_space<hbm>>) target(%dma_start3A_2371 : memref<16x128xf32, #tpu.memory_space<vmem>>) target_semaphore(%dma_start3A_2368 : memref<!tpu.dma_semaphore, #tpu.memory_space<semaphore_mem>>)
      %dma_start3A_2374 = arith.constant 1 : i32
      %dma_start3A_2375 = arith.constant 0 : i32
      %dma_start3A_2376 = arith.constant 384 : i32
      %dma_start3A_2377 = tpu.memref_slice %arg13[%dma_start3A_2375, %dma_start3A_2376] : memref<16x2048xf32, #tpu.memory_space<vmem>> -> memref<16x128xf32, #tpu.memory_space<vmem>>
      %dma_start3A_2378 = arith.constant 0 : i32
      %dma_start3A_2379 = tpu.memref_slice %arg5[%dma_start3A_2378, %multiple_of3A_2360] : memref<16x1000000xf32, #tpu.memory_space<hbm>> -> memref<16x128xf32, #tpu.memory_space<hbm>>
      %dma_start3A_2380 = tpu.memref_slice %arg20[%dma_start3A_2374] : memref<8x!tpu.dma_semaphore, #tpu.memory_space<semaphore_mem>> -> memref<1x!tpu.dma_semaphore, #tpu.memory_space<semaphore_mem>>
      %dma_start3A_2381 = tpu.memref_squeeze %dma_start3A_2380 : memref<1x!tpu.dma_semaphore, #tpu.memory_space<semaphore_mem>> -> memref<!tpu.dma_semaphore, #tpu.memory_space<semaphore_mem>>
      %dma_start3A_2382 = arith.constant 0 : i32
      %dma_start3A_2383 = arith.constant 384 : i32
      %dma_start3A_2384 = tpu.memref_slice %arg13[%dma_start3A_2382, %dma_start3A_2383] : memref<16x2048xf32, #tpu.memory_space<vmem>> -> memref<16x128xf32, #tpu.memory_space<vmem>>
      %dma_start3A_2385 = arith.constant 0 : i32
      %dma_start3A_2386 = tpu.memref_slice %arg5[%dma_start3A_2385, %multiple_of3A_2360] : memref<16x1000000xf32, #tpu.memory_space<hbm>> -> memref<16x128xf32, #tpu.memory_space<hbm>>
      tpu.enqueue_dma source(%dma_start3A_2386 : memref<16x128xf32, #tpu.memory_space<hbm>>) target(%dma_start3A_2384 : memref<16x128xf32, #tpu.memory_space<vmem>>) target_semaphore(%dma_start3A_2381 : memref<!tpu.dma_semaphore, #tpu.memory_space<semaphore_mem>>)
      %dma_wait3A_2387 = arith.constant 2 : i32
      %dma_wait3A_2388 = arith.constant 0 : i32
      %dma_wait3A_2389 = arith.constant 512 : i32
      %dma_wait3A_2390 = tpu.memref_slice %arg13[%dma_wait3A_2388, %dma_wait3A_2389] : memref<16x2048xf32, #tpu.memory_space<vmem>> -> memref<16x256xf32, #tpu.memory_space<vmem>>
      %dma_wait3A_2391 = arith.constant 0 : i32
      %dma_wait3A_2392 = arith.constant 0 : i32
      %dma_wait3A_2393 = tpu.memref_slice %arg4[%dma_wait3A_2391, %dma_wait3A_2392] : memref<16x1000000xf32, #tpu.memory_space<hbm>> -> memref<16x256xf32, #tpu.memory_space<hbm>>
      %dma_wait3A_2394 = tpu.memref_slice %arg20[%dma_wait3A_2387] : memref<8x!tpu.dma_semaphore, #tpu.memory_space<semaphore_mem>> -> memref<1x!tpu.dma_semaphore, #tpu.memory_space<semaphore_mem>>
      %dma_wait3A_2395 = tpu.memref_squeeze %dma_wait3A_2394 : memref<1x!tpu.dma_semaphore, #tpu.memory_space<semaphore_mem>> -> memref<!tpu.dma_semaphore, #tpu.memory_space<semaphore_mem>>
      %dma_wait3A_2396 = arith.constant 0 : i32
      %dma_wait3A_2397 = arith.constant 512 : i32
      %dma_wait3A_2398 = tpu.memref_slice %arg13[%dma_wait3A_2396, %dma_wait3A_2397] : memref<16x2048xf32, #tpu.memory_space<vmem>> -> memref<16x256xf32, #tpu.memory_space<vmem>>
      %dma_wait3A_2399 = arith.constant 0 : i32
      %dma_wait3A_2400 = arith.constant 0 : i32
      %dma_wait3A_2401 = tpu.memref_slice %arg4[%dma_wait3A_2399, %dma_wait3A_2400] : memref<16x1000000xf32, #tpu.memory_space<hbm>> -> memref<16x256xf32, #tpu.memory_space<hbm>>
      tpu.wait_dma2 semaphore(%dma_wait3A_2395 : memref<!tpu.dma_semaphore, #tpu.memory_space<semaphore_mem>>) src(%dma_wait3A_2401 : memref<16x256xf32, #tpu.memory_space<hbm>>) dst(%dma_wait3A_2398 : memref<16x256xf32, #tpu.memory_space<vmem>>)
      %broadcast_in_dim3A_2402 = arith.constant 512 : i32
      %broadcast_in_dim3A_2403 = vector.broadcast %broadcast_in_dim3A_2402 : i32 to vector<16xi32>
      %slice3A_2404 = vector.extract_strided_slice %get3A_898 {offsets = [10], sizes = [1], strides = [1]} : vector<16xi32> to vector<1xi32>
      %squeeze3A_2405 = vector.extract %slice3A_2404[0] : i32 from vector<1xi32>
      %jit3A_2406 = arith.constant 128 : i32
      %eq3A_2407 = arith.constant 0 : i32
      %eq3A_2408 = arith.cmpi eq, %jit3A_2406, %eq3A_2407 : i32
      %jit3A_2409 = arith.constant 1 : i32
      %select_n3A_2410 = arith.select %eq3A_2408, %jit3A_2409, %jit3A_2406 : i32
      %rem3A_2411 = arith.remsi %squeeze3A_2405, %select_n3A_2410 : i32
      %ne3A_2412 = arith.constant 0 : i32
      %ne3A_2413 = arith.cmpi ne, %rem3A_2411, %ne3A_2412 : i32
      %lt3A_2414 = arith.constant 0 : i32
      %lt3A_2415 = arith.cmpi slt, %rem3A_2411, %lt3A_2414 : i32
      %lt3A_2416 = arith.constant 0 : i32
      %lt3A_2417 = arith.cmpi slt, %select_n3A_2410, %lt3A_2416 : i32
      %ne3A_2418 = arith.xori %lt3A_2415, %lt3A_2417 : i1
      %and3A_2419 = arith.andi %ne3A_2418, %ne3A_2413 : i1
      %add3A_2420 = arith.addi %rem3A_2411, %select_n3A_2410 : i32
      %select_n3A_2421 = arith.select %and3A_2419, %add3A_2420, %rem3A_2411 : i32
      %add3A_2422 = vector.broadcast %select_n3A_2421 : i32 to vector<16xi32>
      %add3A_2423 = arith.addi %broadcast_in_dim3A_2403, %add3A_2422 : vector<16xi32>
      %broadcast_in_dim3A_2424 = arith.constant 640 : i32
      %broadcast_in_dim3A_2425 = vector.broadcast %broadcast_in_dim3A_2424 : i32 to vector<16xi32>
      %slice3A_2426 = vector.extract_strided_slice %get3A_902 {offsets = [10], sizes = [1], strides = [1]} : vector<16xi32> to vector<1xi32>
      %squeeze3A_2427 = vector.extract %slice3A_2426[0] : i32 from vector<1xi32>
      %jit3A_2428 = arith.constant 128 : i32
      %eq3A_2429 = arith.constant 0 : i32
      %eq3A_2430 = arith.cmpi eq, %jit3A_2428, %eq3A_2429 : i32
      %jit3A_2431 = arith.constant 1 : i32
      %select_n3A_2432 = arith.select %eq3A_2430, %jit3A_2431, %jit3A_2428 : i32
      %rem3A_2433 = arith.remsi %squeeze3A_2427, %select_n3A_2432 : i32
      %ne3A_2434 = arith.constant 0 : i32
      %ne3A_2435 = arith.cmpi ne, %rem3A_2433, %ne3A_2434 : i32
      %lt3A_2436 = arith.constant 0 : i32
      %lt3A_2437 = arith.cmpi slt, %rem3A_2433, %lt3A_2436 : i32
      %lt3A_2438 = arith.constant 0 : i32
      %lt3A_2439 = arith.cmpi slt, %select_n3A_2432, %lt3A_2438 : i32
      %ne3A_2440 = arith.xori %lt3A_2437, %lt3A_2439 : i1
      %and3A_2441 = arith.andi %ne3A_2440, %ne3A_2435 : i1
      %add3A_2442 = arith.addi %rem3A_2433, %select_n3A_2432 : i32
      %select_n3A_2443 = arith.select %and3A_2441, %add3A_2442, %rem3A_2433 : i32
      %add3A_2444 = vector.broadcast %select_n3A_2443 : i32 to vector<16xi32>
      %add3A_2445 = arith.addi %broadcast_in_dim3A_2425, %add3A_2444 : vector<16xi32>
      %gather3A_2446 = tpu.vector_load_idx %arg13[%iota3A, %add3A_2423] : memref<16x2048xf32, #tpu.memory_space<vmem>>[vector<16xi32>, vector<16xi32>], vector<16xf32>,
      %gather3A_2447 = tpu.vector_load_idx %arg13[%iota3A, %add3A_2445] : memref<16x2048xf32, #tpu.memory_space<vmem>>[vector<16xi32>, vector<16xi32>], vector<16xf32>,
      %mul3A_2448 = arith.mulf %gather3A_2446, %gather3A_2447 : vector<16xf32>
      %swap3A_2449 = arith.constant 160 : index
      %swap3A_2450 = tpu.vector_load %arg14[%swap3A_2449] {strides = array<i32>} : memref<256xf32, #tpu.memory_space<vmem>>, vector<16xf32>,
      tpu.vector_store %arg14[%swap3A_2449], %mul3A_2448 {strides = array<i32>} : memref<256xf32, #tpu.memory_space<vmem>>, vector<16xf32>,
      %slice3A_2451 = vector.extract_strided_slice %get3A_909 {offsets = [2], sizes = [1], strides = [1]} : vector<16xi32> to vector<1xi32>
      %squeeze3A_2452 = vector.extract %slice3A_2451[0] : i32 from vector<1xi32>
      %slice3A_2453 = vector.extract_strided_slice %get3A_911 {offsets = [2], sizes = [1], strides = [1]} : vector<16xi32> to vector<1xi32>
      %squeeze3A_2454 = vector.extract %slice3A_2453[0] : i32 from vector<1xi32>
      %jit3A_2455 = arith.constant 128 : i32
      %div3A_2456 = arith.divsi %squeeze3A_2452, %jit3A_2455 : i32
      %sign3A_2457 = arith.constant 0 : i32
      %sign3A_2458 = arith.cmpi sgt, %squeeze3A_2452, %sign3A_2457 : i32
      %sign3A_2459 = arith.extui %sign3A_2458 : i1 to i32
      %sign3A_2460 = arith.constant 0 : i32
      %sign3A_2461 = arith.cmpi slt, %squeeze3A_2452, %sign3A_2460 : i32
      %sign3A_2462 = arith.extui %sign3A_2461 : i1 to i32
      %sign3A_2463 = arith.subi %sign3A_2459, %sign3A_2462 : i32
      %sign3A_2464 = arith.constant 0 : i32
      %sign3A_2465 = arith.cmpi sgt, %jit3A_2455, %sign3A_2464 : i32
      %sign3A_2466 = arith.extui %sign3A_2465 : i1 to i32
      %sign3A_2467 = arith.constant 0 : i32
      %sign3A_2468 = arith.cmpi slt, %jit3A_2455, %sign3A_2467 : i32
      %sign3A_2469 = arith.extui %sign3A_2468 : i1 to i32
      %sign3A_2470 = arith.subi %sign3A_2466, %sign3A_2469 : i32
      %ne3A_2471 = arith.cmpi ne, %sign3A_2463, %sign3A_2470 : i32
      %rem3A_2472 = arith.remsi %squeeze3A_2452, %jit3A_2455 : i32
      %ne3A_2473 = arith.constant 0 : i32
      %ne3A_2474 = arith.cmpi ne, %rem3A_2472, %ne3A_2473 : i32
      %and3A_2475 = arith.andi %ne3A_2471, %ne3A_2474 : i1
      %sub3A_2476 = arith.constant 1 : i32
      %sub3A_2477 = arith.subi %div3A_2456, %sub3A_2476 : i32
      %select_n3A_2478 = arith.select %and3A_2475, %sub3A_2477, %div3A_2456 : i32
      %mul3A_2479 = arith.constant 128 : i32
      %mul3A_2480 = arith.muli %select_n3A_2478, %mul3A_2479 : i32
      %multiple_of3A_2481 = tpu.assume_multiple %mul3A_2480, 128 : i32
      %jit3A_2482 = arith.constant 128 : i32
      %div3A_2483 = arith.divsi %squeeze3A_2454, %jit3A_2482 : i32
      %sign3A_2484 = arith.constant 0 : i32
      %sign3A_2485 = arith.cmpi sgt, %squeeze3A_2454, %sign3A_2484 : i32
      %sign3A_2486 = arith.extui %sign3A_2485 : i1 to i32
      %sign3A_2487 = arith.constant 0 : i32
      %sign3A_2488 = arith.cmpi slt, %squeeze3A_2454, %sign3A_2487 : i32
      %sign3A_2489 = arith.extui %sign3A_2488 : i1 to i32
      %sign3A_2490 = arith.subi %sign3A_2486, %sign3A_2489 : i32
      %sign3A_2491 = arith.constant 0 : i32
      %sign3A_2492 = arith.cmpi sgt, %jit3A_2482, %sign3A_2491 : i32
      %sign3A_2493 = arith.extui %sign3A_2492 : i1 to i32
      %sign3A_2494 = arith.constant 0 : i32
      %sign3A_2495 = arith.cmpi slt, %jit3A_2482, %sign3A_2494 : i32
      %sign3A_2496 = arith.extui %sign3A_2495 : i1 to i32
      %sign3A_2497 = arith.subi %sign3A_2493, %sign3A_2496 : i32
      %ne3A_2498 = arith.cmpi ne, %sign3A_2490, %sign3A_2497 : i32
      %rem3A_2499 = arith.remsi %squeeze3A_2454, %jit3A_2482 : i32
      %ne3A_2500 = arith.constant 0 : i32
      %ne3A_2501 = arith.cmpi ne, %rem3A_2499, %ne3A_2500 : i32
      %and3A_2502 = arith.andi %ne3A_2498, %ne3A_2501 : i1
      %sub3A_2503 = arith.constant 1 : i32
      %sub3A_2504 = arith.subi %div3A_2483, %sub3A_2503 : i32
      %select_n3A_2505 = arith.select %and3A_2502, %sub3A_2504, %div3A_2483 : i32
      %mul3A_2506 = arith.constant 128 : i32
      %mul3A_2507 = arith.muli %select_n3A_2505, %mul3A_2506 : i32
      %multiple_of3A_2508 = tpu.assume_multiple %mul3A_2507, 128 : i32
      %dma_start3A_2509 = arith.constant 2 : i32
      %dma_start3A_2510 = arith.constant 0 : i32
      %dma_start3A_2511 = arith.constant 512 : i32
      %dma_start3A_2512 = tpu.memref_slice %arg13[%dma_start3A_2510, %dma_start3A_2511] : memref<16x2048xf32, #tpu.memory_space<vmem>> -> memref<16x128xf32, #tpu.memory_space<vmem>>
      %dma_start3A_2513 = arith.constant 0 : i32
      %dma_start3A_2514 = tpu.memref_slice %arg4[%dma_start3A_2513, %multiple_of3A_2481] : memref<16x1000000xf32, #tpu.memory_space<hbm>> -> memref<16x128xf32, #tpu.memory_space<hbm>>
      %dma_start3A_2515 = tpu.memref_slice %arg20[%dma_start3A_2509] : memref<8x!tpu.dma_semaphore, #tpu.memory_space<semaphore_mem>> -> memref<1x!tpu.dma_semaphore, #tpu.memory_space<semaphore_mem>>
      %dma_start3A_2516 = tpu.memref_squeeze %dma_start3A_2515 : memref<1x!tpu.dma_semaphore, #tpu.memory_space<semaphore_mem>> -> memref<!tpu.dma_semaphore, #tpu.memory_space<semaphore_mem>>
      %dma_start3A_2517 = arith.constant 0 : i32
      %dma_start3A_2518 = arith.constant 512 : i32
      %dma_start3A_2519 = tpu.memref_slice %arg13[%dma_start3A_2517, %dma_start3A_2518] : memref<16x2048xf32, #tpu.memory_space<vmem>> -> memref<16x128xf32, #tpu.memory_space<vmem>>
      %dma_start3A_2520 = arith.constant 0 : i32
      %dma_start3A_2521 = tpu.memref_slice %arg4[%dma_start3A_2520, %multiple_of3A_2481] : memref<16x1000000xf32, #tpu.memory_space<hbm>> -> memref<16x128xf32, #tpu.memory_space<hbm>>
      tpu.enqueue_dma source(%dma_start3A_2521 : memref<16x128xf32, #tpu.memory_space<hbm>>) target(%dma_start3A_2519 : memref<16x128xf32, #tpu.memory_space<vmem>>) target_semaphore(%dma_start3A_2516 : memref<!tpu.dma_semaphore, #tpu.memory_space<semaphore_mem>>)
      %dma_start3A_2522 = arith.constant 2 : i32
      %dma_start3A_2523 = arith.constant 0 : i32
      %dma_start3A_2524 = arith.constant 640 : i32
      %dma_start3A_2525 = tpu.memref_slice %arg13[%dma_start3A_2523, %dma_start3A_2524] : memref<16x2048xf32, #tpu.memory_space<vmem>> -> memref<16x128xf32, #tpu.memory_space<vmem>>
      %dma_start3A_2526 = arith.constant 0 : i32
      %dma_start3A_2527 = tpu.memref_slice %arg5[%dma_start3A_2526, %multiple_of3A_2508] : memref<16x1000000xf32, #tpu.memory_space<hbm>> -> memref<16x128xf32, #tpu.memory_space<hbm>>
      %dma_start3A_2528 = tpu.memref_slice %arg20[%dma_start3A_2522] : memref<8x!tpu.dma_semaphore, #tpu.memory_space<semaphore_mem>> -> memref<1x!tpu.dma_semaphore, #tpu.memory_space<semaphore_mem>>
      %dma_start3A_2529 = tpu.memref_squeeze %dma_start3A_2528 : memref<1x!tpu.dma_semaphore, #tpu.memory_space<semaphore_mem>> -> memref<!tpu.dma_semaphore, #tpu.memory_space<semaphore_mem>>
      %dma_start3A_2530 = arith.constant 0 : i32
      %dma_start3A_2531 = arith.constant 640 : i32
      %dma_start3A_2532 = tpu.memref_slice %arg13[%dma_start3A_2530, %dma_start3A_2531] : memref<16x2048xf32, #tpu.memory_space<vmem>> -> memref<16x128xf32, #tpu.memory_space<vmem>>
      %dma_start3A_2533 = arith.constant 0 : i32
      %dma_start3A_2534 = tpu.memref_slice %arg5[%dma_start3A_2533, %multiple_of3A_2508] : memref<16x1000000xf32, #tpu.memory_space<hbm>> -> memref<16x128xf32, #tpu.memory_space<hbm>>
      tpu.enqueue_dma source(%dma_start3A_2534 : memref<16x128xf32, #tpu.memory_space<hbm>>) target(%dma_start3A_2532 : memref<16x128xf32, #tpu.memory_space<vmem>>) target_semaphore(%dma_start3A_2529 : memref<!tpu.dma_semaphore, #tpu.memory_space<semaphore_mem>>)
      %dma_wait3A_2535 = arith.constant 3 : i32
      %dma_wait3A_2536 = arith.constant 0 : i32
      %dma_wait3A_2537 = arith.constant 768 : i32
      %dma_wait3A_2538 = tpu.memref_slice %arg13[%dma_wait3A_2536, %dma_wait3A_2537] : memref<16x2048xf32, #tpu.memory_space<vmem>> -> memref<16x256xf32, #tpu.memory_space<vmem>>
      %dma_wait3A_2539 = arith.constant 0 : i32
      %dma_wait3A_2540 = arith.constant 0 : i32
      %dma_wait3A_2541 = tpu.memref_slice %arg4[%dma_wait3A_2539, %dma_wait3A_2540] : memref<16x1000000xf32, #tpu.memory_space<hbm>> -> memref<16x256xf32, #tpu.memory_space<hbm>>
      %dma_wait3A_2542 = tpu.memref_slice %arg20[%dma_wait3A_2535] : memref<8x!tpu.dma_semaphore, #tpu.memory_space<semaphore_mem>> -> memref<1x!tpu.dma_semaphore, #tpu.memory_space<semaphore_mem>>
      %dma_wait3A_2543 = tpu.memref_squeeze %dma_wait3A_2542 : memref<1x!tpu.dma_semaphore, #tpu.memory_space<semaphore_mem>> -> memref<!tpu.dma_semaphore, #tpu.memory_space<semaphore_mem>>
      %dma_wait3A_2544 = arith.constant 0 : i32
      %dma_wait3A_2545 = arith.constant 768 : i32
      %dma_wait3A_2546 = tpu.memref_slice %arg13[%dma_wait3A_2544, %dma_wait3A_2545] : memref<16x2048xf32, #tpu.memory_space<vmem>> -> memref<16x256xf32, #tpu.memory_space<vmem>>
      %dma_wait3A_2547 = arith.constant 0 : i32
      %dma_wait3A_2548 = arith.constant 0 : i32
      %dma_wait3A_2549 = tpu.memref_slice %arg4[%dma_wait3A_2547, %dma_wait3A_2548] : memref<16x1000000xf32, #tpu.memory_space<hbm>> -> memref<16x256xf32, #tpu.memory_space<hbm>>
      tpu.wait_dma2 semaphore(%dma_wait3A_2543 : memref<!tpu.dma_semaphore, #tpu.memory_space<semaphore_mem>>) src(%dma_wait3A_2549 : memref<16x256xf32, #tpu.memory_space<hbm>>) dst(%dma_wait3A_2546 : memref<16x256xf32, #tpu.memory_space<vmem>>)
      %broadcast_in_dim3A_2550 = arith.constant 768 : i32
      %broadcast_in_dim3A_2551 = vector.broadcast %broadcast_in_dim3A_2550 : i32 to vector<16xi32>
      %slice3A_2552 = vector.extract_strided_slice %get3A_898 {offsets = [11], sizes = [1], strides = [1]} : vector<16xi32> to vector<1xi32>
      %squeeze3A_2553 = vector.extract %slice3A_2552[0] : i32 from vector<1xi32>
      %jit3A_2554 = arith.constant 128 : i32
      %eq3A_2555 = arith.constant 0 : i32
      %eq3A_2556 = arith.cmpi eq, %jit3A_2554, %eq3A_2555 : i32
      %jit3A_2557 = arith.constant 1 : i32
      %select_n3A_2558 = arith.select %eq3A_2556, %jit3A_2557, %jit3A_2554 : i32
      %rem3A_2559 = arith.remsi %squeeze3A_2553, %select_n3A_2558 : i32
      %ne3A_2560 = arith.constant 0 : i32
      %ne3A_2561 = arith.cmpi ne, %rem3A_2559, %ne3A_2560 : i32
      %lt3A_2562 = arith.constant 0 : i32
      %lt3A_2563 = arith.cmpi slt, %rem3A_2559, %lt3A_2562 : i32
      %lt3A_2564 = arith.constant 0 : i32
      %lt3A_2565 = arith.cmpi slt, %select_n3A_2558, %lt3A_2564 : i32
      %ne3A_2566 = arith.xori %lt3A_2563, %lt3A_2565 : i1
      %and3A_2567 = arith.andi %ne3A_2566, %ne3A_2561 : i1
      %add3A_2568 = arith.addi %rem3A_2559, %select_n3A_2558 : i32
      %select_n3A_2569 = arith.select %and3A_2567, %add3A_2568, %rem3A_2559 : i32
      %add3A_2570 = vector.broadcast %select_n3A_2569 : i32 to vector<16xi32>
      %add3A_2571 = arith.addi %broadcast_in_dim3A_2551, %add3A_2570 : vector<16xi32>
      %broadcast_in_dim3A_2572 = arith.constant 896 : i32
      %broadcast_in_dim3A_2573 = vector.broadcast %broadcast_in_dim3A_2572 : i32 to vector<16xi32>
      %slice3A_2574 = vector.extract_strided_slice %get3A_902 {offsets = [11], sizes = [1], strides = [1]} : vector<16xi32> to vector<1xi32>
      %squeeze3A_2575 = vector.extract %slice3A_2574[0] : i32 from vector<1xi32>
      %jit3A_2576 = arith.constant 128 : i32
      %eq3A_2577 = arith.constant 0 : i32
      %eq3A_2578 = arith.cmpi eq, %jit3A_2576, %eq3A_2577 : i32
      %jit3A_2579 = arith.constant 1 : i32
      %select_n3A_2580 = arith.select %eq3A_2578, %jit3A_2579, %jit3A_2576 : i32
      %rem3A_2581 = arith.remsi %squeeze3A_2575, %select_n3A_2580 : i32
      %ne3A_2582 = arith.constant 0 : i32
      %ne3A_2583 = arith.cmpi ne, %rem3A_2581, %ne3A_2582 : i32
      %lt3A_2584 = arith.constant 0 : i32
      %lt3A_2585 = arith.cmpi slt, %rem3A_2581, %lt3A_2584 : i32
      %lt3A_2586 = arith.constant 0 : i32
      %lt3A_2587 = arith.cmpi slt, %select_n3A_2580, %lt3A_2586 : i32
      %ne3A_2588 = arith.xori %lt3A_2585, %lt3A_2587 : i1
      %and3A_2589 = arith.andi %ne3A_2588, %ne3A_2583 : i1
      %add3A_2590 = arith.addi %rem3A_2581, %select_n3A_2580 : i32
      %select_n3A_2591 = arith.select %and3A_2589, %add3A_2590, %rem3A_2581 : i32
      %add3A_2592 = vector.broadcast %select_n3A_2591 : i32 to vector<16xi32>
      %add3A_2593 = arith.addi %broadcast_in_dim3A_2573, %add3A_2592 : vector<16xi32>
      %gather3A_2594 = tpu.vector_load_idx %arg13[%iota3A, %add3A_2571] : memref<16x2048xf32, #tpu.memory_space<vmem>>[vector<16xi32>, vector<16xi32>], vector<16xf32>,
      %gather3A_2595 = tpu.vector_load_idx %arg13[%iota3A, %add3A_2593] : memref<16x2048xf32, #tpu.memory_space<vmem>>[vector<16xi32>, vector<16xi32>], vector<16xf32>,
      %mul3A_2596 = arith.mulf %gather3A_2594, %gather3A_2595 : vector<16xf32>
      %swap3A_2597 = arith.constant 176 : index
      %swap3A_2598 = tpu.vector_load %arg14[%swap3A_2597] {strides = array<i32>} : memref<256xf32, #tpu.memory_space<vmem>>, vector<16xf32>,
      tpu.vector_store %arg14[%swap3A_2597], %mul3A_2596 {strides = array<i32>} : memref<256xf32, #tpu.memory_space<vmem>>, vector<16xf32>,
      %slice3A_2599 = vector.extract_strided_slice %get3A_909 {offsets = [3], sizes = [1], strides = [1]} : vector<16xi32> to vector<1xi32>
      %squeeze3A_2600 = vector.extract %slice3A_2599[0] : i32 from vector<1xi32>
      %slice3A_2601 = vector.extract_strided_slice %get3A_911 {offsets = [3], sizes = [1], strides = [1]} : vector<16xi32> to vector<1xi32>
      %squeeze3A_2602 = vector.extract %slice3A_2601[0] : i32 from vector<1xi32>
      %jit3A_2603 = arith.constant 128 : i32
      %div3A_2604 = arith.divsi %squeeze3A_2600, %jit3A_2603 : i32
      %sign3A_2605 = arith.constant 0 : i32
      %sign3A_2606 = arith.cmpi sgt, %squeeze3A_2600, %sign3A_2605 : i32
      %sign3A_2607 = arith.extui %sign3A_2606 : i1 to i32
      %sign3A_2608 = arith.constant 0 : i32
      %sign3A_2609 = arith.cmpi slt, %squeeze3A_2600, %sign3A_2608 : i32
      %sign3A_2610 = arith.extui %sign3A_2609 : i1 to i32
      %sign3A_2611 = arith.subi %sign3A_2607, %sign3A_2610 : i32
      %sign3A_2612 = arith.constant 0 : i32
      %sign3A_2613 = arith.cmpi sgt, %jit3A_2603, %sign3A_2612 : i32
      %sign3A_2614 = arith.extui %sign3A_2613 : i1 to i32
      %sign3A_2615 = arith.constant 0 : i32
      %sign3A_2616 = arith.cmpi slt, %jit3A_2603, %sign3A_2615 : i32
      %sign3A_2617 = arith.extui %sign3A_2616 : i1 to i32
      %sign3A_2618 = arith.subi %sign3A_2614, %sign3A_2617 : i32
      %ne3A_2619 = arith.cmpi ne, %sign3A_2611, %sign3A_2618 : i32
      %rem3A_2620 = arith.remsi %squeeze3A_2600, %jit3A_2603 : i32
      %ne3A_2621 = arith.constant 0 : i32
      %ne3A_2622 = arith.cmpi ne, %rem3A_2620, %ne3A_2621 : i32
      %and3A_2623 = arith.andi %ne3A_2619, %ne3A_2622 : i1
      %sub3A_2624 = arith.constant 1 : i32
      %sub3A_2625 = arith.subi %div3A_2604, %sub3A_2624 : i32
      %select_n3A_2626 = arith.select %and3A_2623, %sub3A_2625, %div3A_2604 : i32
      %mul3A_2627 = arith.constant 128 : i32
      %mul3A_2628 = arith.muli %select_n3A_2626, %mul3A_2627 : i32
      %multiple_of3A_2629 = tpu.assume_multiple %mul3A_2628, 128 : i32
      %jit3A_2630 = arith.constant 128 : i32
      %div3A_2631 = arith.divsi %squeeze3A_2602, %jit3A_2630 : i32
      %sign3A_2632 = arith.constant 0 : i32
      %sign3A_2633 = arith.cmpi sgt, %squeeze3A_2602, %sign3A_2632 : i32
      %sign3A_2634 = arith.extui %sign3A_2633 : i1 to i32
      %sign3A_2635 = arith.constant 0 : i32
      %sign3A_2636 = arith.cmpi slt, %squeeze3A_2602, %sign3A_2635 : i32
      %sign3A_2637 = arith.extui %sign3A_2636 : i1 to i32
      %sign3A_2638 = arith.subi %sign3A_2634, %sign3A_2637 : i32
      %sign3A_2639 = arith.constant 0 : i32
      %sign3A_2640 = arith.cmpi sgt, %jit3A_2630, %sign3A_2639 : i32
      %sign3A_2641 = arith.extui %sign3A_2640 : i1 to i32
      %sign3A_2642 = arith.constant 0 : i32
      %sign3A_2643 = arith.cmpi slt, %jit3A_2630, %sign3A_2642 : i32
      %sign3A_2644 = arith.extui %sign3A_2643 : i1 to i32
      %sign3A_2645 = arith.subi %sign3A_2641, %sign3A_2644 : i32
      %ne3A_2646 = arith.cmpi ne, %sign3A_2638, %sign3A_2645 : i32
      %rem3A_2647 = arith.remsi %squeeze3A_2602, %jit3A_2630 : i32
      %ne3A_2648 = arith.constant 0 : i32
      %ne3A_2649 = arith.cmpi ne, %rem3A_2647, %ne3A_2648 : i32
      %and3A_2650 = arith.andi %ne3A_2646, %ne3A_2649 : i1
      %sub3A_2651 = arith.constant 1 : i32
      %sub3A_2652 = arith.subi %div3A_2631, %sub3A_2651 : i32
      %select_n3A_2653 = arith.select %and3A_2650, %sub3A_2652, %div3A_2631 : i32
      %mul3A_2654 = arith.constant 128 : i32
      %mul3A_2655 = arith.muli %select_n3A_2653, %mul3A_2654 : i32
      %multiple_of3A_2656 = tpu.assume_multiple %mul3A_2655, 128 : i32
      %dma_start3A_2657 = arith.constant 3 : i32
      %dma_start3A_2658 = arith.constant 0 : i32
      %dma_start3A_2659 = arith.constant 768 : i32
      %dma_start3A_2660 = tpu.memref_slice %arg13[%dma_start3A_2658, %dma_start3A_2659] : memref<16x2048xf32, #tpu.memory_space<vmem>> -> memref<16x128xf32, #tpu.memory_space<vmem>>
      %dma_start3A_2661 = arith.constant 0 : i32
      %dma_start3A_2662 = tpu.memref_slice %arg4[%dma_start3A_2661, %multiple_of3A_2629] : memref<16x1000000xf32, #tpu.memory_space<hbm>> -> memref<16x128xf32, #tpu.memory_space<hbm>>
      %dma_start3A_2663 = tpu.memref_slice %arg20[%dma_start3A_2657] : memref<8x!tpu.dma_semaphore, #tpu.memory_space<semaphore_mem>> -> memref<1x!tpu.dma_semaphore, #tpu.memory_space<semaphore_mem>>
      %dma_start3A_2664 = tpu.memref_squeeze %dma_start3A_2663 : memref<1x!tpu.dma_semaphore, #tpu.memory_space<semaphore_mem>> -> memref<!tpu.dma_semaphore, #tpu.memory_space<semaphore_mem>>
      %dma_start3A_2665 = arith.constant 0 : i32
      %dma_start3A_2666 = arith.constant 768 : i32
      %dma_start3A_2667 = tpu.memref_slice %arg13[%dma_start3A_2665, %dma_start3A_2666] : memref<16x2048xf32, #tpu.memory_space<vmem>> -> memref<16x128xf32, #tpu.memory_space<vmem>>
      %dma_start3A_2668 = arith.constant 0 : i32
      %dma_start3A_2669 = tpu.memref_slice %arg4[%dma_start3A_2668, %multiple_of3A_2629] : memref<16x1000000xf32, #tpu.memory_space<hbm>> -> memref<16x128xf32, #tpu.memory_space<hbm>>
      tpu.enqueue_dma source(%dma_start3A_2669 : memref<16x128xf32, #tpu.memory_space<hbm>>) target(%dma_start3A_2667 : memref<16x128xf32, #tpu.memory_space<vmem>>) target_semaphore(%dma_start3A_2664 : memref<!tpu.dma_semaphore, #tpu.memory_space<semaphore_mem>>)
      %dma_start3A_2670 = arith.constant 3 : i32
      %dma_start3A_2671 = arith.constant 0 : i32
      %dma_start3A_2672 = arith.constant 896 : i32
      %dma_start3A_2673 = tpu.memref_slice %arg13[%dma_start3A_2671, %dma_start3A_2672] : memref<16x2048xf32, #tpu.memory_space<vmem>> -> memref<16x128xf32, #tpu.memory_space<vmem>>
      %dma_start3A_2674 = arith.constant 0 : i32
      %dma_start3A_2675 = tpu.memref_slice %arg5[%dma_start3A_2674, %multiple_of3A_2656] : memref<16x1000000xf32, #tpu.memory_space<hbm>> -> memref<16x128xf32, #tpu.memory_space<hbm>>
      %dma_start3A_2676 = tpu.memref_slice %arg20[%dma_start3A_2670] : memref<8x!tpu.dma_semaphore, #tpu.memory_space<semaphore_mem>> -> memref<1x!tpu.dma_semaphore, #tpu.memory_space<semaphore_mem>>
      %dma_start3A_2677 = tpu.memref_squeeze %dma_start3A_2676 : memref<1x!tpu.dma_semaphore, #tpu.memory_space<semaphore_mem>> -> memref<!tpu.dma_semaphore, #tpu.memory_space<semaphore_mem>>
      %dma_start3A_2678 = arith.constant 0 : i32
      %dma_start3A_2679 = arith.constant 896 : i32
      %dma_start3A_2680 = tpu.memref_slice %arg13[%dma_start3A_2678, %dma_start3A_2679] : memref<16x2048xf32, #tpu.memory_space<vmem>> -> memref<16x128xf32, #tpu.memory_space<vmem>>
      %dma_start3A_2681 = arith.constant 0 : i32
      %dma_start3A_2682 = tpu.memref_slice %arg5[%dma_start3A_2681, %multiple_of3A_2656] : memref<16x1000000xf32, #tpu.memory_space<hbm>> -> memref<16x128xf32, #tpu.memory_space<hbm>>
      tpu.enqueue_dma source(%dma_start3A_2682 : memref<16x128xf32, #tpu.memory_space<hbm>>) target(%dma_start3A_2680 : memref<16x128xf32, #tpu.memory_space<vmem>>) target_semaphore(%dma_start3A_2677 : memref<!tpu.dma_semaphore, #tpu.memory_space<semaphore_mem>>)
      %dma_wait3A_2683 = arith.constant 4 : i32
      %dma_wait3A_2684 = arith.constant 0 : i32
      %dma_wait3A_2685 = arith.constant 1024 : i32
      %dma_wait3A_2686 = tpu.memref_slice %arg13[%dma_wait3A_2684, %dma_wait3A_2685] : memref<16x2048xf32, #tpu.memory_space<vmem>> -> memref<16x256xf32, #tpu.memory_space<vmem>>
      %dma_wait3A_2687 = arith.constant 0 : i32
      %dma_wait3A_2688 = arith.constant 0 : i32
      %dma_wait3A_2689 = tpu.memref_slice %arg4[%dma_wait3A_2687, %dma_wait3A_2688] : memref<16x1000000xf32, #tpu.memory_space<hbm>> -> memref<16x256xf32, #tpu.memory_space<hbm>>
      %dma_wait3A_2690 = tpu.memref_slice %arg20[%dma_wait3A_2683] : memref<8x!tpu.dma_semaphore, #tpu.memory_space<semaphore_mem>> -> memref<1x!tpu.dma_semaphore, #tpu.memory_space<semaphore_mem>>
      %dma_wait3A_2691 = tpu.memref_squeeze %dma_wait3A_2690 : memref<1x!tpu.dma_semaphore, #tpu.memory_space<semaphore_mem>> -> memref<!tpu.dma_semaphore, #tpu.memory_space<semaphore_mem>>
      %dma_wait3A_2692 = arith.constant 0 : i32
      %dma_wait3A_2693 = arith.constant 1024 : i32
      %dma_wait3A_2694 = tpu.memref_slice %arg13[%dma_wait3A_2692, %dma_wait3A_2693] : memref<16x2048xf32, #tpu.memory_space<vmem>> -> memref<16x256xf32, #tpu.memory_space<vmem>>
      %dma_wait3A_2695 = arith.constant 0 : i32
      %dma_wait3A_2696 = arith.constant 0 : i32
      %dma_wait3A_2697 = tpu.memref_slice %arg4[%dma_wait3A_2695, %dma_wait3A_2696] : memref<16x1000000xf32, #tpu.memory_space<hbm>> -> memref<16x256xf32, #tpu.memory_space<hbm>>
      tpu.wait_dma2 semaphore(%dma_wait3A_2691 : memref<!tpu.dma_semaphore, #tpu.memory_space<semaphore_mem>>) src(%dma_wait3A_2697 : memref<16x256xf32, #tpu.memory_space<hbm>>) dst(%dma_wait3A_2694 : memref<16x256xf32, #tpu.memory_space<vmem>>)
      %broadcast_in_dim3A_2698 = arith.constant 1024 : i32
      %broadcast_in_dim3A_2699 = vector.broadcast %broadcast_in_dim3A_2698 : i32 to vector<16xi32>
      %slice3A_2700 = vector.extract_strided_slice %get3A_898 {offsets = [12], sizes = [1], strides = [1]} : vector<16xi32> to vector<1xi32>
      %squeeze3A_2701 = vector.extract %slice3A_2700[0] : i32 from vector<1xi32>
      %jit3A_2702 = arith.constant 128 : i32
      %eq3A_2703 = arith.constant 0 : i32
      %eq3A_2704 = arith.cmpi eq, %jit3A_2702, %eq3A_2703 : i32
      %jit3A_2705 = arith.constant 1 : i32
      %select_n3A_2706 = arith.select %eq3A_2704, %jit3A_2705, %jit3A_2702 : i32
      %rem3A_2707 = arith.remsi %squeeze3A_2701, %select_n3A_2706 : i32
      %ne3A_2708 = arith.constant 0 : i32
      %ne3A_2709 = arith.cmpi ne, %rem3A_2707, %ne3A_2708 : i32
      %lt3A_2710 = arith.constant 0 : i32
      %lt3A_2711 = arith.cmpi slt, %rem3A_2707, %lt3A_2710 : i32
      %lt3A_2712 = arith.constant 0 : i32
      %lt3A_2713 = arith.cmpi slt, %select_n3A_2706, %lt3A_2712 : i32
      %ne3A_2714 = arith.xori %lt3A_2711, %lt3A_2713 : i1
      %and3A_2715 = arith.andi %ne3A_2714, %ne3A_2709 : i1
      %add3A_2716 = arith.addi %rem3A_2707, %select_n3A_2706 : i32
      %select_n3A_2717 = arith.select %and3A_2715, %add3A_2716, %rem3A_2707 : i32
      %add3A_2718 = vector.broadcast %select_n3A_2717 : i32 to vector<16xi32>
      %add3A_2719 = arith.addi %broadcast_in_dim3A_2699, %add3A_2718 : vector<16xi32>
      %broadcast_in_dim3A_2720 = arith.constant 1152 : i32
      %broadcast_in_dim3A_2721 = vector.broadcast %broadcast_in_dim3A_2720 : i32 to vector<16xi32>
      %slice3A_2722 = vector.extract_strided_slice %get3A_902 {offsets = [12], sizes = [1], strides = [1]} : vector<16xi32> to vector<1xi32>
      %squeeze3A_2723 = vector.extract %slice3A_2722[0] : i32 from vector<1xi32>
      %jit3A_2724 = arith.constant 128 : i32
      %eq3A_2725 = arith.constant 0 : i32
      %eq3A_2726 = arith.cmpi eq, %jit3A_2724, %eq3A_2725 : i32
      %jit3A_2727 = arith.constant 1 : i32
      %select_n3A_2728 = arith.select %eq3A_2726, %jit3A_2727, %jit3A_2724 : i32
      %rem3A_2729 = arith.remsi %squeeze3A_2723, %select_n3A_2728 : i32
      %ne3A_2730 = arith.constant 0 : i32
      %ne3A_2731 = arith.cmpi ne, %rem3A_2729, %ne3A_2730 : i32
      %lt3A_2732 = arith.constant 0 : i32
      %lt3A_2733 = arith.cmpi slt, %rem3A_2729, %lt3A_2732 : i32
      %lt3A_2734 = arith.constant 0 : i32
      %lt3A_2735 = arith.cmpi slt, %select_n3A_2728, %lt3A_2734 : i32
      %ne3A_2736 = arith.xori %lt3A_2733, %lt3A_2735 : i1
      %and3A_2737 = arith.andi %ne3A_2736, %ne3A_2731 : i1
      %add3A_2738 = arith.addi %rem3A_2729, %select_n3A_2728 : i32
      %select_n3A_2739 = arith.select %and3A_2737, %add3A_2738, %rem3A_2729 : i32
      %add3A_2740 = vector.broadcast %select_n3A_2739 : i32 to vector<16xi32>
      %add3A_2741 = arith.addi %broadcast_in_dim3A_2721, %add3A_2740 : vector<16xi32>
      %gather3A_2742 = tpu.vector_load_idx %arg13[%iota3A, %add3A_2719] : memref<16x2048xf32, #tpu.memory_space<vmem>>[vector<16xi32>, vector<16xi32>], vector<16xf32>,
      %gather3A_2743 = tpu.vector_load_idx %arg13[%iota3A, %add3A_2741] : memref<16x2048xf32, #tpu.memory_space<vmem>>[vector<16xi32>, vector<16xi32>], vector<16xf32>,
      %mul3A_2744 = arith.mulf %gather3A_2742, %gather3A_2743 : vector<16xf32>
      %swap3A_2745 = arith.constant 192 : index
      %swap3A_2746 = tpu.vector_load %arg14[%swap3A_2745] {strides = array<i32>} : memref<256xf32, #tpu.memory_space<vmem>>, vector<16xf32>,
      tpu.vector_store %arg14[%swap3A_2745], %mul3A_2744 {strides = array<i32>} : memref<256xf32, #tpu.memory_space<vmem>>, vector<16xf32>,
      %slice3A_2747 = vector.extract_strided_slice %get3A_909 {offsets = [4], sizes = [1], strides = [1]} : vector<16xi32> to vector<1xi32>
      %squeeze3A_2748 = vector.extract %slice3A_2747[0] : i32 from vector<1xi32>
      %slice3A_2749 = vector.extract_strided_slice %get3A_911 {offsets = [4], sizes = [1], strides = [1]} : vector<16xi32> to vector<1xi32>
      %squeeze3A_2750 = vector.extract %slice3A_2749[0] : i32 from vector<1xi32>
      %jit3A_2751 = arith.constant 128 : i32
      %div3A_2752 = arith.divsi %squeeze3A_2748, %jit3A_2751 : i32
      %sign3A_2753 = arith.constant 0 : i32
      %sign3A_2754 = arith.cmpi sgt, %squeeze3A_2748, %sign3A_2753 : i32
      %sign3A_2755 = arith.extui %sign3A_2754 : i1 to i32
      %sign3A_2756 = arith.constant 0 : i32
      %sign3A_2757 = arith.cmpi slt, %squeeze3A_2748, %sign3A_2756 : i32
      %sign3A_2758 = arith.extui %sign3A_2757 : i1 to i32
      %sign3A_2759 = arith.subi %sign3A_2755, %sign3A_2758 : i32
      %sign3A_2760 = arith.constant 0 : i32
      %sign3A_2761 = arith.cmpi sgt, %jit3A_2751, %sign3A_2760 : i32
      %sign3A_2762 = arith.extui %sign3A_2761 : i1 to i32
      %sign3A_2763 = arith.constant 0 : i32
      %sign3A_2764 = arith.cmpi slt, %jit3A_2751, %sign3A_2763 : i32
      %sign3A_2765 = arith.extui %sign3A_2764 : i1 to i32
      %sign3A_2766 = arith.subi %sign3A_2762, %sign3A_2765 : i32
      %ne3A_2767 = arith.cmpi ne, %sign3A_2759, %sign3A_2766 : i32
      %rem3A_2768 = arith.remsi %squeeze3A_2748, %jit3A_2751 : i32
      %ne3A_2769 = arith.constant 0 : i32
      %ne3A_2770 = arith.cmpi ne, %rem3A_2768, %ne3A_2769 : i32
      %and3A_2771 = arith.andi %ne3A_2767, %ne3A_2770 : i1
      %sub3A_2772 = arith.constant 1 : i32
      %sub3A_2773 = arith.subi %div3A_2752, %sub3A_2772 : i32
      %select_n3A_2774 = arith.select %and3A_2771, %sub3A_2773, %div3A_2752 : i32
      %mul3A_2775 = arith.constant 128 : i32
      %mul3A_2776 = arith.muli %select_n3A_2774, %mul3A_2775 : i32
      %multiple_of3A_2777 = tpu.assume_multiple %mul3A_2776, 128 : i32
      %jit3A_2778 = arith.constant 128 : i32
      %div3A_2779 = arith.divsi %squeeze3A_2750, %jit3A_2778 : i32
      %sign3A_2780 = arith.constant 0 : i32
      %sign3A_2781 = arith.cmpi sgt, %squeeze3A_2750, %sign3A_2780 : i32
      %sign3A_2782 = arith.extui %sign3A_2781 : i1 to i32
      %sign3A_2783 = arith.constant 0 : i32
      %sign3A_2784 = arith.cmpi slt, %squeeze3A_2750, %sign3A_2783 : i32
      %sign3A_2785 = arith.extui %sign3A_2784 : i1 to i32
      %sign3A_2786 = arith.subi %sign3A_2782, %sign3A_2785 : i32
      %sign3A_2787 = arith.constant 0 : i32
      %sign3A_2788 = arith.cmpi sgt, %jit3A_2778, %sign3A_2787 : i32
      %sign3A_2789 = arith.extui %sign3A_2788 : i1 to i32
      %sign3A_2790 = arith.constant 0 : i32
      %sign3A_2791 = arith.cmpi slt, %jit3A_2778, %sign3A_2790 : i32
      %sign3A_2792 = arith.extui %sign3A_2791 : i1 to i32
      %sign3A_2793 = arith.subi %sign3A_2789, %sign3A_2792 : i32
      %ne3A_2794 = arith.cmpi ne, %sign3A_2786, %sign3A_2793 : i32
      %rem3A_2795 = arith.remsi %squeeze3A_2750, %jit3A_2778 : i32
      %ne3A_2796 = arith.constant 0 : i32
      %ne3A_2797 = arith.cmpi ne, %rem3A_2795, %ne3A_2796 : i32
      %and3A_2798 = arith.andi %ne3A_2794, %ne3A_2797 : i1
      %sub3A_2799 = arith.constant 1 : i32
      %sub3A_2800 = arith.subi %div3A_2779, %sub3A_2799 : i32
      %select_n3A_2801 = arith.select %and3A_2798, %sub3A_2800, %div3A_2779 : i32
      %mul3A_2802 = arith.constant 128 : i32
      %mul3A_2803 = arith.muli %select_n3A_2801, %mul3A_2802 : i32
      %multiple_of3A_2804 = tpu.assume_multiple %mul3A_2803, 128 : i32
      %dma_start3A_2805 = arith.constant 4 : i32
      %dma_start3A_2806 = arith.constant 0 : i32
      %dma_start3A_2807 = arith.constant 1024 : i32
      %dma_start3A_2808 = tpu.memref_slice %arg13[%dma_start3A_2806, %dma_start3A_2807] : memref<16x2048xf32, #tpu.memory_space<vmem>> -> memref<16x128xf32, #tpu.memory_space<vmem>>
      %dma_start3A_2809 = arith.constant 0 : i32
      %dma_start3A_2810 = tpu.memref_slice %arg4[%dma_start3A_2809, %multiple_of3A_2777] : memref<16x1000000xf32, #tpu.memory_space<hbm>> -> memref<16x128xf32, #tpu.memory_space<hbm>>
      %dma_start3A_2811 = tpu.memref_slice %arg20[%dma_start3A_2805] : memref<8x!tpu.dma_semaphore, #tpu.memory_space<semaphore_mem>> -> memref<1x!tpu.dma_semaphore, #tpu.memory_space<semaphore_mem>>
      %dma_start3A_2812 = tpu.memref_squeeze %dma_start3A_2811 : memref<1x!tpu.dma_semaphore, #tpu.memory_space<semaphore_mem>> -> memref<!tpu.dma_semaphore, #tpu.memory_space<semaphore_mem>>
      %dma_start3A_2813 = arith.constant 0 : i32
      %dma_start3A_2814 = arith.constant 1024 : i32
      %dma_start3A_2815 = tpu.memref_slice %arg13[%dma_start3A_2813, %dma_start3A_2814] : memref<16x2048xf32, #tpu.memory_space<vmem>> -> memref<16x128xf32, #tpu.memory_space<vmem>>
      %dma_start3A_2816 = arith.constant 0 : i32
      %dma_start3A_2817 = tpu.memref_slice %arg4[%dma_start3A_2816, %multiple_of3A_2777] : memref<16x1000000xf32, #tpu.memory_space<hbm>> -> memref<16x128xf32, #tpu.memory_space<hbm>>
      tpu.enqueue_dma source(%dma_start3A_2817 : memref<16x128xf32, #tpu.memory_space<hbm>>) target(%dma_start3A_2815 : memref<16x128xf32, #tpu.memory_space<vmem>>) target_semaphore(%dma_start3A_2812 : memref<!tpu.dma_semaphore, #tpu.memory_space<semaphore_mem>>)
      %dma_start3A_2818 = arith.constant 4 : i32
      %dma_start3A_2819 = arith.constant 0 : i32
      %dma_start3A_2820 = arith.constant 1152 : i32
      %dma_start3A_2821 = tpu.memref_slice %arg13[%dma_start3A_2819, %dma_start3A_2820] : memref<16x2048xf32, #tpu.memory_space<vmem>> -> memref<16x128xf32, #tpu.memory_space<vmem>>
      %dma_start3A_2822 = arith.constant 0 : i32
      %dma_start3A_2823 = tpu.memref_slice %arg5[%dma_start3A_2822, %multiple_of3A_2804] : memref<16x1000000xf32, #tpu.memory_space<hbm>> -> memref<16x128xf32, #tpu.memory_space<hbm>>
      %dma_start3A_2824 = tpu.memref_slice %arg20[%dma_start3A_2818] : memref<8x!tpu.dma_semaphore, #tpu.memory_space<semaphore_mem>> -> memref<1x!tpu.dma_semaphore, #tpu.memory_space<semaphore_mem>>
      %dma_start3A_2825 = tpu.memref_squeeze %dma_start3A_2824 : memref<1x!tpu.dma_semaphore, #tpu.memory_space<semaphore_mem>> -> memref<!tpu.dma_semaphore, #tpu.memory_space<semaphore_mem>>
      %dma_start3A_2826 = arith.constant 0 : i32
      %dma_start3A_2827 = arith.constant 1152 : i32
      %dma_start3A_2828 = tpu.memref_slice %arg13[%dma_start3A_2826, %dma_start3A_2827] : memref<16x2048xf32, #tpu.memory_space<vmem>> -> memref<16x128xf32, #tpu.memory_space<vmem>>
      %dma_start3A_2829 = arith.constant 0 : i32
      %dma_start3A_2830 = tpu.memref_slice %arg5[%dma_start3A_2829, %multiple_of3A_2804] : memref<16x1000000xf32, #tpu.memory_space<hbm>> -> memref<16x128xf32, #tpu.memory_space<hbm>>
      tpu.enqueue_dma source(%dma_start3A_2830 : memref<16x128xf32, #tpu.memory_space<hbm>>) target(%dma_start3A_2828 : memref<16x128xf32, #tpu.memory_space<vmem>>) target_semaphore(%dma_start3A_2825 : memref<!tpu.dma_semaphore, #tpu.memory_space<semaphore_mem>>)
      %dma_wait3A_2831 = arith.constant 5 : i32
      %dma_wait3A_2832 = arith.constant 0 : i32
      %dma_wait3A_2833 = arith.constant 1280 : i32
      %dma_wait3A_2834 = tpu.memref_slice %arg13[%dma_wait3A_2832, %dma_wait3A_2833] : memref<16x2048xf32, #tpu.memory_space<vmem>> -> memref<16x256xf32, #tpu.memory_space<vmem>>
      %dma_wait3A_2835 = arith.constant 0 : i32
      %dma_wait3A_2836 = arith.constant 0 : i32
      %dma_wait3A_2837 = tpu.memref_slice %arg4[%dma_wait3A_2835, %dma_wait3A_2836] : memref<16x1000000xf32, #tpu.memory_space<hbm>> -> memref<16x256xf32, #tpu.memory_space<hbm>>
      %dma_wait3A_2838 = tpu.memref_slice %arg20[%dma_wait3A_2831] : memref<8x!tpu.dma_semaphore, #tpu.memory_space<semaphore_mem>> -> memref<1x!tpu.dma_semaphore, #tpu.memory_space<semaphore_mem>>
      %dma_wait3A_2839 = tpu.memref_squeeze %dma_wait3A_2838 : memref<1x!tpu.dma_semaphore, #tpu.memory_space<semaphore_mem>> -> memref<!tpu.dma_semaphore, #tpu.memory_space<semaphore_mem>>
      %dma_wait3A_2840 = arith.constant 0 : i32
      %dma_wait3A_2841 = arith.constant 1280 : i32
      %dma_wait3A_2842 = tpu.memref_slice %arg13[%dma_wait3A_2840, %dma_wait3A_2841] : memref<16x2048xf32, #tpu.memory_space<vmem>> -> memref<16x256xf32, #tpu.memory_space<vmem>>
      %dma_wait3A_2843 = arith.constant 0 : i32
      %dma_wait3A_2844 = arith.constant 0 : i32
      %dma_wait3A_2845 = tpu.memref_slice %arg4[%dma_wait3A_2843, %dma_wait3A_2844] : memref<16x1000000xf32, #tpu.memory_space<hbm>> -> memref<16x256xf32, #tpu.memory_space<hbm>>
      tpu.wait_dma2 semaphore(%dma_wait3A_2839 : memref<!tpu.dma_semaphore, #tpu.memory_space<semaphore_mem>>) src(%dma_wait3A_2845 : memref<16x256xf32, #tpu.memory_space<hbm>>) dst(%dma_wait3A_2842 : memref<16x256xf32, #tpu.memory_space<vmem>>)
      %broadcast_in_dim3A_2846 = arith.constant 1280 : i32
      %broadcast_in_dim3A_2847 = vector.broadcast %broadcast_in_dim3A_2846 : i32 to vector<16xi32>
      %slice3A_2848 = vector.extract_strided_slice %get3A_898 {offsets = [13], sizes = [1], strides = [1]} : vector<16xi32> to vector<1xi32>
      %squeeze3A_2849 = vector.extract %slice3A_2848[0] : i32 from vector<1xi32>
      %jit3A_2850 = arith.constant 128 : i32
      %eq3A_2851 = arith.constant 0 : i32
      %eq3A_2852 = arith.cmpi eq, %jit3A_2850, %eq3A_2851 : i32
      %jit3A_2853 = arith.constant 1 : i32
      %select_n3A_2854 = arith.select %eq3A_2852, %jit3A_2853, %jit3A_2850 : i32
      %rem3A_2855 = arith.remsi %squeeze3A_2849, %select_n3A_2854 : i32
      %ne3A_2856 = arith.constant 0 : i32
      %ne3A_2857 = arith.cmpi ne, %rem3A_2855, %ne3A_2856 : i32
      %lt3A_2858 = arith.constant 0 : i32
      %lt3A_2859 = arith.cmpi slt, %rem3A_2855, %lt3A_2858 : i32
      %lt3A_2860 = arith.constant 0 : i32
      %lt3A_2861 = arith.cmpi slt, %select_n3A_2854, %lt3A_2860 : i32
      %ne3A_2862 = arith.xori %lt3A_2859, %lt3A_2861 : i1
      %and3A_2863 = arith.andi %ne3A_2862, %ne3A_2857 : i1
      %add3A_2864 = arith.addi %rem3A_2855, %select_n3A_2854 : i32
      %select_n3A_2865 = arith.select %and3A_2863, %add3A_2864, %rem3A_2855 : i32
      %add3A_2866 = vector.broadcast %select_n3A_2865 : i32 to vector<16xi32>
      %add3A_2867 = arith.addi %broadcast_in_dim3A_2847, %add3A_2866 : vector<16xi32>
      %broadcast_in_dim3A_2868 = arith.constant 1408 : i32
      %broadcast_in_dim3A_2869 = vector.broadcast %broadcast_in_dim3A_2868 : i32 to vector<16xi32>
      %slice3A_2870 = vector.extract_strided_slice %get3A_902 {offsets = [13], sizes = [1], strides = [1]} : vector<16xi32> to vector<1xi32>
      %squeeze3A_2871 = vector.extract %slice3A_2870[0] : i32 from vector<1xi32>
      %jit3A_2872 = arith.constant 128 : i32
      %eq3A_2873 = arith.constant 0 : i32
      %eq3A_2874 = arith.cmpi eq, %jit3A_2872, %eq3A_2873 : i32
      %jit3A_2875 = arith.constant 1 : i32
      %select_n3A_2876 = arith.select %eq3A_2874, %jit3A_2875, %jit3A_2872 : i32
      %rem3A_2877 = arith.remsi %squeeze3A_2871, %select_n3A_2876 : i32
      %ne3A_2878 = arith.constant 0 : i32
      %ne3A_2879 = arith.cmpi ne, %rem3A_2877, %ne3A_2878 : i32
      %lt3A_2880 = arith.constant 0 : i32
      %lt3A_2881 = arith.cmpi slt, %rem3A_2877, %lt3A_2880 : i32
      %lt3A_2882 = arith.constant 0 : i32
      %lt3A_2883 = arith.cmpi slt, %select_n3A_2876, %lt3A_2882 : i32
      %ne3A_2884 = arith.xori %lt3A_2881, %lt3A_2883 : i1
      %and3A_2885 = arith.andi %ne3A_2884, %ne3A_2879 : i1
      %add3A_2886 = arith.addi %rem3A_2877, %select_n3A_2876 : i32
      %select_n3A_2887 = arith.select %and3A_2885, %add3A_2886, %rem3A_2877 : i32
      %add3A_2888 = vector.broadcast %select_n3A_2887 : i32 to vector<16xi32>
      %add3A_2889 = arith.addi %broadcast_in_dim3A_2869, %add3A_2888 : vector<16xi32>
      %gather3A_2890 = tpu.vector_load_idx %arg13[%iota3A, %add3A_2867] : memref<16x2048xf32, #tpu.memory_space<vmem>>[vector<16xi32>, vector<16xi32>], vector<16xf32>,
      %gather3A_2891 = tpu.vector_load_idx %arg13[%iota3A, %add3A_2889] : memref<16x2048xf32, #tpu.memory_space<vmem>>[vector<16xi32>, vector<16xi32>], vector<16xf32>,
      %mul3A_2892 = arith.mulf %gather3A_2890, %gather3A_2891 : vector<16xf32>
      %swap3A_2893 = arith.constant 208 : index
      %swap3A_2894 = tpu.vector_load %arg14[%swap3A_2893] {strides = array<i32>} : memref<256xf32, #tpu.memory_space<vmem>>, vector<16xf32>,
      tpu.vector_store %arg14[%swap3A_2893], %mul3A_2892 {strides = array<i32>} : memref<256xf32, #tpu.memory_space<vmem>>, vector<16xf32>,
      %slice3A_2895 = vector.extract_strided_slice %get3A_909 {offsets = [5], sizes = [1], strides = [1]} : vector<16xi32> to vector<1xi32>
      %squeeze3A_2896 = vector.extract %slice3A_2895[0] : i32 from vector<1xi32>
      %slice3A_2897 = vector.extract_strided_slice %get3A_911 {offsets = [5], sizes = [1], strides = [1]} : vector<16xi32> to vector<1xi32>
      %squeeze3A_2898 = vector.extract %slice3A_2897[0] : i32 from vector<1xi32>
      %jit3A_2899 = arith.constant 128 : i32
      %div3A_2900 = arith.divsi %squeeze3A_2896, %jit3A_2899 : i32
      %sign3A_2901 = arith.constant 0 : i32
      %sign3A_2902 = arith.cmpi sgt, %squeeze3A_2896, %sign3A_2901 : i32
      %sign3A_2903 = arith.extui %sign3A_2902 : i1 to i32
      %sign3A_2904 = arith.constant 0 : i32
      %sign3A_2905 = arith.cmpi slt, %squeeze3A_2896, %sign3A_2904 : i32
      %sign3A_2906 = arith.extui %sign3A_2905 : i1 to i32
      %sign3A_2907 = arith.subi %sign3A_2903, %sign3A_2906 : i32
      %sign3A_2908 = arith.constant 0 : i32
      %sign3A_2909 = arith.cmpi sgt, %jit3A_2899, %sign3A_2908 : i32
      %sign3A_2910 = arith.extui %sign3A_2909 : i1 to i32
      %sign3A_2911 = arith.constant 0 : i32
      %sign3A_2912 = arith.cmpi slt, %jit3A_2899, %sign3A_2911 : i32
      %sign3A_2913 = arith.extui %sign3A_2912 : i1 to i32
      %sign3A_2914 = arith.subi %sign3A_2910, %sign3A_2913 : i32
      %ne3A_2915 = arith.cmpi ne, %sign3A_2907, %sign3A_2914 : i32
      %rem3A_2916 = arith.remsi %squeeze3A_2896, %jit3A_2899 : i32
      %ne3A_2917 = arith.constant 0 : i32
      %ne3A_2918 = arith.cmpi ne, %rem3A_2916, %ne3A_2917 : i32
      %and3A_2919 = arith.andi %ne3A_2915, %ne3A_2918 : i1
      %sub3A_2920 = arith.constant 1 : i32
      %sub3A_2921 = arith.subi %div3A_2900, %sub3A_2920 : i32
      %select_n3A_2922 = arith.select %and3A_2919, %sub3A_2921, %div3A_2900 : i32
      %mul3A_2923 = arith.constant 128 : i32
      %mul3A_2924 = arith.muli %select_n3A_2922, %mul3A_2923 : i32
      %multiple_of3A_2925 = tpu.assume_multiple %mul3A_2924, 128 : i32
      %jit3A_2926 = arith.constant 128 : i32
      %div3A_2927 = arith.divsi %squeeze3A_2898, %jit3A_2926 : i32
      %sign3A_2928 = arith.constant 0 : i32
      %sign3A_2929 = arith.cmpi sgt, %squeeze3A_2898, %sign3A_2928 : i32
      %sign3A_2930 = arith.extui %sign3A_2929 : i1 to i32
      %sign3A_2931 = arith.constant 0 : i32
      %sign3A_2932 = arith.cmpi slt, %squeeze3A_2898, %sign3A_2931 : i32
      %sign3A_2933 = arith.extui %sign3A_2932 : i1 to i32
      %sign3A_2934 = arith.subi %sign3A_2930, %sign3A_2933 : i32
      %sign3A_2935 = arith.constant 0 : i32
      %sign3A_2936 = arith.cmpi sgt, %jit3A_2926, %sign3A_2935 : i32
      %sign3A_2937 = arith.extui %sign3A_2936 : i1 to i32
      %sign3A_2938 = arith.constant 0 : i32
      %sign3A_2939 = arith.cmpi slt, %jit3A_2926, %sign3A_2938 : i32
      %sign3A_2940 = arith.extui %sign3A_2939 : i1 to i32
      %sign3A_2941 = arith.subi %sign3A_2937, %sign3A_2940 : i32
      %ne3A_2942 = arith.cmpi ne, %sign3A_2934, %sign3A_2941 : i32
      %rem3A_2943 = arith.remsi %squeeze3A_2898, %jit3A_2926 : i32
      %ne3A_2944 = arith.constant 0 : i32
      %ne3A_2945 = arith.cmpi ne, %rem3A_2943, %ne3A_2944 : i32
      %and3A_2946 = arith.andi %ne3A_2942, %ne3A_2945 : i1
      %sub3A_2947 = arith.constant 1 : i32
      %sub3A_2948 = arith.subi %div3A_2927, %sub3A_2947 : i32
      %select_n3A_2949 = arith.select %and3A_2946, %sub3A_2948, %div3A_2927 : i32
      %mul3A_2950 = arith.constant 128 : i32
      %mul3A_2951 = arith.muli %select_n3A_2949, %mul3A_2950 : i32
      %multiple_of3A_2952 = tpu.assume_multiple %mul3A_2951, 128 : i32
      %dma_start3A_2953 = arith.constant 5 : i32
      %dma_start3A_2954 = arith.constant 0 : i32
      %dma_start3A_2955 = arith.constant 1280 : i32
      %dma_start3A_2956 = tpu.memref_slice %arg13[%dma_start3A_2954, %dma_start3A_2955] : memref<16x2048xf32, #tpu.memory_space<vmem>> -> memref<16x128xf32, #tpu.memory_space<vmem>>
      %dma_start3A_2957 = arith.constant 0 : i32
      %dma_start3A_2958 = tpu.memref_slice %arg4[%dma_start3A_2957, %multiple_of3A_2925] : memref<16x1000000xf32, #tpu.memory_space<hbm>> -> memref<16x128xf32, #tpu.memory_space<hbm>>
      %dma_start3A_2959 = tpu.memref_slice %arg20[%dma_start3A_2953] : memref<8x!tpu.dma_semaphore, #tpu.memory_space<semaphore_mem>> -> memref<1x!tpu.dma_semaphore, #tpu.memory_space<semaphore_mem>>
      %dma_start3A_2960 = tpu.memref_squeeze %dma_start3A_2959 : memref<1x!tpu.dma_semaphore, #tpu.memory_space<semaphore_mem>> -> memref<!tpu.dma_semaphore, #tpu.memory_space<semaphore_mem>>
      %dma_start3A_2961 = arith.constant 0 : i32
      %dma_start3A_2962 = arith.constant 1280 : i32
      %dma_start3A_2963 = tpu.memref_slice %arg13[%dma_start3A_2961, %dma_start3A_2962] : memref<16x2048xf32, #tpu.memory_space<vmem>> -> memref<16x128xf32, #tpu.memory_space<vmem>>
      %dma_start3A_2964 = arith.constant 0 : i32
      %dma_start3A_2965 = tpu.memref_slice %arg4[%dma_start3A_2964, %multiple_of3A_2925] : memref<16x1000000xf32, #tpu.memory_space<hbm>> -> memref<16x128xf32, #tpu.memory_space<hbm>>
      tpu.enqueue_dma source(%dma_start3A_2965 : memref<16x128xf32, #tpu.memory_space<hbm>>) target(%dma_start3A_2963 : memref<16x128xf32, #tpu.memory_space<vmem>>) target_semaphore(%dma_start3A_2960 : memref<!tpu.dma_semaphore, #tpu.memory_space<semaphore_mem>>)
      %dma_start3A_2966 = arith.constant 5 : i32
      %dma_start3A_2967 = arith.constant 0 : i32
      %dma_start3A_2968 = arith.constant 1408 : i32
      %dma_start3A_2969 = tpu.memref_slice %arg13[%dma_start3A_2967, %dma_start3A_2968] : memref<16x2048xf32, #tpu.memory_space<vmem>> -> memref<16x128xf32, #tpu.memory_space<vmem>>
      %dma_start3A_2970 = arith.constant 0 : i32
      %dma_start3A_2971 = tpu.memref_slice %arg5[%dma_start3A_2970, %multiple_of3A_2952] : memref<16x1000000xf32, #tpu.memory_space<hbm>> -> memref<16x128xf32, #tpu.memory_space<hbm>>
      %dma_start3A_2972 = tpu.memref_slice %arg20[%dma_start3A_2966] : memref<8x!tpu.dma_semaphore, #tpu.memory_space<semaphore_mem>> -> memref<1x!tpu.dma_semaphore, #tpu.memory_space<semaphore_mem>>
      %dma_start3A_2973 = tpu.memref_squeeze %dma_start3A_2972 : memref<1x!tpu.dma_semaphore, #tpu.memory_space<semaphore_mem>> -> memref<!tpu.dma_semaphore, #tpu.memory_space<semaphore_mem>>
      %dma_start3A_2974 = arith.constant 0 : i32
      %dma_start3A_2975 = arith.constant 1408 : i32
      %dma_start3A_2976 = tpu.memref_slice %arg13[%dma_start3A_2974, %dma_start3A_2975] : memref<16x2048xf32, #tpu.memory_space<vmem>> -> memref<16x128xf32, #tpu.memory_space<vmem>>
      %dma_start3A_2977 = arith.constant 0 : i32
      %dma_start3A_2978 = tpu.memref_slice %arg5[%dma_start3A_2977, %multiple_of3A_2952] : memref<16x1000000xf32, #tpu.memory_space<hbm>> -> memref<16x128xf32, #tpu.memory_space<hbm>>
      tpu.enqueue_dma source(%dma_start3A_2978 : memref<16x128xf32, #tpu.memory_space<hbm>>) target(%dma_start3A_2976 : memref<16x128xf32, #tpu.memory_space<vmem>>) target_semaphore(%dma_start3A_2973 : memref<!tpu.dma_semaphore, #tpu.memory_space<semaphore_mem>>)
      %dma_wait3A_2979 = arith.constant 6 : i32
      %dma_wait3A_2980 = arith.constant 0 : i32
      %dma_wait3A_2981 = arith.constant 1536 : i32
      %dma_wait3A_2982 = tpu.memref_slice %arg13[%dma_wait3A_2980, %dma_wait3A_2981] : memref<16x2048xf32, #tpu.memory_space<vmem>> -> memref<16x256xf32, #tpu.memory_space<vmem>>
      %dma_wait3A_2983 = arith.constant 0 : i32
      %dma_wait3A_2984 = arith.constant 0 : i32
      %dma_wait3A_2985 = tpu.memref_slice %arg4[%dma_wait3A_2983, %dma_wait3A_2984] : memref<16x1000000xf32, #tpu.memory_space<hbm>> -> memref<16x256xf32, #tpu.memory_space<hbm>>
      %dma_wait3A_2986 = tpu.memref_slice %arg20[%dma_wait3A_2979] : memref<8x!tpu.dma_semaphore, #tpu.memory_space<semaphore_mem>> -> memref<1x!tpu.dma_semaphore, #tpu.memory_space<semaphore_mem>>
      %dma_wait3A_2987 = tpu.memref_squeeze %dma_wait3A_2986 : memref<1x!tpu.dma_semaphore, #tpu.memory_space<semaphore_mem>> -> memref<!tpu.dma_semaphore, #tpu.memory_space<semaphore_mem>>
      %dma_wait3A_2988 = arith.constant 0 : i32
      %dma_wait3A_2989 = arith.constant 1536 : i32
      %dma_wait3A_2990 = tpu.memref_slice %arg13[%dma_wait3A_2988, %dma_wait3A_2989] : memref<16x2048xf32, #tpu.memory_space<vmem>> -> memref<16x256xf32, #tpu.memory_space<vmem>>
      %dma_wait3A_2991 = arith.constant 0 : i32
      %dma_wait3A_2992 = arith.constant 0 : i32
      %dma_wait3A_2993 = tpu.memref_slice %arg4[%dma_wait3A_2991, %dma_wait3A_2992] : memref<16x1000000xf32, #tpu.memory_space<hbm>> -> memref<16x256xf32, #tpu.memory_space<hbm>>
      tpu.wait_dma2 semaphore(%dma_wait3A_2987 : memref<!tpu.dma_semaphore, #tpu.memory_space<semaphore_mem>>) src(%dma_wait3A_2993 : memref<16x256xf32, #tpu.memory_space<hbm>>) dst(%dma_wait3A_2990 : memref<16x256xf32, #tpu.memory_space<vmem>>)
      %broadcast_in_dim3A_2994 = arith.constant 1536 : i32
      %broadcast_in_dim3A_2995 = vector.broadcast %broadcast_in_dim3A_2994 : i32 to vector<16xi32>
      %slice3A_2996 = vector.extract_strided_slice %get3A_898 {offsets = [14], sizes = [1], strides = [1]} : vector<16xi32> to vector<1xi32>
      %squeeze3A_2997 = vector.extract %slice3A_2996[0] : i32 from vector<1xi32>
      %jit3A_2998 = arith.constant 128 : i32
      %eq3A_2999 = arith.constant 0 : i32
      %eq3A_3000 = arith.cmpi eq, %jit3A_2998, %eq3A_2999 : i32
      %jit3A_3001 = arith.constant 1 : i32
      %select_n3A_3002 = arith.select %eq3A_3000, %jit3A_3001, %jit3A_2998 : i32
      %rem3A_3003 = arith.remsi %squeeze3A_2997, %select_n3A_3002 : i32
      %ne3A_3004 = arith.constant 0 : i32
      %ne3A_3005 = arith.cmpi ne, %rem3A_3003, %ne3A_3004 : i32
      %lt3A_3006 = arith.constant 0 : i32
      %lt3A_3007 = arith.cmpi slt, %rem3A_3003, %lt3A_3006 : i32
      %lt3A_3008 = arith.constant 0 : i32
      %lt3A_3009 = arith.cmpi slt, %select_n3A_3002, %lt3A_3008 : i32
      %ne3A_3010 = arith.xori %lt3A_3007, %lt3A_3009 : i1
      %and3A_3011 = arith.andi %ne3A_3010, %ne3A_3005 : i1
      %add3A_3012 = arith.addi %rem3A_3003, %select_n3A_3002 : i32
      %select_n3A_3013 = arith.select %and3A_3011, %add3A_3012, %rem3A_3003 : i32
      %add3A_3014 = vector.broadcast %select_n3A_3013 : i32 to vector<16xi32>
      %add3A_3015 = arith.addi %broadcast_in_dim3A_2995, %add3A_3014 : vector<16xi32>
      %broadcast_in_dim3A_3016 = arith.constant 1664 : i32
      %broadcast_in_dim3A_3017 = vector.broadcast %broadcast_in_dim3A_3016 : i32 to vector<16xi32>
      %slice3A_3018 = vector.extract_strided_slice %get3A_902 {offsets = [14], sizes = [1], strides = [1]} : vector<16xi32> to vector<1xi32>
      %squeeze3A_3019 = vector.extract %slice3A_3018[0] : i32 from vector<1xi32>
      %jit3A_3020 = arith.constant 128 : i32
      %eq3A_3021 = arith.constant 0 : i32
      %eq3A_3022 = arith.cmpi eq, %jit3A_3020, %eq3A_3021 : i32
      %jit3A_3023 = arith.constant 1 : i32
      %select_n3A_3024 = arith.select %eq3A_3022, %jit3A_3023, %jit3A_3020 : i32
      %rem3A_3025 = arith.remsi %squeeze3A_3019, %select_n3A_3024 : i32
      %ne3A_3026 = arith.constant 0 : i32
      %ne3A_3027 = arith.cmpi ne, %rem3A_3025, %ne3A_3026 : i32
      %lt3A_3028 = arith.constant 0 : i32
      %lt3A_3029 = arith.cmpi slt, %rem3A_3025, %lt3A_3028 : i32
      %lt3A_3030 = arith.constant 0 : i32
      %lt3A_3031 = arith.cmpi slt, %select_n3A_3024, %lt3A_3030 : i32
      %ne3A_3032 = arith.xori %lt3A_3029, %lt3A_3031 : i1
      %and3A_3033 = arith.andi %ne3A_3032, %ne3A_3027 : i1
      %add3A_3034 = arith.addi %rem3A_3025, %select_n3A_3024 : i32
      %select_n3A_3035 = arith.select %and3A_3033, %add3A_3034, %rem3A_3025 : i32
      %add3A_3036 = vector.broadcast %select_n3A_3035 : i32 to vector<16xi32>
      %add3A_3037 = arith.addi %broadcast_in_dim3A_3017, %add3A_3036 : vector<16xi32>
      %gather3A_3038 = tpu.vector_load_idx %arg13[%iota3A, %add3A_3015] : memref<16x2048xf32, #tpu.memory_space<vmem>>[vector<16xi32>, vector<16xi32>], vector<16xf32>,
      %gather3A_3039 = tpu.vector_load_idx %arg13[%iota3A, %add3A_3037] : memref<16x2048xf32, #tpu.memory_space<vmem>>[vector<16xi32>, vector<16xi32>], vector<16xf32>,
      %mul3A_3040 = arith.mulf %gather3A_3038, %gather3A_3039 : vector<16xf32>
      %swap3A_3041 = arith.constant 224 : index
      %swap3A_3042 = tpu.vector_load %arg14[%swap3A_3041] {strides = array<i32>} : memref<256xf32, #tpu.memory_space<vmem>>, vector<16xf32>,
      tpu.vector_store %arg14[%swap3A_3041], %mul3A_3040 {strides = array<i32>} : memref<256xf32, #tpu.memory_space<vmem>>, vector<16xf32>,
      %slice3A_3043 = vector.extract_strided_slice %get3A_909 {offsets = [6], sizes = [1], strides = [1]} : vector<16xi32> to vector<1xi32>
      %squeeze3A_3044 = vector.extract %slice3A_3043[0] : i32 from vector<1xi32>
      %slice3A_3045 = vector.extract_strided_slice %get3A_911 {offsets = [6], sizes = [1], strides = [1]} : vector<16xi32> to vector<1xi32>
      %squeeze3A_3046 = vector.extract %slice3A_3045[0] : i32 from vector<1xi32>
      %jit3A_3047 = arith.constant 128 : i32
      %div3A_3048 = arith.divsi %squeeze3A_3044, %jit3A_3047 : i32
      %sign3A_3049 = arith.constant 0 : i32
      %sign3A_3050 = arith.cmpi sgt, %squeeze3A_3044, %sign3A_3049 : i32
      %sign3A_3051 = arith.extui %sign3A_3050 : i1 to i32
      %sign3A_3052 = arith.constant 0 : i32
      %sign3A_3053 = arith.cmpi slt, %squeeze3A_3044, %sign3A_3052 : i32
      %sign3A_3054 = arith.extui %sign3A_3053 : i1 to i32
      %sign3A_3055 = arith.subi %sign3A_3051, %sign3A_3054 : i32
      %sign3A_3056 = arith.constant 0 : i32
      %sign3A_3057 = arith.cmpi sgt, %jit3A_3047, %sign3A_3056 : i32
      %sign3A_3058 = arith.extui %sign3A_3057 : i1 to i32
      %sign3A_3059 = arith.constant 0 : i32
      %sign3A_3060 = arith.cmpi slt, %jit3A_3047, %sign3A_3059 : i32
      %sign3A_3061 = arith.extui %sign3A_3060 : i1 to i32
      %sign3A_3062 = arith.subi %sign3A_3058, %sign3A_3061 : i32
      %ne3A_3063 = arith.cmpi ne, %sign3A_3055, %sign3A_3062 : i32
      %rem3A_3064 = arith.remsi %squeeze3A_3044, %jit3A_3047 : i32
      %ne3A_3065 = arith.constant 0 : i32
      %ne3A_3066 = arith.cmpi ne, %rem3A_3064, %ne3A_3065 : i32
      %and3A_3067 = arith.andi %ne3A_3063, %ne3A_3066 : i1
      %sub3A_3068 = arith.constant 1 : i32
      %sub3A_3069 = arith.subi %div3A_3048, %sub3A_3068 : i32
      %select_n3A_3070 = arith.select %and3A_3067, %sub3A_3069, %div3A_3048 : i32
      %mul3A_3071 = arith.constant 128 : i32
      %mul3A_3072 = arith.muli %select_n3A_3070, %mul3A_3071 : i32
      %multiple_of3A_3073 = tpu.assume_multiple %mul3A_3072, 128 : i32
      %jit3A_3074 = arith.constant 128 : i32
      %div3A_3075 = arith.divsi %squeeze3A_3046, %jit3A_3074 : i32
      %sign3A_3076 = arith.constant 0 : i32
      %sign3A_3077 = arith.cmpi sgt, %squeeze3A_3046, %sign3A_3076 : i32
      %sign3A_3078 = arith.extui %sign3A_3077 : i1 to i32
      %sign3A_3079 = arith.constant 0 : i32
      %sign3A_3080 = arith.cmpi slt, %squeeze3A_3046, %sign3A_3079 : i32
      %sign3A_3081 = arith.extui %sign3A_3080 : i1 to i32
      %sign3A_3082 = arith.subi %sign3A_3078, %sign3A_3081 : i32
      %sign3A_3083 = arith.constant 0 : i32
      %sign3A_3084 = arith.cmpi sgt, %jit3A_3074, %sign3A_3083 : i32
      %sign3A_3085 = arith.extui %sign3A_3084 : i1 to i32
      %sign3A_3086 = arith.constant 0 : i32
      %sign3A_3087 = arith.cmpi slt, %jit3A_3074, %sign3A_3086 : i32
      %sign3A_3088 = arith.extui %sign3A_3087 : i1 to i32
      %sign3A_3089 = arith.subi %sign3A_3085, %sign3A_3088 : i32
      %ne3A_3090 = arith.cmpi ne, %sign3A_3082, %sign3A_3089 : i32
      %rem3A_3091 = arith.remsi %squeeze3A_3046, %jit3A_3074 : i32
      %ne3A_3092 = arith.constant 0 : i32
      %ne3A_3093 = arith.cmpi ne, %rem3A_3091, %ne3A_3092 : i32
      %and3A_3094 = arith.andi %ne3A_3090, %ne3A_3093 : i1
      %sub3A_3095 = arith.constant 1 : i32
      %sub3A_3096 = arith.subi %div3A_3075, %sub3A_3095 : i32
      %select_n3A_3097 = arith.select %and3A_3094, %sub3A_3096, %div3A_3075 : i32
      %mul3A_3098 = arith.constant 128 : i32
      %mul3A_3099 = arith.muli %select_n3A_3097, %mul3A_3098 : i32
      %multiple_of3A_3100 = tpu.assume_multiple %mul3A_3099, 128 : i32
      %dma_start3A_3101 = arith.constant 6 : i32
      %dma_start3A_3102 = arith.constant 0 : i32
      %dma_start3A_3103 = arith.constant 1536 : i32
      %dma_start3A_3104 = tpu.memref_slice %arg13[%dma_start3A_3102, %dma_start3A_3103] : memref<16x2048xf32, #tpu.memory_space<vmem>> -> memref<16x128xf32, #tpu.memory_space<vmem>>
      %dma_start3A_3105 = arith.constant 0 : i32
      %dma_start3A_3106 = tpu.memref_slice %arg4[%dma_start3A_3105, %multiple_of3A_3073] : memref<16x1000000xf32, #tpu.memory_space<hbm>> -> memref<16x128xf32, #tpu.memory_space<hbm>>
      %dma_start3A_3107 = tpu.memref_slice %arg20[%dma_start3A_3101] : memref<8x!tpu.dma_semaphore, #tpu.memory_space<semaphore_mem>> -> memref<1x!tpu.dma_semaphore, #tpu.memory_space<semaphore_mem>>
      %dma_start3A_3108 = tpu.memref_squeeze %dma_start3A_3107 : memref<1x!tpu.dma_semaphore, #tpu.memory_space<semaphore_mem>> -> memref<!tpu.dma_semaphore, #tpu.memory_space<semaphore_mem>>
      %dma_start3A_3109 = arith.constant 0 : i32
      %dma_start3A_3110 = arith.constant 1536 : i32
      %dma_start3A_3111 = tpu.memref_slice %arg13[%dma_start3A_3109, %dma_start3A_3110] : memref<16x2048xf32, #tpu.memory_space<vmem>> -> memref<16x128xf32, #tpu.memory_space<vmem>>
      %dma_start3A_3112 = arith.constant 0 : i32
      %dma_start3A_3113 = tpu.memref_slice %arg4[%dma_start3A_3112, %multiple_of3A_3073] : memref<16x1000000xf32, #tpu.memory_space<hbm>> -> memref<16x128xf32, #tpu.memory_space<hbm>>
      tpu.enqueue_dma source(%dma_start3A_3113 : memref<16x128xf32, #tpu.memory_space<hbm>>) target(%dma_start3A_3111 : memref<16x128xf32, #tpu.memory_space<vmem>>) target_semaphore(%dma_start3A_3108 : memref<!tpu.dma_semaphore, #tpu.memory_space<semaphore_mem>>)
      %dma_start3A_3114 = arith.constant 6 : i32
      %dma_start3A_3115 = arith.constant 0 : i32
      %dma_start3A_3116 = arith.constant 1664 : i32
      %dma_start3A_3117 = tpu.memref_slice %arg13[%dma_start3A_3115, %dma_start3A_3116] : memref<16x2048xf32, #tpu.memory_space<vmem>> -> memref<16x128xf32, #tpu.memory_space<vmem>>
      %dma_start3A_3118 = arith.constant 0 : i32
      %dma_start3A_3119 = tpu.memref_slice %arg5[%dma_start3A_3118, %multiple_of3A_3100] : memref<16x1000000xf32, #tpu.memory_space<hbm>> -> memref<16x128xf32, #tpu.memory_space<hbm>>
      %dma_start3A_3120 = tpu.memref_slice %arg20[%dma_start3A_3114] : memref<8x!tpu.dma_semaphore, #tpu.memory_space<semaphore_mem>> -> memref<1x!tpu.dma_semaphore, #tpu.memory_space<semaphore_mem>>
      %dma_start3A_3121 = tpu.memref_squeeze %dma_start3A_3120 : memref<1x!tpu.dma_semaphore, #tpu.memory_space<semaphore_mem>> -> memref<!tpu.dma_semaphore, #tpu.memory_space<semaphore_mem>>
      %dma_start3A_3122 = arith.constant 0 : i32
      %dma_start3A_3123 = arith.constant 1664 : i32
      %dma_start3A_3124 = tpu.memref_slice %arg13[%dma_start3A_3122, %dma_start3A_3123] : memref<16x2048xf32, #tpu.memory_space<vmem>> -> memref<16x128xf32, #tpu.memory_space<vmem>>
      %dma_start3A_3125 = arith.constant 0 : i32
      %dma_start3A_3126 = tpu.memref_slice %arg5[%dma_start3A_3125, %multiple_of3A_3100] : memref<16x1000000xf32, #tpu.memory_space<hbm>> -> memref<16x128xf32, #tpu.memory_space<hbm>>
      tpu.enqueue_dma source(%dma_start3A_3126 : memref<16x128xf32, #tpu.memory_space<hbm>>) target(%dma_start3A_3124 : memref<16x128xf32, #tpu.memory_space<vmem>>) target_semaphore(%dma_start3A_3121 : memref<!tpu.dma_semaphore, #tpu.memory_space<semaphore_mem>>)
      %dma_wait3A_3127 = arith.constant 7 : i32
      %dma_wait3A_3128 = arith.constant 0 : i32
      %dma_wait3A_3129 = arith.constant 1792 : i32
      %dma_wait3A_3130 = tpu.memref_slice %arg13[%dma_wait3A_3128, %dma_wait3A_3129] : memref<16x2048xf32, #tpu.memory_space<vmem>> -> memref<16x256xf32, #tpu.memory_space<vmem>>
      %dma_wait3A_3131 = arith.constant 0 : i32
      %dma_wait3A_3132 = arith.constant 0 : i32
      %dma_wait3A_3133 = tpu.memref_slice %arg4[%dma_wait3A_3131, %dma_wait3A_3132] : memref<16x1000000xf32, #tpu.memory_space<hbm>> -> memref<16x256xf32, #tpu.memory_space<hbm>>
      %dma_wait3A_3134 = tpu.memref_slice %arg20[%dma_wait3A_3127] : memref<8x!tpu.dma_semaphore, #tpu.memory_space<semaphore_mem>> -> memref<1x!tpu.dma_semaphore, #tpu.memory_space<semaphore_mem>>
      %dma_wait3A_3135 = tpu.memref_squeeze %dma_wait3A_3134 : memref<1x!tpu.dma_semaphore, #tpu.memory_space<semaphore_mem>> -> memref<!tpu.dma_semaphore, #tpu.memory_space<semaphore_mem>>
      %dma_wait3A_3136 = arith.constant 0 : i32
      %dma_wait3A_3137 = arith.constant 1792 : i32
      %dma_wait3A_3138 = tpu.memref_slice %arg13[%dma_wait3A_3136, %dma_wait3A_3137] : memref<16x2048xf32, #tpu.memory_space<vmem>> -> memref<16x256xf32, #tpu.memory_space<vmem>>
      %dma_wait3A_3139 = arith.constant 0 : i32
      %dma_wait3A_3140 = arith.constant 0 : i32
      %dma_wait3A_3141 = tpu.memref_slice %arg4[%dma_wait3A_3139, %dma_wait3A_3140] : memref<16x1000000xf32, #tpu.memory_space<hbm>> -> memref<16x256xf32, #tpu.memory_space<hbm>>
      tpu.wait_dma2 semaphore(%dma_wait3A_3135 : memref<!tpu.dma_semaphore, #tpu.memory_space<semaphore_mem>>) src(%dma_wait3A_3141 : memref<16x256xf32, #tpu.memory_space<hbm>>) dst(%dma_wait3A_3138 : memref<16x256xf32, #tpu.memory_space<vmem>>)
      %broadcast_in_dim3A_3142 = arith.constant 1792 : i32
      %broadcast_in_dim3A_3143 = vector.broadcast %broadcast_in_dim3A_3142 : i32 to vector<16xi32>
      %slice3A_3144 = vector.extract_strided_slice %get3A_898 {offsets = [15], sizes = [1], strides = [1]} : vector<16xi32> to vector<1xi32>
      %squeeze3A_3145 = vector.extract %slice3A_3144[0] : i32 from vector<1xi32>
      %jit3A_3146 = arith.constant 128 : i32
      %eq3A_3147 = arith.constant 0 : i32
      %eq3A_3148 = arith.cmpi eq, %jit3A_3146, %eq3A_3147 : i32
      %jit3A_3149 = arith.constant 1 : i32
      %select_n3A_3150 = arith.select %eq3A_3148, %jit3A_3149, %jit3A_3146 : i32
      %rem3A_3151 = arith.remsi %squeeze3A_3145, %select_n3A_3150 : i32
      %ne3A_3152 = arith.constant 0 : i32
      %ne3A_3153 = arith.cmpi ne, %rem3A_3151, %ne3A_3152 : i32
      %lt3A_3154 = arith.constant 0 : i32
      %lt3A_3155 = arith.cmpi slt, %rem3A_3151, %lt3A_3154 : i32
      %lt3A_3156 = arith.constant 0 : i32
      %lt3A_3157 = arith.cmpi slt, %select_n3A_3150, %lt3A_3156 : i32
      %ne3A_3158 = arith.xori %lt3A_3155, %lt3A_3157 : i1
      %and3A_3159 = arith.andi %ne3A_3158, %ne3A_3153 : i1
      %add3A_3160 = arith.addi %rem3A_3151, %select_n3A_3150 : i32
      %select_n3A_3161 = arith.select %and3A_3159, %add3A_3160, %rem3A_3151 : i32
      %add3A_3162 = vector.broadcast %select_n3A_3161 : i32 to vector<16xi32>
      %add3A_3163 = arith.addi %broadcast_in_dim3A_3143, %add3A_3162 : vector<16xi32>
      %broadcast_in_dim3A_3164 = arith.constant 1920 : i32
      %broadcast_in_dim3A_3165 = vector.broadcast %broadcast_in_dim3A_3164 : i32 to vector<16xi32>
      %slice3A_3166 = vector.extract_strided_slice %get3A_902 {offsets = [15], sizes = [1], strides = [1]} : vector<16xi32> to vector<1xi32>
      %squeeze3A_3167 = vector.extract %slice3A_3166[0] : i32 from vector<1xi32>
      %jit3A_3168 = arith.constant 128 : i32
      %eq3A_3169 = arith.constant 0 : i32
      %eq3A_3170 = arith.cmpi eq, %jit3A_3168, %eq3A_3169 : i32
      %jit3A_3171 = arith.constant 1 : i32
      %select_n3A_3172 = arith.select %eq3A_3170, %jit3A_3171, %jit3A_3168 : i32
      %rem3A_3173 = arith.remsi %squeeze3A_3167, %select_n3A_3172 : i32
      %ne3A_3174 = arith.constant 0 : i32
      %ne3A_3175 = arith.cmpi ne, %rem3A_3173, %ne3A_3174 : i32
      %lt3A_3176 = arith.constant 0 : i32
      %lt3A_3177 = arith.cmpi slt, %rem3A_3173, %lt3A_3176 : i32
      %lt3A_3178 = arith.constant 0 : i32
      %lt3A_3179 = arith.cmpi slt, %select_n3A_3172, %lt3A_3178 : i32
      %ne3A_3180 = arith.xori %lt3A_3177, %lt3A_3179 : i1
      %and3A_3181 = arith.andi %ne3A_3180, %ne3A_3175 : i1
      %add3A_3182 = arith.addi %rem3A_3173, %select_n3A_3172 : i32
      %select_n3A_3183 = arith.select %and3A_3181, %add3A_3182, %rem3A_3173 : i32
      %add3A_3184 = vector.broadcast %select_n3A_3183 : i32 to vector<16xi32>
      %add3A_3185 = arith.addi %broadcast_in_dim3A_3165, %add3A_3184 : vector<16xi32>
      %gather3A_3186 = tpu.vector_load_idx %arg13[%iota3A, %add3A_3163] : memref<16x2048xf32, #tpu.memory_space<vmem>>[vector<16xi32>, vector<16xi32>], vector<16xf32>,
      %gather3A_3187 = tpu.vector_load_idx %arg13[%iota3A, %add3A_3185] : memref<16x2048xf32, #tpu.memory_space<vmem>>[vector<16xi32>, vector<16xi32>], vector<16xf32>,
      %mul3A_3188 = arith.mulf %gather3A_3186, %gather3A_3187 : vector<16xf32>
      %swap3A_3189 = arith.constant 240 : index
      %swap3A_3190 = tpu.vector_load %arg14[%swap3A_3189] {strides = array<i32>} : memref<256xf32, #tpu.memory_space<vmem>>, vector<16xf32>,
      tpu.vector_store %arg14[%swap3A_3189], %mul3A_3188 {strides = array<i32>} : memref<256xf32, #tpu.memory_space<vmem>>, vector<16xf32>,
      %slice3A_3191 = vector.extract_strided_slice %get3A_909 {offsets = [7], sizes = [1], strides = [1]} : vector<16xi32> to vector<1xi32>
      %squeeze3A_3192 = vector.extract %slice3A_3191[0] : i32 from vector<1xi32>
      %slice3A_3193 = vector.extract_strided_slice %get3A_911 {offsets = [7], sizes = [1], strides = [1]} : vector<16xi32> to vector<1xi32>
      %squeeze3A_3194 = vector.extract %slice3A_3193[0] : i32 from vector<1xi32>
      %jit3A_3195 = arith.constant 128 : i32
      %div3A_3196 = arith.divsi %squeeze3A_3192, %jit3A_3195 : i32
      %sign3A_3197 = arith.constant 0 : i32
      %sign3A_3198 = arith.cmpi sgt, %squeeze3A_3192, %sign3A_3197 : i32
      %sign3A_3199 = arith.extui %sign3A_3198 : i1 to i32
      %sign3A_3200 = arith.constant 0 : i32
      %sign3A_3201 = arith.cmpi slt, %squeeze3A_3192, %sign3A_3200 : i32
      %sign3A_3202 = arith.extui %sign3A_3201 : i1 to i32
      %sign3A_3203 = arith.subi %sign3A_3199, %sign3A_3202 : i32
      %sign3A_3204 = arith.constant 0 : i32
      %sign3A_3205 = arith.cmpi sgt, %jit3A_3195, %sign3A_3204 : i32
      %sign3A_3206 = arith.extui %sign3A_3205 : i1 to i32
      %sign3A_3207 = arith.constant 0 : i32
      %sign3A_3208 = arith.cmpi slt, %jit3A_3195, %sign3A_3207 : i32
      %sign3A_3209 = arith.extui %sign3A_3208 : i1 to i32
      %sign3A_3210 = arith.subi %sign3A_3206, %sign3A_3209 : i32
      %ne3A_3211 = arith.cmpi ne, %sign3A_3203, %sign3A_3210 : i32
      %rem3A_3212 = arith.remsi %squeeze3A_3192, %jit3A_3195 : i32
      %ne3A_3213 = arith.constant 0 : i32
      %ne3A_3214 = arith.cmpi ne, %rem3A_3212, %ne3A_3213 : i32
      %and3A_3215 = arith.andi %ne3A_3211, %ne3A_3214 : i1
      %sub3A_3216 = arith.constant 1 : i32
      %sub3A_3217 = arith.subi %div3A_3196, %sub3A_3216 : i32
      %select_n3A_3218 = arith.select %and3A_3215, %sub3A_3217, %div3A_3196 : i32
      %mul3A_3219 = arith.constant 128 : i32
      %mul3A_3220 = arith.muli %select_n3A_3218, %mul3A_3219 : i32
      %multiple_of3A_3221 = tpu.assume_multiple %mul3A_3220, 128 : i32
      %jit3A_3222 = arith.constant 128 : i32
      %div3A_3223 = arith.divsi %squeeze3A_3194, %jit3A_3222 : i32
      %sign3A_3224 = arith.constant 0 : i32
      %sign3A_3225 = arith.cmpi sgt, %squeeze3A_3194, %sign3A_3224 : i32
      %sign3A_3226 = arith.extui %sign3A_3225 : i1 to i32
      %sign3A_3227 = arith.constant 0 : i32
      %sign3A_3228 = arith.cmpi slt, %squeeze3A_3194, %sign3A_3227 : i32
      %sign3A_3229 = arith.extui %sign3A_3228 : i1 to i32
      %sign3A_3230 = arith.subi %sign3A_3226, %sign3A_3229 : i32
      %sign3A_3231 = arith.constant 0 : i32
      %sign3A_3232 = arith.cmpi sgt, %jit3A_3222, %sign3A_3231 : i32
      %sign3A_3233 = arith.extui %sign3A_3232 : i1 to i32
      %sign3A_3234 = arith.constant 0 : i32
      %sign3A_3235 = arith.cmpi slt, %jit3A_3222, %sign3A_3234 : i32
      %sign3A_3236 = arith.extui %sign3A_3235 : i1 to i32
      %sign3A_3237 = arith.subi %sign3A_3233, %sign3A_3236 : i32
      %ne3A_3238 = arith.cmpi ne, %sign3A_3230, %sign3A_3237 : i32
      %rem3A_3239 = arith.remsi %squeeze3A_3194, %jit3A_3222 : i32
      %ne3A_3240 = arith.constant 0 : i32
      %ne3A_3241 = arith.cmpi ne, %rem3A_3239, %ne3A_3240 : i32
      %and3A_3242 = arith.andi %ne3A_3238, %ne3A_3241 : i1
      %sub3A_3243 = arith.constant 1 : i32
      %sub3A_3244 = arith.subi %div3A_3223, %sub3A_3243 : i32
      %select_n3A_3245 = arith.select %and3A_3242, %sub3A_3244, %div3A_3223 : i32
      %mul3A_3246 = arith.constant 128 : i32
      %mul3A_3247 = arith.muli %select_n3A_3245, %mul3A_3246 : i32
      %multiple_of3A_3248 = tpu.assume_multiple %mul3A_3247, 128 : i32
      %dma_start3A_3249 = arith.constant 7 : i32
      %dma_start3A_3250 = arith.constant 0 : i32
      %dma_start3A_3251 = arith.constant 1792 : i32
      %dma_start3A_3252 = tpu.memref_slice %arg13[%dma_start3A_3250, %dma_start3A_3251] : memref<16x2048xf32, #tpu.memory_space<vmem>> -> memref<16x128xf32, #tpu.memory_space<vmem>>
      %dma_start3A_3253 = arith.constant 0 : i32
      %dma_start3A_3254 = tpu.memref_slice %arg4[%dma_start3A_3253, %multiple_of3A_3221] : memref<16x1000000xf32, #tpu.memory_space<hbm>> -> memref<16x128xf32, #tpu.memory_space<hbm>>
      %dma_start3A_3255 = tpu.memref_slice %arg20[%dma_start3A_3249] : memref<8x!tpu.dma_semaphore, #tpu.memory_space<semaphore_mem>> -> memref<1x!tpu.dma_semaphore, #tpu.memory_space<semaphore_mem>>
      %dma_start3A_3256 = tpu.memref_squeeze %dma_start3A_3255 : memref<1x!tpu.dma_semaphore, #tpu.memory_space<semaphore_mem>> -> memref<!tpu.dma_semaphore, #tpu.memory_space<semaphore_mem>>
      %dma_start3A_3257 = arith.constant 0 : i32
      %dma_start3A_3258 = arith.constant 1792 : i32
      %dma_start3A_3259 = tpu.memref_slice %arg13[%dma_start3A_3257, %dma_start3A_3258] : memref<16x2048xf32, #tpu.memory_space<vmem>> -> memref<16x128xf32, #tpu.memory_space<vmem>>
      %dma_start3A_3260 = arith.constant 0 : i32
      %dma_start3A_3261 = tpu.memref_slice %arg4[%dma_start3A_3260, %multiple_of3A_3221] : memref<16x1000000xf32, #tpu.memory_space<hbm>> -> memref<16x128xf32, #tpu.memory_space<hbm>>
      tpu.enqueue_dma source(%dma_start3A_3261 : memref<16x128xf32, #tpu.memory_space<hbm>>) target(%dma_start3A_3259 : memref<16x128xf32, #tpu.memory_space<vmem>>) target_semaphore(%dma_start3A_3256 : memref<!tpu.dma_semaphore, #tpu.memory_space<semaphore_mem>>)
      %dma_start3A_3262 = arith.constant 7 : i32
      %dma_start3A_3263 = arith.constant 0 : i32
      %dma_start3A_3264 = arith.constant 1920 : i32
      %dma_start3A_3265 = tpu.memref_slice %arg13[%dma_start3A_3263, %dma_start3A_3264] : memref<16x2048xf32, #tpu.memory_space<vmem>> -> memref<16x128xf32, #tpu.memory_space<vmem>>
      %dma_start3A_3266 = arith.constant 0 : i32
      %dma_start3A_3267 = tpu.memref_slice %arg5[%dma_start3A_3266, %multiple_of3A_3248] : memref<16x1000000xf32, #tpu.memory_space<hbm>> -> memref<16x128xf32, #tpu.memory_space<hbm>>
      %dma_start3A_3268 = tpu.memref_slice %arg20[%dma_start3A_3262] : memref<8x!tpu.dma_semaphore, #tpu.memory_space<semaphore_mem>> -> memref<1x!tpu.dma_semaphore, #tpu.memory_space<semaphore_mem>>
      %dma_start3A_3269 = tpu.memref_squeeze %dma_start3A_3268 : memref<1x!tpu.dma_semaphore, #tpu.memory_space<semaphore_mem>> -> memref<!tpu.dma_semaphore, #tpu.memory_space<semaphore_mem>>
      %dma_start3A_3270 = arith.constant 0 : i32
      %dma_start3A_3271 = arith.constant 1920 : i32
      %dma_start3A_3272 = tpu.memref_slice %arg13[%dma_start3A_3270, %dma_start3A_3271] : memref<16x2048xf32, #tpu.memory_space<vmem>> -> memref<16x128xf32, #tpu.memory_space<vmem>>
      %dma_start3A_3273 = arith.constant 0 : i32
      %dma_start3A_3274 = tpu.memref_slice %arg5[%dma_start3A_3273, %multiple_of3A_3248] : memref<16x1000000xf32, #tpu.memory_space<hbm>> -> memref<16x128xf32, #tpu.memory_space<hbm>>
      tpu.enqueue_dma source(%dma_start3A_3274 : memref<16x128xf32, #tpu.memory_space<hbm>>) target(%dma_start3A_3272 : memref<16x128xf32, #tpu.memory_space<vmem>>) target_semaphore(%dma_start3A_3269 : memref<!tpu.dma_semaphore, #tpu.memory_space<semaphore_mem>>)
      %broadcast_in_dim3A_3275 = arith.constant 0.000000e+00 : f32
      %broadcast_in_dim3A_3276 = vector.broadcast %broadcast_in_dim3A_3275 : f32 to vector<16xf32>
      %mul3A_3277 = arith.constant 16 : i32
      %mul3A_3278 = vector.broadcast %mul3A_3277 : i32 to vector<16xi32>
      %mul3A_3279 = arith.muli %iota3A, %mul3A_3278 : vector<16xi32>
      %add3A_3280 = arith.constant 0 : i32
      %add3A_3281 = vector.broadcast %add3A_3280 : i32 to vector<16xi32>
      %add3A_3282 = arith.addi %mul3A_3279, %add3A_3281 : vector<16xi32>
      %gather3A_3283 = tpu.vector_load_idx %arg14[%add3A_3282] : memref<256xf32, #tpu.memory_space<vmem>>[vector<16xi32>], vector<16xf32>,
      %add3A_3284 = arith.addf %broadcast_in_dim3A_3276, %gather3A_3283 : vector<16xf32>
      %mul3A_3285 = arith.constant 16 : i32
      %mul3A_3286 = vector.broadcast %mul3A_3285 : i32 to vector<16xi32>
      %mul3A_3287 = arith.muli %iota3A, %mul3A_3286 : vector<16xi32>
      %add3A_3288 = arith.constant 1 : i32
      %add3A_3289 = vector.broadcast %add3A_3288 : i32 to vector<16xi32>
      %add3A_3290 = arith.addi %mul3A_3287, %add3A_3289 : vector<16xi32>
      %gather3A_3291 = tpu.vector_load_idx %arg14[%add3A_3290] : memref<256xf32, #tpu.memory_space<vmem>>[vector<16xi32>], vector<16xf32>,
      %add3A_3292 = arith.addf %add3A_3284, %gather3A_3291 : vector<16xf32>
      %mul3A_3293 = arith.constant 16 : i32
      %mul3A_3294 = vector.broadcast %mul3A_3293 : i32 to vector<16xi32>
      %mul3A_3295 = arith.muli %iota3A, %mul3A_3294 : vector<16xi32>
      %add3A_3296 = arith.constant 2 : i32
      %add3A_3297 = vector.broadcast %add3A_3296 : i32 to vector<16xi32>
      %add3A_3298 = arith.addi %mul3A_3295, %add3A_3297 : vector<16xi32>
      %gather3A_3299 = tpu.vector_load_idx %arg14[%add3A_3298] : memref<256xf32, #tpu.memory_space<vmem>>[vector<16xi32>], vector<16xf32>,
      %add3A_3300 = arith.addf %add3A_3292, %gather3A_3299 : vector<16xf32>
      %mul3A_3301 = arith.constant 16 : i32
      %mul3A_3302 = vector.broadcast %mul3A_3301 : i32 to vector<16xi32>
      %mul3A_3303 = arith.muli %iota3A, %mul3A_3302 : vector<16xi32>
      %add3A_3304 = arith.constant 3 : i32
      %add3A_3305 = vector.broadcast %add3A_3304 : i32 to vector<16xi32>
      %add3A_3306 = arith.addi %mul3A_3303, %add3A_3305 : vector<16xi32>
      %gather3A_3307 = tpu.vector_load_idx %arg14[%add3A_3306] : memref<256xf32, #tpu.memory_space<vmem>>[vector<16xi32>], vector<16xf32>,
      %add3A_3308 = arith.addf %add3A_3300, %gather3A_3307 : vector<16xf32>
      %mul3A_3309 = arith.constant 16 : i32
      %mul3A_3310 = vector.broadcast %mul3A_3309 : i32 to vector<16xi32>
      %mul3A_3311 = arith.muli %iota3A, %mul3A_3310 : vector<16xi32>
      %add3A_3312 = arith.constant 4 : i32
      %add3A_3313 = vector.broadcast %add3A_3312 : i32 to vector<16xi32>
      %add3A_3314 = arith.addi %mul3A_3311, %add3A_3313 : vector<16xi32>
      %gather3A_3315 = tpu.vector_load_idx %arg14[%add3A_3314] : memref<256xf32, #tpu.memory_space<vmem>>[vector<16xi32>], vector<16xf32>,
      %add3A_3316 = arith.addf %add3A_3308, %gather3A_3315 : vector<16xf32>
      %mul3A_3317 = arith.constant 16 : i32
      %mul3A_3318 = vector.broadcast %mul3A_3317 : i32 to vector<16xi32>
      %mul3A_3319 = arith.muli %iota3A, %mul3A_3318 : vector<16xi32>
      %add3A_3320 = arith.constant 5 : i32
      %add3A_3321 = vector.broadcast %add3A_3320 : i32 to vector<16xi32>
      %add3A_3322 = arith.addi %mul3A_3319, %add3A_3321 : vector<16xi32>
      %gather3A_3323 = tpu.vector_load_idx %arg14[%add3A_3322] : memref<256xf32, #tpu.memory_space<vmem>>[vector<16xi32>], vector<16xf32>,
      %add3A_3324 = arith.addf %add3A_3316, %gather3A_3323 : vector<16xf32>
      %mul3A_3325 = arith.constant 16 : i32
      %mul3A_3326 = vector.broadcast %mul3A_3325 : i32 to vector<16xi32>
      %mul3A_3327 = arith.muli %iota3A, %mul3A_3326 : vector<16xi32>
      %add3A_3328 = arith.constant 6 : i32
      %add3A_3329 = vector.broadcast %add3A_3328 : i32 to vector<16xi32>
      %add3A_3330 = arith.addi %mul3A_3327, %add3A_3329 : vector<16xi32>
      %gather3A_3331 = tpu.vector_load_idx %arg14[%add3A_3330] : memref<256xf32, #tpu.memory_space<vmem>>[vector<16xi32>], vector<16xf32>,
      %add3A_3332 = arith.addf %add3A_3324, %gather3A_3331 : vector<16xf32>
      %mul3A_3333 = arith.constant 16 : i32
      %mul3A_3334 = vector.broadcast %mul3A_3333 : i32 to vector<16xi32>
      %mul3A_3335 = arith.muli %iota3A, %mul3A_3334 : vector<16xi32>
      %add3A_3336 = arith.constant 7 : i32
      %add3A_3337 = vector.broadcast %add3A_3336 : i32 to vector<16xi32>
      %add3A_3338 = arith.addi %mul3A_3335, %add3A_3337 : vector<16xi32>
      %gather3A_3339 = tpu.vector_load_idx %arg14[%add3A_3338] : memref<256xf32, #tpu.memory_space<vmem>>[vector<16xi32>], vector<16xf32>,
      %add3A_3340 = arith.addf %add3A_3332, %gather3A_3339 : vector<16xf32>
      %mul3A_3341 = arith.constant 16 : i32
      %mul3A_3342 = vector.broadcast %mul3A_3341 : i32 to vector<16xi32>
      %mul3A_3343 = arith.muli %iota3A, %mul3A_3342 : vector<16xi32>
      %add3A_3344 = arith.constant 8 : i32
      %add3A_3345 = vector.broadcast %add3A_3344 : i32 to vector<16xi32>
      %add3A_3346 = arith.addi %mul3A_3343, %add3A_3345 : vector<16xi32>
      %gather3A_3347 = tpu.vector_load_idx %arg14[%add3A_3346] : memref<256xf32, #tpu.memory_space<vmem>>[vector<16xi32>], vector<16xf32>,
      %add3A_3348 = arith.addf %add3A_3340, %gather3A_3347 : vector<16xf32>
      %mul3A_3349 = arith.constant 16 : i32
      %mul3A_3350 = vector.broadcast %mul3A_3349 : i32 to vector<16xi32>
      %mul3A_3351 = arith.muli %iota3A, %mul3A_3350 : vector<16xi32>
      %add3A_3352 = arith.constant 9 : i32
      %add3A_3353 = vector.broadcast %add3A_3352 : i32 to vector<16xi32>
      %add3A_3354 = arith.addi %mul3A_3351, %add3A_3353 : vector<16xi32>
      %gather3A_3355 = tpu.vector_load_idx %arg14[%add3A_3354] : memref<256xf32, #tpu.memory_space<vmem>>[vector<16xi32>], vector<16xf32>,
      %add3A_3356 = arith.addf %add3A_3348, %gather3A_3355 : vector<16xf32>
      %mul3A_3357 = arith.constant 16 : i32
      %mul3A_3358 = vector.broadcast %mul3A_3357 : i32 to vector<16xi32>
      %mul3A_3359 = arith.muli %iota3A, %mul3A_3358 : vector<16xi32>
      %add3A_3360 = arith.constant 10 : i32
      %add3A_3361 = vector.broadcast %add3A_3360 : i32 to vector<16xi32>
      %add3A_3362 = arith.addi %mul3A_3359, %add3A_3361 : vector<16xi32>
      %gather3A_3363 = tpu.vector_load_idx %arg14[%add3A_3362] : memref<256xf32, #tpu.memory_space<vmem>>[vector<16xi32>], vector<16xf32>,
      %add3A_3364 = arith.addf %add3A_3356, %gather3A_3363 : vector<16xf32>
      %mul3A_3365 = arith.constant 16 : i32
      %mul3A_3366 = vector.broadcast %mul3A_3365 : i32 to vector<16xi32>
      %mul3A_3367 = arith.muli %iota3A, %mul3A_3366 : vector<16xi32>
      %add3A_3368 = arith.constant 11 : i32
      %add3A_3369 = vector.broadcast %add3A_3368 : i32 to vector<16xi32>
      %add3A_3370 = arith.addi %mul3A_3367, %add3A_3369 : vector<16xi32>
      %gather3A_3371 = tpu.vector_load_idx %arg14[%add3A_3370] : memref<256xf32, #tpu.memory_space<vmem>>[vector<16xi32>], vector<16xf32>,
      %add3A_3372 = arith.addf %add3A_3364, %gather3A_3371 : vector<16xf32>
      %mul3A_3373 = arith.constant 16 : i32
      %mul3A_3374 = vector.broadcast %mul3A_3373 : i32 to vector<16xi32>
      %mul3A_3375 = arith.muli %iota3A, %mul3A_3374 : vector<16xi32>
      %add3A_3376 = arith.constant 12 : i32
      %add3A_3377 = vector.broadcast %add3A_3376 : i32 to vector<16xi32>
      %add3A_3378 = arith.addi %mul3A_3375, %add3A_3377 : vector<16xi32>
      %gather3A_3379 = tpu.vector_load_idx %arg14[%add3A_3378] : memref<256xf32, #tpu.memory_space<vmem>>[vector<16xi32>], vector<16xf32>,
      %add3A_3380 = arith.addf %add3A_3372, %gather3A_3379 : vector<16xf32>
      %mul3A_3381 = arith.constant 16 : i32
      %mul3A_3382 = vector.broadcast %mul3A_3381 : i32 to vector<16xi32>
      %mul3A_3383 = arith.muli %iota3A, %mul3A_3382 : vector<16xi32>
      %add3A_3384 = arith.constant 13 : i32
      %add3A_3385 = vector.broadcast %add3A_3384 : i32 to vector<16xi32>
      %add3A_3386 = arith.addi %mul3A_3383, %add3A_3385 : vector<16xi32>
      %gather3A_3387 = tpu.vector_load_idx %arg14[%add3A_3386] : memref<256xf32, #tpu.memory_space<vmem>>[vector<16xi32>], vector<16xf32>,
      %add3A_3388 = arith.addf %add3A_3380, %gather3A_3387 : vector<16xf32>
      %mul3A_3389 = arith.constant 16 : i32
      %mul3A_3390 = vector.broadcast %mul3A_3389 : i32 to vector<16xi32>
      %mul3A_3391 = arith.muli %iota3A, %mul3A_3390 : vector<16xi32>
      %add3A_3392 = arith.constant 14 : i32
      %add3A_3393 = vector.broadcast %add3A_3392 : i32 to vector<16xi32>
      %add3A_3394 = arith.addi %mul3A_3391, %add3A_3393 : vector<16xi32>
      %gather3A_3395 = tpu.vector_load_idx %arg14[%add3A_3394] : memref<256xf32, #tpu.memory_space<vmem>>[vector<16xi32>], vector<16xf32>,
      %add3A_3396 = arith.addf %add3A_3388, %gather3A_3395 : vector<16xf32>
      %mul3A_3397 = arith.constant 16 : i32
      %mul3A_3398 = vector.broadcast %mul3A_3397 : i32 to vector<16xi32>
      %mul3A_3399 = arith.muli %iota3A, %mul3A_3398 : vector<16xi32>
      %add3A_3400 = arith.constant 15 : i32
      %add3A_3401 = vector.broadcast %add3A_3400 : i32 to vector<16xi32>
      %add3A_3402 = arith.addi %mul3A_3399, %add3A_3401 : vector<16xi32>
      %gather3A_3403 = tpu.vector_load_idx %arg14[%add3A_3402] : memref<256xf32, #tpu.memory_space<vmem>>[vector<16xi32>], vector<16xf32>,
      %add3A_3404 = arith.addf %add3A_3396, %gather3A_3403 : vector<16xf32>
      %mul3A_3405 = arith.constant 16 : i32
      %mul3A_3406 = arith.muli %scan3A_894, %mul3A_3405 : i32
      %swap3A_3407 = arith.index_cast %mul3A_3406 : i32 to index
      %swap3A_3408 = tpu.vector_load %arg18[%swap3A_3407] {strides = array<i32>} : memref<512xf32, #tpu.memory_space<vmem>>, vector<16xf32>,
      tpu.vector_store %arg18[%swap3A_3407], %add3A_3404 {strides = array<i32>} : memref<512xf32, #tpu.memory_space<vmem>>, vector<16xf32>,
    }
    %scan3A_718 = arith.constant 32 : i32
    %dma_wait3A = arith.constant 0 : i32
    %dma_wait3A_719 = arith.constant 0 : i32
    %dma_wait3A_720 = arith.constant 0 : i32
    %dma_wait3A_721 = tpu.memref_slice %arg13[%dma_wait3A_719, %dma_wait3A_720] : memref<16x2048xf32, #tpu.memory_space<vmem>> -> memref<16x256xf32, #tpu.memory_space<vmem>>
    %dma_wait3A_722 = arith.constant 0 : i32
    %dma_wait3A_723 = arith.constant 0 : i32
    %dma_wait3A_724 = tpu.memref_slice %arg4[%dma_wait3A_722, %dma_wait3A_723] : memref<16x1000000xf32, #tpu.memory_space<hbm>> -> memref<16x256xf32, #tpu.memory_space<hbm>>
    %dma_wait3A_725 = tpu.memref_slice %arg20[%dma_wait3A] : memref<8x!tpu.dma_semaphore, #tpu.memory_space<semaphore_mem>> -> memref<1x!tpu.dma_semaphore, #tpu.memory_space<semaphore_mem>>
    %dma_wait3A_726 = tpu.memref_squeeze %dma_wait3A_725 : memref<1x!tpu.dma_semaphore, #tpu.memory_space<semaphore_mem>> -> memref<!tpu.dma_semaphore, #tpu.memory_space<semaphore_mem>>
    %dma_wait3A_727 = arith.constant 0 : i32
    %dma_wait3A_728 = arith.constant 0 : i32
    %dma_wait3A_729 = tpu.memref_slice %arg13[%dma_wait3A_727, %dma_wait3A_728] : memref<16x2048xf32, #tpu.memory_space<vmem>> -> memref<16x256xf32, #tpu.memory_space<vmem>>
    %dma_wait3A_730 = arith.constant 0 : i32
    %dma_wait3A_731 = arith.constant 0 : i32
    %dma_wait3A_732 = tpu.memref_slice %arg4[%dma_wait3A_730, %dma_wait3A_731] : memref<16x1000000xf32, #tpu.memory_space<hbm>> -> memref<16x256xf32, #tpu.memory_space<hbm>>
    tpu.wait_dma2 semaphore(%dma_wait3A_726 : memref<!tpu.dma_semaphore, #tpu.memory_space<semaphore_mem>>) src(%dma_wait3A_732 : memref<16x256xf32, #tpu.memory_space<hbm>>) dst(%dma_wait3A_729 : memref<16x256xf32, #tpu.memory_space<vmem>>)
    %dma_wait3A_733 = arith.constant 1 : i32
    %dma_wait3A_734 = arith.constant 0 : i32
    %dma_wait3A_735 = arith.constant 256 : i32
    %dma_wait3A_736 = tpu.memref_slice %arg13[%dma_wait3A_734, %dma_wait3A_735] : memref<16x2048xf32, #tpu.memory_space<vmem>> -> memref<16x256xf32, #tpu.memory_space<vmem>>
    %dma_wait3A_737 = arith.constant 0 : i32
    %dma_wait3A_738 = arith.constant 0 : i32
    %dma_wait3A_739 = tpu.memref_slice %arg4[%dma_wait3A_737, %dma_wait3A_738] : memref<16x1000000xf32, #tpu.memory_space<hbm>> -> memref<16x256xf32, #tpu.memory_space<hbm>>
    %dma_wait3A_740 = tpu.memref_slice %arg20[%dma_wait3A_733] : memref<8x!tpu.dma_semaphore, #tpu.memory_space<semaphore_mem>> -> memref<1x!tpu.dma_semaphore, #tpu.memory_space<semaphore_mem>>
    %dma_wait3A_741 = tpu.memref_squeeze %dma_wait3A_740 : memref<1x!tpu.dma_semaphore, #tpu.memory_space<semaphore_mem>> -> memref<!tpu.dma_semaphore, #tpu.memory_space<semaphore_mem>>
    %dma_wait3A_742 = arith.constant 0 : i32
    %dma_wait3A_743 = arith.constant 256 : i32
    %dma_wait3A_744 = tpu.memref_slice %arg13[%dma_wait3A_742, %dma_wait3A_743] : memref<16x2048xf32, #tpu.memory_space<vmem>> -> memref<16x256xf32, #tpu.memory_space<vmem>>
    %dma_wait3A_745 = arith.constant 0 : i32
    %dma_wait3A_746 = arith.constant 0 : i32
    %dma_wait3A_747 = tpu.memref_slice %arg4[%dma_wait3A_745, %dma_wait3A_746] : memref<16x1000000xf32, #tpu.memory_space<hbm>> -> memref<16x256xf32, #tpu.memory_space<hbm>>
    tpu.wait_dma2 semaphore(%dma_wait3A_741 : memref<!tpu.dma_semaphore, #tpu.memory_space<semaphore_mem>>) src(%dma_wait3A_747 : memref<16x256xf32, #tpu.memory_space<hbm>>) dst(%dma_wait3A_744 : memref<16x256xf32, #tpu.memory_space<vmem>>)
    %dma_wait3A_748 = arith.constant 2 : i32
    %dma_wait3A_749 = arith.constant 0 : i32
    %dma_wait3A_750 = arith.constant 512 : i32
    %dma_wait3A_751 = tpu.memref_slice %arg13[%dma_wait3A_749, %dma_wait3A_750] : memref<16x2048xf32, #tpu.memory_space<vmem>> -> memref<16x256xf32, #tpu.memory_space<vmem>>
    %dma_wait3A_752 = arith.constant 0 : i32
    %dma_wait3A_753 = arith.constant 0 : i32
    %dma_wait3A_754 = tpu.memref_slice %arg4[%dma_wait3A_752, %dma_wait3A_753] : memref<16x1000000xf32, #tpu.memory_space<hbm>> -> memref<16x256xf32, #tpu.memory_space<hbm>>
    %dma_wait3A_755 = tpu.memref_slice %arg20[%dma_wait3A_748] : memref<8x!tpu.dma_semaphore, #tpu.memory_space<semaphore_mem>> -> memref<1x!tpu.dma_semaphore, #tpu.memory_space<semaphore_mem>>
    %dma_wait3A_756 = tpu.memref_squeeze %dma_wait3A_755 : memref<1x!tpu.dma_semaphore, #tpu.memory_space<semaphore_mem>> -> memref<!tpu.dma_semaphore, #tpu.memory_space<semaphore_mem>>
    %dma_wait3A_757 = arith.constant 0 : i32
    %dma_wait3A_758 = arith.constant 512 : i32
    %dma_wait3A_759 = tpu.memref_slice %arg13[%dma_wait3A_757, %dma_wait3A_758] : memref<16x2048xf32, #tpu.memory_space<vmem>> -> memref<16x256xf32, #tpu.memory_space<vmem>>
    %dma_wait3A_760 = arith.constant 0 : i32
    %dma_wait3A_761 = arith.constant 0 : i32
    %dma_wait3A_762 = tpu.memref_slice %arg4[%dma_wait3A_760, %dma_wait3A_761] : memref<16x1000000xf32, #tpu.memory_space<hbm>> -> memref<16x256xf32, #tpu.memory_space<hbm>>
    tpu.wait_dma2 semaphore(%dma_wait3A_756 : memref<!tpu.dma_semaphore, #tpu.memory_space<semaphore_mem>>) src(%dma_wait3A_762 : memref<16x256xf32, #tpu.memory_space<hbm>>) dst(%dma_wait3A_759 : memref<16x256xf32, #tpu.memory_space<vmem>>)
    %dma_wait3A_763 = arith.constant 3 : i32
    %dma_wait3A_764 = arith.constant 0 : i32
    %dma_wait3A_765 = arith.constant 768 : i32
    %dma_wait3A_766 = tpu.memref_slice %arg13[%dma_wait3A_764, %dma_wait3A_765] : memref<16x2048xf32, #tpu.memory_space<vmem>> -> memref<16x256xf32, #tpu.memory_space<vmem>>
    %dma_wait3A_767 = arith.constant 0 : i32
    %dma_wait3A_768 = arith.constant 0 : i32
    %dma_wait3A_769 = tpu.memref_slice %arg4[%dma_wait3A_767, %dma_wait3A_768] : memref<16x1000000xf32, #tpu.memory_space<hbm>> -> memref<16x256xf32, #tpu.memory_space<hbm>>
    %dma_wait3A_770 = tpu.memref_slice %arg20[%dma_wait3A_763] : memref<8x!tpu.dma_semaphore, #tpu.memory_space<semaphore_mem>> -> memref<1x!tpu.dma_semaphore, #tpu.memory_space<semaphore_mem>>
    %dma_wait3A_771 = tpu.memref_squeeze %dma_wait3A_770 : memref<1x!tpu.dma_semaphore, #tpu.memory_space<semaphore_mem>> -> memref<!tpu.dma_semaphore, #tpu.memory_space<semaphore_mem>>
    %dma_wait3A_772 = arith.constant 0 : i32
    %dma_wait3A_773 = arith.constant 768 : i32
    %dma_wait3A_774 = tpu.memref_slice %arg13[%dma_wait3A_772, %dma_wait3A_773] : memref<16x2048xf32, #tpu.memory_space<vmem>> -> memref<16x256xf32, #tpu.memory_space<vmem>>
    %dma_wait3A_775 = arith.constant 0 : i32
    %dma_wait3A_776 = arith.constant 0 : i32
    %dma_wait3A_777 = tpu.memref_slice %arg4[%dma_wait3A_775, %dma_wait3A_776] : memref<16x1000000xf32, #tpu.memory_space<hbm>> -> memref<16x256xf32, #tpu.memory_space<hbm>>
    tpu.wait_dma2 semaphore(%dma_wait3A_771 : memref<!tpu.dma_semaphore, #tpu.memory_space<semaphore_mem>>) src(%dma_wait3A_777 : memref<16x256xf32, #tpu.memory_space<hbm>>) dst(%dma_wait3A_774 : memref<16x256xf32, #tpu.memory_space<vmem>>)
    %dma_wait3A_778 = arith.constant 4 : i32
    %dma_wait3A_779 = arith.constant 0 : i32
    %dma_wait3A_780 = arith.constant 1024 : i32
    %dma_wait3A_781 = tpu.memref_slice %arg13[%dma_wait3A_779, %dma_wait3A_780] : memref<16x2048xf32, #tpu.memory_space<vmem>> -> memref<16x256xf32, #tpu.memory_space<vmem>>
    %dma_wait3A_782 = arith.constant 0 : i32
    %dma_wait3A_783 = arith.constant 0 : i32
    %dma_wait3A_784 = tpu.memref_slice %arg4[%dma_wait3A_782, %dma_wait3A_783] : memref<16x1000000xf32, #tpu.memory_space<hbm>> -> memref<16x256xf32, #tpu.memory_space<hbm>>
    %dma_wait3A_785 = tpu.memref_slice %arg20[%dma_wait3A_778] : memref<8x!tpu.dma_semaphore, #tpu.memory_space<semaphore_mem>> -> memref<1x!tpu.dma_semaphore, #tpu.memory_space<semaphore_mem>>
    %dma_wait3A_786 = tpu.memref_squeeze %dma_wait3A_785 : memref<1x!tpu.dma_semaphore, #tpu.memory_space<semaphore_mem>> -> memref<!tpu.dma_semaphore, #tpu.memory_space<semaphore_mem>>
    %dma_wait3A_787 = arith.constant 0 : i32
    %dma_wait3A_788 = arith.constant 1024 : i32
    %dma_wait3A_789 = tpu.memref_slice %arg13[%dma_wait3A_787, %dma_wait3A_788] : memref<16x2048xf32, #tpu.memory_space<vmem>> -> memref<16x256xf32, #tpu.memory_space<vmem>>
    %dma_wait3A_790 = arith.constant 0 : i32
    %dma_wait3A_791 = arith.constant 0 : i32
    %dma_wait3A_792 = tpu.memref_slice %arg4[%dma_wait3A_790, %dma_wait3A_791] : memref<16x1000000xf32, #tpu.memory_space<hbm>> -> memref<16x256xf32, #tpu.memory_space<hbm>>
    tpu.wait_dma2 semaphore(%dma_wait3A_786 : memref<!tpu.dma_semaphore, #tpu.memory_space<semaphore_mem>>) src(%dma_wait3A_792 : memref<16x256xf32, #tpu.memory_space<hbm>>) dst(%dma_wait3A_789 : memref<16x256xf32, #tpu.memory_space<vmem>>)
    %dma_wait3A_793 = arith.constant 5 : i32
    %dma_wait3A_794 = arith.constant 0 : i32
    %dma_wait3A_795 = arith.constant 1280 : i32
    %dma_wait3A_796 = tpu.memref_slice %arg13[%dma_wait3A_794, %dma_wait3A_795] : memref<16x2048xf32, #tpu.memory_space<vmem>> -> memref<16x256xf32, #tpu.memory_space<vmem>>
    %dma_wait3A_797 = arith.constant 0 : i32
    %dma_wait3A_798 = arith.constant 0 : i32
    %dma_wait3A_799 = tpu.memref_slice %arg4[%dma_wait3A_797, %dma_wait3A_798] : memref<16x1000000xf32, #tpu.memory_space<hbm>> -> memref<16x256xf32, #tpu.memory_space<hbm>>
    %dma_wait3A_800 = tpu.memref_slice %arg20[%dma_wait3A_793] : memref<8x!tpu.dma_semaphore, #tpu.memory_space<semaphore_mem>> -> memref<1x!tpu.dma_semaphore, #tpu.memory_space<semaphore_mem>>
    %dma_wait3A_801 = tpu.memref_squeeze %dma_wait3A_800 : memref<1x!tpu.dma_semaphore, #tpu.memory_space<semaphore_mem>> -> memref<!tpu.dma_semaphore, #tpu.memory_space<semaphore_mem>>
    %dma_wait3A_802 = arith.constant 0 : i32
    %dma_wait3A_803 = arith.constant 1280 : i32
    %dma_wait3A_804 = tpu.memref_slice %arg13[%dma_wait3A_802, %dma_wait3A_803] : memref<16x2048xf32, #tpu.memory_space<vmem>> -> memref<16x256xf32, #tpu.memory_space<vmem>>
    %dma_wait3A_805 = arith.constant 0 : i32
    %dma_wait3A_806 = arith.constant 0 : i32
    %dma_wait3A_807 = tpu.memref_slice %arg4[%dma_wait3A_805, %dma_wait3A_806] : memref<16x1000000xf32, #tpu.memory_space<hbm>> -> memref<16x256xf32, #tpu.memory_space<hbm>>
    tpu.wait_dma2 semaphore(%dma_wait3A_801 : memref<!tpu.dma_semaphore, #tpu.memory_space<semaphore_mem>>) src(%dma_wait3A_807 : memref<16x256xf32, #tpu.memory_space<hbm>>) dst(%dma_wait3A_804 : memref<16x256xf32, #tpu.memory_space<vmem>>)
    %dma_wait3A_808 = arith.constant 6 : i32
    %dma_wait3A_809 = arith.constant 0 : i32
    %dma_wait3A_810 = arith.constant 1536 : i32
    %dma_wait3A_811 = tpu.memref_slice %arg13[%dma_wait3A_809, %dma_wait3A_810] : memref<16x2048xf32, #tpu.memory_space<vmem>> -> memref<16x256xf32, #tpu.memory_space<vmem>>
    %dma_wait3A_812 = arith.constant 0 : i32
    %dma_wait3A_813 = arith.constant 0 : i32
    %dma_wait3A_814 = tpu.memref_slice %arg4[%dma_wait3A_812, %dma_wait3A_813] : memref<16x1000000xf32, #tpu.memory_space<hbm>> -> memref<16x256xf32, #tpu.memory_space<hbm>>
    %dma_wait3A_815 = tpu.memref_slice %arg20[%dma_wait3A_808] : memref<8x!tpu.dma_semaphore, #tpu.memory_space<semaphore_mem>> -> memref<1x!tpu.dma_semaphore, #tpu.memory_space<semaphore_mem>>
    %dma_wait3A_816 = tpu.memref_squeeze %dma_wait3A_815 : memref<1x!tpu.dma_semaphore, #tpu.memory_space<semaphore_mem>> -> memref<!tpu.dma_semaphore, #tpu.memory_space<semaphore_mem>>
    %dma_wait3A_817 = arith.constant 0 : i32
    %dma_wait3A_818 = arith.constant 1536 : i32
    %dma_wait3A_819 = tpu.memref_slice %arg13[%dma_wait3A_817, %dma_wait3A_818] : memref<16x2048xf32, #tpu.memory_space<vmem>> -> memref<16x256xf32, #tpu.memory_space<vmem>>
    %dma_wait3A_820 = arith.constant 0 : i32
    %dma_wait3A_821 = arith.constant 0 : i32
    %dma_wait3A_822 = tpu.memref_slice %arg4[%dma_wait3A_820, %dma_wait3A_821] : memref<16x1000000xf32, #tpu.memory_space<hbm>> -> memref<16x256xf32, #tpu.memory_space<hbm>>
    tpu.wait_dma2 semaphore(%dma_wait3A_816 : memref<!tpu.dma_semaphore, #tpu.memory_space<semaphore_mem>>) src(%dma_wait3A_822 : memref<16x256xf32, #tpu.memory_space<hbm>>) dst(%dma_wait3A_819 : memref<16x256xf32, #tpu.memory_space<vmem>>)
    %dma_wait3A_823 = arith.constant 7 : i32
    %dma_wait3A_824 = arith.constant 0 : i32
    %dma_wait3A_825 = arith.constant 1792 : i32
    %dma_wait3A_826 = tpu.memref_slice %arg13[%dma_wait3A_824, %dma_wait3A_825] : memref<16x2048xf32, #tpu.memory_space<vmem>> -> memref<16x256xf32, #tpu.memory_space<vmem>>
    %dma_wait3A_827 = arith.constant 0 : i32
    %dma_wait3A_828 = arith.constant 0 : i32
    %dma_wait3A_829 = tpu.memref_slice %arg4[%dma_wait3A_827, %dma_wait3A_828] : memref<16x1000000xf32, #tpu.memory_space<hbm>> -> memref<16x256xf32, #tpu.memory_space<hbm>>
    %dma_wait3A_830 = tpu.memref_slice %arg20[%dma_wait3A_823] : memref<8x!tpu.dma_semaphore, #tpu.memory_space<semaphore_mem>> -> memref<1x!tpu.dma_semaphore, #tpu.memory_space<semaphore_mem>>
    %dma_wait3A_831 = tpu.memref_squeeze %dma_wait3A_830 : memref<1x!tpu.dma_semaphore, #tpu.memory_space<semaphore_mem>> -> memref<!tpu.dma_semaphore, #tpu.memory_space<semaphore_mem>>
    %dma_wait3A_832 = arith.constant 0 : i32
    %dma_wait3A_833 = arith.constant 1792 : i32
    %dma_wait3A_834 = tpu.memref_slice %arg13[%dma_wait3A_832, %dma_wait3A_833] : memref<16x2048xf32, #tpu.memory_space<vmem>> -> memref<16x256xf32, #tpu.memory_space<vmem>>
    %dma_wait3A_835 = arith.constant 0 : i32
    %dma_wait3A_836 = arith.constant 0 : i32
    %dma_wait3A_837 = tpu.memref_slice %arg4[%dma_wait3A_835, %dma_wait3A_836] : memref<16x1000000xf32, #tpu.memory_space<hbm>> -> memref<16x256xf32, #tpu.memory_space<hbm>>
    tpu.wait_dma2 semaphore(%dma_wait3A_831 : memref<!tpu.dma_semaphore, #tpu.memory_space<semaphore_mem>>) src(%dma_wait3A_837 : memref<16x256xf32, #tpu.memory_space<hbm>>) dst(%dma_wait3A_834 : memref<16x256xf32, #tpu.memory_space<vmem>>)
    %dma_wait3A_838 = arith.constant 0 : i32
    %dma_wait3A_839 = tpu.memref_slice %arg15[%dma_wait3A_838] : memref<512xf32, #tpu.memory_space<vmem>> -> memref<128xf32, #tpu.memory_space<vmem>>
    %dma_wait3A_840 = arith.constant 0 : i32
    %dma_wait3A_841 = tpu.memref_slice %arg11[%dma_wait3A_840] : memref<512xi32, #tpu.memory_space<vmem>> -> memref<128xi32, #tpu.memory_space<vmem>>
    %dma_wait3A_842 = arith.constant 0 : i32
    %dma_wait3A_843 = tpu.memref_slice %arg6[%dma_wait3A_842] : memref<1000000xf32, #tpu.memory_space<hbm>> -> memref<1000000xf32, #tpu.memory_space<hbm>>
    tpu.wait_indirect_dma semaphore(%arg21 : memref<!tpu.dma_semaphore, #tpu.memory_space<semaphore_mem>>) src(%dma_wait3A_843 : memref<1000000xf32, #tpu.memory_space<hbm>>) dst(%dma_wait3A_839 : memref<128xf32, #tpu.memory_space<vmem>>)
    %dma_wait3A_844 = arith.constant 0 : i32
    %dma_wait3A_845 = tpu.memref_slice %arg16[%dma_wait3A_844] : memref<512xf32, #tpu.memory_space<vmem>> -> memref<128xf32, #tpu.memory_space<vmem>>
    %dma_wait3A_846 = arith.constant 0 : i32
    %dma_wait3A_847 = tpu.memref_slice %arg12[%dma_wait3A_846] : memref<512xi32, #tpu.memory_space<vmem>> -> memref<128xi32, #tpu.memory_space<vmem>>
    %dma_wait3A_848 = arith.constant 0 : i32
    %dma_wait3A_849 = tpu.memref_slice %arg7[%dma_wait3A_848] : memref<1000000xf32, #tpu.memory_space<hbm>> -> memref<1000000xf32, #tpu.memory_space<hbm>>
    tpu.wait_indirect_dma semaphore(%arg21 : memref<!tpu.dma_semaphore, #tpu.memory_space<semaphore_mem>>) src(%dma_wait3A_849 : memref<1000000xf32, #tpu.memory_space<hbm>>) dst(%dma_wait3A_845 : memref<128xf32, #tpu.memory_space<vmem>>)
    %dma_wait3A_850 = arith.constant 128 : i32
    %dma_wait3A_851 = tpu.memref_slice %arg15[%dma_wait3A_850] : memref<512xf32, #tpu.memory_space<vmem>> -> memref<128xf32, #tpu.memory_space<vmem>>
    %dma_wait3A_852 = arith.constant 128 : i32
    %dma_wait3A_853 = tpu.memref_slice %arg11[%dma_wait3A_852] : memref<512xi32, #tpu.memory_space<vmem>> -> memref<128xi32, #tpu.memory_space<vmem>>
    %dma_wait3A_854 = arith.constant 0 : i32
    %dma_wait3A_855 = tpu.memref_slice %arg6[%dma_wait3A_854] : memref<1000000xf32, #tpu.memory_space<hbm>> -> memref<1000000xf32, #tpu.memory_space<hbm>>
    tpu.wait_indirect_dma semaphore(%arg21 : memref<!tpu.dma_semaphore, #tpu.memory_space<semaphore_mem>>) src(%dma_wait3A_855 : memref<1000000xf32, #tpu.memory_space<hbm>>) dst(%dma_wait3A_851 : memref<128xf32, #tpu.memory_space<vmem>>)
    %dma_wait3A_856 = arith.constant 128 : i32
    %dma_wait3A_857 = tpu.memref_slice %arg16[%dma_wait3A_856] : memref<512xf32, #tpu.memory_space<vmem>> -> memref<128xf32, #tpu.memory_space<vmem>>
    %dma_wait3A_858 = arith.constant 128 : i32
    %dma_wait3A_859 = tpu.memref_slice %arg12[%dma_wait3A_858] : memref<512xi32, #tpu.memory_space<vmem>> -> memref<128xi32, #tpu.memory_space<vmem>>
    %dma_wait3A_860 = arith.constant 0 : i32
    %dma_wait3A_861 = tpu.memref_slice %arg7[%dma_wait3A_860] : memref<1000000xf32, #tpu.memory_space<hbm>> -> memref<1000000xf32, #tpu.memory_space<hbm>>
    tpu.wait_indirect_dma semaphore(%arg21 : memref<!tpu.dma_semaphore, #tpu.memory_space<semaphore_mem>>) src(%dma_wait3A_861 : memref<1000000xf32, #tpu.memory_space<hbm>>) dst(%dma_wait3A_857 : memref<128xf32, #tpu.memory_space<vmem>>)
    %dma_wait3A_862 = arith.constant 256 : i32
    %dma_wait3A_863 = tpu.memref_slice %arg15[%dma_wait3A_862] : memref<512xf32, #tpu.memory_space<vmem>> -> memref<128xf32, #tpu.memory_space<vmem>>
    %dma_wait3A_864 = arith.constant 256 : i32
    %dma_wait3A_865 = tpu.memref_slice %arg11[%dma_wait3A_864] : memref<512xi32, #tpu.memory_space<vmem>> -> memref<128xi32, #tpu.memory_space<vmem>>
    %dma_wait3A_866 = arith.constant 0 : i32
    %dma_wait3A_867 = tpu.memref_slice %arg6[%dma_wait3A_866] : memref<1000000xf32, #tpu.memory_space<hbm>> -> memref<1000000xf32, #tpu.memory_space<hbm>>
    tpu.wait_indirect_dma semaphore(%arg21 : memref<!tpu.dma_semaphore, #tpu.memory_space<semaphore_mem>>) src(%dma_wait3A_867 : memref<1000000xf32, #tpu.memory_space<hbm>>) dst(%dma_wait3A_863 : memref<128xf32, #tpu.memory_space<vmem>>)
    %dma_wait3A_868 = arith.constant 256 : i32
    %dma_wait3A_869 = tpu.memref_slice %arg16[%dma_wait3A_868] : memref<512xf32, #tpu.memory_space<vmem>> -> memref<128xf32, #tpu.memory_space<vmem>>
    %dma_wait3A_870 = arith.constant 256 : i32
    %dma_wait3A_871 = tpu.memref_slice %arg12[%dma_wait3A_870] : memref<512xi32, #tpu.memory_space<vmem>> -> memref<128xi32, #tpu.memory_space<vmem>>
    %dma_wait3A_872 = arith.constant 0 : i32
    %dma_wait3A_873 = tpu.memref_slice %arg7[%dma_wait3A_872] : memref<1000000xf32, #tpu.memory_space<hbm>> -> memref<1000000xf32, #tpu.memory_space<hbm>>
    tpu.wait_indirect_dma semaphore(%arg21 : memref<!tpu.dma_semaphore, #tpu.memory_space<semaphore_mem>>) src(%dma_wait3A_873 : memref<1000000xf32, #tpu.memory_space<hbm>>) dst(%dma_wait3A_869 : memref<128xf32, #tpu.memory_space<vmem>>)
    %dma_wait3A_874 = arith.constant 384 : i32
    %dma_wait3A_875 = tpu.memref_slice %arg15[%dma_wait3A_874] : memref<512xf32, #tpu.memory_space<vmem>> -> memref<128xf32, #tpu.memory_space<vmem>>
    %dma_wait3A_876 = arith.constant 384 : i32
    %dma_wait3A_877 = tpu.memref_slice %arg11[%dma_wait3A_876] : memref<512xi32, #tpu.memory_space<vmem>> -> memref<128xi32, #tpu.memory_space<vmem>>
    %dma_wait3A_878 = arith.constant 0 : i32
    %dma_wait3A_879 = tpu.memref_slice %arg6[%dma_wait3A_878] : memref<1000000xf32, #tpu.memory_space<hbm>> -> memref<1000000xf32, #tpu.memory_space<hbm>>
    tpu.wait_indirect_dma semaphore(%arg21 : memref<!tpu.dma_semaphore, #tpu.memory_space<semaphore_mem>>) src(%dma_wait3A_879 : memref<1000000xf32, #tpu.memory_space<hbm>>) dst(%dma_wait3A_875 : memref<128xf32, #tpu.memory_space<vmem>>)
    %dma_wait3A_880 = arith.constant 384 : i32
    %dma_wait3A_881 = tpu.memref_slice %arg16[%dma_wait3A_880] : memref<512xf32, #tpu.memory_space<vmem>> -> memref<128xf32, #tpu.memory_space<vmem>>
    %dma_wait3A_882 = arith.constant 384 : i32
    %dma_wait3A_883 = tpu.memref_slice %arg12[%dma_wait3A_882] : memref<512xi32, #tpu.memory_space<vmem>> -> memref<128xi32, #tpu.memory_space<vmem>>
    %dma_wait3A_884 = arith.constant 0 : i32
    %dma_wait3A_885 = tpu.memref_slice %arg7[%dma_wait3A_884] : memref<1000000xf32, #tpu.memory_space<hbm>> -> memref<1000000xf32, #tpu.memory_space<hbm>>
    tpu.wait_indirect_dma semaphore(%arg21 : memref<!tpu.dma_semaphore, #tpu.memory_space<semaphore_mem>>) src(%dma_wait3A_885 : memref<1000000xf32, #tpu.memory_space<hbm>>) dst(%dma_wait3A_881 : memref<128xf32, #tpu.memory_space<vmem>>)
    %get3A_886 = arith.constant 0 : index
    %get3A_887 = tpu.vector_load %arg17[%get3A_886] {strides = array<i32>} : memref<16xf32, #tpu.memory_space<vmem>>, vector<16xf32>,
    %scan3A_888 = arith.constant 0 : i32
    %scan3A_889 = arith.constant 0 : i32
    %scan3A_890 = arith.constant 32 : i32
    %scan3A_891 = arith.addi %scan3A_889, %scan3A_890 : i32
    %scan3A_892 = arith.constant 1 : i32
    scf.for %scan3A_894 = %scan3A_889 to %scan3A_891 step %scan3A_892  : i32 {
      %mul3A_895 = arith.constant 16 : i32
      %mul3A_896 = arith.muli %scan3A_894, %mul3A_895 : i32
      %get3A_897 = arith.index_cast %mul3A_896 : i32 to index
      %get3A_898 = tpu.vector_load %arg18[%get3A_897] {strides = array<i32>} : memref<512xf32, #tpu.memory_space<vmem>>, vector<16xf32>,
      %get3A_899 = arith.index_cast %mul3A_896 : i32 to index
      %get3A_900 = tpu.vector_load %arg15[%get3A_899] {strides = array<i32>} : memref<512xf32, #tpu.memory_space<vmem>>, vector<16xf32>,
      %add3A_901 = arith.addf %get3A_898, %get3A_900 : vector<16xf32>
      %get3A_902 = arith.index_cast %mul3A_896 : i32 to index
      %get3A_903 = tpu.vector_load %arg16[%get3A_902] {strides = array<i32>} : memref<512xf32, #tpu.memory_space<vmem>>, vector<16xf32>,
      %add3A_904 = arith.addf %add3A_901, %get3A_903 : vector<16xf32>
      %add3A_905 = arith.addf %add3A_904, %get3A_887 : vector<16xf32>
      %swap3A = arith.index_cast %mul3A_896 : i32 to index
      %swap3A_906 = tpu.vector_load %arg18[%swap3A] {strides = array<i32>} : memref<512xf32, #tpu.memory_space<vmem>>, vector<16xf32>,
      tpu.vector_store %arg18[%swap3A], %add3A_905 {strides = array<i32>} : memref<512xf32, #tpu.memory_space<vmem>>, vector<16xf32>,
      %neg3A = arith.constant 0.000000e+00 : f32
      %neg3A_907 = vector.broadcast %neg3A : f32 to vector<16xf32>
      %neg3A_908 = arith.subf %neg3A_907, %add3A_905 : vector<16xf32>
      %exp3A = math.exp %neg3A_908 : vector<16xf32>
      %add3A_909 = arith.constant 1.000000e+00 : f32
      %add3A_910 = vector.broadcast %add3A_909 : f32 to vector<16xf32>
      %add3A_911 = arith.addf %add3A_910, %exp3A : vector<16xf32>
      %div3A_912 = arith.constant 1.000000e+00 : f32
      %div3A_913 = vector.broadcast %div3A_912 : f32 to vector<16xf32>
      %div3A_914 = arith.divf %div3A_913, %add3A_911 : vector<16xf32>
      %swap3A_915 = arith.index_cast %mul3A_896 : i32 to index
      %swap3A_916 = tpu.vector_load %arg19[%swap3A_915] {strides = array<i32>} : memref<512xf32, #tpu.memory_space<vmem>>, vector<16xf32>,
      tpu.vector_store %arg19[%swap3A_915], %div3A_914 {strides = array<i32>} : memref<512xf32, #tpu.memory_space<vmem>>, vector<16xf32>,
    }
    %scan3A_893 = arith.constant 32 : i32
    "tpu.region"() ({
      %run_scoped3A = tpu.sem_alloc : memref<!tpu.dma_semaphore, #tpu.memory_space<semaphore_mem>>
      %dma_start3A_894 = tpu.memref_slice %arg9[%mul3A_2] : memref<16384xf32, #tpu.memory_space<hbm>> -> memref<512xf32, #tpu.memory_space<hbm>>
      %dma_start3A_895 = tpu.memref_slice %arg9[%mul3A_2] : memref<16384xf32, #tpu.memory_space<hbm>> -> memref<512xf32, #tpu.memory_space<hbm>>
      tpu.enqueue_dma source(%arg18 : memref<512xf32, #tpu.memory_space<vmem>>) target(%dma_start3A_895 : memref<512xf32, #tpu.memory_space<hbm>>) target_semaphore(%run_scoped3A : memref<!tpu.dma_semaphore, #tpu.memory_space<semaphore_mem>>)
      %dma_wait3A_896 = tpu.memref_slice %arg9[%mul3A_2] : memref<16384xf32, #tpu.memory_space<hbm>> -> memref<512xf32, #tpu.memory_space<hbm>>
      %dma_wait3A_897 = tpu.memref_slice %arg9[%mul3A_2] : memref<16384xf32, #tpu.memory_space<hbm>> -> memref<512xf32, #tpu.memory_space<hbm>>
      tpu.wait_dma2 semaphore(%run_scoped3A : memref<!tpu.dma_semaphore, #tpu.memory_space<semaphore_mem>>) src(%arg18 : memref<512xf32, #tpu.memory_space<vmem>>) dst(%dma_wait3A_897 : memref<512xf32, #tpu.memory_space<hbm>>)
      tpu.yield
    }) : () -> ()
    "tpu.region"() ({
      %run_scoped3A = tpu.sem_alloc : memref<!tpu.dma_semaphore, #tpu.memory_space<semaphore_mem>>
      %dma_start3A_894 = tpu.memref_slice %arg10[%mul3A_2] : memref<16384xf32, #tpu.memory_space<hbm>> -> memref<512xf32, #tpu.memory_space<hbm>>
      %dma_start3A_895 = tpu.memref_slice %arg10[%mul3A_2] : memref<16384xf32, #tpu.memory_space<hbm>> -> memref<512xf32, #tpu.memory_space<hbm>>
      tpu.enqueue_dma source(%arg19 : memref<512xf32, #tpu.memory_space<vmem>>) target(%dma_start3A_895 : memref<512xf32, #tpu.memory_space<hbm>>) target_semaphore(%run_scoped3A : memref<!tpu.dma_semaphore, #tpu.memory_space<semaphore_mem>>)
      %dma_wait3A_896 = tpu.memref_slice %arg10[%mul3A_2] : memref<16384xf32, #tpu.memory_space<hbm>> -> memref<512xf32, #tpu.memory_space<hbm>>
      %dma_wait3A_897 = tpu.memref_slice %arg10[%mul3A_2] : memref<16384xf32, #tpu.memory_space<hbm>> -> memref<512xf32, #tpu.memory_space<hbm>>
      tpu.wait_dma2 semaphore(%run_scoped3A : memref<!tpu.dma_semaphore, #tpu.memory_space<semaphore_mem>>) src(%arg19 : memref<512xf32, #tpu.memory_space<vmem>>) dst(%dma_wait3A_897 : memref<512xf32, #tpu.memory_space<hbm>>)
      tpu.yield
    }) : () -> ()
    return
  }
}

</mosaic_0001>

<sc_bundles>
// kernel: kernel.3.cloned.1.call-start
scs
__scs_entry_jumppad:
0x0: {  	(pc) =	sbr.rel $0x88, $3  }
0x1: {  	(tag) =	ssettag $0x0;
	lr =	simm.s32 $0x1  }
0x2: {  	[smem:$0x3F9A] =	sst lr;
	_ =	strace $0xD0000000  }
0x3: {  	_ = 	snop  }
0x4: {  	_ = 	snop  }
0x5: {  	_ = 	snop  }
0x6: {  	_ = 	snop  }
0x7: {  	_ = 	snop  }
__scs_overlays_trampoline_lowered:
0x8: {  	[smem:$0x3FA9] =	sst s0  }
0x9: {  	[smem:$0x3FAA] =	sst s1  }
0xa: {  	[smem:$0x3FAB] =	sst s2  }
0xb: {  	[smem:$0x3FAC] =	sst s3  }
0xc: {  	[smem:$0x3FAD] =	sst s4  }
0xd: {  	[smem:$0x3FAE] =	sst s5  }
0xe: {  	[smem:$0x3FAF] =	sst s6  }
0xf: {  	[smem:$0x3FB0] =	sst s7  }
0x10: {  	[smem:$0x3FB1] =	sst s8  }
0x11: {  	[smem:$0x3FB2] =	sst s9;
	s0 =	simm.s32 @!p0 $0x0  }
0x12: {  	s1 =	sld [smem:$0x3F98];
	s0 =	simm.s32 @p0 $0x1  }
0x13: {  	[smem:$0x3FB3] =	sst s0;
	s0 =	simm.s32 @!p1 $0x0  }
0x14: {  	s2 =	sld [smem:$0x3F97];
	s0 =	simm.s32 @p1 $0x1  }
0x15: {  	[smem:$0x3FB4] =	sst s0;
	s0 =	simm.s32 @!p2 $0x0  }
0x16: {  	s3 =	sld [smem:$0x3FDB];
	s0 =	simm.s32 @p2 $0x1  }
0x17: {  	s4 =	simm.s32 $0x1BF5;
	[smem:$0x3FB6] =	sst s0  }
0x18: {  	s0 =	sld [smem:$0x3F99];
	_ =	swait.ge [sflag:s4], $0x0  }
0x19: {  	s7 =	sld [smem:$0x3F9A]  }
0x1a: {  	s8 =	sadd.s32 $0xFFFFE003, lr  }
0x1b: {  	s9 =	sadd.s32 $0xFFFFFEF7, lr;
	s5 =	simm.s32 $0xFFFFFFFF;
	p2 =	slt.u32 s8, $0xFFFFF086  }
0x1c: {  	p1 =	slt.u32 s9, $0xF7A;
	s5 =	simm.s32 @!p2 $0x0  }
0x1d: {  	s5 =	simm.s32 @p1 $0x1;
	p0 =	seq.s32 s7, s2  }
0x1e: {  	s7 =	smul.u32 @!p0 $0xF7A, s2;
	p2 =	seq.s32 @!p0 s5, $0x0  }
0x1f: {  	s9 =	smul.u32 $0xF7A, s1;
	s8 =	simm.s32 @!p0 $0x1BF5;
	p2 =	por !p2, p0  }
0x20: {  	[sflag:s8] =	ssyncset.s32 @!p0 $0xFFFFF086;
	s6 =	sadd.s32 @!p0 s3, s7;
	s7 =	simm.s32 @!p0 $0x108  }
0x21: {  	s3 =	sadd.s32 s3, s9;
	s6 =	sadd.s32 @!p0 $0x88, s6;
	s7 =	simm.s32 @p2 $0x1082  }
0x22: {  	[simem:s7], [sflag:s8] =	dma.local @!p0 [hbm:s6], $0xF7A  }
0x23: {  	s9 =	sor.u32 $0xD0000000, s2;
	s6 =	simm.s32 $0x108;
	_ =	swait.ge @!p0 [sflag:s8], $0x0  }
0x24: {  	s3 =	sadd.s32 $0x88, s3;
	s6 =	simm.s32 @!p1 $0x1082;
	[sflag:s4] =	ssyncset.s32 $0xFFFFF086  }
0x25: {  	[simem:s6], [sflag:s4] =	dma.local [hbm:s3], $0xF7A  }
0x26: {  	[smem:$0x3F9A] =	sst s1;
	(tag) =	ssettag s2;
	_ =	strace s9  }
0x27: {  	s1 =	sld [smem:$0x3FAA]  }
0x28: {  	s2 =	sld [smem:$0x3FAB]  }
0x29: {  	s4 =	sld [smem:$0x3FAD]  }
0x2a: {  	p0 =	seq.s32 s5, $0x0;
	s5 =	sld [smem:$0x3FAE]  }
0x2b: {  	s6 =	sld [smem:$0x3FAF]  }
0x2c: {  	s7 =	sld [smem:$0x3FB0]  }
0x2d: {  	s3 =	simm.s32 $0x108;
	s8 =	sld [smem:$0x3FB1]  }
0x2e: {  	s3 =	simm.s32 @!p0 $0x1082;
	s9 =	sld [smem:$0x3FB2]  }
0x2f: {  	lr =	sadd.s32 s0, s3;
	s0 =	sld [smem:$0x3FA9]  }
0x30: {  	s3 =	sld [smem:$0x3FAC]  }
0x31: {  	[smem:$0x3FB5] =	sst s10  }
0x32: {  	s10 =	sld [smem:$0x3FB3];
	_ =	sdelay $0x3  }
0x33: {  	p0 =	seq.s32 s10, $0x1;
	s10 =	sld [smem:$0x3FB5];
	_ =	sdelay $0x3  }
0x34: {  	[smem:$0x3FB5] =	sst s10  }
0x35: {  	s10 =	sld [smem:$0x3FB4];
	_ =	sdelay $0x3  }
0x36: {  	p1 =	seq.s32 s10, $0x1;
	s10 =	sld [smem:$0x3FB5];
	_ =	sdelay $0x3  }
0x37: {  	[smem:$0x3FB5] =	sst s10  }
0x38: {  	s10 =	sld [smem:$0x3FB6]  }
0x39: {  	_ = 	snop;
	(pc) =	sbr.ind lr, $3  }
0x3a: {  	_ = 	snop  }
0x3b: {  	_ = 	snop  }
0x3c: {  	p2 =	seq.s32 s10, $0x1;
	s10 =	sld [smem:$0x3FB5]  }
0x3d: {  	_ =	shalt  }
0x3e: {  	_ =	shalt  }
0x3f: {  	_ =	shalt  }
0x40: {  	_ =	shalt  }
0x41: {  	_ =	shalt  }
0x42: {  	_ =	shalt  }
0x43: {  	_ =	shalt  }
0x44: {  	_ =	shalt  }
0x45: {  	_ =	shalt  }
0x46: {  	_ =	shalt  }
0x47: {  	_ =	shalt  }
0x48: {  	_ =	shalt  }
0x49: {  	_ =	shalt  }
0x4a: {  	_ =	shalt  }
0x4b: {  	_ =	shalt  }
0x4c: {  	_ =	shalt  }
0x4d: {  	_ =	shalt  }
0x4e: {  	_ =	shalt  }
0x4f: {  	_ =	shalt  }
0x50: {  	_ =	shalt  }
0x51: {  	_ =	shalt  }
0x52: {  	_ =	shalt  }
0x53: {  	_ =	shalt  }
0x54: {  	_ =	shalt  }
0x55: {  	_ =	shalt  }
0x56: {  	_ =	shalt  }
0x57: {  	_ =	shalt  }
0x58: {  	_ =	shalt  }
0x59: {  	_ =	shalt  }
0x5a: {  	_ =	shalt  }
0x5b: {  	_ =	shalt  }
0x5c: {  	_ =	shalt  }
0x5d: {  	_ =	shalt  }
0x5e: {  	_ =	shalt  }
0x5f: {  	_ =	shalt  }
0x60: {  	_ =	shalt  }
0x61: {  	_ =	shalt  }
0x62: {  	_ =	shalt  }
0x63: {  	_ =	shalt  }
0x64: {  	_ =	shalt  }
0x65: {  	_ =	shalt  }
0x66: {  	_ =	shalt  }
0x67: {  	_ =	shalt  }
0x68: {  	_ =	shalt  }
0x69: {  	_ =	shalt  }
0x6a: {  	_ =	shalt  }
0x6b: {  	_ =	shalt  }
0x6c: {  	_ =	shalt  }
0x6d: {  	_ =	shalt  }
0x6e: {  	_ =	shalt  }
0x6f: {  	_ =	shalt  }
0x70: {  	_ =	shalt  }
0x71: {  	_ =	shalt  }
0x72: {  	_ =	shalt  }
0x73: {  	_ =	shalt  }
0x74: {  	_ =	shalt  }
0x75: {  	_ =	shalt  }
0x76: {  	_ =	shalt  }
0x77: {  	_ =	shalt  }
0x78: {  	_ =	shalt  }
0x79: {  	_ =	shalt  }
0x7a: {  	_ =	shalt  }
0x7b: {  	_ =	shalt  }
0x7c: {  	_ =	shalt  }
0x7d: {  	_ =	shalt  }
0x7e: {  	_ =	shalt  }
0x7f: {  	_ =	shalt  }
0x80: {  	_ =	shalt  }
0x81: {  	_ =	shalt  }
0x82: {  	_ =	shalt  }
0x83: {  	_ =	shalt  }
0x84: {  	_ =	shalt  }
0x85: {  	_ =	shalt  }
0x86: {  	_ =	shalt  }
0x87: {  	_ =	shalt  }
.Lfunc_end0:
.L_simem_size_0:
called_computation_lowered:
.L_overlay_start_0:
0x88: {  	s2 =	sld [smem:$0x3FD9]  }
0x89: {  	s3 =	sld [smem:$0x3FFE];
	_ =	sdelay $0x1  }
0x8a: {  	s1 =	srdreg.scid  }
0x8b: {  	s0 =	sand.u32 $0x1, s1  }
0x8c: {  	s14 =	sshll.u32 s0, $0xA;
	s2 =	sadd.s32 s3, s2  }
0x8d: {  	s2 =	sadd.s32 s2, s14  }
0x8e: {  	[smem:$0x3FC1] =	sst s2  }
0x8f: {  	_ = 	snop  }
0x90: {  	s2 =	sld [smem:$0x3FC9]  }
0x91: {  	s15 =	sld [smem:$0x3FC8]  }
0x92: {  	s4 =	sld [smem:$0x3FC7]  }
0x93: {  	s5 =	sld [smem:$0x3FD0]  }
0x94: {  	s6 =	sld [smem:$0x3FC6]  }
0x95: {  	s7 =	sld [smem:$0x3FC5]  }
0x96: {  	s9 =	simm.s32 $0xA;
	s10 =	simm.s32 $0x10;
	s8 =	sld [smem:$0x3FC4]  }
0x97: {  	[smem:s10], [sflag:s9] =	dma.local [hbm:s5], $0x1  }
0x98: {  	_ =	swait.eq [sflag:s9], $0x1  }
0x99: {  	[sflag:s9] =	ssyncset.done $0x0  }
0x9a: {  	s16 =	sld [smem:$0x10];
	[sflag:s9] =	ssyncadd.s32 $0xFFFFFFFF  }
0x9b: {  	s17 =	sld [smem:$0x11];
	(tm) =	ssettm $0x1  }
0x9c: {  	s18 =	sld [smem:$0x3FFB];
	_ =	sdelay $0x3  }
0x9d: {  	_ =	strace s18  }
0x9e: {  	s10 =	sld [smem:$0x3FFC];
	_ =	sdelay $0x3  }
0x9f: {  	_ =	strace s10  }
0xa0: {  	s10 =	sld [smem:$0x3FFD];
	_ =	sdelay $0x3  }
0xa1: {  	_ =	strace s10  }
0xa2: {  	_ =	strace $0x8FFFFFFF  }
0xa3: {  	s19 =	sld [smem:$0x3FDB];
	_ =	sdelay $0x1  }
0xa4: {  	s11 =	simm.s32 $_scs_section_size  }
0xa5: {  	s12 =	simm.s32 $_size__tile_overlayer_lowered;
	s13 =	simm.s32 $_tile_overlayer_lowered  }
0xa6: {  	s22 =	simm.s32 $0x1BFF;
	s21 =	sshll.u32 s13, $0x1;
	s10 =	sadd.s32 s11, s19  }
0xa7: {  	s20 =	sshll.u32 s12, $0x1;
	s14 =	simm.s32 $0x0;
	s12 =	sadd.s32 s21, s10  }
0xa8: {  	[timem:s14], [sflag:s22] =	dma.local [hbm:s12], s20  }
0xa9: {  	_ =	swait.ge [sflag:s22], s20  }
0xaa: {  	s11 =	ssub.s32 $0x0, s20;
	[sflag:s22] =	ssyncset.done $0x0  }
0xab: {  	[sflag:s22] =	ssyncadd.s32 s11;
	_ =	sdelay $0x1  }
0xac: {  	s23 =	simm.s32 $0x1B8B  }
0xad: {  	_ =	swait.ge [sflag:s23], $0x1  }
0xae: {  	[sflag:s23] =	ssyncset.done $0x0  }
0xaf: {  	s25 =	simm.s32 $0x1B8E;
	s24 =	sld [smem:$0x3FFE];
	[sflag:s23] =	ssyncadd.s32 $0xFFFFFFFF  }
0xb0: {  	s26 =	simm.s32 $execute0_lowered;
	[smem:$0x3FD2] =	sst s25  }
0xb1: {  	s12 =	sshll.u32 s26, $0x1;
	_ =	strace $0x80000046;
	[dreg:$0x1] =	wrdreg $0xFFFFFFFF  }
0xb2: {  	s28 =	simm.s32 $_size_execute0_lowered;
	s10 =	sadd.s32 s10, s12;
	[dreg:$0x0] =	wrdreg $0x0  }
0xb3: {  	s12 =	sshll.u32 s28, $0x1;
	[dreg:$0x2] =	wrdreg s10  }
0xb4: {  	[dreg:$0x3] =	wrdreg s12  }
0xb5: {  	[dreg:$0x4] =	wrdreg $0xC0  }
0xb6: {  	_ =	task [dreg:s14], $0x5FFFF  }
0xb7: {  	[dreg:$0x1] =	wrdreg $0xFFFFFFFF  }
0xb8: {  	[dreg:$0x0] =	wrdreg $0x60  }
0xb9: {  	[dreg:$0x2] =	wrdreg s2  }
0xba: {  	[dreg:$0x3] =	wrdreg s15  }
0xbb: {  	[dreg:$0x4] =	wrdreg s4  }
0xbc: {  	[dreg:$0x5] =	wrdreg s6  }
0xbd: {  	[dreg:$0x6] =	wrdreg s7  }
0xbe: {  	[dreg:$0x7] =	wrdreg s8  }
0xbf: {  	[dreg:$0x8] =	wrdreg s24  }
0xc0: {  	[dreg:$0x9] =	wrdreg s16  }
0xc1: {  	[dreg:$0xa] =	wrdreg s17  }
0xc2: {  	[dreg:$0xb] =	wrdreg $0x9  }
0xc3: {  	_ =	task.clear_ibuf [dreg:s14], $0xCFFFF;
	_ =	strace $0x90000046  }
0xc4: {  	s29 =	simm.s32 $0x9;
	_ =	strace $0x80000048  }
0xc5: {  	_ =	swait.ge [sflag:s29], $0x1  }
0xc6: {  	[sflag:s29] =	ssyncadd.s32 $0xFFFFFFFF  }
0xc7: {  	_ =	strace $0x90000048  }
0xc8: {  	_ =	sfence  }
0xc9: {  	s30 =	sld [smem:$0x0];
	_ =	sdelay $0x2  }
0xca: {  	s31 =	sshll.u32 s1, $0xD;
	s1 =	sshrl.u32 s1, $0x2  }
0xcb: {  	s3 =	sand.u32 $0x4000, s31;
	s1 =	sadd.s32 s1, s30  }
0xcc: {  	s0 =	sor.u32 s3, s0;
	s1 =	sshll.u32 s1, $0x11  }
0xcd: {  	s0 =	sor.u32 s1, s0  }
0xce: {  	s0 =	sadd.s32 $0x8F2B, s0  }
0xcf: {  	[sflag:s0] =	ssyncadd.remote.s32 $0x1  }
0xd0: {  	_ =	sfence.sel $0xFFFF  }
0xd1: {  	[dreg:$0x0] =	wrdreg $0xFFFFFFFF;
	(pc) =	sbr.abs _section_cstart, $3  }
0xd2: {  	[dreg:$0x1] =	wrdreg $0xFFFFFFFF  }
0xd3: {  	_ =	task.clear_ibuf [dreg:s14], $0x2FFFF;
	_ =	strace $0x9FFFFFFF  }
0xd4: {  	(tm) =	ssettm $0x7FFFFFFF  }
0xd5: {  	_ =	shalt  }
tec
execute0_lowered:
.L_overlay_start_1:
0x0: {  	(tag) =	ssettag $0x1  }
0x1: {  	v0 =	vimm.s32 $0x4380;
	vm14 =	vcmask $0x300;
	vm13 =	vcmask $0x704  }
0x2: {  	vm12 =	vcmask $0xB08;
	vm11 =	vcmask $0xF0C;
	vm10 =	vcmask $0x1310  }
0x3: {  	vm9 =	vcmask $0x1714;
	vm8 =	vcmask $0x1B18;
	vm7 =	vcmask $0x1F1C  }
0x4: {  	vm6 =	vcmask $0x2320;
	vm5 =	vcmask $0x2724;
	vm4 =	vcmask $0x2B28  }
0x5: {  	vm3 =	vcmask $0x2F2C;
	vm2 =	vcmask $0x3330;
	vm1 =	vcmask $0x3734  }
0x6: {  	vm0 =	vcmask $0x3B38;
	v1 =	vimm.s32 $0x4780;
	v2 =	vimm.s32 $0x4B80  }
0x7: {  	v3 =	vimm.s32 $0x4F80;
	v4 =	vimm.s32 $0x5380;
	v5 =	vimm.s32 $0x5780  }
0x8: {  	v6 =	vimm.s32 $0x5B80;
	v7 =	vimm.s32 $0x5F80;
	v8 =	vimm.s32 $0x6380  }
0x9: {  	v9 =	vimm.s32 $0x6780;
	v10 =	vimm.s32 $0x6B80;
	v11 =	vimm.s32 $0x6F80  }
0xa: {  	v12 =	vimm.s32 $0x7380;
	v13 =	vimm.s32 $0x7780;
	v14 =	vimm.s32 $0x7B80  }
0xb: {  	v15 =	vimm.s32 $0x7F80;
	v0 =	vsel vm14, $0x0, v0;
	v1 =	vsel vm14, $0x400, v1  }
0xc: {  	v2 =	vsel vm14, $0x800, v2;
	v3 =	vsel vm14, $0xC00, v3;
	v4 =	vsel vm14, $0x1000, v4  }
0xd: {  	v5 =	vsel vm14, $0x1400, v5;
	v6 =	vsel vm14, $0x1800, v6;
	v7 =	vsel vm14, $0x1C00, v7  }
0xe: {  	v8 =	vsel vm14, $0x2000, v8;
	v9 =	vsel vm14, $0x2400, v9;
	v10 =	vsel vm14, $0x2800, v10  }
0xf: {  	v11 =	vsel vm14, $0x2C00, v11;
	v12 =	vsel vm14, $0x3000, v12;
	v13 =	vsel vm14, $0x3400, v13  }
0x10: {  	v14 =	vsel vm14, $0x3800, v14;
	v15 =	vsel vm14, $0x3C00, v15;
	v0 =	vsel vm13, $0x80, v0  }
0x11: {  	v1 =	vsel vm13, $0x480, v1;
	v2 =	vsel vm13, $0x880, v2;
	v3 =	vsel vm13, $0xC80, v3  }
0x12: {  	v4 =	vsel vm13, $0x1080, v4;
	v5 =	vsel vm13, $0x1480, v5;
	v6 =	vsel vm13, $0x1880, v6  }
0x13: {  	v7 =	vsel vm13, $0x1C80, v7;
	v8 =	vsel vm13, $0x2080, v8;
	v9 =	vsel vm13, $0x2480, v9  }
0x14: {  	v10 =	vsel vm13, $0x2880, v10;
	v11 =	vsel vm13, $0x2C80, v11;
	v12 =	vsel vm13, $0x3080, v12  }
0x15: {  	v13 =	vsel vm13, $0x3480, v13;
	v14 =	vsel vm13, $0x3880, v14;
	v15 =	vsel vm13, $0x3C80, v15  }
0x16: {  	v0 =	vsel vm12, $0x100, v0;
	v1 =	vsel vm12, $0x500, v1;
	v2 =	vsel vm12, $0x900, v2  }
0x17: {  	v3 =	vsel vm12, $0xD00, v3;
	v4 =	vsel vm12, $0x1100, v4;
	v5 =	vsel vm12, $0x1500, v5  }
0x18: {  	v6 =	vsel vm12, $0x1900, v6;
	v7 =	vsel vm12, $0x1D00, v7;
	v8 =	vsel vm12, $0x2100, v8  }
0x19: {  	v9 =	vsel vm12, $0x2500, v9;
	v10 =	vsel vm12, $0x2900, v10;
	v11 =	vsel vm12, $0x2D00, v11  }
0x1a: {  	v12 =	vsel vm12, $0x3100, v12;
	v13 =	vsel vm12, $0x3500, v13;
	v14 =	vsel vm12, $0x3900, v14  }
0x1b: {  	v15 =	vsel vm12, $0x3D00, v15;
	v0 =	vsel vm11, $0x180, v0;
	v1 =	vsel vm11, $0x580, v1  }
0x1c: {  	v2 =	vsel vm11, $0x980, v2;
	v3 =	vsel vm11, $0xD80, v3;
	v4 =	vsel vm11, $0x1180, v4  }
0x1d: {  	v5 =	vsel vm11, $0x1580, v5;
	v6 =	vsel vm11, $0x1980, v6;
	v7 =	vsel vm11, $0x1D80, v7  }
0x1e: {  	v8 =	vsel vm11, $0x2180, v8;
	v9 =	vsel vm11, $0x2580, v9;
	v10 =	vsel vm11, $0x2980, v10  }
0x1f: {  	v11 =	vsel vm11, $0x2D80, v11;
	v12 =	vsel vm11, $0x3180, v12;
	v13 =	vsel vm11, $0x3580, v13  }
0x20: {  	v14 =	vsel vm11, $0x3980, v14;
	v15 =	vsel vm11, $0x3D80, v15;
	v0 =	vsel vm10, $0x200, v0  }
0x21: {  	v1 =	vsel vm10, $0x600, v1;
	v2 =	vsel vm10, $0xA00, v2;
	v3 =	vsel vm10, $0xE00, v3  }
0x22: {  	v4 =	vsel vm10, $0x1200, v4;
	v5 =	vsel vm10, $0x1600, v5;
	v6 =	vsel vm10, $0x1A00, v6  }
0x23: {  	v7 =	vsel vm10, $0x1E00, v7;
	v8 =	vsel vm10, $0x2200, v8;
	v9 =	vsel vm10, $0x2600, v9  }
0x24: {  	v10 =	vsel vm10, $0x2A00, v10;
	v11 =	vsel vm10, $0x2E00, v11;
	v12 =	vsel vm10, $0x3200, v12  }
0x25: {  	v13 =	vsel vm10, $0x3600, v13;
	v14 =	vsel vm10, $0x3A00, v14;
	v15 =	vsel vm10, $0x3E00, v15  }
0x26: {  	v0 =	vsel vm9, $0x280, v0;
	v1 =	vsel vm9, $0x680, v1;
	v2 =	vsel vm9, $0xA80, v2  }
0x27: {  	v3 =	vsel vm9, $0xE80, v3;
	v4 =	vsel vm9, $0x1280, v4;
	v5 =	vsel vm9, $0x1680, v5  }
0x28: {  	v6 =	vsel vm9, $0x1A80, v6;
	v7 =	vsel vm9, $0x1E80, v7;
	v8 =	vsel vm9, $0x2280, v8  }
0x29: {  	v9 =	vsel vm9, $0x2680, v9;
	v10 =	vsel vm9, $0x2A80, v10;
	v11 =	vsel vm9, $0x2E80, v11  }
0x2a: {  	v12 =	vsel vm9, $0x3280, v12;
	v13 =	vsel vm9, $0x3680, v13;
	v14 =	vsel vm9, $0x3A80, v14  }
0x2b: {  	v15 =	vsel vm9, $0x3E80, v15;
	v0 =	vsel vm8, $0x300, v0;
	v1 =	vsel vm8, $0x700, v1  }
0x2c: {  	v2 =	vsel vm8, $0xB00, v2;
	v3 =	vsel vm8, $0xF00, v3;
	v4 =	vsel vm8, $0x1300, v4  }
0x2d: {  	v5 =	vsel vm8, $0x1700, v5;
	v6 =	vsel vm8, $0x1B00, v6;
	v7 =	vsel vm8, $0x1F00, v7  }
0x2e: {  	v8 =	vsel vm8, $0x2300, v8;
	v9 =	vsel vm8, $0x2700, v9;
	v10 =	vsel vm8, $0x2B00, v10  }
0x2f: {  	v11 =	vsel vm8, $0x2F00, v11;
	v12 =	vsel vm8, $0x3300, v12;
	v13 =	vsel vm8, $0x3700, v13  }
0x30: {  	v14 =	vsel vm8, $0x3B00, v14;
	v15 =	vsel vm8, $0x3F00, v15;
	v0 =	vsel vm7, $0x380, v0  }
0x31: {  	v1 =	vsel vm7, $0x780, v1;
	v2 =	vsel vm7, $0xB80, v2;
	v3 =	vsel vm7, $0xF80, v3  }
0x32: {  	v4 =	vsel vm7, $0x1380, v4;
	v5 =	vsel vm7, $0x1780, v5;
	v6 =	vsel vm7, $0x1B80, v6  }
0x33: {  	v7 =	vsel vm7, $0x1F80, v7;
	v8 =	vsel vm7, $0x2380, v8;
	v9 =	vsel vm7, $0x2780, v9  }
0x34: {  	v10 =	vsel vm7, $0x2B80, v10;
	v11 =	vsel vm7, $0x2F80, v11;
	v12 =	vsel vm7, $0x3380, v12  }
0x35: {  	v13 =	vsel vm7, $0x3780, v13;
	v14 =	vsel vm7, $0x3B80, v14;
	v15 =	vsel vm7, $0x3F80, v15  }
0x36: {  	v0 =	vsel vm6, $0x4000, v0;
	v1 =	vsel vm6, $0x4400, v1;
	v2 =	vsel vm6, $0x4800, v2  }
0x37: {  	v3 =	vsel vm6, $0x4C00, v3;
	v4 =	vsel vm6, $0x5000, v4;
	v5 =	vsel vm6, $0x5400, v5  }
0x38: {  	v6 =	vsel vm6, $0x5800, v6;
	v7 =	vsel vm6, $0x5C00, v7;
	v8 =	vsel vm6, $0x6000, v8  }
0x39: {  	v9 =	vsel vm6, $0x6400, v9;
	v10 =	vsel vm6, $0x6800, v10;
	v11 =	vsel vm6, $0x6C00, v11  }
0x3a: {  	v12 =	vsel vm6, $0x7000, v12;
	v13 =	vsel vm6, $0x7400, v13;
	v14 =	vsel vm6, $0x7800, v14  }
0x3b: {  	v15 =	vsel vm6, $0x7C00, v15;
	v0 =	vsel vm5, $0x4080, v0;
	v1 =	vsel vm5, $0x4480, v1  }
0x3c: {  	v2 =	vsel vm5, $0x4880, v2;
	v3 =	vsel vm5, $0x4C80, v3;
	v4 =	vsel vm5, $0x5080, v4  }
0x3d: {  	v5 =	vsel vm5, $0x5480, v5;
	v6 =	vsel vm5, $0x5880, v6;
	v7 =	vsel vm5, $0x5C80, v7  }
0x3e: {  	v8 =	vsel vm5, $0x6080, v8;
	v9 =	vsel vm5, $0x6480, v9;
	v10 =	vsel vm5, $0x6880, v10  }
0x3f: {  	v11 =	vsel vm5, $0x6C80, v11;
	v12 =	vsel vm5, $0x7080, v12;
	v13 =	vsel vm5, $0x7480, v13  }
0x40: {  	v14 =	vsel vm5, $0x7880, v14;
	v15 =	vsel vm5, $0x7C80, v15;
	v0 =	vsel vm4, $0x4100, v0  }
0x41: {  	v1 =	vsel vm4, $0x4500, v1;
	v2 =	vsel vm4, $0x4900, v2;
	v3 =	vsel vm4, $0x4D00, v3  }
0x42: {  	v4 =	vsel vm4, $0x5100, v4;
	v5 =	vsel vm4, $0x5500, v5;
	v6 =	vsel vm4, $0x5900, v6  }
0x43: {  	v7 =	vsel vm4, $0x5D00, v7;
	v8 =	vsel vm4, $0x6100, v8;
	v9 =	vsel vm4, $0x6500, v9  }
0x44: {  	v10 =	vsel vm4, $0x6900, v10;
	v11 =	vsel vm4, $0x6D00, v11;
	v12 =	vsel vm4, $0x7100, v12  }
0x45: {  	v13 =	vsel vm4, $0x7500, v13;
	v14 =	vsel vm4, $0x7900, v14;
	v15 =	vsel vm4, $0x7D00, v15  }
0x46: {  	v0 =	vsel vm3, $0x4180, v0;
	v1 =	vsel vm3, $0x4580, v1;
	v2 =	vsel vm3, $0x4980, v2  }
0x47: {  	v3 =	vsel vm3, $0x4D80, v3;
	v4 =	vsel vm3, $0x5180, v4;
	v5 =	vsel vm3, $0x5580, v5  }
0x48: {  	v6 =	vsel vm3, $0x5980, v6;
	v7 =	vsel vm3, $0x5D80, v7;
	v8 =	vsel vm3, $0x6180, v8  }
0x49: {  	v9 =	vsel vm3, $0x6580, v9;
	v10 =	vsel vm3, $0x6980, v10;
	v11 =	vsel vm3, $0x6D80, v11  }
0x4a: {  	s0 =	rddreg [dreg:$0x0];
	v12 =	vsel vm3, $0x7180, v12;
	v13 =	vsel vm3, $0x7580, v13;
	v0 =	vsel vm2, $0x4200, v0  }
0x4b: {  	s1 =	rddreg [dreg:$0x1];
	v1 =	vsel vm2, $0x4600, v1;
	v2 =	vsel vm2, $0x4A00, v2;
	v3 =	vsel vm2, $0x4E00, v3  }
0x4c: {  	s10 =	rddreg [dreg:$0x2];
	v4 =	vsel vm2, $0x5200, v4;
	v5 =	vsel vm2, $0x5600, v5;
	v6 =	vsel vm2, $0x5A00, v6  }
0x4d: {  	s11 =	rddreg [dreg:$0x3];
	v7 =	vsel vm2, $0x5E00, v7;
	v8 =	vsel vm2, $0x6200, v8;
	v9 =	vsel vm2, $0x6600, v9  }
0x4e: {  	s2 =	rddreg [dreg:$0x6];
	v10 =	vsel vm2, $0x6A00, v10;
	v11 =	vsel vm2, $0x6E00, v11;
	v12 =	vsel vm2, $0x7200, v12  }
0x4f: {  	s3 =	rddreg [dreg:$0x7];
	v13 =	vsel vm2, $0x7600, v13;
	v0 =	vsel vm1, $0x4280, v0;
	v1 =	vsel vm1, $0x4680, v1  }
0x50: {  	s4 =	rddreg [dreg:$0x8];
	v2 =	vsel vm1, $0x4A80, v2;
	v3 =	vsel vm1, $0x4E80, v3;
	v4 =	vsel vm1, $0x5280, v4  }
0x51: {  	s5 =	simm.s32 $0x0;
	s6 =	srdreg.scid;
	s9 =	stileid.u32;
	v5 =	vsel vm1, $0x5680, v5;
	v6 =	vsel vm1, $0x5A80, v6;
	v7 =	vsel vm1, $0x5E80, v7  }
0x52: {  	s17 =	simm.s32 $0x1;
	s31 =	simm.s32 $0x400;
	s29 =	simm.s32 $0x4400;
	v8 =	vsel vm1, $0x6280, v8;
	v9 =	vsel vm1, $0x6680, v9;
	v10 =	vsel vm1, $0x6A80, v10  }
0x53: {  	s28 =	simm.s32 $0x5000;
	s14 =	simm.s32 $0x1800;
	s15 =	simm.s32 $0x5800;
	v11 =	vsel vm1, $0x6E80, v11;
	v12 =	vsel vm1, $0x7280, v12;
	v16 =	vsel vm1, $0x7680, v13  }
0x54: {  	s12 =	simm.s32 $0x1C00;
	s16 =	simm.s32 $0x5C00;
	s18 =	simm.s32 $0x2000;
	v13 =	vsel vm3, $0x7980, v14;
	v14 =	vsel vm3, $0x7D80, v15;
	v15 =	vlaneseq.u32  }
0x55: {  	s19 =	simm.s32 $0x6000;
	s20 =	simm.s32 $0x2800;
	s21 =	simm.s32 $0x2C00;
	v0 =	vsel vm0, $0x4300, v0;
	v1 =	vsel vm0, $0x4700, v1;
	v2 =	vsel vm0, $0x4B00, v2  }
0x56: {  	s30 =	simm.s32 $0x3000;
	[smem:$0x7FF] =	sst s5;
	s6 =	sand.u32 $0x1, s6;
	v3 =	vsel vm0, $0x4F00, v3;
	v4 =	vsel vm0, $0x5300, v4;
	v5 =	vsel vm0, $0x5700, v5  }
0x57: {  	s9 =	sshll.u32 s9, $0x7;
	s2 =	sadd.s32 $0x600, s2;
	_ =	strace $0x80000047;
	v6 =	vsel vm0, $0x5B00, v6;
	v7 =	vsel vm0, $0x5F00, v7;
	v8 =	vsel vm0, $0x6300, v8  }
0x58: {  	s7 =	ssub.s32 $0x2, s6;
	s6 =	sshll.u32 s6, $0x6;
	[dreg:$0xa] =	wrdreg s2;
	v9 =	vsel vm0, $0x6700, v9;
	v10 =	vsel vm0, $0x6B00, v10;
	v11 =	vsel vm0, $0x6F00, v11  }
0x59: {  	s2 =	simm.s32 $0x0;
	s8 =	sshrl.u32 s7, $0x1;
	s6 =	sor.u32 s6, s9;
	v12 =	vsel vm0, $0x7300, v12;
	v13 =	vsel vm2, $0x7A00, v13;
	v14 =	vsel vm2, $0x7E00, v14  }
0x5a: {  	s9 =	simm.s32 $0x1000;
	s22 =	ssub.s32 s7, s8;
	s0 =	sadd.s32 s0, s6;
	v17 =	vsel vm1, $0x7A80, v13;
	v18 =	vsel vm1, $0x7E80, v14;
	v13 =	vmul.u32 $0x10, v15  }
0x5b: {  	s23 =	sadd.s32 s1, s6;
	s24 =	sadd.s32 s3, s6;
	[dreg:$0xb] =	wrdreg s0;
	v14 =	vsel vm0, $0x7700, v16;
	v15 =	vsel vm0, $0x7B00, v17;
	v16 =	vsel vm0, $0x7F00, v18  }
0x5c: {  	s25 =	sadd.s32 s4, s6;
	s1 =	simm.s32 $0xA;
	[dreg:$0xc] =	wrdreg s23;
	v17 =	vor.u32 $0x1, v13;
	v18 =	vor.u32 $0x2, v13;
	v19 =	vor.u32 $0x3, v13  }
0x5d: {  	s6 =	simm.s32 $0x4800;
	s7 =	simm.s32 $0xC00;
	[dreg:$0xd] =	wrdreg s24;
	v20 =	vor.u32 $0x4, v13;
	v21 =	vor.u32 $0x5, v13;
	v22 =	vor.u32 $0x6, v13  }
0x5e: {  	s8 =	simm.s32 $0x4C00;
	[dreg:$0xe] =	wrdreg s25;
	s26 =	smax.u32 s22, $0x1;
	v23 =	vor.u32 $0x7, v13;
	v24 =	vor.u32 $0x8, v13;
	v25 =	vor.u32 $0x9, v13  }
0x5f: {  	s24 =	simm.s32 $0x2400;
	s23 =	simm.s32 $0x6400;
	s22 =	simm.s32 $0x6800;
	v26 =	vor.u32 $0xA, v13;
	v27 =	vor.u32 $0xB, v13;
	v28 =	vor.u32 $0xC, v13  }
0x60: {  	s25 =	simm.s32 $0x6;
	[dreg:$0xf] =	wrdreg s26;
	s26 =	simm.s32 $0x1400;
	v29 =	vor.u32 $0xD, v13;
	v30 =	vor.u32 $0xE, v13;
	v31 =	vor.u32 $0xF, v13  }
.LBB2_1:
0x61: {  	[dreg:$0x10] =	wrdreg s2  }
0x62: {  	s0 =	rddreg [dreg:$0xb]  }
0x63: {  	[tilespmem:s5], [sflag:$0xA] =	stream.linear.gather [hbm4b:s0+s5], $0x200, $0x38;
	[tilespmem:$0x8D80] =	vst v63  }
0x64: {  	_ =	swait.ge [sflag:s1], $0x200  }
0x65: {  	[sflag:s1] =	ssyncset.done $0x0  }
0x66: {  	s4 =	simm.s32 $0x200;
	s2 =	rddreg [dreg:$0xc];
	[sflag:s1] =	ssyncadd.s32 $0xFFFFFE00  }
0x67: {  	[tilespmem:s4], [sflag:$0xA] =	stream.linear.gather [hbm4b:s2+s5], $0x200, $0x38;
	[tilespmem:$0x8D80] =	vst v63  }
0x68: {  	_ =	swait.ge [sflag:s1], $0x200  }
0x69: {  	[sflag:s1] =	ssyncset.done $0x0  }
0x6a: {  	s13 =	simm.s32 $0x8900;
	s3 =	rddreg [dreg:$0xa];
	[sflag:s1] =	ssyncadd.s32 $0xFFFFFE00  }
0x6b: {  	[tilespmem:s13], [sflag:$0xA] =	stream.linear.gather [hbm4b:s3+s5], $0x80, $0x38;
	[tilespmem:$0x8D80] =	vst v63  }
0x6c: {  	_ =	swait.ge [sflag:s1], $0x80  }
0x6d: {  	[sflag:s1] =	ssyncset.done $0x0  }
0x6e: {  	[sflag:s1] =	ssyncadd.s32 $0xFFFFFF80  }
0x6f: {  	s2 =	simm.s32 $0x80;
	s3 =	simm.s32 $0x8500;
	s0 =	rddreg [dreg:$0x4]  }
0x70: {  	[tilespmem:s3], [sflag:$0x9] =	stream.indirect.gather [hbm4b:s0+s2], $0x1, s5, s2, $0xb8;
	[tilespmem:$0x8D80] =	vst v63  }
0x71: {  	s1 =	rddreg [dreg:$0x5];
	s3 =	simm.s32 $0x8700  }
0x72: {  	[tilespmem:s3], [sflag:$0x9] =	stream.indirect.gather [hbm4b:s1+s2], $0x1, s4, s2, $0xb8;
	[tilespmem:$0x8D80] =	vst v63  }
0x73: {  	s4 =	simm.s32 $0x8580  }
0x74: {  	[tilespmem:s4], [sflag:$0x9] =	stream.indirect.gather [hbm4b:s0+s2], $0x1, s2, s2, $0xb8;
	[tilespmem:$0x8D80] =	vst v63  }
0x75: {  	s3 =	simm.s32 $0x280;
	s4 =	simm.s32 $0x8780  }
0x76: {  	[tilespmem:s4], [sflag:$0x9] =	stream.indirect.gather [hbm4b:s1+s2], $0x1, s3, s2, $0xb8;
	[tilespmem:$0x8D80] =	vst v63  }
0x77: {  	s3 =	simm.s32 $0x100;
	s4 =	simm.s32 $0x8600  }
0x78: {  	[tilespmem:s4], [sflag:$0x9] =	stream.indirect.gather [hbm4b:s0+s2], $0x1, s3, s2, $0xb8;
	[tilespmem:$0x8D80] =	vst v63  }
0x79: {  	s3 =	simm.s32 $0x300;
	s4 =	simm.s32 $0x8800  }
0x7a: {  	[tilespmem:s4], [sflag:$0x9] =	stream.indirect.gather [hbm4b:s1+s2], $0x1, s3, s2, $0xb8;
	[tilespmem:$0x8D80] =	vst v63  }
0x7b: {  	s3 =	simm.s32 $0x180;
	s4 =	simm.s32 $0x8680  }
0x7c: {  	[tilespmem:s4], [sflag:$0x9] =	stream.indirect.gather [hbm4b:s0+s2], $0x1, s3, s2, $0xb8;
	[tilespmem:$0x8D80] =	vst v63  }
0x7d: {  	s3 =	simm.s32 $0x380;
	s4 =	simm.s32 $0x8880  }
0x7e: {  	[tilespmem:s4], [sflag:$0x9] =	stream.indirect.gather [hbm4b:s1+s2], $0x1, s3, s2, $0xb8;
	[tilespmem:$0x8D80] =	vst v63  }
0x7f: {  	v33 =	vld [tilespmem:$0x0];
	_ =	sdelay $0x4  }
0x80: {  	(v2sf) =	vpush v33, $0x0;
	_ =	sdelay $0x7  }
0x81: {  	v32 =	vld [tilespmem:$0x200];
	_ =	sdelay $0x4  }
0x82: {  	(v2sf) =	vpush v32, $0x0;
	_ =	sdelay $0x1  }
0x83: {  	s0 =	spop (v2sf)  }
0x84: {  	s2 =	sand.u32 $0x7F, s0  }
0x85: {  	s3 =	sshra.s32 s0, $0x1F;
	p0 =	slt.s32 s0, $0x1;
	p1 =	sne.s32 s2, $0x0  }
0x86: {  	s4 =	sshrl.u32 s3, $0x19;
	p0 =	por !p0, !p1  }
0x87: {  	s1 =	simm.s32 $0x1;
	s0 =	sadd.s32 s4, s0;
	p0 =	por !p0, !p0  }
0x88: {  	s0 =	sshrl.u32 s0, $0x7;
	s1 =	simm.s32 @!p0 $0x0  }
0x89: {  	s0 =	ssub.s32 s0, s1  }
0x8a: {  	s0 =	sshll.u32 s0, $0x7  }
0x8b: {  	s0 =	sand.u32 $0x1FFFFF80, s0  }
0x8c: {  	s0 =	sadd.s32 s10, s0  }
0x8d: {  	[tilespmem:s31], [sflag:$0x1] =	stream.linear.gather [hbm4b:s0+s5], $0x400, $0x38;
	[tilespmem:$0x8D80] =	vst v63  }
0x8e: {  	(v2sf) =	vpush v33, $0x1;
	s0 =	sadd.s32 $0xF4280, s0  }
0x8f: {  	[tilespmem:s29], [sflag:$0x1] =	stream.linear.gather [hbm4b:s0+s5], $0x400, $0x38;
	[tilespmem:$0x8D80] =	vst v63  }
0x90: {  	s0 =	spop (v2sf)  }
0x91: {  	s2 =	sand.u32 $0x7F, s0  }
0x92: {  	s3 =	sshra.s32 s0, $0x1F;
	p1 =	slt.s32 s0, $0x1;
	p2 =	sne.s32 s2, $0x0  }
0x93: {  	s4 =	sshrl.u32 s3, $0x19;
	p0 =	por !p1, !p2  }
0x94: {  	s1 =	simm.s32 $0x1;
	s0 =	sadd.s32 s4, s0;
	p0 =	por !p0, !p0  }
0x95: {  	s0 =	sshrl.u32 s0, $0x7;
	s1 =	simm.s32 @!p0 $0x0  }
0x96: {  	s0 =	ssub.s32 s0, s1  }
0x97: {  	s0 =	sshll.u32 s0, $0x7  }
0x98: {  	s0 =	sand.u32 $0x1FFFFF80, s0  }
0x99: {  	s2 =	simm.s32 $0x800;
	s0 =	sadd.s32 s11, s0  }
0x9a: {  	[tilespmem:s2], [sflag:$0x1] =	stream.linear.gather [hbm4b:s0+s5], $0x400, $0x38;
	[tilespmem:$0x8D80] =	vst v63  }
0x9b: {  	(v2sf) =	vpush v32, $0x1;
	s0 =	sadd.s32 $0xF4280, s0  }
0x9c: {  	[tilespmem:s6], [sflag:$0x1] =	stream.linear.gather [hbm4b:s0+s5], $0x400, $0x38;
	[tilespmem:$0x8D80] =	vst v63  }
0x9d: {  	s0 =	spop (v2sf)  }
0x9e: {  	s3 =	sand.u32 $0x7F, s0  }
0x9f: {  	s4 =	sshra.s32 s0, $0x1F;
	p3 =	slt.s32 s0, $0x1;
	p4 =	sne.s32 s3, $0x0  }
0xa0: {  	s6 =	sshrl.u32 s4, $0x19;
	p0 =	por !p3, !p4  }
0xa1: {  	s1 =	simm.s32 $0x1;
	s0 =	sadd.s32 s6, s0;
	p0 =	por !p0, !p0  }
0xa2: {  	(v2sf) =	vpush v33, $0x2;
	s0 =	sshrl.u32 s0, $0x7;
	s1 =	simm.s32 @!p0 $0x0  }
0xa3: {  	s0 =	ssub.s32 s0, s1  }
0xa4: {  	s0 =	sshll.u32 s0, $0x7  }
0xa5: {  	s0 =	sand.u32 $0x1FFFFF80, s0  }
0xa6: {  	s0 =	sadd.s32 s10, s0  }
0xa7: {  	[tilespmem:s7], [sflag:$0x2] =	stream.linear.gather [hbm4b:s0+s5], $0x400, $0x38;
	[tilespmem:$0x8D80] =	vst v63  }
0xa8: {  	s0 =	sadd.s32 $0xF4280, s0  }
0xa9: {  	[tilespmem:s8], [sflag:$0x2] =	stream.linear.gather [hbm4b:s0+s5], $0x400, $0x38;
	[tilespmem:$0x8D80] =	vst v63  }
0xaa: {  	s8 =	spop (v2sf)  }
0xab: {  	(v2sf) =	vpush v32, $0x2;
	s2 =	sand.u32 $0x7F, s8  }
0xac: {  	s3 =	sshra.s32 s8, $0x1F;
	p5 =	slt.s32 s8, $0x1;
	p6 =	sne.s32 s2, $0x0  }
0xad: {  	s4 =	sshrl.u32 s3, $0x19;
	p0 =	por !p5, !p6  }
0xae: {  	s1 =	simm.s32 $0x1;
	s0 =	sadd.s32 s4, s8;
	p0 =	por !p0, !p0  }
0xaf: {  	s0 =	sshrl.u32 s0, $0x7;
	s1 =	simm.s32 @!p0 $0x0  }
0xb0: {  	s0 =	ssub.s32 s0, s1  }
0xb1: {  	s6 =	spop (v2sf);
	s0 =	sshll.u32 s0, $0x7  }
0xb2: {  	s7 =	sand.u32 $0x7F, s6;
	s8 =	sshra.s32 s6, $0x1F;
	s0 =	sand.u32 $0x1FFFFF80, s0  }
0xb3: {  	p1 =	slt.s32 s6, $0x1;
	p2 =	sne.s32 s7, $0x0;
	s0 =	sadd.s32 s11, s0  }
0xb4: {  	[tilespmem:s9], [sflag:$0x2] =	stream.linear.gather [hbm4b:s0+s5], $0x400, $0x38;
	[tilespmem:$0x8D80] =	vst v63  }
0xb5: {  	(v2sf) =	vpush v33, $0x3;
	p0 =	por !p1, !p2;
	s0 =	sadd.s32 $0xF4280, s0;
	s9 =	sshrl.u32 s8, $0x19  }
0xb6: {  	[tilespmem:s28], [sflag:$0x2] =	stream.linear.gather [hbm4b:s0+s5], $0x400, $0x38;
	[tilespmem:$0x8D80] =	vst v63  }
0xb7: {  	s1 =	simm.s32 $0x1;
	p0 =	por !p0, !p0;
	s0 =	sadd.s32 s9, s6  }
0xb8: {  	s1 =	simm.s32 @!p0 $0x0;
	s0 =	sshrl.u32 s0, $0x7  }
0xb9: {  	s0 =	ssub.s32 s0, s1  }
0xba: {  	s2 =	simm.s32 $0x5400;
	s0 =	sshll.u32 s0, $0x7;
	s3 =	spop (v2sf)  }
0xbb: {  	s0 =	sand.u32 $0x1FFFFF80, s0;
	s4 =	sand.u32 $0x7F, s3;
	s6 =	sshra.s32 s3, $0x1F  }
0xbc: {  	p3 =	slt.s32 s3, $0x1;
	s0 =	sadd.s32 s10, s0;
	p4 =	sne.s32 s4, $0x0  }
0xbd: {  	[tilespmem:s26], [sflag:$0x3] =	stream.linear.gather [hbm4b:s0+s5], $0x400, $0x38;
	[tilespmem:$0x8D80] =	vst v63  }
0xbe: {  	s7 =	sshrl.u32 s6, $0x19;
	s0 =	sadd.s32 $0xF4280, s0;
	p0 =	por !p3, !p4  }
0xbf: {  	[tilespmem:s2], [sflag:$0x3] =	stream.linear.gather [hbm4b:s0+s5], $0x400, $0x38;
	[tilespmem:$0x8D80] =	vst v63  }
0xc0: {  	s1 =	simm.s32 $0x1;
	p0 =	por !p0, !p0;
	s0 =	sadd.s32 s7, s3  }
0xc1: {  	s1 =	simm.s32 @!p0 $0x0;
	s0 =	sshrl.u32 s0, $0x7  }
0xc2: {  	s0 =	ssub.s32 s0, s1  }
0xc3: {  	s0 =	sshll.u32 s0, $0x7  }
0xc4: {  	(v2sf) =	vpush v32, $0x3;
	s8 =	spop (v2sf);
	s0 =	sand.u32 $0x1FFFFF80, s0  }
0xc5: {  	s9 =	sand.u32 $0x7F, s8;
	p5 =	slt.s32 s8, $0x1;
	s0 =	sadd.s32 s11, s0  }
0xc6: {  	[tilespmem:s14], [sflag:$0x3] =	stream.linear.gather [hbm4b:s0+s5], $0x400, $0x38;
	[tilespmem:$0x8D80] =	vst v63  }
0xc7: {  	p6 =	sne.s32 s9, $0x0;
	s0 =	sadd.s32 $0xF4280, s0;
	s14 =	sshra.s32 s8, $0x1F  }
0xc8: {  	[tilespmem:s15], [sflag:$0x3] =	stream.linear.gather [hbm4b:s0+s5], $0x400, $0x38;
	[tilespmem:$0x8D80] =	vst v63  }
0xc9: {  	p0 =	por !p5, !p6;
	s15 =	sshrl.u32 s14, $0x19  }
0xca: {  	p0 =	por !p0, !p0;
	s1 =	simm.s32 $0x1;
	s0 =	sadd.s32 s15, s8  }
0xcb: {  	(v2sf) =	vpush v33, $0x4;
	s1 =	simm.s32 @!p0 $0x0;
	s0 =	sshrl.u32 s0, $0x7  }
0xcc: {  	s0 =	ssub.s32 s0, s1  }
0xcd: {  	s0 =	sshll.u32 s0, $0x7  }
0xce: {  	s0 =	sand.u32 $0x1FFFFF80, s0  }
0xcf: {  	s0 =	sadd.s32 s10, s0  }
0xd0: {  	[tilespmem:s12], [sflag:$0x4] =	stream.linear.gather [hbm4b:s0+s5], $0x400, $0x38;
	[tilespmem:$0x8D80] =	vst v63  }
0xd1: {  	s0 =	sadd.s32 $0xF4280, s0  }
0xd2: {  	[tilespmem:s16], [sflag:$0x4] =	stream.linear.gather [hbm4b:s0+s5], $0x400, $0x38;
	[tilespmem:$0x8D80] =	vst v63  }
0xd3: {  	s16 =	spop (v2sf)  }
0xd4: {  	(v2sf) =	vpush v32, $0x4;
	s2 =	sand.u32 $0x7F, s16  }
0xd5: {  	s3 =	sshra.s32 s16, $0x1F;
	p1 =	slt.s32 s16, $0x1;
	p2 =	sne.s32 s2, $0x0  }
0xd6: {  	s4 =	sshrl.u32 s3, $0x19;
	p0 =	por !p1, !p2  }
0xd7: {  	s1 =	simm.s32 $0x1;
	s0 =	sadd.s32 s4, s16;
	p0 =	por !p0, !p0  }
0xd8: {  	s0 =	sshrl.u32 s0, $0x7;
	s1 =	simm.s32 @!p0 $0x0  }
0xd9: {  	s0 =	ssub.s32 s0, s1  }
0xda: {  	s6 =	spop (v2sf);
	s0 =	sshll.u32 s0, $0x7  }
0xdb: {  	s7 =	sand.u32 $0x7F, s6;
	s8 =	sshra.s32 s6, $0x1F;
	s0 =	sand.u32 $0x1FFFFF80, s0  }
0xdc: {  	p3 =	slt.s32 s6, $0x1;
	p4 =	sne.s32 s7, $0x0;
	s0 =	sadd.s32 s11, s0  }
0xdd: {  	[tilespmem:s18], [sflag:$0x4] =	stream.linear.gather [hbm4b:s0+s5], $0x400, $0x38;
	[tilespmem:$0x8D80] =	vst v63  }
0xde: {  	s9 =	sshrl.u32 s8, $0x19;
	p0 =	por !p3, !p4;
	s0 =	sadd.s32 $0xF4280, s0  }
0xdf: {  	(v2sf) =	vpush v33, $0x5;
	[tilespmem:s19], [sflag:$0x4] =	stream.linear.gather [hbm4b:s0+s5], $0x400, $0x38;
	[tilespmem:$0x8D80] =	vst v63  }
0xe0: {  	p0 =	por !p0, !p0;
	s1 =	simm.s32 $0x1;
	s0 =	sadd.s32 s9, s6  }
0xe1: {  	s1 =	simm.s32 @!p0 $0x0;
	s0 =	sshrl.u32 s0, $0x7  }
0xe2: {  	s0 =	ssub.s32 s0, s1  }
0xe3: {  	s0 =	sshll.u32 s0, $0x7;
	s14 =	spop (v2sf)  }
0xe4: {  	s0 =	sand.u32 $0x1FFFFF80, s0;
	s15 =	sand.u32 $0x7F, s14;
	s16 =	sshra.s32 s14, $0x1F  }
0xe5: {  	p5 =	slt.s32 s14, $0x1;
	s0 =	sadd.s32 s10, s0;
	p6 =	sne.s32 s15, $0x0  }
0xe6: {  	[tilespmem:s24], [sflag:$0x5] =	stream.linear.gather [hbm4b:s0+s5], $0x400, $0x38;
	[tilespmem:$0x8D80] =	vst v63  }
0xe7: {  	s18 =	sshrl.u32 s16, $0x19;
	s0 =	sadd.s32 $0xF4280, s0;
	p0 =	por !p5, !p6  }
0xe8: {  	(v2sf) =	vpush v32, $0x5;
	[tilespmem:s23], [sflag:$0x5] =	stream.linear.gather [hbm4b:s0+s5], $0x400, $0x38;
	[tilespmem:$0x8D80] =	vst v63  }
0xe9: {  	s1 =	simm.s32 $0x1;
	p0 =	por !p0, !p0;
	s0 =	sadd.s32 s18, s14  }
0xea: {  	s1 =	simm.s32 @!p0 $0x0;
	s0 =	sshrl.u32 s0, $0x7  }
0xeb: {  	s0 =	ssub.s32 s0, s1  }
0xec: {  	s0 =	sshll.u32 s0, $0x7  }
0xed: {  	s0 =	sand.u32 $0x1FFFFF80, s0  }
0xee: {  	s19 =	spop (v2sf);
	s0 =	sadd.s32 s11, s0  }
0xef: {  	[tilespmem:s20], [sflag:$0x5] =	stream.linear.gather [hbm4b:s0+s5], $0x400, $0x38;
	[tilespmem:$0x8D80] =	vst v63  }
0xf0: {  	s0 =	sadd.s32 $0xF4280, s0;
	s20 =	sand.u32 $0x7F, s19  }
0xf1: {  	(v2sf) =	vpush v33, $0x6;
	[tilespmem:s22], [sflag:$0x5] =	stream.linear.gather [hbm4b:s0+s5], $0x400, $0x38;
	[tilespmem:$0x8D80] =	vst v63  }
0xf2: {  	p1 =	slt.s32 s19, $0x1;
	p2 =	sne.s32 s20, $0x0;
	s22 =	sshra.s32 s19, $0x1F  }
0xf3: {  	p0 =	por !p1, !p2;
	s2 =	sshrl.u32 s22, $0x19  }
0xf4: {  	s1 =	simm.s32 $0x1;
	p0 =	por !p0, !p0;
	s0 =	sadd.s32 s2, s19  }
0xf5: {  	s1 =	simm.s32 @!p0 $0x0;
	s0 =	sshrl.u32 s0, $0x7  }
0xf6: {  	s0 =	ssub.s32 s0, s1  }
0xf7: {  	s20 =	simm.s32 $0x6C00;
	s3 =	spop (v2sf);
	s0 =	sshll.u32 s0, $0x7  }
0xf8: {  	s4 =	sand.u32 $0x7F, s3;
	s6 =	sshra.s32 s3, $0x1F;
	s0 =	sand.u32 $0x1FFFFF80, s0  }
0xf9: {  	p3 =	slt.s32 s3, $0x1;
	p4 =	sne.s32 s4, $0x0;
	s0 =	sadd.s32 s10, s0  }
0xfa: {  	(v2sf) =	vpush v32, $0x6;
	[tilespmem:s21], [sflag:$0x6] =	stream.linear.gather [hbm4b:s0+s5], $0x400, $0x38;
	[tilespmem:$0x8D80] =	vst v63  }
0xfb: {  	s7 =	sshrl.u32 s6, $0x19;
	p0 =	por !p3, !p4;
	s0 =	sadd.s32 $0xF4280, s0  }
0xfc: {  	[tilespmem:s20], [sflag:$0x6] =	stream.linear.gather [hbm4b:s0+s5], $0x400, $0x38;
	[tilespmem:$0x8D80] =	vst v63  }
0xfd: {  	s1 =	simm.s32 $0x1;
	p0 =	por !p0, !p0;
	s0 =	sadd.s32 s7, s3  }
0xfe: {  	s1 =	simm.s32 @!p0 $0x0;
	s0 =	sshrl.u32 s0, $0x7  }
0xff: {  	s0 =	ssub.s32 s0, s1  }
0x100: {  	s8 =	simm.s32 $0x7000;
	s9 =	spop (v2sf);
	s0 =	sshll.u32 s0, $0x7  }
0x101: {  	s14 =	sand.u32 $0x7F, s9;
	s15 =	sshra.s32 s9, $0x1F;
	s0 =	sand.u32 $0x1FFFFF80, s0  }
0x102: {  	p5 =	slt.s32 s9, $0x1;
	p6 =	sne.s32 s14, $0x0;
	s0 =	sadd.s32 s11, s0  }
0x103: {  	(v2sf) =	vpush v33, $0x7;
	[tilespmem:s30], [sflag:$0x6] =	stream.linear.gather [hbm4b:s0+s5], $0x400, $0x38;
	[tilespmem:$0x8D80] =	vst v63  }
0x104: {  	s16 =	sshrl.u32 s15, $0x19;
	p0 =	por !p5, !p6;
	s0 =	sadd.s32 $0xF4280, s0  }
0x105: {  	[tilespmem:s8], [sflag:$0x6] =	stream.linear.gather [hbm4b:s0+s5], $0x400, $0x38;
	[tilespmem:$0x8D80] =	vst v63  }
0x106: {  	p0 =	por !p0, !p0;
	s1 =	simm.s32 $0x1;
	s0 =	sadd.s32 s16, s9  }
0x107: {  	s1 =	simm.s32 @!p0 $0x0;
	s0 =	sshrl.u32 s0, $0x7  }
0x108: {  	s18 =	simm.s32 $0x7400;
	s0 =	ssub.s32 s0, s1  }
0x109: {  	s19 =	spop (v2sf);
	s16 =	simm.s32 $0x3400;
	s0 =	sshll.u32 s0, $0x7  }
0x10a: {  	s21 =	sand.u32 $0x7F, s19;
	s22 =	sshra.s32 s19, $0x1F;
	s0 =	sand.u32 $0x1FFFFF80, s0  }
0x10b: {  	p1 =	slt.s32 s19, $0x1;
	p2 =	sne.s32 s21, $0x0;
	s0 =	sadd.s32 s10, s0  }
0x10c: {  	(v2sf) =	vpush v32, $0x7;
	[tilespmem:s16], [sflag:$0x7] =	stream.linear.gather [hbm4b:s0+s5], $0x400, $0x38;
	[tilespmem:$0x8D80] =	vst v63  }
0x10d: {  	s30 =	sshrl.u32 s22, $0x19;
	p0 =	por !p1, !p2;
	s0 =	sadd.s32 $0xF4280, s0  }
0x10e: {  	[tilespmem:s18], [sflag:$0x7] =	stream.linear.gather [hbm4b:s0+s5], $0x400, $0x38;
	[tilespmem:$0x8D80] =	vst v63  }
0x10f: {  	s1 =	simm.s32 $0x1;
	p0 =	por !p0, !p0;
	s0 =	sadd.s32 s30, s19  }
0x110: {  	s1 =	simm.s32 @!p0 $0x0;
	s0 =	sshrl.u32 s0, $0x7  }
0x111: {  	s2 =	simm.s32 $0x3800;
	s0 =	ssub.s32 s0, s1  }
0x112: {  	s4 =	simm.s32 $0x7800;
	s3 =	spop (v2sf);
	s0 =	sshll.u32 s0, $0x7  }
0x113: {  	s6 =	sand.u32 $0x7F, s3;
	s7 =	sshra.s32 s3, $0x1F;
	s0 =	sand.u32 $0x1FFFFF80, s0  }
0x114: {  	p3 =	slt.s32 s3, $0x1;
	p4 =	sne.s32 s6, $0x0;
	s0 =	sadd.s32 s11, s0  }
0x115: {  	[tilespmem:s2], [sflag:$0x7] =	stream.linear.gather [hbm4b:s0+s5], $0x400, $0x38;
	[tilespmem:$0x8D80] =	vst v63  }
0x116: {  	s8 =	sshrl.u32 s7, $0x19;
	p0 =	por !p3, !p4;
	s0 =	sadd.s32 $0xF4280, s0  }
0x117: {  	[tilespmem:s4], [sflag:$0x7] =	stream.linear.gather [hbm4b:s0+s5], $0x400, $0x38;
	[tilespmem:$0x8D80] =	vst v63  }
0x118: {  	p0 =	por !p0, !p0;
	s1 =	simm.s32 $0x1;
	s0 =	sadd.s32 s8, s3  }
0x119: {  	s1 =	simm.s32 @!p0 $0x0;
	s0 =	sshrl.u32 s0, $0x7  }
0x11a: {  	s14 =	simm.s32 $0x7C00;
	s0 =	ssub.s32 s0, s1  }
0x11b: {  	s9 =	simm.s32 $0x3C00;
	s15 =	spop (v2sf);
	s0 =	sshll.u32 s0, $0x7  }
0x11c: {  	s18 =	sand.u32 $0x7F, s15;
	s19 =	sshra.s32 s15, $0x1F;
	s0 =	sand.u32 $0x1FFFFF80, s0  }
0x11d: {  	p5 =	slt.s32 s15, $0x1;
	p6 =	sne.s32 s18, $0x0;
	s0 =	sadd.s32 s10, s0  }
0x11e: {  	[tilespmem:s9], [sflag:$0x8] =	stream.linear.gather [hbm4b:s0+s5], $0x400, $0x38;
	[tilespmem:$0x8D80] =	vst v63  }
0x11f: {  	s21 =	sshrl.u32 s19, $0x19;
	p0 =	por !p5, !p6;
	s0 =	sadd.s32 $0xF4280, s0  }
0x120: {  	[tilespmem:s14], [sflag:$0x8] =	stream.linear.gather [hbm4b:s0+s5], $0x400, $0x38;
	[tilespmem:$0x8D80] =	vst v63  }
0x121: {  	p0 =	por !p0, !p0;
	s1 =	simm.s32 $0x1;
	s0 =	sadd.s32 s21, s15  }
0x122: {  	s1 =	simm.s32 @!p0 $0x0;
	s0 =	sshrl.u32 s0, $0x7  }
0x123: {  	s13 =	simm.s32 $0x200;
	s28 =	simm.s32 $0x10;
	s0 =	ssub.s32 s0, s1  }
0x124: {  	s22 =	simm.s32 $0x4000;
	s7 =	simm.s32 $0x0;
	s0 =	sshll.u32 s0, $0x7  }
0x125: {  	s30 =	simm.s32 $0x8000;
	s18 =	simm.s32 $0x8980;
	s0 =	sand.u32 $0x1FFFFF80, s0  }
0x126: {  	s19 =	simm.s32 $0x2;
	s14 =	simm.s32 $0x3;
	s0 =	sadd.s32 s11, s0  }
0x127: {  	[tilespmem:s22], [sflag:$0x8] =	stream.linear.gather [hbm4b:s0+s5], $0x400, $0x38;
	[tilespmem:$0x8D80] =	vst v63  }
0x128: {  	s15 =	simm.s32 $0x4;
	s0 =	sadd.s32 $0xF4280, s0;
	s22 =	simm.s32 $0x8400  }
0x129: {  	[tilespmem:s30], [sflag:$0x8] =	stream.linear.gather [hbm4b:s0+s5], $0x400, $0x38;
	[tilespmem:$0x8D80] =	vst v63  }
.LBB2_2:
0x12a: {  	v35 =	vld [tilespmem:s7+$0x0];
	_ =	sdelay $0x1  }
0x12b: {  	v34 =	vld [tilespmem:s13+$0x0];
	s0 =	smin.u32 s28, $0x1F0  }
0x12c: {  	[dreg:$0x11] =	wrdreg s13;
	v33 =	vld [tilespmem:s0+$0x0]  }
0x12d: {  	v32 =	vld [tilespmem:s0+$0x200];
	_ =	swait.ge [sflag:s17], $0x1000  }
0x12e: {  	(v2sf) =	vpush v35, $0x0;
	_ =	sdelay $0x1  }
0x12f: {  	(v2sf) =	vpush v35, $0x8;
	_ =	sdelay $0xa  }
0x130: {  	v36 =	vand.u32 $0x7F, v34  }
0x131: {  	v37 =	vbroadcast v36, $0x0  }
0x132: {  	s13 =	spop (v2sf)  }
0x133: {  	v37 =	vor.u32 v1, v37;
	s0 =	sand.u32 $0x7F, s13  }
0x134: {  	s30 =	spop (v2sf);
	v38 =	vor.u32 s0, v0  }
0x135: {  	(v2sf) =	vpush v34, $0x8;
	s21 =	sshra.s32 s30, $0x1F  }
0x136: {  	[sflag:s17] =	ssyncset.done $0x0;
	s0 =	sshrl.u32 s21, $0x19  }
0x137: {  	[sflag:s17] =	ssyncadd.s32 $0xFFFFF000;
	s0 =	sadd.s32 s0, s30  }
0x138: {  	v37 =	vld.idx.msk [tilespmem:v37+s31+$0x0], $0xffff;
	s1 =	sand.u32 $0xFFFFFF80, s0  }
0x139: {  	p0 =	slt.s32 s30, $0x1;
	p1 =	sne.s32 s30, s1;
	v38 =	vld.idx.msk [tilespmem:v38+s31+$0x0], $0xffff  }
0x13a: {  	p0 =	por !p0, !p1  }
0x13b: {  	s1 =	simm.s32 $0x1;
	p0 =	por !p0, !p0  }
0x13c: {  	s0 =	sshrl.u32 s0, $0x7;
	s1 =	simm.s32 @!p0 $0x0  }
0x13d: {  	s0 =	ssub.s32 s0, s1  }
0x13e: {  	s0 =	sshll.u32 s0, $0x7;
	v37 =	vmul.f32 v37, v38  }
0x13f: {  	s0 =	sand.u32 $0x1FFFFF80, s0  }
0x140: {  	s0 =	sadd.s32 s10, s0;
	[tilespmem:$0x8400] =	vst v37  }
0x141: {  	[tilespmem:s31], [sflag:$0x1] =	stream.linear.gather [hbm4b:s0+s5], $0x400, $0x38;
	[tilespmem:$0x8D80] =	vst v63  }
0x142: {  	s0 =	sadd.s32 $0xF4280, s0  }
0x143: {  	[tilespmem:s29], [sflag:$0x1] =	stream.linear.gather [hbm4b:s0+s5], $0x400, $0x38;
	[tilespmem:$0x8D80] =	vst v63  }
0x144: {  	s29 =	spop (v2sf)  }
0x145: {  	s1 =	sshra.s32 s29, $0x1F  }
0x146: {  	s0 =	sshrl.u32 s1, $0x19  }
0x147: {  	s0 =	sadd.s32 s0, s29  }
0x148: {  	s3 =	sand.u32 $0xFFFFFF80, s0  }
0x149: {  	p5 =	slt.s32 s29, $0x1;
	p6 =	sne.s32 s29, s3  }
0x14a: {  	p0 =	por !p5, !p6  }
0x14b: {  	s1 =	simm.s32 $0x1;
	p0 =	por !p0, !p0  }
0x14c: {  	s0 =	sshrl.u32 s0, $0x7;
	s1 =	simm.s32 @!p0 $0x0  }
0x14d: {  	s0 =	ssub.s32 s0, s1  }
0x14e: {  	s0 =	sshll.u32 s0, $0x7  }
0x14f: {  	s0 =	sand.u32 $0x1FFFFF80, s0  }
0x150: {  	s2 =	simm.s32 $0x800;
	s0 =	sadd.s32 s11, s0  }
0x151: {  	[tilespmem:s2], [sflag:$0x1] =	stream.linear.gather [hbm4b:s0+s5], $0x400, $0x38;
	[tilespmem:$0x8D80] =	vst v63  }
0x152: {  	s4 =	simm.s32 $0x4800;
	s0 =	sadd.s32 $0xF4280, s0  }
0x153: {  	[tilespmem:s4], [sflag:$0x1] =	stream.linear.gather [hbm4b:s0+s5], $0x400, $0x38;
	[tilespmem:$0x8D80] =	vst v63  }
0x154: {  	_ =	swait.ge [sflag:s19], $0x1000  }
0x155: {  	(v2sf) =	vpush v35, $0x9;
	_ =	sdelay $0xa  }
0x156: {  	v44 =	vand.u32 $0x7F, v35  }
0x157: {  	v45 =	vbroadcast v44, $0x1  }
0x158: {  	v39 =	vbroadcast v36, $0x1  }
0x159: {  	v38 =	vor.u32 v2, v45  }
0x15a: {  	v39 =	vor.u32 v3, v39;
	s19 =	spop (v2sf)  }
0x15b: {  	s8 =	simm.s32 $0x2;
	(v2sf) =	vpush v34, $0x9;
	s6 =	sshra.s32 s19, $0x1F  }
0x15c: {  	s9 =	simm.s32 $0x2;
	[sflag:s8] =	ssyncset.done $0x0;
	s0 =	sshrl.u32 s6, $0x19  }
0x15d: {  	[sflag:s9] =	ssyncadd.s32 $0xFFFFF000;
	s0 =	sadd.s32 s0, s19  }
0x15e: {  	v38 =	vld.idx.msk [tilespmem:v38+s31+$0x0], $0xffff;
	s13 =	sand.u32 $0xFFFFFF80, s0  }
0x15f: {  	v39 =	vld.idx.msk [tilespmem:v39+s31+$0x0], $0xffff;
	p1 =	slt.s32 s19, $0x1;
	p2 =	sne.s32 s19, s13  }
0x160: {  	p0 =	por !p1, !p2  }
0x161: {  	s1 =	simm.s32 $0x1;
	p0 =	por !p0, !p0  }
0x162: {  	s0 =	sshrl.u32 s0, $0x7;
	s1 =	simm.s32 @!p0 $0x0  }
0x163: {  	s0 =	ssub.s32 s0, s1  }
0x164: {  	v38 =	vmul.f32 v39, v38;
	s0 =	sshll.u32 s0, $0x7  }
0x165: {  	s0 =	sand.u32 $0x1FFFFF80, s0  }
0x166: {  	s17 =	simm.s32 $0xC00;
	[tilespmem:$0x8410] =	vst v38;
	s0 =	sadd.s32 s10, s0  }
0x167: {  	[tilespmem:s17], [sflag:$0x2] =	stream.linear.gather [hbm4b:s0+s5], $0x400, $0x38;
	[tilespmem:$0x8D80] =	vst v63  }
0x168: {  	s21 =	simm.s32 $0x4C00;
	s0 =	sadd.s32 $0xF4280, s0  }
0x169: {  	[tilespmem:s21], [sflag:$0x2] =	stream.linear.gather [hbm4b:s0+s5], $0x400, $0x38;
	[tilespmem:$0x8D80] =	vst v63  }
0x16a: {  	s0 =	spop (v2sf)  }
0x16b: {  	s2 =	sshra.s32 s0, $0x1F  }
0x16c: {  	s1 =	sshrl.u32 s2, $0x19  }
0x16d: {  	s1 =	sadd.s32 s1, s0  }
0x16e: {  	s21 =	sand.u32 $0xFFFFFF80, s1  }
0x16f: {  	p3 =	slt.s32 s0, $0x1;
	p4 =	sne.s32 s0, s21  }
0x170: {  	p0 =	por !p3, !p4  }
0x171: {  	s2 =	simm.s32 $0x1;
	p0 =	por !p0, !p0  }
0x172: {  	s1 =	sshrl.u32 s1, $0x7;
	s2 =	simm.s32 @!p0 $0x0  }
0x173: {  	s1 =	ssub.s32 s1, s2  }
0x174: {  	s1 =	sshll.u32 s1, $0x7  }
0x175: {  	s1 =	sand.u32 $0x1FFFFF80, s1  }
0x176: {  	s4 =	simm.s32 $0x1000;
	s1 =	sadd.s32 s11, s1  }
0x177: {  	[tilespmem:s4], [sflag:$0x2] =	stream.linear.gather [hbm4b:s1+s5], $0x400, $0x38;
	[tilespmem:$0x8D80] =	vst v63  }
0x178: {  	s6 =	simm.s32 $0x5000;
	[dreg:$0x1b] =	wrdreg s13;
	s1 =	sadd.s32 $0xF4280, s1  }
0x179: {  	[tilespmem:s6], [sflag:$0x2] =	stream.linear.gather [hbm4b:s1+s5], $0x400, $0x38;
	[tilespmem:$0x8D80] =	vst v63  }
0x17a: {  	_ =	swait.ge [sflag:s14], $0x1000  }
0x17b: {  	(v2sf) =	vpush v35, $0xA;
	_ =	sdelay $0xb  }
0x17c: {  	v46 =	vbroadcast v44, $0x2  }
0x17d: {  	v47 =	vbroadcast v36, $0x2  }
0x17e: {  	v38 =	vor.u32 v4, v46  }
0x17f: {  	v39 =	vor.u32 v5, v47;
	s14 =	spop (v2sf)  }
0x180: {  	s9 =	simm.s32 $0x3;
	(v2sf) =	vpush v34, $0xA;
	s8 =	sshra.s32 s14, $0x1F  }
0x181: {  	s17 =	simm.s32 $0x3;
	[sflag:s9] =	ssyncset.done $0x0;
	s1 =	sshrl.u32 s8, $0x19  }
0x182: {  	[sflag:s17] =	ssyncadd.s32 $0xFFFFF000;
	s1 =	sadd.s32 s1, s14  }
0x183: {  	v38 =	vld.idx.msk [tilespmem:v38+s31+$0x0], $0xffff;
	s4 =	sand.u32 $0xFFFFFF80, s1  }
0x184: {  	v39 =	vld.idx.msk [tilespmem:v39+s31+$0x0], $0xffff;
	p5 =	slt.s32 s14, $0x1;
	p6 =	sne.s32 s14, s4  }
0x185: {  	p0 =	por !p5, !p6  }
0x186: {  	s2 =	simm.s32 $0x1;
	p0 =	por !p0, !p0  }
0x187: {  	s1 =	sshrl.u32 s1, $0x7;
	s2 =	simm.s32 @!p0 $0x0  }
0x188: {  	s1 =	ssub.s32 s1, s2  }
0x189: {  	v38 =	vmul.f32 v39, v38;
	s1 =	sshll.u32 s1, $0x7  }
0x18a: {  	s1 =	sand.u32 $0x1FFFFF80, s1  }
0x18b: {  	[tilespmem:$0x8420] =	vst v38;
	s1 =	sadd.s32 s10, s1  }
0x18c: {  	[tilespmem:s26], [sflag:$0x3] =	stream.linear.gather [hbm4b:s1+s5], $0x400, $0x38;
	[tilespmem:$0x8D80] =	vst v63  }
0x18d: {  	s6 =	simm.s32 $0x5400;
	s1 =	sadd.s32 $0xF4280, s1  }
0x18e: {  	[tilespmem:s6], [sflag:$0x3] =	stream.linear.gather [hbm4b:s1+s5], $0x400, $0x38;
	[tilespmem:$0x8D80] =	vst v63  }
0x18f: {  	s26 =	spop (v2sf)  }
0x190: {  	s8 =	sshra.s32 s26, $0x1F  }
0x191: {  	s1 =	sshrl.u32 s8, $0x19  }
0x192: {  	s1 =	sadd.s32 s1, s26  }
0x193: {  	s9 =	sand.u32 $0xFFFFFF80, s1  }
0x194: {  	p1 =	slt.s32 s26, $0x1;
	p2 =	sne.s32 s26, s9  }
0x195: {  	p0 =	por !p1, !p2  }
0x196: {  	s2 =	simm.s32 $0x1;
	p0 =	por !p0, !p0  }
0x197: {  	s1 =	sshrl.u32 s1, $0x7;
	s2 =	simm.s32 @!p0 $0x0  }
0x198: {  	s1 =	ssub.s32 s1, s2  }
0x199: {  	s1 =	sshll.u32 s1, $0x7  }
0x19a: {  	s1 =	sand.u32 $0x1FFFFF80, s1  }
0x19b: {  	s17 =	simm.s32 $0x1800;
	[dreg:$0x19] =	wrdreg s4;
	s1 =	sadd.s32 s11, s1  }
0x19c: {  	[tilespmem:s17], [sflag:$0x3] =	stream.linear.gather [hbm4b:s1+s5], $0x400, $0x38;
	[tilespmem:$0x8D80] =	vst v63  }
0x19d: {  	s4 =	simm.s32 $0x5800;
	[dreg:$0x1e] =	wrdreg s9;
	s1 =	sadd.s32 $0xF4280, s1  }
0x19e: {  	[tilespmem:s4], [sflag:$0x3] =	stream.linear.gather [hbm4b:s1+s5], $0x400, $0x38;
	[tilespmem:$0x8D80] =	vst v63  }
0x19f: {  	_ =	swait.ge [sflag:s15], $0x1000  }
0x1a0: {  	(v2sf) =	vpush v35, $0xB;
	_ =	sdelay $0xb  }
0x1a1: {  	v48 =	vbroadcast v44, $0x3  }
0x1a2: {  	v49 =	vbroadcast v36, $0x3  }
0x1a3: {  	v38 =	vor.u32 v6, v48  }
0x1a4: {  	v39 =	vor.u32 v7, v49;
	s15 =	spop (v2sf)  }
0x1a5: {  	s8 =	simm.s32 $0x4;
	(v2sf) =	vpush v34, $0xB;
	s6 =	sshra.s32 s15, $0x1F  }
0x1a6: {  	s9 =	simm.s32 $0x4;
	[sflag:s8] =	ssyncset.done $0x0;
	s1 =	sshrl.u32 s6, $0x19  }
0x1a7: {  	[sflag:s9] =	ssyncadd.s32 $0xFFFFF000;
	s1 =	sadd.s32 s1, s15  }
0x1a8: {  	v38 =	vld.idx.msk [tilespmem:v38+s31+$0x0], $0xffff;
	s17 =	sand.u32 $0xFFFFFF80, s1  }
0x1a9: {  	v39 =	vld.idx.msk [tilespmem:v39+s31+$0x0], $0xffff;
	p3 =	slt.s32 s15, $0x1;
	p4 =	sne.s32 s15, s17  }
0x1aa: {  	p0 =	por !p3, !p4  }
0x1ab: {  	s2 =	simm.s32 $0x1;
	p0 =	por !p0, !p0  }
0x1ac: {  	s1 =	sshrl.u32 s1, $0x7;
	s2 =	simm.s32 @!p0 $0x0  }
0x1ad: {  	s1 =	ssub.s32 s1, s2  }
0x1ae: {  	v38 =	vmul.f32 v39, v38;
	s1 =	sshll.u32 s1, $0x7  }
0x1af: {  	s1 =	sand.u32 $0x1FFFFF80, s1  }
0x1b0: {  	[tilespmem:$0x8430] =	vst v38;
	s1 =	sadd.s32 s10, s1  }
0x1b1: {  	[tilespmem:s12], [sflag:$0x4] =	stream.linear.gather [hbm4b:s1+s5], $0x400, $0x38;
	[tilespmem:$0x8D80] =	vst v63  }
0x1b2: {  	s4 =	simm.s32 $0x5C00;
	s1 =	sadd.s32 $0xF4280, s1  }
0x1b3: {  	[tilespmem:s4], [sflag:$0x4] =	stream.linear.gather [hbm4b:s1+s5], $0x400, $0x38;
	[tilespmem:$0x8D80] =	vst v63  }
0x1b4: {  	s1 =	spop (v2sf)  }
0x1b5: {  	s6 =	sshra.s32 s1, $0x1F  }
0x1b6: {  	s2 =	sshrl.u32 s6, $0x19  }
0x1b7: {  	s2 =	sadd.s32 s2, s1  }
0x1b8: {  	s4 =	sand.u32 $0xFFFFFF80, s2  }
0x1b9: {  	p5 =	slt.s32 s1, $0x1;
	p6 =	sne.s32 s1, s4  }
0x1ba: {  	p0 =	por !p5, !p6  }
0x1bb: {  	s8 =	simm.s32 $0x1;
	p0 =	por !p0, !p0  }
0x1bc: {  	s2 =	sshrl.u32 s2, $0x7;
	s8 =	simm.s32 @!p0 $0x0  }
0x1bd: {  	s2 =	ssub.s32 s2, s8  }
0x1be: {  	s2 =	sshll.u32 s2, $0x7  }
0x1bf: {  	s9 =	simm.s32 $0x6000;
	s2 =	sand.u32 $0x1FFFFF80, s2  }
0x1c0: {  	[dreg:$0x17] =	wrdreg s17;
	s8 =	simm.s32 $0x2000;
	s2 =	sadd.s32 s11, s2  }
0x1c1: {  	[tilespmem:s8], [sflag:$0x4] =	stream.linear.gather [hbm4b:s2+s5], $0x400, $0x38;
	[tilespmem:$0x8D80] =	vst v63  }
0x1c2: {  	s6 =	simm.s32 $0x5;
	[dreg:$0x1d] =	wrdreg s4;
	s2 =	sadd.s32 $0xF4280, s2  }
0x1c3: {  	[tilespmem:s9], [sflag:$0x4] =	stream.linear.gather [hbm4b:s2+s5], $0x400, $0x38;
	[tilespmem:$0x8D80] =	vst v63  }
0x1c4: {  	_ =	swait.ge [sflag:s6], $0x1000  }
0x1c5: {  	(v2sf) =	vpush v35, $0xC;
	_ =	sdelay $0xb  }
0x1c6: {  	v50 =	vbroadcast v44, $0x4  }
0x1c7: {  	v51 =	vbroadcast v36, $0x4  }
0x1c8: {  	v38 =	vor.u32 v8, v50  }
0x1c9: {  	v39 =	vor.u32 v9, v51;
	s2 =	spop (v2sf)  }
0x1ca: {  	(v2sf) =	vpush v34, $0xC;
	s12 =	sshra.s32 s2, $0x1F  }
0x1cb: {  	[sflag:s6] =	ssyncset.done $0x0;
	s8 =	sshrl.u32 s12, $0x19  }
0x1cc: {  	[sflag:s6] =	ssyncadd.s32 $0xFFFFF000;
	s8 =	sadd.s32 s8, s2  }
0x1cd: {  	v38 =	vld.idx.msk [tilespmem:v38+s31+$0x0], $0xffff;
	s17 =	sand.u32 $0xFFFFFF80, s8  }
0x1ce: {  	v39 =	vld.idx.msk [tilespmem:v39+s31+$0x0], $0xffff;
	p1 =	slt.s32 s2, $0x1;
	p2 =	sne.s32 s2, s17  }
0x1cf: {  	p0 =	por !p1, !p2  }
0x1d0: {  	s9 =	simm.s32 $0x1;
	p0 =	por !p0, !p0  }
0x1d1: {  	s8 =	sshrl.u32 s8, $0x7;
	s9 =	simm.s32 @!p0 $0x0  }
0x1d2: {  	s8 =	ssub.s32 s8, s9  }
0x1d3: {  	v38 =	vmul.f32 v39, v38;
	s8 =	sshll.u32 s8, $0x7  }
0x1d4: {  	s8 =	sand.u32 $0x1FFFFF80, s8  }
0x1d5: {  	[tilespmem:$0x8440] =	vst v38;
	s8 =	sadd.s32 s10, s8  }
0x1d6: {  	[tilespmem:s24], [sflag:$0x5] =	stream.linear.gather [hbm4b:s8+s5], $0x400, $0x38;
	[tilespmem:$0x8D80] =	vst v63  }
0x1d7: {  	s8 =	sadd.s32 $0xF4280, s8  }
0x1d8: {  	[tilespmem:s23], [sflag:$0x5] =	stream.linear.gather [hbm4b:s8+s5], $0x400, $0x38;
	[tilespmem:$0x8D80] =	vst v63  }
0x1d9: {  	s23 =	spop (v2sf)  }
0x1da: {  	s9 =	sshra.s32 s23, $0x1F  }
0x1db: {  	s8 =	sshrl.u32 s9, $0x19  }
0x1dc: {  	s8 =	sadd.s32 s8, s23  }
0x1dd: {  	s24 =	sand.u32 $0xFFFFFF80, s8  }
0x1de: {  	p3 =	slt.s32 s23, $0x1;
	p4 =	sne.s32 s23, s24  }
0x1df: {  	p0 =	por !p3, !p4  }
0x1e0: {  	s9 =	simm.s32 $0x1;
	p0 =	por !p0, !p0  }
0x1e1: {  	s8 =	sshrl.u32 s8, $0x7;
	s9 =	simm.s32 @!p0 $0x0  }
0x1e2: {  	s8 =	ssub.s32 s8, s9  }
0x1e3: {  	s8 =	sshll.u32 s8, $0x7  }
0x1e4: {  	s8 =	sand.u32 $0x1FFFFF80, s8  }
0x1e5: {  	[dreg:$0x15] =	wrdreg s17;
	s9 =	simm.s32 $0x2800;
	s8 =	sadd.s32 s11, s8  }
0x1e6: {  	[tilespmem:s9], [sflag:$0x5] =	stream.linear.gather [hbm4b:s8+s5], $0x400, $0x38;
	[tilespmem:$0x8D80] =	vst v63  }
0x1e7: {  	[dreg:$0x1c] =	wrdreg s24;
	s24 =	simm.s32 $0x6800;
	s8 =	sadd.s32 $0xF4280, s8  }
0x1e8: {  	[tilespmem:s24], [sflag:$0x5] =	stream.linear.gather [hbm4b:s8+s5], $0x400, $0x38;
	[tilespmem:$0x8D80] =	vst v63  }
0x1e9: {  	_ =	swait.ge [sflag:s25], $0x1000  }
0x1ea: {  	(v2sf) =	vpush v35, $0xD;
	_ =	sdelay $0xb  }
0x1eb: {  	v52 =	vbroadcast v44, $0x5  }
0x1ec: {  	v53 =	vbroadcast v36, $0x5  }
0x1ed: {  	v38 =	vor.u32 v10, v52  }
0x1ee: {  	v39 =	vor.u32 v11, v53;
	s4 =	spop (v2sf)  }
0x1ef: {  	(v2sf) =	vpush v34, $0xD;
	s9 =	sshra.s32 s4, $0x1F  }
0x1f0: {  	[sflag:s25] =	ssyncset.done $0x0;
	s8 =	sshrl.u32 s9, $0x19  }
0x1f1: {  	[sflag:s25] =	ssyncadd.s32 $0xFFFFF000;
	s8 =	sadd.s32 s8, s4  }
0x1f2: {  	v38 =	vld.idx.msk [tilespmem:v38+s31+$0x0], $0xffff;
	s24 =	sand.u32 $0xFFFFFF80, s8  }
0x1f3: {  	v39 =	vld.idx.msk [tilespmem:v39+s31+$0x0], $0xffff;
	p5 =	slt.s32 s4, $0x1;
	p6 =	sne.s32 s4, s24  }
0x1f4: {  	p0 =	por !p5, !p6  }
0x1f5: {  	s9 =	simm.s32 $0x1;
	p0 =	por !p0, !p0  }
0x1f6: {  	s8 =	sshrl.u32 s8, $0x7;
	s9 =	simm.s32 @!p0 $0x0  }
0x1f7: {  	s8 =	ssub.s32 s8, s9  }
0x1f8: {  	v38 =	vmul.f32 v39, v38;
	s8 =	sshll.u32 s8, $0x7  }
0x1f9: {  	s8 =	sand.u32 $0x1FFFFF80, s8  }
0x1fa: {  	[tilespmem:$0x8450] =	vst v38;
	[dreg:$0x14] =	wrdreg s24;
	s24 =	simm.s32 $0x2C00;
	s8 =	sadd.s32 s10, s8  }
0x1fb: {  	[tilespmem:s24], [sflag:$0x6] =	stream.linear.gather [hbm4b:s8+s5], $0x400, $0x38;
	[tilespmem:$0x8D80] =	vst v63  }
0x1fc: {  	s8 =	sadd.s32 $0xF4280, s8  }
0x1fd: {  	[tilespmem:s20], [sflag:$0x6] =	stream.linear.gather [hbm4b:s8+s5], $0x400, $0x38;
	[tilespmem:$0x8D80] =	vst v63  }
0x1fe: {  	s20 =	spop (v2sf)  }
0x1ff: {  	s9 =	sshra.s32 s20, $0x1F  }
0x200: {  	s8 =	sshrl.u32 s9, $0x19  }
0x201: {  	s8 =	sadd.s32 s8, s20  }
0x202: {  	s24 =	sand.u32 $0xFFFFFF80, s8  }
0x203: {  	p1 =	slt.s32 s20, $0x1;
	p2 =	sne.s32 s20, s24  }
0x204: {  	p0 =	por !p1, !p2  }
0x205: {  	s9 =	simm.s32 $0x1;
	p0 =	por !p0, !p0  }
0x206: {  	s8 =	sshrl.u32 s8, $0x7;
	s9 =	simm.s32 @!p0 $0x0  }
0x207: {  	s8 =	ssub.s32 s8, s9  }
0x208: {  	s8 =	sshll.u32 s8, $0x7  }
0x209: {  	s8 =	sand.u32 $0x1FFFFF80, s8  }
0x20a: {  	[dreg:$0x1a] =	wrdreg s24;
	s24 =	simm.s32 $0x3000;
	s8 =	sadd.s32 s11, s8  }
0x20b: {  	[tilespmem:s24], [sflag:$0x6] =	stream.linear.gather [hbm4b:s8+s5], $0x400, $0x38;
	[tilespmem:$0x8D80] =	vst v63  }
0x20c: {  	s13 =	simm.s32 $0x7000;
	s8 =	sadd.s32 $0xF4280, s8  }
0x20d: {  	[tilespmem:s13], [sflag:$0x6] =	stream.linear.gather [hbm4b:s8+s5], $0x400, $0x38;
	[tilespmem:$0x8D80] =	vst v63  }
0x20e: {  	s13 =	simm.s32 $0x7  }
0x20f: {  	_ =	swait.ge [sflag:s13], $0x1000  }
0x210: {  	(v2sf) =	vpush v35, $0xE;
	_ =	sdelay $0xb  }
0x211: {  	v54 =	vbroadcast v44, $0x6  }
0x212: {  	v55 =	vbroadcast v36, $0x6  }
0x213: {  	v38 =	vor.u32 v12, v54  }
0x214: {  	v39 =	vor.u32 v14, v55;
	s9 =	spop (v2sf)  }
0x215: {  	(v2sf) =	vpush v34, $0xE;
	s24 =	sshra.s32 s9, $0x1F  }
0x216: {  	[sflag:s13] =	ssyncset.done $0x0;
	s8 =	sshrl.u32 s24, $0x19  }
0x217: {  	[sflag:s13] =	ssyncadd.s32 $0xFFFFF000;
	s8 =	sadd.s32 s8, s9  }
0x218: {  	v38 =	vld.idx.msk [tilespmem:v38+s31+$0x0], $0xffff;
	s24 =	sand.u32 $0xFFFFFF80, s8  }
0x219: {  	v39 =	vld.idx.msk [tilespmem:v39+s31+$0x0], $0xffff;
	p3 =	slt.s32 s9, $0x1;
	p4 =	sne.s32 s9, s24  }
0x21a: {  	p0 =	por !p3, !p4  }
0x21b: {  	s13 =	simm.s32 $0x1;
	p0 =	por !p0, !p0  }
0x21c: {  	s8 =	sshrl.u32 s8, $0x7;
	s13 =	simm.s32 @!p0 $0x0  }
0x21d: {  	s8 =	ssub.s32 s8, s13  }
0x21e: {  	v38 =	vmul.f32 v39, v38;
	s8 =	sshll.u32 s8, $0x7  }
0x21f: {  	s8 =	sand.u32 $0x1FFFFF80, s8  }
0x220: {  	[tilespmem:$0x8460] =	vst v38;
	s8 =	sadd.s32 s10, s8  }
0x221: {  	[tilespmem:s16], [sflag:$0x7] =	stream.linear.gather [hbm4b:s8+s5], $0x400, $0x38;
	[tilespmem:$0x8D80] =	vst v63  }
0x222: {  	s17 =	simm.s32 $0x7400;
	s8 =	sadd.s32 $0xF4280, s8  }
0x223: {  	[tilespmem:s17], [sflag:$0x7] =	stream.linear.gather [hbm4b:s8+s5], $0x400, $0x38;
	[tilespmem:$0x8D80] =	vst v63  }
0x224: {  	s16 =	spop (v2sf)  }
0x225: {  	s17 =	sshra.s32 s16, $0x1F  }
0x226: {  	s8 =	sshrl.u32 s17, $0x19  }
0x227: {  	s8 =	sadd.s32 s8, s16  }
0x228: {  	[dreg:$0x13] =	wrdreg s24;
	s24 =	sand.u32 $0xFFFFFF80, s8  }
0x229: {  	p5 =	slt.s32 s16, $0x1;
	p6 =	sne.s32 s16, s24  }
0x22a: {  	p0 =	por !p5, !p6  }
0x22b: {  	s13 =	simm.s32 $0x1;
	p0 =	por !p0, !p0  }
0x22c: {  	s8 =	sshrl.u32 s8, $0x7;
	s13 =	simm.s32 @!p0 $0x0  }
0x22d: {  	s8 =	ssub.s32 s8, s13  }
0x22e: {  	s8 =	sshll.u32 s8, $0x7  }
0x22f: {  	s8 =	sand.u32 $0x1FFFFF80, s8  }
0x230: {  	s12 =	simm.s32 $0x3800;
	s17 =	simm.s32 $0x7800;
	s8 =	sadd.s32 s11, s8  }
0x231: {  	[tilespmem:s12], [sflag:$0x7] =	stream.linear.gather [hbm4b:s8+s5], $0x400, $0x38;
	[tilespmem:$0x8D80] =	vst v63  }
0x232: {  	[dreg:$0x18] =	wrdreg s24;
	s24 =	simm.s32 $0x8;
	s8 =	sadd.s32 $0xF4280, s8  }
0x233: {  	[tilespmem:s17], [sflag:$0x7] =	stream.linear.gather [hbm4b:s8+s5], $0x400, $0x38;
	[tilespmem:$0x8D80] =	vst v63  }
0x234: {  	_ =	swait.ge [sflag:s24], $0x1000  }
0x235: {  	(v2sf) =	vpush v35, $0xF;
	_ =	sdelay $0xb  }
0x236: {  	v36 =	vbroadcast v36, $0x7  }
0x237: {  	v56 =	vbroadcast v44, $0x7  }
0x238: {  	v36 =	vor.u32 v16, v36  }
0x239: {  	v35 =	vor.u32 v15, v56;
	s8 =	spop (v2sf)  }
0x23a: {  	(v2sf) =	vpush v34, $0xF;
	s17 =	sshra.s32 s8, $0x1F  }
0x23b: {  	[sflag:s24] =	ssyncset.done $0x0;
	s13 =	sshrl.u32 s17, $0x19  }
0x23c: {  	[sflag:s24] =	ssyncadd.s32 $0xFFFFF000;
	s13 =	sadd.s32 s13, s8  }
0x23d: {  	v58 =	vld.idx.msk [tilespmem:v36+s31+$0x0], $0xffff;
	s24 =	sand.u32 $0xFFFFFF80, s13  }
0x23e: {  	v57 =	vld.idx.msk [tilespmem:v35+s31+$0x0], $0xffff;
	p1 =	slt.s32 s8, $0x1;
	p2 =	sne.s32 s8, s24  }
0x23f: {  	p0 =	por !p1, !p2  }
0x240: {  	s12 =	simm.s32 $0x1;
	p0 =	por !p0, !p0  }
0x241: {  	s13 =	sshrl.u32 s13, $0x7;
	s12 =	simm.s32 @!p0 $0x0  }
0x242: {  	s12 =	ssub.s32 s13, s12  }
0x243: {  	v34 =	vmul.f32 v58, v57;
	s12 =	sshll.u32 s12, $0x7  }
0x244: {  	s12 =	sand.u32 $0x1FFFFF80, s12  }
0x245: {  	[tilespmem:$0x8470] =	vst v34;
	s17 =	simm.s32 $0x3C00;
	s12 =	sadd.s32 s10, s12  }
0x246: {  	[tilespmem:s17], [sflag:$0x8] =	stream.linear.gather [hbm4b:s12+s5], $0x400, $0x38;
	[tilespmem:$0x8D80] =	vst v63  }
0x247: {  	[dreg:$0x12] =	wrdreg s24;
	s24 =	simm.s32 $0x7C00;
	s12 =	sadd.s32 $0xF4280, s12  }
0x248: {  	[tilespmem:s24], [sflag:$0x8] =	stream.linear.gather [hbm4b:s12+s5], $0x400, $0x38;
	[tilespmem:$0x8D80] =	vst v63  }
0x249: {  	s13 =	spop (v2sf)  }
0x24a: {  	s17 =	sshra.s32 s13, $0x1F  }
0x24b: {  	s12 =	sshrl.u32 s17, $0x19  }
0x24c: {  	s12 =	sadd.s32 s12, s13  }
0x24d: {  	s24 =	sand.u32 $0xFFFFFF80, s12  }
0x24e: {  	p3 =	slt.s32 s13, $0x1;
	p4 =	sne.s32 s13, s24  }
0x24f: {  	p0 =	por !p3, !p4  }
0x250: {  	s17 =	simm.s32 $0x1;
	p0 =	por !p0, !p0  }
0x251: {  	s12 =	sshrl.u32 s12, $0x7;
	s17 =	simm.s32 @!p0 $0x0  }
0x252: {  	s12 =	ssub.s32 s12, s17  }
0x253: {  	s12 =	sshll.u32 s12, $0x7  }
0x254: {  	s12 =	sand.u32 $0x1FFFFF80, s12  }
0x255: {  	[dreg:$0x16] =	wrdreg s24;
	s24 =	simm.s32 $0x4000;
	s12 =	sadd.s32 s11, s12  }
0x256: {  	[tilespmem:s24], [sflag:$0x8] =	stream.linear.gather [hbm4b:s12+s5], $0x400, $0x38;
	[tilespmem:$0x8D80] =	vst v63  }
0x257: {  	s17 =	simm.s32 $0x1;
	s24 =	simm.s32 $0x8000;
	s12 =	sadd.s32 $0xF4280, s12  }
0x258: {  	[tilespmem:s24], [sflag:$0x8] =	stream.linear.gather [hbm4b:s12+s5], $0x400, $0x38;
	[tilespmem:$0x8D80] =	vst v63  }
0x259: {  	_ =	swait.ge [sflag:s17], $0x1000  }
0x25a: {  	(v2sf) =	vpush v33, $0x0;
	_ =	sdelay $0x5  }
0x25b: {  	s3 =	ssub.s32 s29, s3  }
0x25c: {  	v59 =	vmov s3  }
0x25d: {  	v34 =	vand.u32 $0x7F, v59  }
0x25e: {  	v34 =	vbroadcast v34, $0x0;
	_ =	sdelay $0x1  }
0x25f: {  	v34 =	vor.u32 v1, v34;
	s12 =	sand.u32 $0x7F, s30  }
0x260: {  	v60 =	vor.u32 s12, v0  }
0x261: {  	(v2sf) =	vpush v32, $0x0  }
0x262: {  	[sflag:s17] =	ssyncset.done $0x0  }
0x263: {  	[sflag:s17] =	ssyncadd.s32 $0xFFFFF000;
	s3 =	spop (v2sf)  }
0x264: {  	v34 =	vld.idx.msk [tilespmem:v34+s31+$0x0], $0xffff;
	s24 =	sand.u32 $0x7F, s3  }
0x265: {  	v35 =	vld.idx.msk [tilespmem:v60+s31+$0x0], $0xffff;
	p6 =	slt.s32 s3, $0x1;
	p5 =	sne.s32 s24, $0x0;
	s24 =	sshra.s32 s3, $0x1F  }
0x266: {  	s12 =	sshrl.u32 s24, $0x19;
	p0 =	por !p6, !p5  }
0x267: {  	s3 =	sadd.s32 s12, s3;
	p0 =	por !p0, !p0;
	s12 =	simm.s32 $0x1  }
0x268: {  	s3 =	sshrl.u32 s3, $0x7;
	s12 =	simm.s32 @!p0 $0x0  }
0x269: {  	s3 =	ssub.s32 s3, s12  }
0x26a: {  	v34 =	vmul.f32 v34, v35;
	s3 =	sshll.u32 s3, $0x7  }
0x26b: {  	s3 =	sand.u32 $0x1FFFFF80, s3  }
0x26c: {  	[tilespmem:$0x8480] =	vst v34;
	s3 =	sadd.s32 s10, s3  }
0x26d: {  	[tilespmem:s31], [sflag:$0x1] =	stream.linear.gather [hbm4b:s3+s5], $0x400, $0x38;
	[tilespmem:$0x8D80] =	vst v63  }
0x26e: {  	s29 =	simm.s32 $0x4400;
	s3 =	sadd.s32 $0xF4280, s3  }
0x26f: {  	[tilespmem:s29], [sflag:$0x1] =	stream.linear.gather [hbm4b:s3+s5], $0x400, $0x38;
	[tilespmem:$0x8D80] =	vst v63  }
0x270: {  	s3 =	spop (v2sf)  }
0x271: {  	s24 =	sand.u32 $0x7F, s3  }
0x272: {  	p2 =	slt.s32 s3, $0x1;
	p1 =	sne.s32 s24, $0x0;
	s24 =	sshra.s32 s3, $0x1F  }
0x273: {  	s12 =	sshrl.u32 s24, $0x19;
	p0 =	por !p2, !p1  }
0x274: {  	s3 =	sadd.s32 s12, s3;
	p0 =	por !p0, !p0;
	s12 =	simm.s32 $0x1  }
0x275: {  	s3 =	sshrl.u32 s3, $0x7;
	s12 =	simm.s32 @!p0 $0x0  }
0x276: {  	s3 =	ssub.s32 s3, s12  }
0x277: {  	s3 =	sshll.u32 s3, $0x7  }
0x278: {  	s3 =	sand.u32 $0x1FFFFF80, s3  }
0x279: {  	s24 =	simm.s32 $0x800;
	s3 =	sadd.s32 s11, s3  }
0x27a: {  	[tilespmem:s24], [sflag:$0x1] =	stream.linear.gather [hbm4b:s3+s5], $0x400, $0x38;
	[tilespmem:$0x8D80] =	vst v63  }
0x27b: {  	s12 =	simm.s32 $0x2;
	s3 =	sadd.s32 $0xF4280, s3;
	s24 =	simm.s32 $0x4800  }
0x27c: {  	[tilespmem:s24], [sflag:$0x1] =	stream.linear.gather [hbm4b:s3+s5], $0x400, $0x38;
	[tilespmem:$0x8D80] =	vst v63  }
0x27d: {  	_ =	swait.ge [sflag:s12], $0x1000  }
0x27e: {  	(v2sf) =	vpush v33, $0x1;
	_ =	sdelay $0x5  }
0x27f: {  	s0 =	ssub.s32 s0, s21;
	s3 =	rddreg [dreg:$0x1b]  }
0x280: {  	v62 =	vmov s0;
	s3 =	ssub.s32 s19, s3  }
0x281: {  	v35 =	vand.u32 $0x7F, v62;
	v61 =	vmov s3  }
0x282: {  	v35 =	vbroadcast v35, $0x0;
	(v2sf) =	vpush v32, $0x1;
	v34 =	vand.u32 $0x7F, v61  }
0x283: {  	v34 =	vbroadcast v34, $0x0  }
0x284: {  	v35 =	vor.u32 v3, v35  }
0x285: {  	v34 =	vor.u32 v2, v34  }
0x286: {  	s19 =	simm.s32 $0x2  }
0x287: {  	[sflag:s19] =	ssyncset.done $0x0  }
0x288: {  	[sflag:s19] =	ssyncadd.s32 $0xFFFFF000;
	s24 =	spop (v2sf)  }
0x289: {  	v35 =	vld.idx.msk [tilespmem:v35+s31+$0x0], $0xffff;
	s12 =	sand.u32 $0x7F, s24  }
0x28a: {  	v34 =	vld.idx.msk [tilespmem:v34+s31+$0x0], $0xffff;
	s21 =	sshra.s32 s24, $0x1F;
	p4 =	slt.s32 s24, $0x1;
	p3 =	sne.s32 s12, $0x0  }
0x28b: {  	s3 =	sshrl.u32 s21, $0x19;
	p0 =	por !p4, !p3  }
0x28c: {  	s0 =	sadd.s32 s3, s24;
	s3 =	simm.s32 $0x1;
	p0 =	por !p0, !p0  }
0x28d: {  	s0 =	sshrl.u32 s0, $0x7;
	s3 =	simm.s32 @!p0 $0x0  }
0x28e: {  	s0 =	ssub.s32 s0, s3  }
0x28f: {  	v34 =	vmul.f32 v35, v34;
	s0 =	sshll.u32 s0, $0x7  }
0x290: {  	s0 =	sand.u32 $0x1FFFFF80, s0  }
0x291: {  	s21 =	spop (v2sf);
	[tilespmem:$0x8490] =	vst v34;
	s24 =	simm.s32 $0xC00;
	s0 =	sadd.s32 s10, s0  }
0x292: {  	[tilespmem:s24], [sflag:$0x2] =	stream.linear.gather [hbm4b:s0+s5], $0x400, $0x38;
	[tilespmem:$0x8D80] =	vst v63  }
0x293: {  	s12 =	simm.s32 $0x4C00;
	s0 =	sadd.s32 $0xF4280, s0;
	s24 =	sand.u32 $0x7F, s21  }
0x294: {  	[tilespmem:s12], [sflag:$0x2] =	stream.linear.gather [hbm4b:s0+s5], $0x400, $0x38;
	[tilespmem:$0x8D80] =	vst v63  }
0x295: {  	p6 =	slt.s32 s21, $0x1;
	p5 =	sne.s32 s24, $0x0;
	s12 =	sshra.s32 s21, $0x1F  }
0x296: {  	p0 =	por !p6, !p5;
	s3 =	sshrl.u32 s12, $0x19  }
0x297: {  	p0 =	por !p0, !p0;
	s0 =	sadd.s32 s3, s21;
	s3 =	simm.s32 $0x1  }
0x298: {  	s0 =	sshrl.u32 s0, $0x7;
	s3 =	simm.s32 @!p0 $0x0  }
0x299: {  	s0 =	ssub.s32 s0, s3  }
0x29a: {  	s0 =	sshll.u32 s0, $0x7  }
0x29b: {  	s0 =	sand.u32 $0x1FFFFF80, s0  }
0x29c: {  	s21 =	simm.s32 $0x1000;
	s0 =	sadd.s32 s11, s0  }
0x29d: {  	[tilespmem:s21], [sflag:$0x2] =	stream.linear.gather [hbm4b:s0+s5], $0x400, $0x38;
	[tilespmem:$0x8D80] =	vst v63  }
0x29e: {  	s24 =	simm.s32 $0x5000;
	s3 =	simm.s32 $0x3;
	s0 =	sadd.s32 $0xF4280, s0  }
0x29f: {  	[tilespmem:s24], [sflag:$0x2] =	stream.linear.gather [hbm4b:s0+s5], $0x400, $0x38;
	[tilespmem:$0x8D80] =	vst v63  }
0x2a0: {  	_ =	swait.ge [sflag:s3], $0x1000  }
0x2a1: {  	(v2sf) =	vpush v33, $0x2;
	_ =	sdelay $0x4  }
0x2a2: {  	s0 =	rddreg [dreg:$0x19]  }
0x2a3: {  	s12 =	rddreg [dreg:$0x1e];
	s0 =	ssub.s32 s14, s0  }
0x2a4: {  	s3 =	ssub.s32 s26, s12;
	v63 =	vmov s0  }
0x2a5: {  	v36 =	vmov s3;
	v34 =	vand.u32 $0x7F, v63  }
0x2a6: {  	v35 =	vand.u32 $0x7F, v36;
	v34 =	vbroadcast v34, $0x0  }
0x2a7: {  	v35 =	vbroadcast v35, $0x0  }
0x2a8: {  	v34 =	vor.u32 v4, v34  }
0x2a9: {  	v35 =	vor.u32 v5, v35  }
0x2aa: {  	s14 =	simm.s32 $0x3;
	(v2sf) =	vpush v32, $0x2  }
0x2ab: {  	[sflag:s14] =	ssyncset.done $0x0  }
0x2ac: {  	[sflag:s14] =	ssyncadd.s32 $0xFFFFF000;
	s0 =	spop (v2sf)  }
0x2ad: {  	v34 =	vld.idx.msk [tilespmem:v34+s31+$0x0], $0xffff;
	s24 =	sand.u32 $0x7F, s0  }
0x2ae: {  	v35 =	vld.idx.msk [tilespmem:v35+s31+$0x0], $0xffff;
	p2 =	slt.s32 s0, $0x1;
	p1 =	sne.s32 s24, $0x0;
	s24 =	sshra.s32 s0, $0x1F  }
0x2af: {  	s3 =	sshrl.u32 s24, $0x19;
	p0 =	por !p2, !p1  }
0x2b0: {  	s0 =	sadd.s32 s3, s0;
	p0 =	por !p0, !p0;
	s3 =	simm.s32 $0x1  }
0x2b1: {  	s0 =	sshrl.u32 s0, $0x7;
	s3 =	simm.s32 @!p0 $0x0  }
0x2b2: {  	s0 =	ssub.s32 s0, s3  }
0x2b3: {  	v34 =	vmul.f32 v35, v34;
	s0 =	sshll.u32 s0, $0x7  }
0x2b4: {  	s0 =	sand.u32 $0x1FFFFF80, s0  }
0x2b5: {  	s26 =	simm.s32 $0x1400;
	[tilespmem:$0x84A0] =	vst v34;
	s0 =	sadd.s32 s10, s0  }
0x2b6: {  	[tilespmem:s26], [sflag:$0x3] =	stream.linear.gather [hbm4b:s0+s5], $0x400, $0x38;
	[tilespmem:$0x8D80] =	vst v63  }
0x2b7: {  	s12 =	simm.s32 $0x5400;
	s0 =	sadd.s32 $0xF4280, s0  }
0x2b8: {  	[tilespmem:s12], [sflag:$0x3] =	stream.linear.gather [hbm4b:s0+s5], $0x400, $0x38;
	[tilespmem:$0x8D80] =	vst v63  }
0x2b9: {  	s0 =	spop (v2sf)  }
0x2ba: {  	s12 =	sand.u32 $0x7F, s0  }
0x2bb: {  	s24 =	sshra.s32 s0, $0x1F;
	p4 =	slt.s32 s0, $0x1;
	p3 =	sne.s32 s12, $0x0  }
0x2bc: {  	s3 =	sshrl.u32 s24, $0x19;
	p0 =	por !p4, !p3  }
0x2bd: {  	s0 =	sadd.s32 s3, s0;
	s3 =	simm.s32 $0x1;
	p0 =	por !p0, !p0  }
0x2be: {  	s0 =	sshrl.u32 s0, $0x7;
	s3 =	simm.s32 @!p0 $0x0  }
0x2bf: {  	s0 =	ssub.s32 s0, s3  }
0x2c0: {  	s0 =	sshll.u32 s0, $0x7  }
0x2c1: {  	s0 =	sand.u32 $0x1FFFFF80, s0  }
0x2c2: {  	s12 =	simm.s32 $0x1800;
	s0 =	sadd.s32 s11, s0  }
0x2c3: {  	[tilespmem:s12], [sflag:$0x3] =	stream.linear.gather [hbm4b:s0+s5], $0x400, $0x38;
	[tilespmem:$0x8D80] =	vst v63  }
0x2c4: {  	s24 =	simm.s32 $0x5800;
	s3 =	simm.s32 $0x4;
	s0 =	sadd.s32 $0xF4280, s0  }
0x2c5: {  	[tilespmem:s24], [sflag:$0x3] =	stream.linear.gather [hbm4b:s0+s5], $0x400, $0x38;
	[tilespmem:$0x8D80] =	vst v63  }
0x2c6: {  	_ =	swait.ge [sflag:s3], $0x1000  }
0x2c7: {  	(v2sf) =	vpush v33, $0x3;
	_ =	sdelay $0x4  }
0x2c8: {  	s0 =	rddreg [dreg:$0x17]  }
0x2c9: {  	s12 =	rddreg [dreg:$0x1d];
	s0 =	ssub.s32 s15, s0  }
0x2ca: {  	s1 =	ssub.s32 s1, s12;
	v37 =	vmov s0  }
0x2cb: {  	v38 =	vmov s1;
	v34 =	vand.u32 $0x7F, v37  }
0x2cc: {  	v35 =	vand.u32 $0x7F, v38;
	v34 =	vbroadcast v34, $0x0  }
0x2cd: {  	v35 =	vbroadcast v35, $0x0  }
0x2ce: {  	v34 =	vor.u32 v6, v34  }
0x2cf: {  	v35 =	vor.u32 v7, v35  }
0x2d0: {  	s15 =	simm.s32 $0x4;
	(v2sf) =	vpush v32, $0x3  }
0x2d1: {  	[sflag:s15] =	ssyncset.done $0x0  }
0x2d2: {  	[sflag:s15] =	ssyncadd.s32 $0xFFFFF000;
	s0 =	spop (v2sf)  }
0x2d3: {  	v34 =	vld.idx.msk [tilespmem:v34+s31+$0x0], $0xffff;
	s24 =	sand.u32 $0x7F, s0  }
0x2d4: {  	v35 =	vld.idx.msk [tilespmem:v35+s31+$0x0], $0xffff;
	s3 =	sshra.s32 s0, $0x1F;
	p6 =	slt.s32 s0, $0x1;
	p5 =	sne.s32 s24, $0x0  }
0x2d5: {  	s1 =	sshrl.u32 s3, $0x19;
	p0 =	por !p6, !p5  }
0x2d6: {  	s0 =	sadd.s32 s1, s0;
	s1 =	simm.s32 $0x1;
	p0 =	por !p0, !p0  }
0x2d7: {  	s0 =	sshrl.u32 s0, $0x7;
	s1 =	simm.s32 @!p0 $0x0  }
0x2d8: {  	s0 =	ssub.s32 s0, s1  }
0x2d9: {  	v34 =	vmul.f32 v35, v34;
	s0 =	sshll.u32 s0, $0x7  }
0x2da: {  	s0 =	sand.u32 $0x1FFFFF80, s0  }
0x2db: {  	s12 =	simm.s32 $0x1C00;
	[tilespmem:$0x84B0] =	vst v34;
	s0 =	sadd.s32 s10, s0  }
0x2dc: {  	[tilespmem:s12], [sflag:$0x4] =	stream.linear.gather [hbm4b:s0+s5], $0x400, $0x38;
	[tilespmem:$0x8D80] =	vst v63  }
0x2dd: {  	s24 =	simm.s32 $0x5C00;
	s0 =	sadd.s32 $0xF4280, s0  }
0x2de: {  	[tilespmem:s24], [sflag:$0x4] =	stream.linear.gather [hbm4b:s0+s5], $0x400, $0x38;
	[tilespmem:$0x8D80] =	vst v63  }
0x2df: {  	s0 =	spop (v2sf)  }
0x2e0: {  	s3 =	sand.u32 $0x7F, s0  }
0x2e1: {  	s24 =	sshra.s32 s0, $0x1F;
	p2 =	slt.s32 s0, $0x1;
	p1 =	sne.s32 s3, $0x0  }
0x2e2: {  	s1 =	sshrl.u32 s24, $0x19;
	p0 =	por !p2, !p1  }
0x2e3: {  	s0 =	sadd.s32 s1, s0;
	s1 =	simm.s32 $0x1;
	p0 =	por !p0, !p0  }
0x2e4: {  	s0 =	sshrl.u32 s0, $0x7;
	s1 =	simm.s32 @!p0 $0x0  }
0x2e5: {  	s0 =	ssub.s32 s0, s1  }
0x2e6: {  	s0 =	sshll.u32 s0, $0x7  }
0x2e7: {  	s0 =	sand.u32 $0x1FFFFF80, s0  }
0x2e8: {  	s3 =	simm.s32 $0x2000;
	s0 =	sadd.s32 s11, s0  }
0x2e9: {  	[tilespmem:s3], [sflag:$0x4] =	stream.linear.gather [hbm4b:s0+s5], $0x400, $0x38;
	[tilespmem:$0x8D80] =	vst v63  }
0x2ea: {  	s24 =	simm.s32 $0x6000;
	s0 =	sadd.s32 $0xF4280, s0  }
0x2eb: {  	[tilespmem:s24], [sflag:$0x4] =	stream.linear.gather [hbm4b:s0+s5], $0x400, $0x38;
	[tilespmem:$0x8D80] =	vst v63  }
0x2ec: {  	_ =	swait.ge [sflag:s6], $0x1000  }
0x2ed: {  	(v2sf) =	vpush v33, $0x4;
	_ =	sdelay $0x4  }
0x2ee: {  	s1 =	rddreg [dreg:$0x15]  }
0x2ef: {  	s3 =	rddreg [dreg:$0x1c];
	s0 =	ssub.s32 s2, s1  }
0x2f0: {  	s1 =	ssub.s32 s23, s3;
	(v2sf) =	vpush v32, $0x4;
	v39 =	vmov s0  }
0x2f1: {  	v40 =	vmov s1;
	v34 =	vand.u32 $0x7F, v39  }
0x2f2: {  	v35 =	vand.u32 $0x7F, v40;
	v34 =	vbroadcast v34, $0x0  }
0x2f3: {  	v35 =	vbroadcast v35, $0x0  }
0x2f4: {  	v34 =	vor.u32 v8, v34  }
0x2f5: {  	v35 =	vor.u32 v9, v35;
	_ =	sdelay $0x1  }
0x2f6: {  	[sflag:s6] =	ssyncset.done $0x0  }
0x2f7: {  	[sflag:s6] =	ssyncadd.s32 $0xFFFFF000;
	s6 =	spop (v2sf)  }
0x2f8: {  	v34 =	vld.idx.msk [tilespmem:v34+s31+$0x0], $0xffff;
	s2 =	sand.u32 $0x7F, s6  }
0x2f9: {  	v35 =	vld.idx.msk [tilespmem:v35+s31+$0x0], $0xffff;
	s3 =	sshra.s32 s6, $0x1F;
	p4 =	slt.s32 s6, $0x1;
	p3 =	sne.s32 s2, $0x0  }
0x2fa: {  	s1 =	sshrl.u32 s3, $0x19;
	p0 =	por !p4, !p3  }
0x2fb: {  	s0 =	sadd.s32 s1, s6;
	s1 =	simm.s32 $0x1;
	p0 =	por !p0, !p0  }
0x2fc: {  	s0 =	sshrl.u32 s0, $0x7;
	s1 =	simm.s32 @!p0 $0x0  }
0x2fd: {  	s24 =	simm.s32 $0x2400;
	s0 =	ssub.s32 s0, s1  }
0x2fe: {  	s23 =	simm.s32 $0x6400;
	v34 =	vmul.f32 v35, v34;
	s6 =	spop (v2sf);
	s0 =	sshll.u32 s0, $0x7  }
0x2ff: {  	s2 =	sand.u32 $0x7F, s6;
	s3 =	sshra.s32 s6, $0x1F;
	s0 =	sand.u32 $0x1FFFFF80, s0  }
0x300: {  	[tilespmem:$0x84C0] =	vst v34;
	p6 =	slt.s32 s6, $0x1;
	p5 =	sne.s32 s2, $0x0;
	s0 =	sadd.s32 s10, s0  }
0x301: {  	[tilespmem:s24], [sflag:$0x5] =	stream.linear.gather [hbm4b:s0+s5], $0x400, $0x38;
	[tilespmem:$0x8D80] =	vst v63  }
0x302: {  	s1 =	sshrl.u32 s3, $0x19;
	p0 =	por !p6, !p5;
	s0 =	sadd.s32 $0xF4280, s0  }
0x303: {  	[tilespmem:s23], [sflag:$0x5] =	stream.linear.gather [hbm4b:s0+s5], $0x400, $0x38;
	[tilespmem:$0x8D80] =	vst v63  }
0x304: {  	p0 =	por !p0, !p0;
	s0 =	sadd.s32 s1, s6;
	s1 =	simm.s32 $0x1  }
0x305: {  	s0 =	sshrl.u32 s0, $0x7;
	s1 =	simm.s32 @!p0 $0x0  }
0x306: {  	s0 =	ssub.s32 s0, s1  }
0x307: {  	s0 =	sshll.u32 s0, $0x7  }
0x308: {  	s0 =	sand.u32 $0x1FFFFF80, s0  }
0x309: {  	s6 =	simm.s32 $0x2800;
	s0 =	sadd.s32 s11, s0  }
0x30a: {  	[tilespmem:s6], [sflag:$0x5] =	stream.linear.gather [hbm4b:s0+s5], $0x400, $0x38;
	[tilespmem:$0x8D80] =	vst v63  }
0x30b: {  	s2 =	simm.s32 $0x6800;
	s0 =	sadd.s32 $0xF4280, s0  }
0x30c: {  	[tilespmem:s2], [sflag:$0x5] =	stream.linear.gather [hbm4b:s0+s5], $0x400, $0x38;
	[tilespmem:$0x8D80] =	vst v63  }
0x30d: {  	_ =	swait.ge [sflag:s25], $0x1000  }
0x30e: {  	(v2sf) =	vpush v33, $0x5;
	_ =	sdelay $0x4  }
0x30f: {  	s3 =	rddreg [dreg:$0x14]  }
0x310: {  	s6 =	rddreg [dreg:$0x1a];
	s0 =	ssub.s32 s4, s3  }
0x311: {  	s1 =	ssub.s32 s20, s6;
	(v2sf) =	vpush v32, $0x5;
	v41 =	vmov s0  }
0x312: {  	v42 =	vmov s1;
	v34 =	vand.u32 $0x7F, v41  }
0x313: {  	v35 =	vand.u32 $0x7F, v42;
	v34 =	vbroadcast v34, $0x0  }
0x314: {  	v35 =	vbroadcast v35, $0x0  }
0x315: {  	v34 =	vor.u32 v10, v34  }
0x316: {  	v35 =	vor.u32 v11, v35;
	_ =	sdelay $0x1  }
0x317: {  	[sflag:s25] =	ssyncset.done $0x0  }
0x318: {  	[sflag:s25] =	ssyncadd.s32 $0xFFFFF000;
	s2 =	spop (v2sf)  }
0x319: {  	v34 =	vld.idx.msk [tilespmem:v34+s31+$0x0], $0xffff;
	s3 =	sand.u32 $0x7F, s2  }
0x31a: {  	v35 =	vld.idx.msk [tilespmem:v35+s31+$0x0], $0xffff;
	s4 =	sshra.s32 s2, $0x1F;
	p2 =	slt.s32 s2, $0x1;
	p1 =	sne.s32 s3, $0x0  }
0x31b: {  	s1 =	sshrl.u32 s4, $0x19;
	p0 =	por !p2, !p1  }
0x31c: {  	s0 =	sadd.s32 s1, s2;
	s1 =	simm.s32 $0x1;
	p0 =	por !p0, !p0  }
0x31d: {  	s0 =	sshrl.u32 s0, $0x7;
	s1 =	simm.s32 @!p0 $0x0  }
0x31e: {  	s20 =	simm.s32 $0x6C00;
	s0 =	ssub.s32 s0, s1  }
0x31f: {  	s6 =	simm.s32 $0x2C00;
	v34 =	vmul.f32 v35, v34;
	s2 =	spop (v2sf);
	s0 =	sshll.u32 s0, $0x7  }
0x320: {  	s3 =	sand.u32 $0x7F, s2;
	s4 =	sshra.s32 s2, $0x1F;
	s0 =	sand.u32 $0x1FFFFF80, s0  }
0x321: {  	[tilespmem:$0x84D0] =	vst v34;
	p4 =	slt.s32 s2, $0x1;
	p3 =	sne.s32 s3, $0x0;
	s0 =	sadd.s32 s10, s0  }
0x322: {  	[tilespmem:s6], [sflag:$0x6] =	stream.linear.gather [hbm4b:s0+s5], $0x400, $0x38;
	[tilespmem:$0x8D80] =	vst v63  }
0x323: {  	s1 =	sshrl.u32 s4, $0x19;
	p0 =	por !p4, !p3;
	s0 =	sadd.s32 $0xF4280, s0  }
0x324: {  	[tilespmem:s20], [sflag:$0x6] =	stream.linear.gather [hbm4b:s0+s5], $0x400, $0x38;
	[tilespmem:$0x8D80] =	vst v63  }
0x325: {  	p0 =	por !p0, !p0;
	s0 =	sadd.s32 s1, s2;
	s1 =	simm.s32 $0x1  }
0x326: {  	s0 =	sshrl.u32 s0, $0x7;
	s1 =	simm.s32 @!p0 $0x0  }
0x327: {  	s0 =	ssub.s32 s0, s1  }
0x328: {  	s0 =	sshll.u32 s0, $0x7  }
0x329: {  	s0 =	sand.u32 $0x1FFFFF80, s0  }
0x32a: {  	s30 =	simm.s32 $0x3000;
	s0 =	sadd.s32 s11, s0  }
0x32b: {  	[tilespmem:s30], [sflag:$0x6] =	stream.linear.gather [hbm4b:s0+s5], $0x400, $0x38;
	[tilespmem:$0x8D80] =	vst v63  }
0x32c: {  	s21 =	simm.s32 $0x7000;
	s0 =	sadd.s32 $0xF4280, s0  }
0x32d: {  	[tilespmem:s21], [sflag:$0x6] =	stream.linear.gather [hbm4b:s0+s5], $0x400, $0x38;
	[tilespmem:$0x8D80] =	vst v63  }
0x32e: {  	s21 =	simm.s32 $0x7  }
0x32f: {  	_ =	swait.ge [sflag:s21], $0x1000  }
0x330: {  	(v2sf) =	vpush v33, $0x6;
	_ =	sdelay $0x4  }
0x331: {  	s6 =	rddreg [dreg:$0x13]  }
0x332: {  	s1 =	rddreg [dreg:$0x18];
	s0 =	ssub.s32 s9, s6  }
0x333: {  	s1 =	ssub.s32 s16, s1;
	v43 =	vmov s0  }
0x334: {  	v44 =	vmov s1;
	v34 =	vand.u32 $0x7F, v43  }
0x335: {  	v35 =	vand.u32 $0x7F, v44;
	v34 =	vbroadcast v34, $0x0  }
0x336: {  	v35 =	vbroadcast v35, $0x0  }
0x337: {  	v34 =	vor.u32 v12, v34  }
0x338: {  	v35 =	vor.u32 v14, v35  }
0x339: {  	(v2sf) =	vpush v32, $0x6  }
0x33a: {  	[sflag:s21] =	ssyncset.done $0x0  }
0x33b: {  	[sflag:s21] =	ssyncadd.s32 $0xFFFFF000;
	s0 =	spop (v2sf)  }
0x33c: {  	v34 =	vld.idx.msk [tilespmem:v34+s31+$0x0], $0xffff;
	s21 =	sand.u32 $0x7F, s0  }
0x33d: {  	v35 =	vld.idx.msk [tilespmem:v35+s31+$0x0], $0xffff;
	p6 =	slt.s32 s0, $0x1;
	p5 =	sne.s32 s21, $0x0;
	s21 =	sshra.s32 s0, $0x1F  }
0x33e: {  	s1 =	sshrl.u32 s21, $0x19;
	p0 =	por !p6, !p5  }
0x33f: {  	s0 =	sadd.s32 s1, s0;
	p0 =	por !p0, !p0;
	s1 =	simm.s32 $0x1  }
0x340: {  	s0 =	sshrl.u32 s0, $0x7;
	s1 =	simm.s32 @!p0 $0x0  }
0x341: {  	s0 =	ssub.s32 s0, s1  }
0x342: {  	v34 =	vmul.f32 v35, v34;
	s0 =	sshll.u32 s0, $0x7  }
0x343: {  	s0 =	sand.u32 $0x1FFFFF80, s0  }
0x344: {  	s16 =	simm.s32 $0x3400;
	[tilespmem:$0x84E0] =	vst v34;
	s0 =	sadd.s32 s10, s0  }
0x345: {  	[tilespmem:s16], [sflag:$0x7] =	stream.linear.gather [hbm4b:s0+s5], $0x400, $0x38;
	[tilespmem:$0x8D80] =	vst v63  }
0x346: {  	s2 =	simm.s32 $0x7400;
	s0 =	sadd.s32 $0xF4280, s0  }
0x347: {  	[tilespmem:s2], [sflag:$0x7] =	stream.linear.gather [hbm4b:s0+s5], $0x400, $0x38;
	[tilespmem:$0x8D80] =	vst v63  }
0x348: {  	s0 =	spop (v2sf)  }
0x349: {  	s21 =	sand.u32 $0x7F, s0  }
0x34a: {  	s2 =	sshra.s32 s0, $0x1F;
	p2 =	slt.s32 s0, $0x1;
	p1 =	sne.s32 s21, $0x0  }
0x34b: {  	s1 =	sshrl.u32 s2, $0x19;
	p0 =	por !p2, !p1  }
0x34c: {  	s0 =	sadd.s32 s1, s0;
	s1 =	simm.s32 $0x1;
	p0 =	por !p0, !p0  }
0x34d: {  	s0 =	sshrl.u32 s0, $0x7;
	s1 =	simm.s32 @!p0 $0x0  }
0x34e: {  	s0 =	ssub.s32 s0, s1  }
0x34f: {  	s0 =	sshll.u32 s0, $0x7  }
0x350: {  	s0 =	sand.u32 $0x1FFFFF80, s0  }
0x351: {  	s3 =	simm.s32 $0x3800;
	s0 =	sadd.s32 s11, s0  }
0x352: {  	[tilespmem:s3], [sflag:$0x7] =	stream.linear.gather [hbm4b:s0+s5], $0x400, $0x38;
	[tilespmem:$0x8D80] =	vst v63  }
0x353: {  	s4 =	simm.s32 $0x7800;
	s0 =	sadd.s32 $0xF4280, s0;
	s3 =	simm.s32 $0x8  }
0x354: {  	[tilespmem:s4], [sflag:$0x7] =	stream.linear.gather [hbm4b:s0+s5], $0x400, $0x38;
	[tilespmem:$0x8D80] =	vst v63  }
0x355: {  	_ =	swait.ge [sflag:s3], $0x1000  }
0x356: {  	(v2sf) =	vpush v33, $0x7;
	_ =	sdelay $0x4  }
0x357: {  	s4 =	rddreg [dreg:$0x12]  }
0x358: {  	s0 =	ssub.s32 s8, s4;
	s8 =	rddreg [dreg:$0x16]  }
0x359: {  	s1 =	ssub.s32 s13, s8;
	v45 =	vmov s0  }
0x35a: {  	v46 =	vmov s1;
	v33 =	vand.u32 $0x7F, v45  }
0x35b: {  	v33 =	vbroadcast v33, $0x0;
	v34 =	vand.u32 $0x7F, v46  }
0x35c: {  	v34 =	vbroadcast v34, $0x0  }
0x35d: {  	(v2sf) =	vpush v32, $0x7;
	v33 =	vor.u32 v15, v33  }
0x35e: {  	v34 =	vor.u32 v16, v34;
	_ =	sdelay $0x1  }
0x35f: {  	[sflag:s3] =	ssyncset.done $0x0;
	s13 =	simm.s32 $0x8  }
0x360: {  	[sflag:s13] =	ssyncadd.s32 $0xFFFFF000;
	s21 =	spop (v2sf)  }
0x361: {  	v47 =	vld.idx.msk [tilespmem:v33+s31+$0x0], $0xffff;
	s2 =	sand.u32 $0x7F, s21  }
0x362: {  	v48 =	vld.idx.msk [tilespmem:v34+s31+$0x0], $0xffff;
	s3 =	sshra.s32 s21, $0x1F;
	p4 =	slt.s32 s21, $0x1;
	p3 =	sne.s32 s2, $0x0  }
0x363: {  	s1 =	sshrl.u32 s3, $0x19;
	p0 =	por !p4, !p3  }
0x364: {  	s0 =	sadd.s32 s1, s21;
	s1 =	simm.s32 $0x1;
	p0 =	por !p0, !p0  }
0x365: {  	s0 =	sshrl.u32 s0, $0x7;
	s1 =	simm.s32 @!p0 $0x0  }
0x366: {  	s0 =	ssub.s32 s0, s1  }
0x367: {  	v32 =	vmul.f32 v48, v47;
	s0 =	sshll.u32 s0, $0x7  }
0x368: {  	s0 =	sand.u32 $0x1FFFFF80, s0  }
0x369: {  	s6 =	simm.s32 $0x3C00;
	[tilespmem:$0x84F0] =	vst v32;
	s0 =	sadd.s32 s10, s0  }
0x36a: {  	[tilespmem:s6], [sflag:$0x8] =	stream.linear.gather [hbm4b:s0+s5], $0x400, $0x38;
	[tilespmem:$0x8D80] =	vst v63  }
0x36b: {  	s6 =	spop (v2sf)  }
0x36c: {  	s9 =	simm.s32 $0x7C00;
	s0 =	sadd.s32 $0xF4280, s0;
	s8 =	sand.u32 $0x7F, s6  }
0x36d: {  	[tilespmem:s9], [sflag:$0x8] =	stream.linear.gather [hbm4b:s0+s5], $0x400, $0x38;
	[tilespmem:$0x8D80] =	vst v63  }
0x36e: {  	p6 =	slt.s32 s6, $0x1;
	p5 =	sne.s32 s8, $0x0;
	s9 =	sshra.s32 s6, $0x1F  }
0x36f: {  	s1 =	sshrl.u32 s9, $0x19;
	p0 =	por !p6, !p5  }
0x370: {  	s0 =	sadd.s32 s1, s6;
	p0 =	por !p0, !p0;
	s1 =	simm.s32 $0x1  }
0x371: {  	s0 =	sshrl.u32 s0, $0x7;
	s1 =	simm.s32 @!p0 $0x0  }
0x372: {  	s0 =	ssub.s32 s0, s1  }
0x373: {  	s0 =	sshll.u32 s0, $0x7  }
0x374: {  	s0 =	sand.u32 $0x1FFFFF80, s0  }
0x375: {  	s4 =	simm.s32 $0x4000;
	s0 =	sadd.s32 s11, s0  }
0x376: {  	[tilespmem:s4], [sflag:$0x8] =	stream.linear.gather [hbm4b:s0+s5], $0x400, $0x38;
	[tilespmem:$0x8D80] =	vst v63  }
0x377: {  	s13 =	simm.s32 $0x8000;
	s0 =	sadd.s32 $0xF4280, s0  }
0x378: {  	[tilespmem:s13], [sflag:$0x8] =	stream.linear.gather [hbm4b:s0+s5], $0x400, $0x38;
	[tilespmem:$0x8D80] =	vst v63  }
0x379: {  	v32 =	vld.idx.msk [tilespmem:v13+s22+$0x0], $0xffff;
	_ =	sdelay $0x1  }
0x37a: {  	v49 =	vld.idx.msk [tilespmem:v17+s22+$0x0], $0xffff;
	_ =	sdelay $0x1  }
0x37b: {  	v50 =	vld.idx.msk [tilespmem:v18+s22+$0x0], $0xffff  }
0x37c: {  	v32 =	vadd.f32 $0.0e+00, v32  }
0x37d: {  	v51 =	vld.idx.msk [tilespmem:v19+s22+$0x0], $0xffff  }
0x37e: {  	v32 =	vadd.f32 v49, v32  }
0x37f: {  	v52 =	vld.idx.msk [tilespmem:v20+s22+$0x0], $0xffff  }
0x380: {  	v32 =	vadd.f32 v50, v32  }
0x381: {  	v53 =	vld.idx.msk [tilespmem:v21+s22+$0x0], $0xffff  }
0x382: {  	v32 =	vadd.f32 v51, v32  }
0x383: {  	v54 =	vld.idx.msk [tilespmem:v22+s22+$0x0], $0xffff  }
0x384: {  	v32 =	vadd.f32 v52, v32  }
0x385: {  	v55 =	vld.idx.msk [tilespmem:v23+s22+$0x0], $0xffff  }
0x386: {  	v32 =	vadd.f32 v53, v32  }
0x387: {  	v56 =	vld.idx.msk [tilespmem:v24+s22+$0x0], $0xffff  }
0x388: {  	v32 =	vadd.f32 v54, v32  }
0x389: {  	v57 =	vld.idx.msk [tilespmem:v25+s22+$0x0], $0xffff  }
0x38a: {  	v32 =	vadd.f32 v55, v32  }
0x38b: {  	v58 =	vld.idx.msk [tilespmem:v26+s22+$0x0], $0xffff  }
0x38c: {  	v32 =	vadd.f32 v56, v32  }
0x38d: {  	v59 =	vld.idx.msk [tilespmem:v27+s22+$0x0], $0xffff  }
0x38e: {  	v32 =	vadd.f32 v57, v32  }
0x38f: {  	v60 =	vld.idx.msk [tilespmem:v28+s22+$0x0], $0xffff  }
0x390: {  	v32 =	vadd.f32 v58, v32  }
0x391: {  	v61 =	vld.idx.msk [tilespmem:v29+s22+$0x0], $0xffff  }
0x392: {  	v32 =	vadd.f32 v59, v32  }
0x393: {  	v62 =	vld.idx.msk [tilespmem:v30+s22+$0x0], $0xffff  }
0x394: {  	v32 =	vadd.f32 v60, v32  }
0x395: {  	v63 =	vld.idx.msk [tilespmem:v31+s22+$0x0], $0xffff  }
0x396: {  	v32 =	vadd.f32 v61, v32  }
0x397: {  	p0 =	sne.s32 s28, $0x200  }
.Ltmp0:
0x398: {  	v32 =	vadd.f32 v62, v32;
	(pc) =	sbr.rel @p0 .LBB2_2-.Ltmp0, $4  }
0x399: {  	_ = 	snop  }
0x39a: {  	v32 =	vadd.f32 v63, v32  }
0x39b: {  	s7 =	sadd.s32 $0x10, s7;
	s21 =	rddreg [dreg:$0x11]  }
0x39c: {  	s28 =	sadd.s32 $0x10, s28;
	s13 =	sadd.s32 $0x10, s21;
	[tilespmem:s18+$0x0] =	vst v32;
	s18 =	sadd.s32 $0x10, s18  }
0x39d: {  	_ =	swait.ge [sflag:s17], $0x1000  }
0x39e: {  	[sflag:s17] =	ssyncset.done $0x0  }
0x39f: {  	[sflag:s17] =	ssyncadd.s32 $0xFFFFF000  }
0x3a0: {  	_ =	swait.ge [sflag:s19], $0x1000  }
0x3a1: {  	[sflag:s19] =	ssyncset.done $0x0  }
0x3a2: {  	[sflag:s19] =	ssyncadd.s32 $0xFFFFF000  }
0x3a3: {  	_ =	swait.ge [sflag:s14], $0x1000  }
0x3a4: {  	[sflag:s14] =	ssyncset.done $0x0  }
0x3a5: {  	[sflag:s14] =	ssyncadd.s32 $0xFFFFF000  }
0x3a6: {  	_ =	swait.ge [sflag:s15], $0x1000  }
0x3a7: {  	[sflag:s15] =	ssyncset.done $0x0  }
0x3a8: {  	s0 =	simm.s32 $0x5;
	[sflag:s15] =	ssyncadd.s32 $0xFFFFF000  }
0x3a9: {  	_ =	swait.ge [sflag:s0], $0x1000  }
0x3aa: {  	[sflag:s0] =	ssyncset.done $0x0  }
0x3ab: {  	s20 =	simm.s32 $0x6;
	[sflag:s0] =	ssyncadd.s32 $0xFFFFF000  }
0x3ac: {  	_ =	swait.ge [sflag:s20], $0x1000  }
0x3ad: {  	[sflag:s20] =	ssyncset.done $0x0  }
0x3ae: {  	s21 =	simm.s32 $0x7;
	[sflag:s20] =	ssyncadd.s32 $0xFFFFF000  }
0x3af: {  	_ =	swait.ge [sflag:s21], $0x1000  }
0x3b0: {  	[sflag:s21] =	ssyncset.done $0x0  }
0x3b1: {  	s22 =	simm.s32 $0x8;
	[sflag:s21] =	ssyncadd.s32 $0xFFFFF000  }
0x3b2: {  	_ =	swait.ge [sflag:s22], $0x1000  }
0x3b3: {  	[sflag:s22] =	ssyncset.done $0x0  }
0x3b4: {  	s28 =	simm.s32 $0x9;
	[sflag:s22] =	ssyncadd.s32 $0xFFFFF000  }
0x3b5: {  	_ =	swait.ge [sflag:s28], $0x80  }
0x3b6: {  	[sflag:s28] =	ssyncset.done $0x0  }
0x3b7: {  	[sflag:s28] =	ssyncadd.s32 $0xFFFFFF80  }
0x3b8: {  	_ =	swait.ge [sflag:s28], $0x80  }
0x3b9: {  	[sflag:s28] =	ssyncset.done $0x0  }
0x3ba: {  	[sflag:s28] =	ssyncadd.s32 $0xFFFFFF80  }
0x3bb: {  	_ =	swait.ge [sflag:s28], $0x80  }
0x3bc: {  	[sflag:s28] =	ssyncset.done $0x0  }
0x3bd: {  	[sflag:s28] =	ssyncadd.s32 $0xFFFFFF80  }
0x3be: {  	_ =	swait.ge [sflag:s28], $0x80  }
0x3bf: {  	[sflag:s28] =	ssyncset.done $0x0  }
0x3c0: {  	[sflag:s28] =	ssyncadd.s32 $0xFFFFFF80  }
0x3c1: {  	_ =	swait.ge [sflag:s28], $0x80  }
0x3c2: {  	[sflag:s28] =	ssyncset.done $0x0  }
0x3c3: {  	[sflag:s28] =	ssyncadd.s32 $0xFFFFFF80  }
0x3c4: {  	_ =	swait.ge [sflag:s28], $0x80  }
0x3c5: {  	[sflag:s28] =	ssyncset.done $0x0  }
0x3c6: {  	[sflag:s28] =	ssyncadd.s32 $0xFFFFFF80  }
0x3c7: {  	_ =	swait.ge [sflag:s28], $0x80  }
0x3c8: {  	[sflag:s28] =	ssyncset.done $0x0  }
0x3c9: {  	[sflag:s28] =	ssyncadd.s32 $0xFFFFFF80  }
0x3ca: {  	_ =	swait.ge [sflag:s28], $0x80  }
0x3cb: {  	[sflag:s28] =	ssyncset.done $0x0  }
0x3cc: {  	s2 =	simm.s32 $0x0;
	[sflag:s28] =	ssyncadd.s32 $0xFFFFFF80  }
0x3cd: {  	v33 =	vld [tilespmem:s2+$0x8500]  }
0x3ce: {  	v34 =	vld [tilespmem:s2+$0x8980];
	_ =	sdelay $0x1  }
0x3cf: {  	v35 =	vld [tilespmem:s2+$0x8700];
	_ =	sdelay $0x1  }
0x3d0: {  	v32 =	vld [tilespmem:$0x8900]  }
0x3d1: {  	v33 =	vadd.f32 v33, v34;
	_ =	sdelay $0x1  }
0x3d2: {  	v33 =	vadd.f32 v35, v33;
	_ =	sdelay $0x1  }
0x3d3: {  	v33 =	vadd.f32 v33, v32  }
0x3d4: {  	s1 =	simm.s32 $0x10  }
0x3d5: {  	v57 =	vld [tilespmem:s1+$0x8500];
	[tilespmem:s2+$0x8980] =	vst v33  }
0x3d6: {  	v33 =	vsub.f32 $0.0e+00, v33;
	v58 =	vld [tilespmem:s1+$0x8980];
	_ =	sdelay $0x1  }
0x3d7: {  	v36 =	vld [tilespmem:s1+$0x8700];
	v33 =	vmul.f32 $1.442695020e+00, v33;
	_ =	sdelay $0x1  }
0x3d8: {  	(erf) = vpow2.f32 v33  }
0x3d9: {  	v34 =	vadd.f32 v57, v58;
	_ =	sdelay $0x1  }
0x3da: {  	v34 =	vadd.f32 v36, v34;
	_ =	sdelay $0x1  }
0x3db: {  	v59 =	vadd.f32 v34, v32  }
0x3dc: {  	s0 =	simm.s32 $0x20  }
0x3dd: {  	v60 =	vld [tilespmem:s0+$0x8500];
	[tilespmem:s1+$0x8980] =	vst v59;
	v33 =	vsub.f32 $0.0e+00, v59  }
0x3de: {  	v61 =	vld [tilespmem:s0+$0x8980]  }
0x3df: {  	v63 =	vpop (erf);
	v33 =	vmul.f32 $1.442695020e+00, v33  }
0x3e0: {  	v62 =	vld [tilespmem:s0+$0x8700];
	v35 =	vadd.f32 $1.000000000e+00, v63  }
0x3e1: {  	(erf) = vpow2.f32 v33  }
0x3e2: {  	(erf) = vrcp.f32 v35  }
0x3e3: {  	v34 =	vadd.f32 v60, v61;
	_ =	sdelay $0x1  }
0x3e4: {  	v34 =	vadd.f32 v62, v34  }
0x3e5: {  	s6 =	simm.s32 $0xC0  }
0x3e6: {  	s4 =	simm.s32 $0x100;
	s3 =	simm.s32 $0x140;
	s7 =	simm.s32 $0x180;
	v33 =	vadd.f32 v34, v32  }
.LBB2_4:
0x3e7: {  	p0 =	sne.s32 s7, $0x7C0;
	s8 =	sshra.s32 s6, $0x2;
	s6 =	smov.u32 s4  }
0x3e8: {  	s4 =	smov.u32 s3;
	s3 =	smov.u32 s7;
	v34 =	vld [tilespmem:s8+$0x8500];
	[tilespmem:s0+$0x8980] =	vst v33;
	v33 =	vsub.f32 $0.0e+00, v33  }
0x3e9: {  	v35 =	vld [tilespmem:s8+$0x8980];
	v36 =	vpop (erf)  }
0x3ea: {  	v33 =	vmul.f32 $1.442695020e+00, v33;
	v36 =	vadd.f32 $1.000000000e+00, v36;
	v37 =	vpop (erf)  }
0x3eb: {  	v38 =	vld [tilespmem:s8+$0x8700];
	[tilespmem:s2+$0x8B80] =	vst v37;
	s2 =	smov.u32 s1;
	s1 =	smov.u32 s0;
	s0 =	smov.u32 s8  }
0x3ec: {  	(erf) = vpow2.f32 v33  }
0x3ed: {  	(erf) = vrcp.f32 v36  }
.Ltmp1:
0x3ee: {  	v33 =	vadd.f32 v34, v35;
	(pc) =	sbr.rel @p0 .LBB2_4-.Ltmp1, $3  }
0x3ef: {  	_ = 	snop  }
0x3f0: {  	v33 =	vadd.f32 v38, v33;
	_ =	sdelay $0x1  }
0x3f1: {  	s7 =	sadd.s32 $0x40, s7;
	v33 =	vadd.f32 v33, v32  }
0x3f2: {  	s6 =	sshra.s32 s6, $0x2  }
0x3f3: {  	v34 =	vld [tilespmem:s6+$0x8500];
	[tilespmem:s0+$0x8980] =	vst v33  }
0x3f4: {  	v35 =	vld [tilespmem:s6+$0x8980];
	_ =	sdelay $0x1  }
0x3f5: {  	v36 =	vld [tilespmem:s6+$0x8700];
	_ =	sdelay $0x2  }
0x3f6: {  	v34 =	vadd.f32 v34, v35;
	_ =	sdelay $0x1  }
0x3f7: {  	v44 =	vsub.f32 $0.0e+00, v33;
	v34 =	vadd.f32 v36, v34  }
0x3f8: {  	v45 =	vpop (erf)  }
0x3f9: {  	v33 =	vmul.f32 $1.442695020e+00, v44;
	v46 =	vpop (erf);
	v34 =	vadd.f32 v34, v32  }
0x3fa: {  	s14 =	sshra.s32 s4, $0x2;
	[tilespmem:s2+$0x8B80] =	vst v46;
	v35 =	vadd.f32 $1.000000000e+00, v45  }
0x3fb: {  	(erf) = vpow2.f32 v33;
	v47 =	vld [tilespmem:s14+$0x8500];
	[tilespmem:s6+$0x8980] =	vst v34  }
0x3fc: {  	(erf) = vrcp.f32 v35;
	v48 =	vld [tilespmem:s14+$0x8980];
	_ =	sdelay $0x1  }
0x3fd: {  	v36 =	vld [tilespmem:s14+$0x8700];
	_ =	sdelay $0x2  }
0x3fe: {  	v33 =	vadd.f32 v47, v48;
	_ =	sdelay $0x1  }
0x3ff: {  	v33 =	vadd.f32 v36, v33  }
0x400: {  	v49 =	vpop (erf)  }
0x401: {  	v50 =	vpop (erf);
	v33 =	vadd.f32 v33, v32  }
0x402: {  	s15 =	sshra.s32 s3, $0x2;
	v34 =	vsub.f32 $0.0e+00, v34;
	[tilespmem:s1+$0x8B80] =	vst v50  }
0x403: {  	v36 =	vld [tilespmem:s15+$0x8500];
	[tilespmem:s14+$0x8980] =	vst v33  }
0x404: {  	v34 =	vmul.f32 $1.442695020e+00, v34;
	v37 =	vld [tilespmem:s15+$0x8980];
	_ =	sdelay $0x1  }
0x405: {  	(erf) = vpow2.f32 v34;
	v51 =	vld [tilespmem:s15+$0x8700];
	_ =	sdelay $0x2  }
0x406: {  	v36 =	vadd.f32 v36, v37;
	_ =	sdelay $0x1  }
0x407: {  	v34 =	vadd.f32 v51, v36;
	_ =	sdelay $0x1  }
0x408: {  	v33 =	vsub.f32 $0.0e+00, v33;
	v52 =	vadd.f32 v34, v32  }
0x409: {  	v53 =	vadd.f32 $1.000000000e+00, v49  }
0x40a: {  	v54 =	vpop (erf);
	v33 =	vmul.f32 $1.442695020e+00, v33;
	v55 =	vsub.f32 $0.0e+00, v52  }
0x40b: {  	(erf) = vrcp.f32 v53;
	v56 =	vadd.f32 $1.000000000e+00, v54  }
0x40c: {  	(erf) = vpow2.f32 v33;
	v57 =	vmul.f32 $1.442695020e+00, v55  }
0x40d: {  	(erf) = vrcp.f32 v56  }
0x40e: {  	(erf) = vpow2.f32 v57;
	_ =	sdelay $0x5  }
0x40f: {  	v58 =	vpop (erf)  }
0x410: {  	v59 =	vpop (erf)  }
0x411: {  	v60 =	vpop (erf)  }
0x412: {  	v34 =	vadd.f32 $1.000000000e+00, v59;
	v61 =	vpop (erf)  }
0x413: {  	v36 =	vadd.f32 $1.000000000e+00, v61  }
0x414: {  	(erf) = vrcp.f32 v34  }
0x415: {  	(erf) = vrcp.f32 v36;
	_ =	sdelay $0x5  }
0x416: {  	[tilespmem:s0+$0x8B80] =	vst v58  }
0x417: {  	[tilespmem:s15+$0x8980] =	vst v52  }
0x418: {  	[tilespmem:s6+$0x8B80] =	vst v60;
	v62 =	vpop (erf)  }
0x419: {  	[tilespmem:s14+$0x8B80] =	vst v62;
	v63 =	vpop (erf)  }
0x41a: {  	s16 =	rddreg [dreg:$0xd];
	s18 =	simm.s32 $0x8980;
	s1 =	simm.s32 $0xA;
	[tilespmem:s15+$0x8B80] =	vst v63  }
0x41b: {  	[hbm4b:s16+s5] =	stream.linear.scatter [tilespmem:s18], [sflag:$0xA], $0x200, $0x38;
	[tilespmem:$0x8D80] =	vst v63  }
0x41c: {  	_ =	swait.ge [sflag:s1], $0x200  }
0x41d: {  	[sflag:s1] =	ssyncset.done $0x0  }
0x41e: {  	s20 =	simm.s32 $0x8B80;
	s19 =	rddreg [dreg:$0xe];
	[sflag:s1] =	ssyncadd.s32 $0xFFFFFE00  }
0x41f: {  	[hbm4b:s19+s5] =	stream.linear.scatter [tilespmem:s20], [sflag:$0xA], $0x200, $0x38;
	[tilespmem:$0x8D80] =	vst v63  }
0x420: {  	_ =	swait.ge [sflag:s1], $0x200  }
0x421: {  	s21 =	rddreg [dreg:$0x10]  }
0x422: {  	s22 =	rddreg [dreg:$0xf];
	s2 =	sadd.s32 $0x1, s21  }
0x423: {  	s7 =	simm.s32 $0xC00;
	p0 =	sne.s32 s2, s22  }
.Ltmp2:
0x424: {  	s8 =	simm.s32 $0x4C00;
	s9 =	simm.s32 $0x1000;
	(pc) =	sbr.rel @p0 .LBB2_1-.Ltmp2, $4  }
0x425: {  	s28 =	simm.s32 $0x5000;
	s6 =	simm.s32 $0x4800;
	s14 =	simm.s32 $0x1800  }
0x426: {  	s15 =	simm.s32 $0x5800;
	s16 =	simm.s32 $0x5C00;
	s18 =	simm.s32 $0x2000  }
0x427: {  	s19 =	simm.s32 $0x6000;
	s20 =	simm.s32 $0x2800;
	[sflag:s1] =	ssyncset.done $0x0  }
0x428: {  	[sflag:s1] =	ssyncadd.s32 $0xFFFFFE00;
	s21 =	simm.s32 $0x2C00;
	s22 =	simm.s32 $0x6800  }
0x429: {  	_ =	sfence.sel $0x180000  }
0x42a: {  	[bflag:$0x0] =	sbarrier.arrive $0xFFFF  }
0x42b: {  	_ =	strace $0x90000047  }
0x42c: {  	s0 =	stileid.u32;
	[bflag:$0x2] =	sbarrier.arrive $0xFFFF  }
0x42d: {  	p0 =	sne.s32 s0, $0x0;
	s0 =	rddreg [dreg:$0x9]  }
0x42e: {  	s0 =	sadd.s32 @!p0 $0x100000, s0  }
0x42f: {  	[sflag:s0] =	ssyncadd.tile.s32 @!p0 $0x1;
	_ =	shalt  }
.Lfunc_end2:
_tile_overlayer_lowered:
.L_overlay_start_2:
0x430: {  	(tag) =	ssettag $0x2  }
0x431: {  	s0 =	rddreg [dreg:$0x0];
	s2 =	stileid.u32  }
0x432: {  	s1 =	rddreg [dreg:$0x1];
	p0 =	sne.s32 s2, $0x0  }
0x433: {  	s3 =	rddreg [dreg:$0x2];
	[bflag:$0x3] =	sbarrier.arrive $0xFFFF;
	s2 =	simm.s32 @!p0 $0x1C0A  }
0x434: {  	[timem:s3], [sflag:s2] =	dma.local @!p0 [hbm:s0], s1  }
0x435: {  	s0 =	simm.s32 @!p0 $0xA  }
0x436: {  	_ =	swait.ge @!p0 [sflag:s0], s1  }
0x437: {  	s1 =	ssub.s32 @!p0 $0x0, s1;
	[sflag:s0] =	ssyncset.done @!p0 $0x0  }
0x438: {  	[sflag:s0] =	ssyncadd.s32 @!p0 s1  }
0x439: {  	[bflag:$0x3] =	sbarrier.arrive $0xFFFF  }
0x43a: {  	_ =	shalt  }

</sc_bundles>
